<compile_context>
chip_gen: v7x
topology: tpu7x:2x2x1
jax: 0.10.2.dev20260603
libtpu: 0.0.44.dev20260713+nightly
codegen_flags: <defaults>
</compile_context>

<pallas_src>
import functools

import jax
import jax.numpy as jnp
from jax import lax
from jax.experimental import pallas as pl
from jax.experimental.pallas import tpu as pltpu
from jax.experimental.pallas import tpu_sc as plsc

B = 4
N = 4096
HID = 128
MAXNEI = 10
DEPTH = 3
E = N * MAXNEI

T0 = 512
T1 = 64
T2 = 512

F32 = jnp.float32


def _dot(x, w):
    return jnp.dot(x, w, preferred_element_type=F32)



def _pre_body(ia_ref, ib_ref, waf_ref, baf_ref, wau_ref, bau_ref, wbt_ref, bbt_ref,
              af_ref, atab_ref, btab_ref):
    ia = ia_ref[0]
    ib = ib_ref[0]
    af = _dot(ia, waf_ref[...]) + baf_ref[...]
    af_ref[0] = af
    atab_ref[0] = _dot(af, wau_ref[...]) + bau_ref[...]
    btab_ref[0] = _dot(ib, wbt_ref[...]) + bbt_ref[...]


def _run_pre(input_atom, input_bond, waf, baf, wau, bau, wbt, bbt):
    grid = (B, N // T0)
    full = lambda shp: pl.BlockSpec(shp, lambda b, t: tuple(0 for _ in shp))
    return pl.pallas_call(
        _pre_body,
        grid=grid,
        in_specs=[
            pl.BlockSpec((1, T0, 34), lambda b, t: (b, t, 0)),
            pl.BlockSpec((1, T0, 46), lambda b, t: (b, t, 0)),
            full((34, HID)), full((1, HID)),
            full((HID, 256)), full((1, 256)),
            full((46, 256)), full((1, 256)),
        ],
        out_specs=[
            pl.BlockSpec((1, T0, HID), lambda b, t: (b, t, 0)),
            pl.BlockSpec((1, T0, 256), lambda b, t: (b, t, 0)),
            pl.BlockSpec((1, T0, 256), lambda b, t: (b, t, 0)),
        ],
        out_shape=[
            jax.ShapeDtypeStruct((B, N, HID), F32),
            jax.ShapeDtypeStruct((B, N, 256), F32),
            jax.ShapeDtypeStruct((B, N, 256), F32),
        ],
    )(input_atom, input_bond, waf, baf, wau, bau, wbt, bbt)



def _k1_body(af_ref, ag_ref, bgt_ref, m_ref, nm_ref, lin_ref,
             wsa_ref, bsa_ref, wk_ref, bk_ref, wv_ref, bv_ref,
             wam_ref, bam_ref, wq_ref, bq_ref, wg_ref, bg2_ref,
             lout_ref, att_ref, gl_ref):
    T = T1
    af = af_ref[0]
    AG = ag_ref[0].reshape(T, MAXNEI, 256)
    BGt = bgt_ref[0].reshape(T, MAXNEI, 256)
    msk = m_ref[0].reshape(T, MAXNEI, 1)
    h_nei_atom = AG[:, :, :HID]
    u2a = AG[:, :, HID:]
    h_nei_bond = BGt[:, :, :HID]
    bt_u2 = BGt[:, :, HID:]
    f_nei = (h_nei_atom * h_nei_bond * msk).sum(axis=1)
    f_self = _dot(af, wsa_ref[...]) + bsa_ref[...]
    lout_ref[0] = lin_ref[0] + f_nei * f_self * nm_ref[0] * (1.0 / DEPTH)

    pre_label = jnp.maximum(u2a + bt_u2, 0.0)
    nei_label = pre_label * msk
    nei_att = jnp.concatenate([nei_label, h_nei_bond], axis=2)
    na2 = nei_att.reshape(T * MAXNEI, 256)
    k = _dot(na2, wk_ref[...]) + bk_ref[...]
    v = _dot(na2, wv_ref[...]) + bv_ref[...]
    am = _dot(na2, wam_ref[...]) + bam_ref[...]
    q = _dot(af, wq_ref[...]) + bq_ref[...]

    k3 = k.reshape(T, MAXNEI, HID)
    v3 = v.reshape(T, MAXNEI, HID)
    am3 = am.reshape(T, MAXNEI, HID)
    wg = wg_ref[...]
    att_parts = []
    gl_parts = []
    for j in range(4):
        qj = q[:, 32 * j:32 * (j + 1)]
        sj = []
        for mp in range(MAXNEI):
            t40 = 10 * j + mp
            kc = k3[:, t40 // 4, 32 * (t40 % 4):32 * (t40 % 4) + 32]
            sj.append((qj * kc).sum(axis=-1, keepdims=True))
        sjm = jnp.concatenate(sj, axis=-1)
        sjm = sjm - sjm.max(axis=-1, keepdims=True)
        es = jnp.exp(sjm)
        sm = es / es.sum(axis=-1, keepdims=True)
        att_j = jnp.zeros((T, 32), F32)
        emax_j = None
        for mp in range(MAXNEI):
            t40 = 10 * j + mp
            c0 = 32 * (t40 % 4)
            vc = v3[:, t40 // 4, c0:c0 + 32]
            ac = am3[:, t40 // 4, c0:c0 + 32]
            att_j = att_j + sm[:, mp:mp + 1] * vc
            emax_j = ac if emax_j is None else jnp.maximum(emax_j, ac)
        ave_j = jnp.zeros((T, 64), F32)
        for mp in range(MAXNEI):
            p0 = 640 * j + 64 * mp
            ave_j = ave_j + nei_att[:, p0 // 256, p0 % 256:p0 % 256 + 64]
        ave_j = ave_j * (1.0 / MAXNEI)
        glj = ((qjc := af[:, 32 * j:32 * (j + 1)]) * wg[:, 0:32]).sum(-1, keepdims=True)
        glj = glj + (emax_j * wg[:, 32:64]).sum(-1, keepdims=True)
        glj = glj + (ave_j * wg[:, 64:HID]).sum(-1, keepdims=True)
        att_parts.append(att_j)
        gl_parts.append(glj)
    att_ref[0] = jnp.concatenate(att_parts, axis=-1)
    gl_ref[0] = jnp.concatenate(gl_parts, axis=-1) + bg2_ref[0, 0]


def _run_k1(af, AG, BGt, mask, nm, lin, wsa, bsa, wk, bk, wv, bv, wam, bam,
            wq, bq, wg, bg2):
    grid = (B, N // T1)
    full = lambda shp: pl.BlockSpec(shp, lambda b, t: tuple(0 for _ in shp))
    return pl.pallas_call(
        _k1_body,
        grid=grid,
        in_specs=[
            pl.BlockSpec((1, T1, HID), lambda b, t: (b, t, 0)),
            pl.BlockSpec((1, T1 * MAXNEI, 256), lambda b, t: (b, t, 0)),
            pl.BlockSpec((1, T1 * MAXNEI, 256), lambda b, t: (b, t, 0)),
            pl.BlockSpec((1, T1, MAXNEI), lambda b, t: (b, t, 0)),
            pl.BlockSpec((1, T1, 1), lambda b, t: (b, t, 0)),
            pl.BlockSpec((1, T1, HID), lambda b, t: (b, t, 0)),
            full((HID, HID)), full((1, HID)),
            full((256, HID)), full((1, HID)),
            full((256, HID)), full((1, HID)),
            full((256, HID)), full((1, HID)),
            full((HID, HID)), full((1, HID)),
            full((1, HID)), full((1, 1)),
        ],
        out_specs=[
            pl.BlockSpec((1, T1, HID), lambda b, t: (b, t, 0)),
            pl.BlockSpec((1, T1, HID), lambda b, t: (b, t, 0)),
            pl.BlockSpec((1, T1, 4), lambda b, t: (b, t, 0)),
        ],
        out_shape=[
            jax.ShapeDtypeStruct((B, N, HID), F32),
            jax.ShapeDtypeStruct((B, N, HID), F32),
            jax.ShapeDtypeStruct((B, N, 4), F32),
        ],
    )(af, AG, BGt, mask, nm, lin, wsa, bsa, wk, bk, wv, bv, wam, bam, wq, bq, wg, bg2)



def _k2_body(att_ref, gl_ref, af_ref, wu1_ref, bu1_ref, wau_ref, bau_ref,
             afn_ref, atab_ref):
    att = att_ref[0]
    gl = gl_ref[0]
    af = af_ref[0]
    m = gl.max(axis=0, keepdims=True)
    eg = jnp.exp(gl - m)
    g = eg / eg.sum(axis=0, keepdims=True)
    f_att = jnp.concatenate(
        [att[:, :, 32 * j:32 * (j + 1)] * g[:, :, j:j + 1] for j in range(4)],
        axis=-1)
    nl = jnp.concatenate([af, f_att], axis=-1).reshape(4 * T2, 256)
    afn = jnp.maximum(_dot(nl, wu1_ref[...]) + bu1_ref[...], 0.0)
    afn_ref[0] = afn.reshape(4, T2, HID)
    atab_ref[0] = (_dot(afn, wau_ref[...]) + bau_ref[...]).reshape(4, T2, 256)


def _run_k2(att4, gl4, af4, wu1, bu1, wau, bau):
    grid = (B, 1024 // T2)
    full = lambda shp: pl.BlockSpec(shp, lambda b, t: tuple(0 for _ in shp))
    return pl.pallas_call(
        _k2_body,
        grid=grid,
        in_specs=[
            pl.BlockSpec((1, 4, T2, HID), lambda b, t: (b, 0, t, 0)),
            pl.BlockSpec((1, 4, T2, 4), lambda b, t: (b, 0, t, 0)),
            pl.BlockSpec((1, 4, T2, HID), lambda b, t: (b, 0, t, 0)),
            full((256, HID)), full((1, HID)),
            full((HID, 256)), full((1, 256)),
        ],
        out_specs=[
            pl.BlockSpec((1, 4, T2, HID), lambda b, t: (b, 0, t, 0)),
            pl.BlockSpec((1, 4, T2, 256), lambda b, t: (b, 0, t, 0)),
        ],
        out_shape=[
            jax.ShapeDtypeStruct((B, 4, 1024, HID), F32),
            jax.ShapeDtypeStruct((B, 4, 1024, 256), F32),
        ],
    )(att4, gl4, af4, wu1, bu1, wau, bau)



_NC, _NS = 2, 16
_NW = _NC * _NS
_G = B * E
_PW = _G // _NW
_C = 256
_NCHUNK = _PW // _C

_sc_mesh = plsc.VectorSubcoreMesh(core_axis_name="c", subcore_axis_name="s",
                                  num_cores=_NC, num_subcores=_NS)


def _sc_gather_body(tab_hbm, idx_hbm, out_hbm, idx_v, rows_v, sem):
    wid = lax.axis_index("s") * _NC + lax.axis_index("c")
    base = wid * _PW

    def chunk(i, carry):
        off = base + i * _C
        pltpu.sync_copy(idx_hbm.at[pl.ds(off, _C)], idx_v)
        pltpu.async_copy(tab_hbm.at[idx_v], rows_v, sem).wait()
        pltpu.sync_copy(rows_v, out_hbm.at[pl.ds(off, _C)])
        return carry

    lax.fori_loop(0, _NCHUNK, chunk, 0)


_sc_gather = pl.kernel(
    _sc_gather_body,
    out_type=jax.ShapeDtypeStruct((_G, 256), F32),
    mesh=_sc_mesh,
    scratch_types=[
        pltpu.VMEM((_C,), jnp.int32),
        pltpu.VMEM((_C, 256), F32),
        pltpu.SemaphoreType.DMA,
    ],
)


def _gather_rows(tab_flat, gidx):
    return _sc_gather(tab_flat, gidx)



def kernel(input_atom, input_bond, atom_graph, bond_graph, num_nbs, node_mask,
           W_af, b_af, W_nb, b_nb, W_na, b_na, W_sa, b_sa, W_u2, b_u2, W_u1, b_u1,
           Wq, bq, Wk, bk, Wv, bv, Wam, bam, Wg, bg):
    W_u2a = W_u2[:, :HID]
    W_u2b = W_u2[:, HID:]
    waf = W_af.T
    baf = b_af.reshape(1, HID)
    wau = jnp.concatenate([W_na.T, W_u2a.T], axis=1)
    bau = jnp.concatenate([b_na, b_u2]).reshape(1, 256)
    wbt = jnp.concatenate([W_nb.T, W_u2b.T], axis=1)
    bbt = jnp.concatenate([b_nb, jnp.zeros_like(b_u2)]).reshape(1, 256)
    wsa = W_sa.T
    bsa = b_sa.reshape(1, HID)
    wk = Wk.T
    bk2 = bk.reshape(1, HID)
    wv = Wv.T
    bv2 = bv.reshape(1, HID)
    wam = Wam.T
    bam2 = bam.reshape(1, HID)
    wq = Wq.T
    bq2 = bq.reshape(1, HID)
    wg = Wg.reshape(1, HID)
    bg2 = bg.reshape(1, 1)
    wu1 = W_u1.T
    bu1 = b_u1.reshape(1, HID)

    offs = (jnp.arange(B, dtype=jnp.int32) * N)[:, None, None]
    aidx = (atom_graph[..., 1].astype(jnp.int32) + offs).reshape(B * E)
    bidx = (bond_graph[..., 1].astype(jnp.int32) + offs).reshape(B * E)
    mask = (jnp.arange(MAXNEI, dtype=jnp.int32)[None, None, :]
            < num_nbs[:, :, None].astype(jnp.int32)).astype(F32)
    nm = node_mask.reshape(B, N, 1)

    af, A_tab, B_tab = _run_pre(input_atom, input_bond, waf, baf, wau, bau, wbt, bbt)
    BGt = _gather_rows(B_tab.reshape(B * N, 256), bidx).reshape(B, E, 256)

    lin = jnp.zeros((B, N, HID), F32)
    for d in range(DEPTH):
        AG = _gather_rows(A_tab.reshape(B * N, 256), aidx).reshape(B, E, 256)
        lin, att, gl = _run_k1(af, AG, BGt, mask, nm, lin,
                               wsa, bsa, wk, bk2, wv, bv2, wam, bam2,
                               wq, bq2, wg, bg2)
        if d < DEPTH - 1:
            af4, atab4 = _run_k2(att.reshape(B, 4, 1024, HID),
                                 gl.reshape(B, 4, 1024, 4),
                                 af.reshape(B, 4, 1024, HID),
                                 wu1, bu1, wau, bau)
            af = af4.reshape(B, N, HID)
            A_tab = atab4.reshape(B, N, 256)
    return lin

# --- scband reference (transcript-rebuilt; emitter-appended) ---
"""Pipeline reference for scband-mpn-30520037605937 (READ-ONLY COPY).

The authoritative reference and input builder live on the scoring server;
editing this copy changes nothing except your own understanding.
"""

import jax, jax.numpy as jnp
import numpy as np

B = 4
N_ATOM = 4096
N_BOND = 4096
HID = 128
HEADS = 4
DK = HID // HEADS
MAXNEI = 10
DEPTH = 3


def _lin(x, W, b):
    return x @ W.T + b


def _gather_nd(t1, t2):
    # t1: [B, N, D]; t2: [B, N, K, 2] with (row=batch idx, col=node idx)
    return t1[t2[..., 0], t2[..., 1]]


def _mask_mat(num_nbs, k):
    m = jnp.arange(k)[None, None, :] < num_nbs[:, :, None]
    return m.astype(jnp.float32)[..., None]


def setup_inputs(seed: int = 0) -> dict:
    key = jax.random.key(seed)
    ks = [jax.random.fold_in(key, i) for i in range(40)]
    inp = {}
    inp['input_atom'] = jax.random.normal(ks[0], (B, N_ATOM, 34), dtype=jnp.float32)
    inp['input_bond'] = jax.random.normal(ks[1], (B, N_BOND, 46), dtype=jnp.float32)
    rows = jnp.broadcast_to(jnp.arange(B, dtype=jnp.int64)[:, None, None], (B, N_ATOM, MAXNEI))
    acols = jax.random.randint(ks[2], (B, N_ATOM, MAXNEI), 0, N_ATOM).astype(jnp.int64)
    bcols = jax.random.randint(ks[3], (B, N_ATOM, MAXNEI), 0, N_BOND).astype(jnp.int64)
    inp['atom_graph'] = jnp.stack([rows, acols], axis=-1)
    inp['bond_graph'] = jnp.stack([rows, bcols], axis=-1)
    inp['num_nbs'] = jax.random.randint(ks[4], (B, N_ATOM), 0, MAXNEI + 1).astype(jnp.int64)
    inp['node_mask'] = jnp.ones((B, N_ATOM), dtype=jnp.float32)

    def mk(k, out_d, in_d):
        s = 1.0 / np.sqrt(in_d)
        return jax.random.uniform(k, (out_d, in_d), jnp.float32, -s, s)

    def mkb(k, out_d, in_d):
        s = 1.0 / np.sqrt(in_d)
        return jax.random.uniform(k, (out_d,), jnp.float32, -s, s)

    inp['W_af'] = mk(ks[5], HID, 34); inp['b_af'] = mkb(ks[6], HID, 34)
    inp['W_nb'] = mk(ks[7], HID, 46); inp['b_nb'] = mkb(ks[8], HID, 46)
    inp['W_na'] = mk(ks[9], HID, HID); inp['b_na'] = mkb(ks[10], HID, HID)
    inp['W_sa'] = mk(ks[11], HID, HID); inp['b_sa'] = mkb(ks[12], HID, HID)
    inp['W_u2'] = mk(ks[13], HID, HID + 46); inp['b_u2'] = mkb(ks[14], HID, HID + 46)
    inp['W_u1'] = mk(ks[15], HID, 2 * HID); inp['b_u1'] = mkb(ks[16], HID, 2 * HID)
    inp['Wq'] = mk(ks[17], HID, HID); inp['bq'] = mkb(ks[18], HID, HID)
    inp['Wk'] = mk(ks[19], HID, 2 * HID); inp['bk'] = mkb(ks[20], HID, 2 * HID)
    inp['Wv'] = mk(ks[21], HID, 2 * HID); inp['bv'] = mkb(ks[22], HID, 2 * HID)
    inp['Wam'] = mk(ks[23], HID, 2 * HID); inp['bam'] = mkb(ks[24], HID, 2 * HID)
    inp['Wg'] = mk(ks[25], 1, 4 * DK); inp['bg'] = mkb(ks[26], 1, 4 * DK)
    return inp


def _attention(nei_att, input_q, Wq, bq, Wk, bk, Wv, bv, Wam, bam, Wg, bg):
    Bs = input_q.shape[0]
    q = _lin(input_q, Wq, bq).reshape(Bs, HEADS, -1, DK)
    k = _lin(nei_att, Wk, bk).reshape(Bs, HEADS, -1, MAXNEI, DK)
    v = _lin(nei_att, Wv, bv).reshape(Bs, HEADS, -1, MAXNEI, DK)
    score = jnp.einsum('bhad,bhand->bhan', q, k)
    score = jax.nn.softmax(score, axis=-1)[..., None]
    att = (score * v).sum(axis=-2)
    ave = nei_att.reshape(Bs, HEADS, -1, MAXNEI, 2 * DK).mean(axis=-2)
    max_nr = _lin(nei_att, Wam, bam).reshape(Bs, HEADS, -1, MAXNEI, DK)
    element_max = max_nr.max(axis=-2)
    cur = input_q.reshape(Bs, HEADS, -1, DK)
    gate_in = jnp.concatenate([cur, element_max, ave], axis=-1)
    gate = jax.nn.softmax(_lin(gate_in, Wg, bg), axis=1)
    att = gate * att
    return att.reshape(Bs, -1, HEADS * DK)


def reference(input_atom, input_bond, atom_graph, bond_graph, num_nbs, node_mask,
              W_af, b_af, W_nb, b_nb, W_na, b_na, W_sa, b_sa, W_u2, b_u2, W_u1, b_u1,
              Wq, bq, Wk, bk, Wv, bv, Wam, bam, Wg, bg):
    af = _lin(input_atom, W_af, b_af)
    fbond_nei = _gather_nd(input_bond, bond_graph)
    h_nei_bond = _lin(fbond_nei, W_nb, b_nb)
    mask_nei = _mask_mat(num_nbs, MAXNEI)
    layers = []
    for _ in range(DEPTH):
        fatom_nei = _gather_nd(af, atom_graph)
        h_nei_atom = _lin(fatom_nei, W_na, b_na)
        h_nei = h_nei_atom * h_nei_bond
        f_nei = (h_nei * mask_nei).sum(axis=-2)
        f_self = _lin(af, W_sa, b_sa)
        layers.append(f_nei * f_self * node_mask[..., None])
        l_nei = jnp.concatenate([fatom_nei, fbond_nei], axis=3)
        pre_label = jax.nn.relu(_lin(l_nei, W_u2, b_u2))
        nei_label = pre_label * mask_nei
        nei_att = jnp.concatenate([nei_label, h_nei_bond], axis=3)
        f_att = _attention(nei_att, af, Wq, bq, Wk, bk, Wv, bv, Wam, bam, Wg, bg)
        new_label = jnp.concatenate([af, f_att], axis=2)
        af = jax.nn.relu(_lin(new_label, W_u1, b_u1))
    kernels = jnp.mean(jnp.stack(layers, axis=3), axis=3)
    return kernels

if __name__ == "__main__":
    import jax
    _d = setup_inputs()
    print(jax.jit(kernel)(*tuple(_d.values())))

</pallas_src>

<mosaic_0001>
#map = affine_map<(d0, d1) -> (0, 0)>
#map1 = affine_map<(d0, d1) -> (0)>
module attributes {stable_mosaic.version = 14 : i64} {
  func.func @_sc_gather_body(%arg0: i32, %arg1: i32, %arg2: memref<16384x256xf32, #tpu.memory_space<hbm>>, %arg3: memref<163840xi32, #tpu.memory_space<hbm>>, %arg4: memref<163840x256xf32, #tpu.memory_space<hbm>>, %arg5: memref<256xi32, #tpu.memory_space<vmem>>, %arg6: memref<256x256xf32, #tpu.memory_space<vmem>>, %arg7: memref<!tpu.dma_semaphore, #tpu.memory_space<semaphore_mem>>) attributes {dimension_semantics = [#tpu.dimension_semantics<core_parallel>, #tpu.dimension_semantics<subcore_parallel>], iteration_bounds = array<i64: 2, 16>, scalar_prefetch = 0 : i64, scratch_operands = 3 : i64, tpu.core_type = #tpu.core_type<sc_vector_subcore>, window_params = [{transform_indices = #map}, {transform_indices = #map1}, {transform_indices = #map}]} {
    %mul3A = arith.constant 2 : i32
    %mul3A_0 = arith.muli %arg1, %mul3A : i32
    %add3A = arith.addi %mul3A_0, %arg0 : i32
    %mul3A_1 = arith.constant 5120 : i32
    %mul3A_2 = arith.muli %add3A, %mul3A_1 : i32
    %scan3A = arith.constant 0 : i32
    %scan3A_3 = arith.constant 0 : i32
    %scan3A_4 = arith.constant 20 : i32
    %scan3A_5 = arith.addi %scan3A_3, %scan3A_4 : i32
    %scan3A_6 = arith.constant 1 : i32
    scf.for %scan3A_8 = %scan3A_3 to %scan3A_5 step %scan3A_6  : i32 {
      %mul3A_9 = arith.constant 256 : i32
      %mul3A_10 = arith.muli %scan3A_8, %mul3A_9 : i32
      %add3A_11 = arith.addi %mul3A_2, %mul3A_10 : i32
      "tpu.region"() ({
        %run_scoped3A = tpu.sem_alloc : memref<!tpu.dma_semaphore, #tpu.memory_space<semaphore_mem>>
        %dma_start3A_16 = tpu.memref_slice %arg3[%add3A_11] : memref<163840xi32, #tpu.memory_space<hbm>> -> memref<256xi32, #tpu.memory_space<hbm>>
        %dma_start3A_17 = tpu.memref_slice %arg3[%add3A_11] : memref<163840xi32, #tpu.memory_space<hbm>> -> memref<256xi32, #tpu.memory_space<hbm>>
        tpu.enqueue_dma source(%dma_start3A_17 : memref<256xi32, #tpu.memory_space<hbm>>) target(%arg5 : memref<256xi32, #tpu.memory_space<vmem>>) target_semaphore(%run_scoped3A : memref<!tpu.dma_semaphore, #tpu.memory_space<semaphore_mem>>)
        %dma_wait3A_18 = tpu.memref_slice %arg3[%add3A_11] : memref<163840xi32, #tpu.memory_space<hbm>> -> memref<256xi32, #tpu.memory_space<hbm>>
        %dma_wait3A_19 = tpu.memref_slice %arg3[%add3A_11] : memref<163840xi32, #tpu.memory_space<hbm>> -> memref<256xi32, #tpu.memory_space<hbm>>
        tpu.wait_dma2 semaphore(%run_scoped3A : memref<!tpu.dma_semaphore, #tpu.memory_space<semaphore_mem>>) src(%dma_wait3A_19 : memref<256xi32, #tpu.memory_space<hbm>>) dst(%arg5 : memref<256xi32, #tpu.memory_space<vmem>>)
        tpu.yield
      }) : () -> ()
      %dma_start3A = arith.constant 0 : i32
      %dma_start3A_12 = arith.constant 0 : i32
      %dma_start3A_13 = tpu.memref_slice %arg2[%dma_start3A, %dma_start3A_12] : memref<16384x256xf32, #tpu.memory_space<hbm>> -> memref<16384x256xf32, #tpu.memory_space<hbm>>
      tpu.enqueue_indirect_dma source(%dma_start3A_13 : memref<16384x256xf32, #tpu.memory_space<hbm>>) target(%arg6 : memref<256x256xf32, #tpu.memory_space<vmem>>) offsets(%arg5 : memref<256xi32, #tpu.memory_space<vmem>>) semaphore(%arg7 : memref<!tpu.dma_semaphore, #tpu.memory_space<semaphore_mem>>)
      %dma_wait3A = arith.constant 0 : i32
      %dma_wait3A_14 = arith.constant 0 : i32
      %dma_wait3A_15 = tpu.memref_slice %arg2[%dma_wait3A, %dma_wait3A_14] : memref<16384x256xf32, #tpu.memory_space<hbm>> -> memref<16384x256xf32, #tpu.memory_space<hbm>>
      tpu.wait_indirect_dma semaphore(%arg7 : memref<!tpu.dma_semaphore, #tpu.memory_space<semaphore_mem>>) src(%dma_wait3A_15 : memref<16384x256xf32, #tpu.memory_space<hbm>>) dst(%arg6 : memref<256x256xf32, #tpu.memory_space<vmem>>)
      "tpu.region"() ({
        %run_scoped3A = tpu.sem_alloc : memref<!tpu.dma_semaphore, #tpu.memory_space<semaphore_mem>>
        %dma_start3A_16 = arith.constant 0 : i32
        %dma_start3A_17 = tpu.memref_slice %arg4[%add3A_11, %dma_start3A_16] : memref<163840x256xf32, #tpu.memory_space<hbm>> -> memref<256x256xf32, #tpu.memory_space<hbm>>
        %dma_start3A_18 = arith.constant 0 : i32
        %dma_start3A_19 = tpu.memref_slice %arg4[%add3A_11, %dma_start3A_18] : memref<163840x256xf32, #tpu.memory_space<hbm>> -> memref<256x256xf32, #tpu.memory_space<hbm>>
        tpu.enqueue_dma source(%arg6 : memref<256x256xf32, #tpu.memory_space<vmem>>) target(%dma_start3A_19 : memref<256x256xf32, #tpu.memory_space<hbm>>) target_semaphore(%run_scoped3A : memref<!tpu.dma_semaphore, #tpu.memory_space<semaphore_mem>>)
        %dma_wait3A_20 = arith.constant 0 : i32
        %dma_wait3A_21 = tpu.memref_slice %arg4[%add3A_11, %dma_wait3A_20] : memref<163840x256xf32, #tpu.memory_space<hbm>> -> memref<256x256xf32, #tpu.memory_space<hbm>>
        %dma_wait3A_22 = arith.constant 0 : i32
        %dma_wait3A_23 = tpu.memref_slice %arg4[%add3A_11, %dma_wait3A_22] : memref<163840x256xf32, #tpu.memory_space<hbm>> -> memref<256x256xf32, #tpu.memory_space<hbm>>
        tpu.wait_dma2 semaphore(%run_scoped3A : memref<!tpu.dma_semaphore, #tpu.memory_space<semaphore_mem>>) src(%arg6 : memref<256x256xf32, #tpu.memory_space<vmem>>) dst(%dma_wait3A_23 : memref<256x256xf32, #tpu.memory_space<hbm>>)
        tpu.yield
      }) : () -> ()
    }
    %scan3A_7 = arith.constant 20 : i32
    return
  }
}

#map = affine_map<(d0, d1) -> (0, 0)>
#map1 = affine_map<(d0, d1) -> (0)>
module attributes {stable_mosaic.version = 14 : i64} {
  func.func @_sc_gather_body(%arg0: i32, %arg1: i32, %arg2: memref<16384x256xf32, #tpu.memory_space<hbm>>, %arg3: memref<163840xi32, #tpu.memory_space<hbm>>, %arg4: memref<163840x256xf32, #tpu.memory_space<hbm>>, %arg5: memref<256xi32, #tpu.memory_space<vmem>>, %arg6: memref<256x256xf32, #tpu.memory_space<vmem>>, %arg7: memref<!tpu.dma_semaphore, #tpu.memory_space<semaphore_mem>>) attributes {dimension_semantics = [#tpu.dimension_semantics<core_parallel>, #tpu.dimension_semantics<subcore_parallel>], iteration_bounds = array<i64: 2, 16>, scalar_prefetch = 0 : i64, scratch_operands = 3 : i64, tpu.core_type = #tpu.core_type<sc_vector_subcore>, window_params = [{transform_indices = #map}, {transform_indices = #map1}, {transform_indices = #map}]} {
    %mul3A = arith.constant 2 : i32
    %mul3A_0 = arith.muli %arg1, %mul3A : i32
    %add3A = arith.addi %mul3A_0, %arg0 : i32
    %mul3A_1 = arith.constant 5120 : i32
    %mul3A_2 = arith.muli %add3A, %mul3A_1 : i32
    %scan3A = arith.constant 0 : i32
    %scan3A_3 = arith.constant 0 : i32
    %scan3A_4 = arith.constant 20 : i32
    %scan3A_5 = arith.addi %scan3A_3, %scan3A_4 : i32
    %scan3A_6 = arith.constant 1 : i32
    scf.for %scan3A_8 = %scan3A_3 to %scan3A_5 step %scan3A_6  : i32 {
      %mul3A_9 = arith.constant 256 : i32
      %mul3A_10 = arith.muli %scan3A_8, %mul3A_9 : i32
      %add3A_11 = arith.addi %mul3A_2, %mul3A_10 : i32
      "tpu.region"() ({
        %run_scoped3A = tpu.sem_alloc : memref<!tpu.dma_semaphore, #tpu.memory_space<semaphore_mem>>
        %dma_start3A_16 = tpu.memref_slice %arg3[%add3A_11] : memref<163840xi32, #tpu.memory_space<hbm>> -> memref<256xi32, #tpu.memory_space<hbm>>
        %dma_start3A_17 = tpu.memref_slice %arg3[%add3A_11] : memref<163840xi32, #tpu.memory_space<hbm>> -> memref<256xi32, #tpu.memory_space<hbm>>
        tpu.enqueue_dma source(%dma_start3A_17 : memref<256xi32, #tpu.memory_space<hbm>>) target(%arg5 : memref<256xi32, #tpu.memory_space<vmem>>) target_semaphore(%run_scoped3A : memref<!tpu.dma_semaphore, #tpu.memory_space<semaphore_mem>>)
        %dma_wait3A_18 = tpu.memref_slice %arg3[%add3A_11] : memref<163840xi32, #tpu.memory_space<hbm>> -> memref<256xi32, #tpu.memory_space<hbm>>
        %dma_wait3A_19 = tpu.memref_slice %arg3[%add3A_11] : memref<163840xi32, #tpu.memory_space<hbm>> -> memref<256xi32, #tpu.memory_space<hbm>>
        tpu.wait_dma2 semaphore(%run_scoped3A : memref<!tpu.dma_semaphore, #tpu.memory_space<semaphore_mem>>) src(%dma_wait3A_19 : memref<256xi32, #tpu.memory_space<hbm>>) dst(%arg5 : memref<256xi32, #tpu.memory_space<vmem>>)
        tpu.yield
      }) : () -> ()
      %dma_start3A = arith.constant 0 : i32
      %dma_start3A_12 = arith.constant 0 : i32
      %dma_start3A_13 = tpu.memref_slice %arg2[%dma_start3A, %dma_start3A_12] : memref<16384x256xf32, #tpu.memory_space<hbm>> -> memref<16384x256xf32, #tpu.memory_space<hbm>>
      tpu.enqueue_indirect_dma source(%dma_start3A_13 : memref<16384x256xf32, #tpu.memory_space<hbm>>) target(%arg6 : memref<256x256xf32, #tpu.memory_space<vmem>>) offsets(%arg5 : memref<256xi32, #tpu.memory_space<vmem>>) semaphore(%arg7 : memref<!tpu.dma_semaphore, #tpu.memory_space<semaphore_mem>>)
      %dma_wait3A = arith.constant 0 : i32
      %dma_wait3A_14 = arith.constant 0 : i32
      %dma_wait3A_15 = tpu.memref_slice %arg2[%dma_wait3A, %dma_wait3A_14] : memref<16384x256xf32, #tpu.memory_space<hbm>> -> memref<16384x256xf32, #tpu.memory_space<hbm>>
      tpu.wait_indirect_dma semaphore(%arg7 : memref<!tpu.dma_semaphore, #tpu.memory_space<semaphore_mem>>) src(%dma_wait3A_15 : memref<16384x256xf32, #tpu.memory_space<hbm>>) dst(%arg6 : memref<256x256xf32, #tpu.memory_space<vmem>>)
      "tpu.region"() ({
        %run_scoped3A = tpu.sem_alloc : memref<!tpu.dma_semaphore, #tpu.memory_space<semaphore_mem>>
        %dma_start3A_16 = arith.constant 0 : i32
        %dma_start3A_17 = tpu.memref_slice %arg4[%add3A_11, %dma_start3A_16] : memref<163840x256xf32, #tpu.memory_space<hbm>> -> memref<256x256xf32, #tpu.memory_space<hbm>>
        %dma_start3A_18 = arith.constant 0 : i32
        %dma_start3A_19 = tpu.memref_slice %arg4[%add3A_11, %dma_start3A_18] : memref<163840x256xf32, #tpu.memory_space<hbm>> -> memref<256x256xf32, #tpu.memory_space<hbm>>
        tpu.enqueue_dma source(%arg6 : memref<256x256xf32, #tpu.memory_space<vmem>>) target(%dma_start3A_19 : memref<256x256xf32, #tpu.memory_space<hbm>>) target_semaphore(%run_scoped3A : memref<!tpu.dma_semaphore, #tpu.memory_space<semaphore_mem>>)
        %dma_wait3A_20 = arith.constant 0 : i32
        %dma_wait3A_21 = tpu.memref_slice %arg4[%add3A_11, %dma_wait3A_20] : memref<163840x256xf32, #tpu.memory_space<hbm>> -> memref<256x256xf32, #tpu.memory_space<hbm>>
        %dma_wait3A_22 = arith.constant 0 : i32
        %dma_wait3A_23 = tpu.memref_slice %arg4[%add3A_11, %dma_wait3A_22] : memref<163840x256xf32, #tpu.memory_space<hbm>> -> memref<256x256xf32, #tpu.memory_space<hbm>>
        tpu.wait_dma2 semaphore(%run_scoped3A : memref<!tpu.dma_semaphore, #tpu.memory_space<semaphore_mem>>) src(%arg6 : memref<256x256xf32, #tpu.memory_space<vmem>>) dst(%dma_wait3A_23 : memref<256x256xf32, #tpu.memory_space<hbm>>)
        tpu.yield
      }) : () -> ()
    }
    %scan3A_7 = arith.constant 20 : i32
    return
  }
}

#map = affine_map<(d0, d1) -> (0, 0)>
#map1 = affine_map<(d0, d1) -> (0)>
module attributes {stable_mosaic.version = 14 : i64} {
  func.func @_sc_gather_body(%arg0: i32, %arg1: i32, %arg2: memref<16384x256xf32, #tpu.memory_space<hbm>>, %arg3: memref<163840xi32, #tpu.memory_space<hbm>>, %arg4: memref<163840x256xf32, #tpu.memory_space<hbm>>, %arg5: memref<256xi32, #tpu.memory_space<vmem>>, %arg6: memref<256x256xf32, #tpu.memory_space<vmem>>, %arg7: memref<!tpu.dma_semaphore, #tpu.memory_space<semaphore_mem>>) attributes {dimension_semantics = [#tpu.dimension_semantics<core_parallel>, #tpu.dimension_semantics<subcore_parallel>], iteration_bounds = array<i64: 2, 16>, scalar_prefetch = 0 : i64, scratch_operands = 3 : i64, tpu.core_type = #tpu.core_type<sc_vector_subcore>, window_params = [{transform_indices = #map}, {transform_indices = #map1}, {transform_indices = #map}]} {
    %mul3A = arith.constant 2 : i32
    %mul3A_0 = arith.muli %arg1, %mul3A : i32
    %add3A = arith.addi %mul3A_0, %arg0 : i32
    %mul3A_1 = arith.constant 5120 : i32
    %mul3A_2 = arith.muli %add3A, %mul3A_1 : i32
    %scan3A = arith.constant 0 : i32
    %scan3A_3 = arith.constant 0 : i32
    %scan3A_4 = arith.constant 20 : i32
    %scan3A_5 = arith.addi %scan3A_3, %scan3A_4 : i32
    %scan3A_6 = arith.constant 1 : i32
    scf.for %scan3A_8 = %scan3A_3 to %scan3A_5 step %scan3A_6  : i32 {
      %mul3A_9 = arith.constant 256 : i32
      %mul3A_10 = arith.muli %scan3A_8, %mul3A_9 : i32
      %add3A_11 = arith.addi %mul3A_2, %mul3A_10 : i32
      "tpu.region"() ({
        %run_scoped3A = tpu.sem_alloc : memref<!tpu.dma_semaphore, #tpu.memory_space<semaphore_mem>>
        %dma_start3A_16 = tpu.memref_slice %arg3[%add3A_11] : memref<163840xi32, #tpu.memory_space<hbm>> -> memref<256xi32, #tpu.memory_space<hbm>>
        %dma_start3A_17 = tpu.memref_slice %arg3[%add3A_11] : memref<163840xi32, #tpu.memory_space<hbm>> -> memref<256xi32, #tpu.memory_space<hbm>>
        tpu.enqueue_dma source(%dma_start3A_17 : memref<256xi32, #tpu.memory_space<hbm>>) target(%arg5 : memref<256xi32, #tpu.memory_space<vmem>>) target_semaphore(%run_scoped3A : memref<!tpu.dma_semaphore, #tpu.memory_space<semaphore_mem>>)
        %dma_wait3A_18 = tpu.memref_slice %arg3[%add3A_11] : memref<163840xi32, #tpu.memory_space<hbm>> -> memref<256xi32, #tpu.memory_space<hbm>>
        %dma_wait3A_19 = tpu.memref_slice %arg3[%add3A_11] : memref<163840xi32, #tpu.memory_space<hbm>> -> memref<256xi32, #tpu.memory_space<hbm>>
        tpu.wait_dma2 semaphore(%run_scoped3A : memref<!tpu.dma_semaphore, #tpu.memory_space<semaphore_mem>>) src(%dma_wait3A_19 : memref<256xi32, #tpu.memory_space<hbm>>) dst(%arg5 : memref<256xi32, #tpu.memory_space<vmem>>)
        tpu.yield
      }) : () -> ()
      %dma_start3A = arith.constant 0 : i32
      %dma_start3A_12 = arith.constant 0 : i32
      %dma_start3A_13 = tpu.memref_slice %arg2[%dma_start3A, %dma_start3A_12] : memref<16384x256xf32, #tpu.memory_space<hbm>> -> memref<16384x256xf32, #tpu.memory_space<hbm>>
      tpu.enqueue_indirect_dma source(%dma_start3A_13 : memref<16384x256xf32, #tpu.memory_space<hbm>>) target(%arg6 : memref<256x256xf32, #tpu.memory_space<vmem>>) offsets(%arg5 : memref<256xi32, #tpu.memory_space<vmem>>) semaphore(%arg7 : memref<!tpu.dma_semaphore, #tpu.memory_space<semaphore_mem>>)
      %dma_wait3A = arith.constant 0 : i32
      %dma_wait3A_14 = arith.constant 0 : i32
      %dma_wait3A_15 = tpu.memref_slice %arg2[%dma_wait3A, %dma_wait3A_14] : memref<16384x256xf32, #tpu.memory_space<hbm>> -> memref<16384x256xf32, #tpu.memory_space<hbm>>
      tpu.wait_indirect_dma semaphore(%arg7 : memref<!tpu.dma_semaphore, #tpu.memory_space<semaphore_mem>>) src(%dma_wait3A_15 : memref<16384x256xf32, #tpu.memory_space<hbm>>) dst(%arg6 : memref<256x256xf32, #tpu.memory_space<vmem>>)
      "tpu.region"() ({
        %run_scoped3A = tpu.sem_alloc : memref<!tpu.dma_semaphore, #tpu.memory_space<semaphore_mem>>
        %dma_start3A_16 = arith.constant 0 : i32
        %dma_start3A_17 = tpu.memref_slice %arg4[%add3A_11, %dma_start3A_16] : memref<163840x256xf32, #tpu.memory_space<hbm>> -> memref<256x256xf32, #tpu.memory_space<hbm>>
        %dma_start3A_18 = arith.constant 0 : i32
        %dma_start3A_19 = tpu.memref_slice %arg4[%add3A_11, %dma_start3A_18] : memref<163840x256xf32, #tpu.memory_space<hbm>> -> memref<256x256xf32, #tpu.memory_space<hbm>>
        tpu.enqueue_dma source(%arg6 : memref<256x256xf32, #tpu.memory_space<vmem>>) target(%dma_start3A_19 : memref<256x256xf32, #tpu.memory_space<hbm>>) target_semaphore(%run_scoped3A : memref<!tpu.dma_semaphore, #tpu.memory_space<semaphore_mem>>)
        %dma_wait3A_20 = arith.constant 0 : i32
        %dma_wait3A_21 = tpu.memref_slice %arg4[%add3A_11, %dma_wait3A_20] : memref<163840x256xf32, #tpu.memory_space<hbm>> -> memref<256x256xf32, #tpu.memory_space<hbm>>
        %dma_wait3A_22 = arith.constant 0 : i32
        %dma_wait3A_23 = tpu.memref_slice %arg4[%add3A_11, %dma_wait3A_22] : memref<163840x256xf32, #tpu.memory_space<hbm>> -> memref<256x256xf32, #tpu.memory_space<hbm>>
        tpu.wait_dma2 semaphore(%run_scoped3A : memref<!tpu.dma_semaphore, #tpu.memory_space<semaphore_mem>>) src(%arg6 : memref<256x256xf32, #tpu.memory_space<vmem>>) dst(%dma_wait3A_23 : memref<256x256xf32, #tpu.memory_space<hbm>>)
        tpu.yield
      }) : () -> ()
    }
    %scan3A_7 = arith.constant 20 : i32
    return
  }
}

#map = affine_map<(d0, d1) -> (0, 0)>
#map1 = affine_map<(d0, d1) -> (0)>
module attributes {stable_mosaic.version = 14 : i64} {
  func.func @_sc_gather_body(%arg0: i32, %arg1: i32, %arg2: memref<16384x256xf32, #tpu.memory_space<hbm>>, %arg3: memref<163840xi32, #tpu.memory_space<hbm>>, %arg4: memref<163840x256xf32, #tpu.memory_space<hbm>>, %arg5: memref<256xi32, #tpu.memory_space<vmem>>, %arg6: memref<256x256xf32, #tpu.memory_space<vmem>>, %arg7: memref<!tpu.dma_semaphore, #tpu.memory_space<semaphore_mem>>) attributes {dimension_semantics = [#tpu.dimension_semantics<core_parallel>, #tpu.dimension_semantics<subcore_parallel>], iteration_bounds = array<i64: 2, 16>, scalar_prefetch = 0 : i64, scratch_operands = 3 : i64, tpu.core_type = #tpu.core_type<sc_vector_subcore>, window_params = [{transform_indices = #map}, {transform_indices = #map1}, {transform_indices = #map}]} {
    %mul3A = arith.constant 2 : i32
    %mul3A_0 = arith.muli %arg1, %mul3A : i32
    %add3A = arith.addi %mul3A_0, %arg0 : i32
    %mul3A_1 = arith.constant 5120 : i32
    %mul3A_2 = arith.muli %add3A, %mul3A_1 : i32
    %scan3A = arith.constant 0 : i32
    %scan3A_3 = arith.constant 0 : i32
    %scan3A_4 = arith.constant 20 : i32
    %scan3A_5 = arith.addi %scan3A_3, %scan3A_4 : i32
    %scan3A_6 = arith.constant 1 : i32
    scf.for %scan3A_8 = %scan3A_3 to %scan3A_5 step %scan3A_6  : i32 {
      %mul3A_9 = arith.constant 256 : i32
      %mul3A_10 = arith.muli %scan3A_8, %mul3A_9 : i32
      %add3A_11 = arith.addi %mul3A_2, %mul3A_10 : i32
      "tpu.region"() ({
        %run_scoped3A = tpu.sem_alloc : memref<!tpu.dma_semaphore, #tpu.memory_space<semaphore_mem>>
        %dma_start3A_16 = tpu.memref_slice %arg3[%add3A_11] : memref<163840xi32, #tpu.memory_space<hbm>> -> memref<256xi32, #tpu.memory_space<hbm>>
        %dma_start3A_17 = tpu.memref_slice %arg3[%add3A_11] : memref<163840xi32, #tpu.memory_space<hbm>> -> memref<256xi32, #tpu.memory_space<hbm>>
        tpu.enqueue_dma source(%dma_start3A_17 : memref<256xi32, #tpu.memory_space<hbm>>) target(%arg5 : memref<256xi32, #tpu.memory_space<vmem>>) target_semaphore(%run_scoped3A : memref<!tpu.dma_semaphore, #tpu.memory_space<semaphore_mem>>)
        %dma_wait3A_18 = tpu.memref_slice %arg3[%add3A_11] : memref<163840xi32, #tpu.memory_space<hbm>> -> memref<256xi32, #tpu.memory_space<hbm>>
        %dma_wait3A_19 = tpu.memref_slice %arg3[%add3A_11] : memref<163840xi32, #tpu.memory_space<hbm>> -> memref<256xi32, #tpu.memory_space<hbm>>
        tpu.wait_dma2 semaphore(%run_scoped3A : memref<!tpu.dma_semaphore, #tpu.memory_space<semaphore_mem>>) src(%dma_wait3A_19 : memref<256xi32, #tpu.memory_space<hbm>>) dst(%arg5 : memref<256xi32, #tpu.memory_space<vmem>>)
        tpu.yield
      }) : () -> ()
      %dma_start3A = arith.constant 0 : i32
      %dma_start3A_12 = arith.constant 0 : i32
      %dma_start3A_13 = tpu.memref_slice %arg2[%dma_start3A, %dma_start3A_12] : memref<16384x256xf32, #tpu.memory_space<hbm>> -> memref<16384x256xf32, #tpu.memory_space<hbm>>
      tpu.enqueue_indirect_dma source(%dma_start3A_13 : memref<16384x256xf32, #tpu.memory_space<hbm>>) target(%arg6 : memref<256x256xf32, #tpu.memory_space<vmem>>) offsets(%arg5 : memref<256xi32, #tpu.memory_space<vmem>>) semaphore(%arg7 : memref<!tpu.dma_semaphore, #tpu.memory_space<semaphore_mem>>)
      %dma_wait3A = arith.constant 0 : i32
      %dma_wait3A_14 = arith.constant 0 : i32
      %dma_wait3A_15 = tpu.memref_slice %arg2[%dma_wait3A, %dma_wait3A_14] : memref<16384x256xf32, #tpu.memory_space<hbm>> -> memref<16384x256xf32, #tpu.memory_space<hbm>>
      tpu.wait_indirect_dma semaphore(%arg7 : memref<!tpu.dma_semaphore, #tpu.memory_space<semaphore_mem>>) src(%dma_wait3A_15 : memref<16384x256xf32, #tpu.memory_space<hbm>>) dst(%arg6 : memref<256x256xf32, #tpu.memory_space<vmem>>)
      "tpu.region"() ({
        %run_scoped3A = tpu.sem_alloc : memref<!tpu.dma_semaphore, #tpu.memory_space<semaphore_mem>>
        %dma_start3A_16 = arith.constant 0 : i32
        %dma_start3A_17 = tpu.memref_slice %arg4[%add3A_11, %dma_start3A_16] : memref<163840x256xf32, #tpu.memory_space<hbm>> -> memref<256x256xf32, #tpu.memory_space<hbm>>
        %dma_start3A_18 = arith.constant 0 : i32
        %dma_start3A_19 = tpu.memref_slice %arg4[%add3A_11, %dma_start3A_18] : memref<163840x256xf32, #tpu.memory_space<hbm>> -> memref<256x256xf32, #tpu.memory_space<hbm>>
        tpu.enqueue_dma source(%arg6 : memref<256x256xf32, #tpu.memory_space<vmem>>) target(%dma_start3A_19 : memref<256x256xf32, #tpu.memory_space<hbm>>) target_semaphore(%run_scoped3A : memref<!tpu.dma_semaphore, #tpu.memory_space<semaphore_mem>>)
        %dma_wait3A_20 = arith.constant 0 : i32
        %dma_wait3A_21 = tpu.memref_slice %arg4[%add3A_11, %dma_wait3A_20] : memref<163840x256xf32, #tpu.memory_space<hbm>> -> memref<256x256xf32, #tpu.memory_space<hbm>>
        %dma_wait3A_22 = arith.constant 0 : i32
        %dma_wait3A_23 = tpu.memref_slice %arg4[%add3A_11, %dma_wait3A_22] : memref<163840x256xf32, #tpu.memory_space<hbm>> -> memref<256x256xf32, #tpu.memory_space<hbm>>
        tpu.wait_dma2 semaphore(%run_scoped3A : memref<!tpu.dma_semaphore, #tpu.memory_space<semaphore_mem>>) src(%arg6 : memref<256x256xf32, #tpu.memory_space<vmem>>) dst(%dma_wait3A_23 : memref<256x256xf32, #tpu.memory_space<hbm>>)
        tpu.yield
      }) : () -> ()
    }
    %scan3A_7 = arith.constant 20 : i32
    return
  }
}

module attributes {stable_mosaic.version = 14 : i64} {
  func.func @_pre_body(%arg0: i32, %arg1: i32, %arg2: memref<1x512x34xf32, #tpu.memory_space<vmem>>, %arg3: memref<1x512x46xf32, #tpu.memory_space<vmem>>, %arg4: memref<34x128xf32, #tpu.memory_space<vmem>>, %arg5: memref<1x128xf32, #tpu.memory_space<vmem>>, %arg6: memref<128x256xf32, #tpu.memory_space<vmem>>, %arg7: memref<1x256xf32, #tpu.memory_space<vmem>>, %arg8: memref<46x256xf32, #tpu.memory_space<vmem>>, %arg9: memref<1x256xf32, #tpu.memory_space<vmem>>, %arg10: memref<1x512x128xf32, #tpu.memory_space<vmem>>, %arg11: memref<1x512x256xf32, #tpu.memory_space<vmem>>, %arg12: memref<1x512x256xf32, #tpu.memory_space<vmem>>) attributes {dimension_semantics = [#tpu.dimension_semantics<arbitrary>, #tpu.dimension_semantics<arbitrary>], iteration_bounds = array<i64: 4, 8>, scalar_prefetch = 0 : i64, scratch_operands = 0 : i64, tpu.core_type = #tpu.core_type<tc>, window_params = [{transform_indices = @transform_0, window_bounds = array<i64: 1, 512, 34>}, {transform_indices = @transform_1, window_bounds = array<i64: 1, 512, 46>}, {pipeline_mode = #tpu.pipeline_mode<synchronous>, transform_indices = @transform_2, window_bounds = array<i64: 34, 128>}, {pipeline_mode = #tpu.pipeline_mode<synchronous>, transform_indices = @transform_3, window_bounds = array<i64: 1, 128>}, {pipeline_mode = #tpu.pipeline_mode<synchronous>, transform_indices = @transform_4, window_bounds = array<i64: 128, 256>}, {pipeline_mode = #tpu.pipeline_mode<synchronous>, transform_indices = @transform_5, window_bounds = array<i64: 1, 256>}, {pipeline_mode = #tpu.pipeline_mode<synchronous>, transform_indices = @transform_6, window_bounds = array<i64: 46, 256>}, {pipeline_mode = #tpu.pipeline_mode<synchronous>, transform_indices = @transform_7, window_bounds = array<i64: 1, 256>}, {transform_indices = @transform_8, window_bounds = array<i64: 1, 512, 128>}, {transform_indices = @transform_9, window_bounds = array<i64: 1, 512, 256>}, {transform_indices = @transform_10, window_bounds = array<i64: 1, 512, 256>}]} {
    %get3A = arith.constant 0 : index
    %get3A_0 = arith.constant 0 : index
    %get3A_1 = arith.constant 0 : index
    %get3A_2 = vector.load %arg2[%get3A, %get3A_0, %get3A_1] : memref<1x512x34xf32, #tpu.memory_space<vmem>>, vector<1x512x34xf32>
    %get3A_3 = vector.shape_cast %get3A_2 : vector<1x512x34xf32> to vector<512x34xf32>
    %get3A_4 = arith.constant 0 : index
    %get3A_5 = arith.constant 0 : index
    %get3A_6 = arith.constant 0 : index
    %get3A_7 = vector.load %arg3[%get3A_4, %get3A_5, %get3A_6] : memref<1x512x46xf32, #tpu.memory_space<vmem>>, vector<1x512x46xf32>
    %get3A_8 = vector.shape_cast %get3A_7 : vector<1x512x46xf32> to vector<512x46xf32>
    %get3A_9 = arith.constant 0 : index
    %get3A_10 = arith.constant 0 : index
    %get3A_11 = vector.load %arg4[%get3A_9, %get3A_10] : memref<34x128xf32, #tpu.memory_space<vmem>>, vector<34x128xf32>
    %dot_general3A = arith.constant dense<0.000000e+00> : vector<512x128xf32>
    %dot_general3A_12 = tpu.matmul %get3A_3, %get3A_11, %dot_general3A {dimension_numbers = #tpu.dot_dimension_numbers<[1], [0], [0], [1], [0, 0, 1, 1], [], []>, transpose_lhs_hint = false} : vector<512x34xf32>, vector<34x128xf32>, vector<512x128xf32> -> vector<512x128xf32>
    %get3A_13 = arith.constant 0 : index
    %get3A_14 = arith.constant 0 : index
    %get3A_15 = vector.load %arg5[%get3A_13, %get3A_14] : memref<1x128xf32, #tpu.memory_space<vmem>>, vector<1x128xf32>
    %add3A = vector.broadcast %get3A_15 : vector<1x128xf32> to vector<512x128xf32>
    %add3A_16 = arith.addf %dot_general3A_12, %add3A : vector<512x128xf32>
    %swap3A = arith.constant 0 : index
    %swap3A_17 = arith.constant 0 : index
    %swap3A_18 = arith.constant 0 : index
    %swap3A_19 = vector.load %arg10[%swap3A, %swap3A_17, %swap3A_18] : memref<1x512x128xf32, #tpu.memory_space<vmem>>, vector<1x512x128xf32>
    %swap3A_20 = vector.shape_cast %swap3A_19 : vector<1x512x128xf32> to vector<512x128xf32>
    %swap3A_21 = vector.shape_cast %add3A_16 : vector<512x128xf32> to vector<1x512x128xf32>
    tpu.vector_store %arg10[%swap3A, %swap3A_17, %swap3A_18], %swap3A_21 {strides = array<i32>} : memref<1x512x128xf32, #tpu.memory_space<vmem>>, vector<1x512x128xf32>,
    %get3A_22 = arith.constant 0 : index
    %get3A_23 = arith.constant 0 : index
    %get3A_24 = vector.load %arg6[%get3A_22, %get3A_23] : memref<128x256xf32, #tpu.memory_space<vmem>>, vector<128x256xf32>
    %dot_general3A_25 = arith.constant dense<0.000000e+00> : vector<512x256xf32>
    %dot_general3A_26 = tpu.matmul %add3A_16, %get3A_24, %dot_general3A_25 {dimension_numbers = #tpu.dot_dimension_numbers<[1], [0], [0], [1], [0, 0, 1, 1], [], []>, transpose_lhs_hint = false} : vector<512x128xf32>, vector<128x256xf32>, vector<512x256xf32> -> vector<512x256xf32>
    %get3A_27 = arith.constant 0 : index
    %get3A_28 = arith.constant 0 : index
    %get3A_29 = vector.load %arg7[%get3A_27, %get3A_28] : memref<1x256xf32, #tpu.memory_space<vmem>>, vector<1x256xf32>
    %add3A_30 = vector.broadcast %get3A_29 : vector<1x256xf32> to vector<512x256xf32>
    %add3A_31 = arith.addf %dot_general3A_26, %add3A_30 : vector<512x256xf32>
    %swap3A_32 = arith.constant 0 : index
    %swap3A_33 = arith.constant 0 : index
    %swap3A_34 = arith.constant 0 : index
    %swap3A_35 = vector.load %arg11[%swap3A_32, %swap3A_33, %swap3A_34] : memref<1x512x256xf32, #tpu.memory_space<vmem>>, vector<1x512x256xf32>
    %swap3A_36 = vector.shape_cast %swap3A_35 : vector<1x512x256xf32> to vector<512x256xf32>
    %swap3A_37 = vector.shape_cast %add3A_31 : vector<512x256xf32> to vector<1x512x256xf32>
    tpu.vector_store %arg11[%swap3A_32, %swap3A_33, %swap3A_34], %swap3A_37 {strides = array<i32>} : memref<1x512x256xf32, #tpu.memory_space<vmem>>, vector<1x512x256xf32>,
    %get3A_38 = arith.constant 0 : index
    %get3A_39 = arith.constant 0 : index
    %get3A_40 = vector.load %arg8[%get3A_38, %get3A_39] : memref<46x256xf32, #tpu.memory_space<vmem>>, vector<46x256xf32>
    %dot_general3A_41 = arith.constant dense<0.000000e+00> : vector<512x256xf32>
    %dot_general3A_42 = tpu.matmul %get3A_8, %get3A_40, %dot_general3A_41 {dimension_numbers = #tpu.dot_dimension_numbers<[1], [0], [0], [1], [0, 0, 1, 1], [], []>, transpose_lhs_hint = false} : vector<512x46xf32>, vector<46x256xf32>, vector<512x256xf32> -> vector<512x256xf32>
    %get3A_43 = arith.constant 0 : index
    %get3A_44 = arith.constant 0 : index
    %get3A_45 = vector.load %arg9[%get3A_43, %get3A_44] : memref<1x256xf32, #tpu.memory_space<vmem>>, vector<1x256xf32>
    %add3A_46 = vector.broadcast %get3A_45 : vector<1x256xf32> to vector<512x256xf32>
    %add3A_47 = arith.addf %dot_general3A_42, %add3A_46 : vector<512x256xf32>
    %swap3A_48 = arith.constant 0 : index
    %swap3A_49 = arith.constant 0 : index
    %swap3A_50 = arith.constant 0 : index
    %swap3A_51 = vector.load %arg12[%swap3A_48, %swap3A_49, %swap3A_50] : memref<1x512x256xf32, #tpu.memory_space<vmem>>, vector<1x512x256xf32>
    %swap3A_52 = vector.shape_cast %swap3A_51 : vector<1x512x256xf32> to vector<512x256xf32>
    %swap3A_53 = vector.shape_cast %add3A_47 : vector<512x256xf32> to vector<1x512x256xf32>
    tpu.vector_store %arg12[%swap3A_48, %swap3A_49, %swap3A_50], %swap3A_53 {strides = array<i32>} : memref<1x512x256xf32, #tpu.memory_space<vmem>>, vector<1x512x256xf32>,
    return
  }
  func.func @transform_0(%arg0: i32, %arg1: i32) -> (i32, i32, i32) {
    %c0_i32 = arith.constant 0 : i32
    %c0_i32_0 = arith.constant 0 : i32
    return %arg0, %arg1, %c0_i32 : i32, i32, i32
  }
  func.func @transform_1(%arg0: i32, %arg1: i32) -> (i32, i32, i32) {
    %c0_i32 = arith.constant 0 : i32
    %c0_i32_0 = arith.constant 0 : i32
    return %arg0, %arg1, %c0_i32 : i32, i32, i32
  }
  func.func @transform_2(%arg0: i32, %arg1: i32) -> (i32, i32) {
    %c0_i32 = arith.constant 0 : i32
    %c0_i32_0 = arith.constant 0 : i32
    %c0_i32_1 = arith.constant 0 : i32
    return %c0_i32, %c0_i32_0 : i32, i32
  }
  func.func @transform_3(%arg0: i32, %arg1: i32) -> (i32, i32) {
    %c0_i32 = arith.constant 0 : i32
    %c0_i32_0 = arith.constant 0 : i32
    %c0_i32_1 = arith.constant 0 : i32
    return %c0_i32, %c0_i32_0 : i32, i32
  }
  func.func @transform_4(%arg0: i32, %arg1: i32) -> (i32, i32) {
    %c0_i32 = arith.constant 0 : i32
    %c0_i32_0 = arith.constant 0 : i32
    %c0_i32_1 = arith.constant 0 : i32
    return %c0_i32, %c0_i32_0 : i32, i32
  }
  func.func @transform_5(%arg0: i32, %arg1: i32) -> (i32, i32) {
    %c0_i32 = arith.constant 0 : i32
    %c0_i32_0 = arith.constant 0 : i32
    %c0_i32_1 = arith.constant 0 : i32
    return %c0_i32, %c0_i32_0 : i32, i32
  }
  func.func @transform_6(%arg0: i32, %arg1: i32) -> (i32, i32) {
    %c0_i32 = arith.constant 0 : i32
    %c0_i32_0 = arith.constant 0 : i32
    %c0_i32_1 = arith.constant 0 : i32
    return %c0_i32, %c0_i32_0 : i32, i32
  }
  func.func @transform_7(%arg0: i32, %arg1: i32) -> (i32, i32) {
    %c0_i32 = arith.constant 0 : i32
    %c0_i32_0 = arith.constant 0 : i32
    %c0_i32_1 = arith.constant 0 : i32
    return %c0_i32, %c0_i32_0 : i32, i32
  }
  func.func @transform_8(%arg0: i32, %arg1: i32) -> (i32, i32, i32) {
    %c0_i32 = arith.constant 0 : i32
    %c0_i32_0 = arith.constant 0 : i32
    return %arg0, %arg1, %c0_i32 : i32, i32, i32
  }
  func.func @transform_9(%arg0: i32, %arg1: i32) -> (i32, i32, i32) {
    %c0_i32 = arith.constant 0 : i32
    %c0_i32_0 = arith.constant 0 : i32
    return %arg0, %arg1, %c0_i32 : i32, i32, i32
  }
  func.func @transform_10(%arg0: i32, %arg1: i32) -> (i32, i32, i32) {
    %c0_i32 = arith.constant 0 : i32
    %c0_i32_0 = arith.constant 0 : i32
    return %arg0, %arg1, %c0_i32 : i32, i32, i32
  }
}

module attributes {stable_mosaic.version = 14 : i64} {
  func.func @_k1_body(%arg0: i32, %arg1: i32, %arg2: memref<1x64x128xf32, #tpu.memory_space<vmem>>, %arg3: memref<1x640x256xf32, #tpu.memory_space<vmem>>, %arg4: memref<1x640x256xf32, #tpu.memory_space<vmem>>, %arg5: memref<1x64x10xf32, #tpu.memory_space<vmem>>, %arg6: memref<1x64x1xf32, #tpu.memory_space<vmem>>, %arg7: memref<1x64x128xf32, #tpu.memory_space<vmem>>, %arg8: memref<128x128xf32, #tpu.memory_space<vmem>>, %arg9: memref<1x128xf32, #tpu.memory_space<vmem>>, %arg10: memref<256x128xf32, #tpu.memory_space<vmem>>, %arg11: memref<1x128xf32, #tpu.memory_space<vmem>>, %arg12: memref<256x128xf32, #tpu.memory_space<vmem>>, %arg13: memref<1x128xf32, #tpu.memory_space<vmem>>, %arg14: memref<256x128xf32, #tpu.memory_space<vmem>>, %arg15: memref<1x128xf32, #tpu.memory_space<vmem>>, %arg16: memref<128x128xf32, #tpu.memory_space<vmem>>, %arg17: memref<1x128xf32, #tpu.memory_space<vmem>>, %arg18: memref<1x128xf32, #tpu.memory_space<vmem>>, %arg19: memref<1x1xf32, #tpu.memory_space<vmem>>, %arg20: memref<1x64x128xf32, #tpu.memory_space<vmem>>, %arg21: memref<1x64x128xf32, #tpu.memory_space<vmem>>, %arg22: memref<1x64x4xf32, #tpu.memory_space<vmem>>) attributes {dimension_semantics = [#tpu.dimension_semantics<arbitrary>, #tpu.dimension_semantics<arbitrary>], iteration_bounds = array<i64: 4, 64>, scalar_prefetch = 0 : i64, scratch_operands = 0 : i64, tpu.core_type = #tpu.core_type<tc>, window_params = [{transform_indices = @transform_0, window_bounds = array<i64: 1, 64, 128>}, {transform_indices = @transform_1, window_bounds = array<i64: 1, 640, 256>}, {transform_indices = @transform_2, window_bounds = array<i64: 1, 640, 256>}, {transform_indices = @transform_3, window_bounds = array<i64: 1, 64, 10>}, {transform_indices = @transform_4, window_bounds = array<i64: 1, 64, 1>}, {transform_indices = @transform_5, window_bounds = array<i64: 1, 64, 128>}, {pipeline_mode = #tpu.pipeline_mode<synchronous>, transform_indices = @transform_6, window_bounds = array<i64: 128, 128>}, {pipeline_mode = #tpu.pipeline_mode<synchronous>, transform_indices = @transform_7, window_bounds = array<i64: 1, 128>}, {pipeline_mode = #tpu.pipeline_mode<synchronous>, transform_indices = @transform_8, window_bounds = array<i64: 256, 128>}, {pipeline_mode = #tpu.pipeline_mode<synchronous>, transform_indices = @transform_9, window_bounds = array<i64: 1, 128>}, {pipeline_mode = #tpu.pipeline_mode<synchronous>, transform_indices = @transform_10, window_bounds = array<i64: 256, 128>}, {pipeline_mode = #tpu.pipeline_mode<synchronous>, transform_indices = @transform_11, window_bounds = array<i64: 1, 128>}, {pipeline_mode = #tpu.pipeline_mode<synchronous>, transform_indices = @transform_12, window_bounds = array<i64: 256, 128>}, {pipeline_mode = #tpu.pipeline_mode<synchronous>, transform_indices = @transform_13, window_bounds = array<i64: 1, 128>}, {pipeline_mode = #tpu.pipeline_mode<synchronous>, transform_indices = @transform_14, window_bounds = array<i64: 128, 128>}, {pipeline_mode = #tpu.pipeline_mode<synchronous>, transform_indices = @transform_15, window_bounds = array<i64: 1, 128>}, {pipeline_mode = #tpu.pipeline_mode<synchronous>, transform_indices = @transform_16, window_bounds = array<i64: 1, 128>}, {pipeline_mode = #tpu.pipeline_mode<synchronous>, transform_indices = @transform_17, window_bounds = array<i64: 1, 1>}, {transform_indices = @transform_18, window_bounds = array<i64: 1, 64, 128>}, {transform_indices = @transform_19, window_bounds = array<i64: 1, 64, 128>}, {transform_indices = @transform_20, window_bounds = array<i64: 1, 64, 4>}]} {
    %get3A = arith.constant 0 : index
    %get3A_0 = arith.constant 0 : index
    %get3A_1 = arith.constant 0 : index
    %get3A_2 = vector.load %arg2[%get3A, %get3A_0, %get3A_1] : memref<1x64x128xf32, #tpu.memory_space<vmem>>, vector<1x64x128xf32>
    %get3A_3 = vector.shape_cast %get3A_2 : vector<1x64x128xf32> to vector<64x128xf32>
    %get3A_4 = arith.constant 0 : index
    %get3A_5 = arith.constant 0 : index
    %get3A_6 = arith.constant 0 : index
    %get3A_7 = vector.load %arg3[%get3A_4, %get3A_5, %get3A_6] : memref<1x640x256xf32, #tpu.memory_space<vmem>>, vector<1x640x256xf32>
    %get3A_8 = vector.shape_cast %get3A_7 : vector<1x640x256xf32> to vector<640x256xf32>
    %reshape3A = vector.shape_cast %get3A_8 : vector<640x256xf32> to vector<64x10x256xf32>
    %get3A_9 = arith.constant 0 : index
    %get3A_10 = arith.constant 0 : index
    %get3A_11 = arith.constant 0 : index
    %get3A_12 = vector.load %arg4[%get3A_9, %get3A_10, %get3A_11] : memref<1x640x256xf32, #tpu.memory_space<vmem>>, vector<1x640x256xf32>
    %get3A_13 = vector.shape_cast %get3A_12 : vector<1x640x256xf32> to vector<640x256xf32>
    %reshape3A_14 = vector.shape_cast %get3A_13 : vector<640x256xf32> to vector<64x10x256xf32>
    %get3A_15 = arith.constant 0 : index
    %get3A_16 = arith.constant 0 : index
    %get3A_17 = arith.constant 0 : index
    %get3A_18 = vector.load %arg5[%get3A_15, %get3A_16, %get3A_17] : memref<1x64x10xf32, #tpu.memory_space<vmem>>, vector<1x64x10xf32>
    %get3A_19 = vector.shape_cast %get3A_18 : vector<1x64x10xf32> to vector<64x10xf32>
    %reshape3A_20 = vector.shape_cast %get3A_19 : vector<64x10xf32> to vector<64x10x1xf32>
    %slice3A = vector.extract_strided_slice %reshape3A {offsets = [0, 0, 0], sizes = [64, 10, 128], strides = [1, 1, 1]} : vector<64x10x256xf32> to vector<64x10x128xf32>
    %slice3A_21 = vector.extract_strided_slice %reshape3A {offsets = [0, 0, 128], sizes = [64, 10, 128], strides = [1, 1, 1]} : vector<64x10x256xf32> to vector<64x10x128xf32>
    %slice3A_22 = vector.extract_strided_slice %reshape3A_14 {offsets = [0, 0, 0], sizes = [64, 10, 128], strides = [1, 1, 1]} : vector<64x10x256xf32> to vector<64x10x128xf32>
    %slice3A_23 = vector.extract_strided_slice %reshape3A_14 {offsets = [0, 0, 128], sizes = [64, 10, 128], strides = [1, 1, 1]} : vector<64x10x256xf32> to vector<64x10x128xf32>
    %mul3A = arith.mulf %slice3A, %slice3A_22 : vector<64x10x128xf32>
    %mul3A_24 = vector.broadcast %reshape3A_20 : vector<64x10x1xf32> to vector<64x10x128xf32>
    %mul3A_25 = arith.mulf %mul3A, %mul3A_24 : vector<64x10x128xf32>
    %reduce_sum3A = arith.constant dense<0.000000e+00> : vector<64x128xf32>
    %reduce_sum3A_26 = vector.multi_reduction <add>, %mul3A_25, %reduce_sum3A [1] : vector<64x10x128xf32> to vector<64x128xf32>
    %get3A_27 = arith.constant 0 : index
    %get3A_28 = arith.constant 0 : index
    %get3A_29 = vector.load %arg8[%get3A_27, %get3A_28] : memref<128x128xf32, #tpu.memory_space<vmem>>, vector<128x128xf32>
    %dot_general3A = arith.constant dense<0.000000e+00> : vector<64x128xf32>
    %dot_general3A_30 = tpu.matmul %get3A_3, %get3A_29, %dot_general3A {dimension_numbers = #tpu.dot_dimension_numbers<[1], [0], [0], [1], [0, 0, 1, 1], [], []>, transpose_lhs_hint = false} : vector<64x128xf32>, vector<128x128xf32>, vector<64x128xf32> -> vector<64x128xf32>
    %get3A_31 = arith.constant 0 : index
    %get3A_32 = arith.constant 0 : index
    %get3A_33 = vector.load %arg9[%get3A_31, %get3A_32] : memref<1x128xf32, #tpu.memory_space<vmem>>, vector<1x128xf32>
    %add3A = vector.broadcast %get3A_33 : vector<1x128xf32> to vector<64x128xf32>
    %add3A_34 = arith.addf %dot_general3A_30, %add3A : vector<64x128xf32>
    %get3A_35 = arith.constant 0 : index
    %get3A_36 = arith.constant 0 : index
    %get3A_37 = arith.constant 0 : index
    %get3A_38 = vector.load %arg7[%get3A_35, %get3A_36, %get3A_37] : memref<1x64x128xf32, #tpu.memory_space<vmem>>, vector<1x64x128xf32>
    %get3A_39 = vector.shape_cast %get3A_38 : vector<1x64x128xf32> to vector<64x128xf32>
    %mul3A_40 = arith.mulf %reduce_sum3A_26, %add3A_34 : vector<64x128xf32>
    %get3A_41 = arith.constant 0 : index
    %get3A_42 = arith.constant 0 : index
    %get3A_43 = arith.constant 0 : index
    %get3A_44 = vector.load %arg6[%get3A_41, %get3A_42, %get3A_43] : memref<1x64x1xf32, #tpu.memory_space<vmem>>, vector<1x64x1xf32>
    %get3A_45 = vector.shape_cast %get3A_44 : vector<1x64x1xf32> to vector<64x1xf32>
    %mul3A_46 = vector.broadcast %get3A_45 : vector<64x1xf32> to vector<64x128xf32>
    %mul3A_47 = arith.mulf %mul3A_40, %mul3A_46 : vector<64x128xf32>
    %mul3A_48 = arith.constant 0.333333343 : f32
    %mul3A_49 = vector.broadcast %mul3A_48 : f32 to vector<64x128xf32>
    %mul3A_50 = arith.mulf %mul3A_47, %mul3A_49 : vector<64x128xf32>
    %add3A_51 = arith.addf %get3A_39, %mul3A_50 : vector<64x128xf32>
    %swap3A = arith.constant 0 : index
    %swap3A_52 = arith.constant 0 : index
    %swap3A_53 = arith.constant 0 : index
    %swap3A_54 = vector.load %arg20[%swap3A, %swap3A_52, %swap3A_53] : memref<1x64x128xf32, #tpu.memory_space<vmem>>, vector<1x64x128xf32>
    %swap3A_55 = vector.shape_cast %swap3A_54 : vector<1x64x128xf32> to vector<64x128xf32>
    %swap3A_56 = vector.shape_cast %add3A_51 : vector<64x128xf32> to vector<1x64x128xf32>
    tpu.vector_store %arg20[%swap3A, %swap3A_52, %swap3A_53], %swap3A_56 {strides = array<i32>} : memref<1x64x128xf32, #tpu.memory_space<vmem>>, vector<1x64x128xf32>,
    %add3A_57 = arith.addf %slice3A_21, %slice3A_23 : vector<64x10x128xf32>
    %max3A = arith.constant 0.000000e+00 : f32
    %max3A_58 = vector.broadcast %max3A : f32 to vector<64x10x128xf32>
    %max3A_59 = arith.maximumf %add3A_57, %max3A_58 : vector<64x10x128xf32>
    %mul3A_60 = vector.broadcast %reshape3A_20 : vector<64x10x1xf32> to vector<64x10x128xf32>
    %mul3A_61 = arith.mulf %max3A_59, %mul3A_60 : vector<64x10x128xf32>
    %concatenate3A = tpu.concatenate %mul3A_61, %slice3A_22 in 2 : vector<64x10x128xf32>, vector<64x10x128xf32> -> vector<64x10x256xf32>
    %reshape3A_62 = vector.shape_cast %concatenate3A : vector<64x10x256xf32> to vector<640x256xf32>
    %get3A_63 = arith.constant 0 : index
    %get3A_64 = arith.constant 0 : index
    %get3A_65 = vector.load %arg10[%get3A_63, %get3A_64] : memref<256x128xf32, #tpu.memory_space<vmem>>, vector<256x128xf32>
    %dot_general3A_66 = arith.constant dense<0.000000e+00> : vector<640x128xf32>
    %dot_general3A_67 = tpu.matmul %reshape3A_62, %get3A_65, %dot_general3A_66 {dimension_numbers = #tpu.dot_dimension_numbers<[1], [0], [0], [1], [0, 0, 1, 1], [], []>, transpose_lhs_hint = false} : vector<640x256xf32>, vector<256x128xf32>, vector<640x128xf32> -> vector<640x128xf32>
    %get3A_68 = arith.constant 0 : index
    %get3A_69 = arith.constant 0 : index
    %get3A_70 = vector.load %arg11[%get3A_68, %get3A_69] : memref<1x128xf32, #tpu.memory_space<vmem>>, vector<1x128xf32>
    %add3A_71 = vector.broadcast %get3A_70 : vector<1x128xf32> to vector<640x128xf32>
    %add3A_72 = arith.addf %dot_general3A_67, %add3A_71 : vector<640x128xf32>
    %get3A_73 = arith.constant 0 : index
    %get3A_74 = arith.constant 0 : index
    %get3A_75 = vector.load %arg12[%get3A_73, %get3A_74] : memref<256x128xf32, #tpu.memory_space<vmem>>, vector<256x128xf32>
    %dot_general3A_76 = arith.constant dense<0.000000e+00> : vector<640x128xf32>
    %dot_general3A_77 = tpu.matmul %reshape3A_62, %get3A_75, %dot_general3A_76 {dimension_numbers = #tpu.dot_dimension_numbers<[1], [0], [0], [1], [0, 0, 1, 1], [], []>, transpose_lhs_hint = false} : vector<640x256xf32>, vector<256x128xf32>, vector<640x128xf32> -> vector<640x128xf32>
    %get3A_78 = arith.constant 0 : index
    %get3A_79 = arith.constant 0 : index
    %get3A_80 = vector.load %arg13[%get3A_78, %get3A_79] : memref<1x128xf32, #tpu.memory_space<vmem>>, vector<1x128xf32>
    %add3A_81 = vector.broadcast %get3A_80 : vector<1x128xf32> to vector<640x128xf32>
    %add3A_82 = arith.addf %dot_general3A_77, %add3A_81 : vector<640x128xf32>
    %get3A_83 = arith.constant 0 : index
    %get3A_84 = arith.constant 0 : index
    %get3A_85 = vector.load %arg14[%get3A_83, %get3A_84] : memref<256x128xf32, #tpu.memory_space<vmem>>, vector<256x128xf32>
    %dot_general3A_86 = arith.constant dense<0.000000e+00> : vector<640x128xf32>
    %dot_general3A_87 = tpu.matmul %reshape3A_62, %get3A_85, %dot_general3A_86 {dimension_numbers = #tpu.dot_dimension_numbers<[1], [0], [0], [1], [0, 0, 1, 1], [], []>, transpose_lhs_hint = false} : vector<640x256xf32>, vector<256x128xf32>, vector<640x128xf32> -> vector<640x128xf32>
    %get3A_88 = arith.constant 0 : index
    %get3A_89 = arith.constant 0 : index
    %get3A_90 = vector.load %arg15[%get3A_88, %get3A_89] : memref<1x128xf32, #tpu.memory_space<vmem>>, vector<1x128xf32>
    %add3A_91 = vector.broadcast %get3A_90 : vector<1x128xf32> to vector<640x128xf32>
    %add3A_92 = arith.addf %dot_general3A_87, %add3A_91 : vector<640x128xf32>
    %get3A_93 = arith.constant 0 : index
    %get3A_94 = arith.constant 0 : index
    %get3A_95 = vector.load %arg16[%get3A_93, %get3A_94] : memref<128x128xf32, #tpu.memory_space<vmem>>, vector<128x128xf32>
    %dot_general3A_96 = arith.constant dense<0.000000e+00> : vector<64x128xf32>
    %dot_general3A_97 = tpu.matmul %get3A_3, %get3A_95, %dot_general3A_96 {dimension_numbers = #tpu.dot_dimension_numbers<[1], [0], [0], [1], [0, 0, 1, 1], [], []>, transpose_lhs_hint = false} : vector<64x128xf32>, vector<128x128xf32>, vector<64x128xf32> -> vector<64x128xf32>
    %get3A_98 = arith.constant 0 : index
    %get3A_99 = arith.constant 0 : index
    %get3A_100 = vector.load %arg17[%get3A_98, %get3A_99] : memref<1x128xf32, #tpu.memory_space<vmem>>, vector<1x128xf32>
    %add3A_101 = vector.broadcast %get3A_100 : vector<1x128xf32> to vector<64x128xf32>
    %add3A_102 = arith.addf %dot_general3A_97, %add3A_101 : vector<64x128xf32>
    %reshape3A_103 = vector.shape_cast %add3A_72 : vector<640x128xf32> to vector<64x10x128xf32>
    %reshape3A_104 = vector.shape_cast %add3A_82 : vector<640x128xf32> to vector<64x10x128xf32>
    %reshape3A_105 = vector.shape_cast %add3A_92 : vector<640x128xf32> to vector<64x10x128xf32>
    %get3A_106 = arith.constant 0 : index
    %get3A_107 = arith.constant 0 : index
    %get3A_108 = vector.load %arg18[%get3A_106, %get3A_107] : memref<1x128xf32, #tpu.memory_space<vmem>>, vector<1x128xf32>
    %slice3A_109 = vector.extract_strided_slice %add3A_102 {offsets = [0, 0], sizes = [64, 32], strides = [1, 1]} : vector<64x128xf32> to vector<64x32xf32>
    %slice3A_110 = vector.extract_strided_slice %reshape3A_103 {offsets = [0, 0, 0], sizes = [64, 1, 32], strides = [1, 1, 1]} : vector<64x10x128xf32> to vector<64x1x32xf32>
    %squeeze3A = vector.shape_cast %slice3A_110 : vector<64x1x32xf32> to vector<64x32xf32>
    %mul3A_111 = arith.mulf %slice3A_109, %squeeze3A : vector<64x32xf32>
    %reduce_sum3A_112 = arith.constant dense<0.000000e+00> : vector<64xf32>
    %reduce_sum3A_113 = vector.multi_reduction <add>, %mul3A_111, %reduce_sum3A_112 [1] : vector<64x32xf32> to vector<64xf32>
    %broadcast_in_dim3A = vector.shape_cast %reduce_sum3A_113 : vector<64xf32> to vector<64x1xf32>
    %slice3A_114 = vector.extract_strided_slice %reshape3A_103 {offsets = [0, 0, 32], sizes = [64, 1, 32], strides = [1, 1, 1]} : vector<64x10x128xf32> to vector<64x1x32xf32>
    %squeeze3A_115 = vector.shape_cast %slice3A_114 : vector<64x1x32xf32> to vector<64x32xf32>
    %mul3A_116 = arith.mulf %slice3A_109, %squeeze3A_115 : vector<64x32xf32>
    %reduce_sum3A_117 = arith.constant dense<0.000000e+00> : vector<64xf32>
    %reduce_sum3A_118 = vector.multi_reduction <add>, %mul3A_116, %reduce_sum3A_117 [1] : vector<64x32xf32> to vector<64xf32>
    %broadcast_in_dim3A_119 = vector.shape_cast %reduce_sum3A_118 : vector<64xf32> to vector<64x1xf32>
    %slice3A_120 = vector.extract_strided_slice %reshape3A_103 {offsets = [0, 0, 64], sizes = [64, 1, 32], strides = [1, 1, 1]} : vector<64x10x128xf32> to vector<64x1x32xf32>
    %squeeze3A_121 = vector.shape_cast %slice3A_120 : vector<64x1x32xf32> to vector<64x32xf32>
    %mul3A_122 = arith.mulf %slice3A_109, %squeeze3A_121 : vector<64x32xf32>
    %reduce_sum3A_123 = arith.constant dense<0.000000e+00> : vector<64xf32>
    %reduce_sum3A_124 = vector.multi_reduction <add>, %mul3A_122, %reduce_sum3A_123 [1] : vector<64x32xf32> to vector<64xf32>
    %broadcast_in_dim3A_125 = vector.shape_cast %reduce_sum3A_124 : vector<64xf32> to vector<64x1xf32>
    %slice3A_126 = vector.extract_strided_slice %reshape3A_103 {offsets = [0, 0, 96], sizes = [64, 1, 32], strides = [1, 1, 1]} : vector<64x10x128xf32> to vector<64x1x32xf32>
    %squeeze3A_127 = vector.shape_cast %slice3A_126 : vector<64x1x32xf32> to vector<64x32xf32>
    %mul3A_128 = arith.mulf %slice3A_109, %squeeze3A_127 : vector<64x32xf32>
    %reduce_sum3A_129 = arith.constant dense<0.000000e+00> : vector<64xf32>
    %reduce_sum3A_130 = vector.multi_reduction <add>, %mul3A_128, %reduce_sum3A_129 [1] : vector<64x32xf32> to vector<64xf32>
    %broadcast_in_dim3A_131 = vector.shape_cast %reduce_sum3A_130 : vector<64xf32> to vector<64x1xf32>
    %slice3A_132 = vector.extract_strided_slice %reshape3A_103 {offsets = [0, 1, 0], sizes = [64, 1, 32], strides = [1, 1, 1]} : vector<64x10x128xf32> to vector<64x1x32xf32>
    %squeeze3A_133 = vector.shape_cast %slice3A_132 : vector<64x1x32xf32> to vector<64x32xf32>
    %mul3A_134 = arith.mulf %slice3A_109, %squeeze3A_133 : vector<64x32xf32>
    %reduce_sum3A_135 = arith.constant dense<0.000000e+00> : vector<64xf32>
    %reduce_sum3A_136 = vector.multi_reduction <add>, %mul3A_134, %reduce_sum3A_135 [1] : vector<64x32xf32> to vector<64xf32>
    %broadcast_in_dim3A_137 = vector.shape_cast %reduce_sum3A_136 : vector<64xf32> to vector<64x1xf32>
    %slice3A_138 = vector.extract_strided_slice %reshape3A_103 {offsets = [0, 1, 32], sizes = [64, 1, 32], strides = [1, 1, 1]} : vector<64x10x128xf32> to vector<64x1x32xf32>
    %squeeze3A_139 = vector.shape_cast %slice3A_138 : vector<64x1x32xf32> to vector<64x32xf32>
    %mul3A_140 = arith.mulf %slice3A_109, %squeeze3A_139 : vector<64x32xf32>
    %reduce_sum3A_141 = arith.constant dense<0.000000e+00> : vector<64xf32>
    %reduce_sum3A_142 = vector.multi_reduction <add>, %mul3A_140, %reduce_sum3A_141 [1] : vector<64x32xf32> to vector<64xf32>
    %broadcast_in_dim3A_143 = vector.shape_cast %reduce_sum3A_142 : vector<64xf32> to vector<64x1xf32>
    %slice3A_144 = vector.extract_strided_slice %reshape3A_103 {offsets = [0, 1, 64], sizes = [64, 1, 32], strides = [1, 1, 1]} : vector<64x10x128xf32> to vector<64x1x32xf32>
    %squeeze3A_145 = vector.shape_cast %slice3A_144 : vector<64x1x32xf32> to vector<64x32xf32>
    %mul3A_146 = arith.mulf %slice3A_109, %squeeze3A_145 : vector<64x32xf32>
    %reduce_sum3A_147 = arith.constant dense<0.000000e+00> : vector<64xf32>
    %reduce_sum3A_148 = vector.multi_reduction <add>, %mul3A_146, %reduce_sum3A_147 [1] : vector<64x32xf32> to vector<64xf32>
    %broadcast_in_dim3A_149 = vector.shape_cast %reduce_sum3A_148 : vector<64xf32> to vector<64x1xf32>
    %slice3A_150 = vector.extract_strided_slice %reshape3A_103 {offsets = [0, 1, 96], sizes = [64, 1, 32], strides = [1, 1, 1]} : vector<64x10x128xf32> to vector<64x1x32xf32>
    %squeeze3A_151 = vector.shape_cast %slice3A_150 : vector<64x1x32xf32> to vector<64x32xf32>
    %mul3A_152 = arith.mulf %slice3A_109, %squeeze3A_151 : vector<64x32xf32>
    %reduce_sum3A_153 = arith.constant dense<0.000000e+00> : vector<64xf32>
    %reduce_sum3A_154 = vector.multi_reduction <add>, %mul3A_152, %reduce_sum3A_153 [1] : vector<64x32xf32> to vector<64xf32>
    %broadcast_in_dim3A_155 = vector.shape_cast %reduce_sum3A_154 : vector<64xf32> to vector<64x1xf32>
    %slice3A_156 = vector.extract_strided_slice %reshape3A_103 {offsets = [0, 2, 0], sizes = [64, 1, 32], strides = [1, 1, 1]} : vector<64x10x128xf32> to vector<64x1x32xf32>
    %squeeze3A_157 = vector.shape_cast %slice3A_156 : vector<64x1x32xf32> to vector<64x32xf32>
    %mul3A_158 = arith.mulf %slice3A_109, %squeeze3A_157 : vector<64x32xf32>
    %reduce_sum3A_159 = arith.constant dense<0.000000e+00> : vector<64xf32>
    %reduce_sum3A_160 = vector.multi_reduction <add>, %mul3A_158, %reduce_sum3A_159 [1] : vector<64x32xf32> to vector<64xf32>
    %broadcast_in_dim3A_161 = vector.shape_cast %reduce_sum3A_160 : vector<64xf32> to vector<64x1xf32>
    %slice3A_162 = vector.extract_strided_slice %reshape3A_103 {offsets = [0, 2, 32], sizes = [64, 1, 32], strides = [1, 1, 1]} : vector<64x10x128xf32> to vector<64x1x32xf32>
    %squeeze3A_163 = vector.shape_cast %slice3A_162 : vector<64x1x32xf32> to vector<64x32xf32>
    %mul3A_164 = arith.mulf %slice3A_109, %squeeze3A_163 : vector<64x32xf32>
    %reduce_sum3A_165 = arith.constant dense<0.000000e+00> : vector<64xf32>
    %reduce_sum3A_166 = vector.multi_reduction <add>, %mul3A_164, %reduce_sum3A_165 [1] : vector<64x32xf32> to vector<64xf32>
    %broadcast_in_dim3A_167 = vector.shape_cast %reduce_sum3A_166 : vector<64xf32> to vector<64x1xf32>
    %concatenate3A_168 = tpu.concatenate %broadcast_in_dim3A, %broadcast_in_dim3A_119, %broadcast_in_dim3A_125, %broadcast_in_dim3A_131, %broadcast_in_dim3A_137, %broadcast_in_dim3A_143, %broadcast_in_dim3A_149, %broadcast_in_dim3A_155, %broadcast_in_dim3A_161, %broadcast_in_dim3A_167 in 1 : vector<64x1xf32>, vector<64x1xf32>, vector<64x1xf32>, vector<64x1xf32>, vector<64x1xf32>, vector<64x1xf32>, vector<64x1xf32>, vector<64x1xf32>, vector<64x1xf32>, vector<64x1xf32> -> vector<64x10xf32>
    %reduce_max3A = arith.constant dense<0xFF800000> : vector<64xf32>
    %reduce_max3A_169 = vector.multi_reduction <maximumf>, %concatenate3A_168, %reduce_max3A [1] : vector<64x10xf32> to vector<64xf32>
    %broadcast_in_dim3A_170 = vector.shape_cast %reduce_max3A_169 : vector<64xf32> to vector<64x1xf32>
    %sub3A = vector.broadcast %broadcast_in_dim3A_170 : vector<64x1xf32> to vector<64x10xf32>
    %sub3A_171 = arith.subf %concatenate3A_168, %sub3A : vector<64x10xf32>
    %exp3A = math.exp %sub3A_171 : vector<64x10xf32>
    %reduce_sum3A_172 = arith.constant dense<0.000000e+00> : vector<64xf32>
    %reduce_sum3A_173 = vector.multi_reduction <add>, %exp3A, %reduce_sum3A_172 [1] : vector<64x10xf32> to vector<64xf32>
    %broadcast_in_dim3A_174 = vector.shape_cast %reduce_sum3A_173 : vector<64xf32> to vector<64x1xf32>
    %div3A = vector.broadcast %broadcast_in_dim3A_174 : vector<64x1xf32> to vector<64x10xf32>
    %div3A_175 = arith.divf %exp3A, %div3A : vector<64x10xf32>
    %broadcast_in_dim3A_176 = arith.constant 0.000000e+00 : f32
    %broadcast_in_dim3A_177 = vector.broadcast %broadcast_in_dim3A_176 : f32 to vector<64x32xf32>
    %slice3A_178 = vector.extract_strided_slice %reshape3A_104 {offsets = [0, 0, 0], sizes = [64, 1, 32], strides = [1, 1, 1]} : vector<64x10x128xf32> to vector<64x1x32xf32>
    %squeeze3A_179 = vector.shape_cast %slice3A_178 : vector<64x1x32xf32> to vector<64x32xf32>
    %slice3A_180 = vector.extract_strided_slice %reshape3A_105 {offsets = [0, 0, 0], sizes = [64, 1, 32], strides = [1, 1, 1]} : vector<64x10x128xf32> to vector<64x1x32xf32>
    %squeeze3A_181 = vector.shape_cast %slice3A_180 : vector<64x1x32xf32> to vector<64x32xf32>
    %slice3A_182 = vector.extract_strided_slice %div3A_175 {offsets = [0, 0], sizes = [64, 1], strides = [1, 1]} : vector<64x10xf32> to vector<64x1xf32>
    %mul3A_183 = vector.broadcast %slice3A_182 : vector<64x1xf32> to vector<64x32xf32>
    %mul3A_184 = arith.mulf %mul3A_183, %squeeze3A_179 : vector<64x32xf32>
    %add3A_185 = arith.addf %broadcast_in_dim3A_177, %mul3A_184 : vector<64x32xf32>
    %slice3A_186 = vector.extract_strided_slice %reshape3A_104 {offsets = [0, 0, 32], sizes = [64, 1, 32], strides = [1, 1, 1]} : vector<64x10x128xf32> to vector<64x1x32xf32>
    %squeeze3A_187 = vector.shape_cast %slice3A_186 : vector<64x1x32xf32> to vector<64x32xf32>
    %slice3A_188 = vector.extract_strided_slice %reshape3A_105 {offsets = [0, 0, 32], sizes = [64, 1, 32], strides = [1, 1, 1]} : vector<64x10x128xf32> to vector<64x1x32xf32>
    %squeeze3A_189 = vector.shape_cast %slice3A_188 : vector<64x1x32xf32> to vector<64x32xf32>
    %slice3A_190 = vector.extract_strided_slice %div3A_175 {offsets = [0, 1], sizes = [64, 1], strides = [1, 1]} : vector<64x10xf32> to vector<64x1xf32>
    %mul3A_191 = vector.broadcast %slice3A_190 : vector<64x1xf32> to vector<64x32xf32>
    %mul3A_192 = arith.mulf %mul3A_191, %squeeze3A_187 : vector<64x32xf32>
    %add3A_193 = arith.addf %add3A_185, %mul3A_192 : vector<64x32xf32>
    %max3A_194 = arith.maximumf %squeeze3A_181, %squeeze3A_189 : vector<64x32xf32>
    %slice3A_195 = vector.extract_strided_slice %reshape3A_104 {offsets = [0, 0, 64], sizes = [64, 1, 32], strides = [1, 1, 1]} : vector<64x10x128xf32> to vector<64x1x32xf32>
    %squeeze3A_196 = vector.shape_cast %slice3A_195 : vector<64x1x32xf32> to vector<64x32xf32>
    %slice3A_197 = vector.extract_strided_slice %reshape3A_105 {offsets = [0, 0, 64], sizes = [64, 1, 32], strides = [1, 1, 1]} : vector<64x10x128xf32> to vector<64x1x32xf32>
    %squeeze3A_198 = vector.shape_cast %slice3A_197 : vector<64x1x32xf32> to vector<64x32xf32>
    %slice3A_199 = vector.extract_strided_slice %div3A_175 {offsets = [0, 2], sizes = [64, 1], strides = [1, 1]} : vector<64x10xf32> to vector<64x1xf32>
    %mul3A_200 = vector.broadcast %slice3A_199 : vector<64x1xf32> to vector<64x32xf32>
    %mul3A_201 = arith.mulf %mul3A_200, %squeeze3A_196 : vector<64x32xf32>
    %add3A_202 = arith.addf %add3A_193, %mul3A_201 : vector<64x32xf32>
    %max3A_203 = arith.maximumf %max3A_194, %squeeze3A_198 : vector<64x32xf32>
    %slice3A_204 = vector.extract_strided_slice %reshape3A_104 {offsets = [0, 0, 96], sizes = [64, 1, 32], strides = [1, 1, 1]} : vector<64x10x128xf32> to vector<64x1x32xf32>
    %squeeze3A_205 = vector.shape_cast %slice3A_204 : vector<64x1x32xf32> to vector<64x32xf32>
    %slice3A_206 = vector.extract_strided_slice %reshape3A_105 {offsets = [0, 0, 96], sizes = [64, 1, 32], strides = [1, 1, 1]} : vector<64x10x128xf32> to vector<64x1x32xf32>
    %squeeze3A_207 = vector.shape_cast %slice3A_206 : vector<64x1x32xf32> to vector<64x32xf32>
    %slice3A_208 = vector.extract_strided_slice %div3A_175 {offsets = [0, 3], sizes = [64, 1], strides = [1, 1]} : vector<64x10xf32> to vector<64x1xf32>
    %mul3A_209 = vector.broadcast %slice3A_208 : vector<64x1xf32> to vector<64x32xf32>
    %mul3A_210 = arith.mulf %mul3A_209, %squeeze3A_205 : vector<64x32xf32>
    %add3A_211 = arith.addf %add3A_202, %mul3A_210 : vector<64x32xf32>
    %max3A_212 = arith.maximumf %max3A_203, %squeeze3A_207 : vector<64x32xf32>
    %slice3A_213 = vector.extract_strided_slice %reshape3A_104 {offsets = [0, 1, 0], sizes = [64, 1, 32], strides = [1, 1, 1]} : vector<64x10x128xf32> to vector<64x1x32xf32>
    %squeeze3A_214 = vector.shape_cast %slice3A_213 : vector<64x1x32xf32> to vector<64x32xf32>
    %slice3A_215 = vector.extract_strided_slice %reshape3A_105 {offsets = [0, 1, 0], sizes = [64, 1, 32], strides = [1, 1, 1]} : vector<64x10x128xf32> to vector<64x1x32xf32>
    %squeeze3A_216 = vector.shape_cast %slice3A_215 : vector<64x1x32xf32> to vector<64x32xf32>
    %slice3A_217 = vector.extract_strided_slice %div3A_175 {offsets = [0, 4], sizes = [64, 1], strides = [1, 1]} : vector<64x10xf32> to vector<64x1xf32>
    %mul3A_218 = vector.broadcast %slice3A_217 : vector<64x1xf32> to vector<64x32xf32>
    %mul3A_219 = arith.mulf %mul3A_218, %squeeze3A_214 : vector<64x32xf32>
    %add3A_220 = arith.addf %add3A_211, %mul3A_219 : vector<64x32xf32>
    %max3A_221 = arith.maximumf %max3A_212, %squeeze3A_216 : vector<64x32xf32>
    %slice3A_222 = vector.extract_strided_slice %reshape3A_104 {offsets = [0, 1, 32], sizes = [64, 1, 32], strides = [1, 1, 1]} : vector<64x10x128xf32> to vector<64x1x32xf32>
    %squeeze3A_223 = vector.shape_cast %slice3A_222 : vector<64x1x32xf32> to vector<64x32xf32>
    %slice3A_224 = vector.extract_strided_slice %reshape3A_105 {offsets = [0, 1, 32], sizes = [64, 1, 32], strides = [1, 1, 1]} : vector<64x10x128xf32> to vector<64x1x32xf32>
    %squeeze3A_225 = vector.shape_cast %slice3A_224 : vector<64x1x32xf32> to vector<64x32xf32>
    %slice3A_226 = vector.extract_strided_slice %div3A_175 {offsets = [0, 5], sizes = [64, 1], strides = [1, 1]} : vector<64x10xf32> to vector<64x1xf32>
    %mul3A_227 = vector.broadcast %slice3A_226 : vector<64x1xf32> to vector<64x32xf32>
    %mul3A_228 = arith.mulf %mul3A_227, %squeeze3A_223 : vector<64x32xf32>
    %add3A_229 = arith.addf %add3A_220, %mul3A_228 : vector<64x32xf32>
    %max3A_230 = arith.maximumf %max3A_221, %squeeze3A_225 : vector<64x32xf32>
    %slice3A_231 = vector.extract_strided_slice %reshape3A_104 {offsets = [0, 1, 64], sizes = [64, 1, 32], strides = [1, 1, 1]} : vector<64x10x128xf32> to vector<64x1x32xf32>
    %squeeze3A_232 = vector.shape_cast %slice3A_231 : vector<64x1x32xf32> to vector<64x32xf32>
    %slice3A_233 = vector.extract_strided_slice %reshape3A_105 {offsets = [0, 1, 64], sizes = [64, 1, 32], strides = [1, 1, 1]} : vector<64x10x128xf32> to vector<64x1x32xf32>
    %squeeze3A_234 = vector.shape_cast %slice3A_233 : vector<64x1x32xf32> to vector<64x32xf32>
    %slice3A_235 = vector.extract_strided_slice %div3A_175 {offsets = [0, 6], sizes = [64, 1], strides = [1, 1]} : vector<64x10xf32> to vector<64x1xf32>
    %mul3A_236 = vector.broadcast %slice3A_235 : vector<64x1xf32> to vector<64x32xf32>
    %mul3A_237 = arith.mulf %mul3A_236, %squeeze3A_232 : vector<64x32xf32>
    %add3A_238 = arith.addf %add3A_229, %mul3A_237 : vector<64x32xf32>
    %max3A_239 = arith.maximumf %max3A_230, %squeeze3A_234 : vector<64x32xf32>
    %slice3A_240 = vector.extract_strided_slice %reshape3A_104 {offsets = [0, 1, 96], sizes = [64, 1, 32], strides = [1, 1, 1]} : vector<64x10x128xf32> to vector<64x1x32xf32>
    %squeeze3A_241 = vector.shape_cast %slice3A_240 : vector<64x1x32xf32> to vector<64x32xf32>
    %slice3A_242 = vector.extract_strided_slice %reshape3A_105 {offsets = [0, 1, 96], sizes = [64, 1, 32], strides = [1, 1, 1]} : vector<64x10x128xf32> to vector<64x1x32xf32>
    %squeeze3A_243 = vector.shape_cast %slice3A_242 : vector<64x1x32xf32> to vector<64x32xf32>
    %slice3A_244 = vector.extract_strided_slice %div3A_175 {offsets = [0, 7], sizes = [64, 1], strides = [1, 1]} : vector<64x10xf32> to vector<64x1xf32>
    %mul3A_245 = vector.broadcast %slice3A_244 : vector<64x1xf32> to vector<64x32xf32>
    %mul3A_246 = arith.mulf %mul3A_245, %squeeze3A_241 : vector<64x32xf32>
    %add3A_247 = arith.addf %add3A_238, %mul3A_246 : vector<64x32xf32>
    %max3A_248 = arith.maximumf %max3A_239, %squeeze3A_243 : vector<64x32xf32>
    %slice3A_249 = vector.extract_strided_slice %reshape3A_104 {offsets = [0, 2, 0], sizes = [64, 1, 32], strides = [1, 1, 1]} : vector<64x10x128xf32> to vector<64x1x32xf32>
    %squeeze3A_250 = vector.shape_cast %slice3A_249 : vector<64x1x32xf32> to vector<64x32xf32>
    %slice3A_251 = vector.extract_strided_slice %reshape3A_105 {offsets = [0, 2, 0], sizes = [64, 1, 32], strides = [1, 1, 1]} : vector<64x10x128xf32> to vector<64x1x32xf32>
    %squeeze3A_252 = vector.shape_cast %slice3A_251 : vector<64x1x32xf32> to vector<64x32xf32>
    %slice3A_253 = vector.extract_strided_slice %div3A_175 {offsets = [0, 8], sizes = [64, 1], strides = [1, 1]} : vector<64x10xf32> to vector<64x1xf32>
    %mul3A_254 = vector.broadcast %slice3A_253 : vector<64x1xf32> to vector<64x32xf32>
    %mul3A_255 = arith.mulf %mul3A_254, %squeeze3A_250 : vector<64x32xf32>
    %add3A_256 = arith.addf %add3A_247, %mul3A_255 : vector<64x32xf32>
    %max3A_257 = arith.maximumf %max3A_248, %squeeze3A_252 : vector<64x32xf32>
    %slice3A_258 = vector.extract_strided_slice %reshape3A_104 {offsets = [0, 2, 32], sizes = [64, 1, 32], strides = [1, 1, 1]} : vector<64x10x128xf32> to vector<64x1x32xf32>
    %squeeze3A_259 = vector.shape_cast %slice3A_258 : vector<64x1x32xf32> to vector<64x32xf32>
    %slice3A_260 = vector.extract_strided_slice %reshape3A_105 {offsets = [0, 2, 32], sizes = [64, 1, 32], strides = [1, 1, 1]} : vector<64x10x128xf32> to vector<64x1x32xf32>
    %squeeze3A_261 = vector.shape_cast %slice3A_260 : vector<64x1x32xf32> to vector<64x32xf32>
    %slice3A_262 = vector.extract_strided_slice %div3A_175 {offsets = [0, 9], sizes = [64, 1], strides = [1, 1]} : vector<64x10xf32> to vector<64x1xf32>
    %mul3A_263 = vector.broadcast %slice3A_262 : vector<64x1xf32> to vector<64x32xf32>
    %mul3A_264 = arith.mulf %mul3A_263, %squeeze3A_259 : vector<64x32xf32>
    %add3A_265 = arith.addf %add3A_256, %mul3A_264 : vector<64x32xf32>
    %max3A_266 = arith.maximumf %max3A_257, %squeeze3A_261 : vector<64x32xf32>
    %broadcast_in_dim3A_267 = arith.constant 0.000000e+00 : f32
    %broadcast_in_dim3A_268 = vector.broadcast %broadcast_in_dim3A_267 : f32 to vector<64x64xf32>
    %slice3A_269 = vector.extract_strided_slice %concatenate3A {offsets = [0, 0, 0], sizes = [64, 1, 64], strides = [1, 1, 1]} : vector<64x10x256xf32> to vector<64x1x64xf32>
    %squeeze3A_270 = vector.shape_cast %slice3A_269 : vector<64x1x64xf32> to vector<64x64xf32>
    %add3A_271 = arith.addf %broadcast_in_dim3A_268, %squeeze3A_270 : vector<64x64xf32>
    %slice3A_272 = vector.extract_strided_slice %concatenate3A {offsets = [0, 0, 64], sizes = [64, 1, 64], strides = [1, 1, 1]} : vector<64x10x256xf32> to vector<64x1x64xf32>
    %squeeze3A_273 = vector.shape_cast %slice3A_272 : vector<64x1x64xf32> to vector<64x64xf32>
    %add3A_274 = arith.addf %add3A_271, %squeeze3A_273 : vector<64x64xf32>
    %slice3A_275 = vector.extract_strided_slice %concatenate3A {offsets = [0, 0, 128], sizes = [64, 1, 64], strides = [1, 1, 1]} : vector<64x10x256xf32> to vector<64x1x64xf32>
    %squeeze3A_276 = vector.shape_cast %slice3A_275 : vector<64x1x64xf32> to vector<64x64xf32>
    %add3A_277 = arith.addf %add3A_274, %squeeze3A_276 : vector<64x64xf32>
    %slice3A_278 = vector.extract_strided_slice %concatenate3A {offsets = [0, 0, 192], sizes = [64, 1, 64], strides = [1, 1, 1]} : vector<64x10x256xf32> to vector<64x1x64xf32>
    %squeeze3A_279 = vector.shape_cast %slice3A_278 : vector<64x1x64xf32> to vector<64x64xf32>
    %add3A_280 = arith.addf %add3A_277, %squeeze3A_279 : vector<64x64xf32>
    %slice3A_281 = vector.extract_strided_slice %concatenate3A {offsets = [0, 1, 0], sizes = [64, 1, 64], strides = [1, 1, 1]} : vector<64x10x256xf32> to vector<64x1x64xf32>
    %squeeze3A_282 = vector.shape_cast %slice3A_281 : vector<64x1x64xf32> to vector<64x64xf32>
    %add3A_283 = arith.addf %add3A_280, %squeeze3A_282 : vector<64x64xf32>
    %slice3A_284 = vector.extract_strided_slice %concatenate3A {offsets = [0, 1, 64], sizes = [64, 1, 64], strides = [1, 1, 1]} : vector<64x10x256xf32> to vector<64x1x64xf32>
    %squeeze3A_285 = vector.shape_cast %slice3A_284 : vector<64x1x64xf32> to vector<64x64xf32>
    %add3A_286 = arith.addf %add3A_283, %squeeze3A_285 : vector<64x64xf32>
    %slice3A_287 = vector.extract_strided_slice %concatenate3A {offsets = [0, 1, 128], sizes = [64, 1, 64], strides = [1, 1, 1]} : vector<64x10x256xf32> to vector<64x1x64xf32>
    %squeeze3A_288 = vector.shape_cast %slice3A_287 : vector<64x1x64xf32> to vector<64x64xf32>
    %add3A_289 = arith.addf %add3A_286, %squeeze3A_288 : vector<64x64xf32>
    %slice3A_290 = vector.extract_strided_slice %concatenate3A {offsets = [0, 1, 192], sizes = [64, 1, 64], strides = [1, 1, 1]} : vector<64x10x256xf32> to vector<64x1x64xf32>
    %squeeze3A_291 = vector.shape_cast %slice3A_290 : vector<64x1x64xf32> to vector<64x64xf32>
    %add3A_292 = arith.addf %add3A_289, %squeeze3A_291 : vector<64x64xf32>
    %slice3A_293 = vector.extract_strided_slice %concatenate3A {offsets = [0, 2, 0], sizes = [64, 1, 64], strides = [1, 1, 1]} : vector<64x10x256xf32> to vector<64x1x64xf32>
    %squeeze3A_294 = vector.shape_cast %slice3A_293 : vector<64x1x64xf32> to vector<64x64xf32>
    %add3A_295 = arith.addf %add3A_292, %squeeze3A_294 : vector<64x64xf32>
    %slice3A_296 = vector.extract_strided_slice %concatenate3A {offsets = [0, 2, 64], sizes = [64, 1, 64], strides = [1, 1, 1]} : vector<64x10x256xf32> to vector<64x1x64xf32>
    %squeeze3A_297 = vector.shape_cast %slice3A_296 : vector<64x1x64xf32> to vector<64x64xf32>
    %add3A_298 = arith.addf %add3A_295, %squeeze3A_297 : vector<64x64xf32>
    %mul3A_299 = arith.constant 1.000000e-01 : f32
    %mul3A_300 = vector.broadcast %mul3A_299 : f32 to vector<64x64xf32>
    %mul3A_301 = arith.mulf %add3A_298, %mul3A_300 : vector<64x64xf32>
    %slice3A_302 = vector.extract_strided_slice %get3A_3 {offsets = [0, 0], sizes = [64, 32], strides = [1, 1]} : vector<64x128xf32> to vector<64x32xf32>
    %slice3A_303 = vector.extract_strided_slice %get3A_108 {offsets = [0, 0], sizes = [1, 32], strides = [1, 1]} : vector<1x128xf32> to vector<1x32xf32>
    %mul3A_304 = vector.broadcast %slice3A_303 : vector<1x32xf32> to vector<64x32xf32>
    %mul3A_305 = arith.mulf %slice3A_302, %mul3A_304 : vector<64x32xf32>
    %reduce_sum3A_306 = arith.constant dense<0.000000e+00> : vector<64xf32>
    %reduce_sum3A_307 = vector.multi_reduction <add>, %mul3A_305, %reduce_sum3A_306 [1] : vector<64x32xf32> to vector<64xf32>
    %broadcast_in_dim3A_308 = vector.shape_cast %reduce_sum3A_307 : vector<64xf32> to vector<64x1xf32>
    %slice3A_309 = vector.extract_strided_slice %get3A_108 {offsets = [0, 32], sizes = [1, 32], strides = [1, 1]} : vector<1x128xf32> to vector<1x32xf32>
    %mul3A_310 = vector.broadcast %slice3A_309 : vector<1x32xf32> to vector<64x32xf32>
    %mul3A_311 = arith.mulf %max3A_266, %mul3A_310 : vector<64x32xf32>
    %reduce_sum3A_312 = arith.constant dense<0.000000e+00> : vector<64xf32>
    %reduce_sum3A_313 = vector.multi_reduction <add>, %mul3A_311, %reduce_sum3A_312 [1] : vector<64x32xf32> to vector<64xf32>
    %broadcast_in_dim3A_314 = vector.shape_cast %reduce_sum3A_313 : vector<64xf32> to vector<64x1xf32>
    %add3A_315 = arith.addf %broadcast_in_dim3A_308, %broadcast_in_dim3A_314 : vector<64x1xf32>
    %slice3A_316 = vector.extract_strided_slice %get3A_108 {offsets = [0, 64], sizes = [1, 64], strides = [1, 1]} : vector<1x128xf32> to vector<1x64xf32>
    %mul3A_317 = vector.broadcast %slice3A_316 : vector<1x64xf32> to vector<64x64xf32>
    %mul3A_318 = arith.mulf %mul3A_301, %mul3A_317 : vector<64x64xf32>
    %reduce_sum3A_319 = arith.constant dense<0.000000e+00> : vector<64xf32>
    %reduce_sum3A_320 = vector.multi_reduction <add>, %mul3A_318, %reduce_sum3A_319 [1] : vector<64x64xf32> to vector<64xf32>
    %broadcast_in_dim3A_321 = vector.shape_cast %reduce_sum3A_320 : vector<64xf32> to vector<64x1xf32>
    %add3A_322 = arith.addf %add3A_315, %broadcast_in_dim3A_321 : vector<64x1xf32>
    %slice3A_323 = vector.extract_strided_slice %add3A_102 {offsets = [0, 32], sizes = [64, 32], strides = [1, 1]} : vector<64x128xf32> to vector<64x32xf32>
    %slice3A_324 = vector.extract_strided_slice %reshape3A_103 {offsets = [0, 2, 64], sizes = [64, 1, 32], strides = [1, 1, 1]} : vector<64x10x128xf32> to vector<64x1x32xf32>
    %squeeze3A_325 = vector.shape_cast %slice3A_324 : vector<64x1x32xf32> to vector<64x32xf32>
    %mul3A_326 = arith.mulf %slice3A_323, %squeeze3A_325 : vector<64x32xf32>
    %reduce_sum3A_327 = arith.constant dense<0.000000e+00> : vector<64xf32>
    %reduce_sum3A_328 = vector.multi_reduction <add>, %mul3A_326, %reduce_sum3A_327 [1] : vector<64x32xf32> to vector<64xf32>
    %broadcast_in_dim3A_329 = vector.shape_cast %reduce_sum3A_328 : vector<64xf32> to vector<64x1xf32>
    %slice3A_330 = vector.extract_strided_slice %reshape3A_103 {offsets = [0, 2, 96], sizes = [64, 1, 32], strides = [1, 1, 1]} : vector<64x10x128xf32> to vector<64x1x32xf32>
    %squeeze3A_331 = vector.shape_cast %slice3A_330 : vector<64x1x32xf32> to vector<64x32xf32>
    %mul3A_332 = arith.mulf %slice3A_323, %squeeze3A_331 : vector<64x32xf32>
    %reduce_sum3A_333 = arith.constant dense<0.000000e+00> : vector<64xf32>
    %reduce_sum3A_334 = vector.multi_reduction <add>, %mul3A_332, %reduce_sum3A_333 [1] : vector<64x32xf32> to vector<64xf32>
    %broadcast_in_dim3A_335 = vector.shape_cast %reduce_sum3A_334 : vector<64xf32> to vector<64x1xf32>
    %slice3A_336 = vector.extract_strided_slice %reshape3A_103 {offsets = [0, 3, 0], sizes = [64, 1, 32], strides = [1, 1, 1]} : vector<64x10x128xf32> to vector<64x1x32xf32>
    %squeeze3A_337 = vector.shape_cast %slice3A_336 : vector<64x1x32xf32> to vector<64x32xf32>
    %mul3A_338 = arith.mulf %slice3A_323, %squeeze3A_337 : vector<64x32xf32>
    %reduce_sum3A_339 = arith.constant dense<0.000000e+00> : vector<64xf32>
    %reduce_sum3A_340 = vector.multi_reduction <add>, %mul3A_338, %reduce_sum3A_339 [1] : vector<64x32xf32> to vector<64xf32>
    %broadcast_in_dim3A_341 = vector.shape_cast %reduce_sum3A_340 : vector<64xf32> to vector<64x1xf32>
    %slice3A_342 = vector.extract_strided_slice %reshape3A_103 {offsets = [0, 3, 32], sizes = [64, 1, 32], strides = [1, 1, 1]} : vector<64x10x128xf32> to vector<64x1x32xf32>
    %squeeze3A_343 = vector.shape_cast %slice3A_342 : vector<64x1x32xf32> to vector<64x32xf32>
    %mul3A_344 = arith.mulf %slice3A_323, %squeeze3A_343 : vector<64x32xf32>
    %reduce_sum3A_345 = arith.constant dense<0.000000e+00> : vector<64xf32>
    %reduce_sum3A_346 = vector.multi_reduction <add>, %mul3A_344, %reduce_sum3A_345 [1] : vector<64x32xf32> to vector<64xf32>
    %broadcast_in_dim3A_347 = vector.shape_cast %reduce_sum3A_346 : vector<64xf32> to vector<64x1xf32>
    %slice3A_348 = vector.extract_strided_slice %reshape3A_103 {offsets = [0, 3, 64], sizes = [64, 1, 32], strides = [1, 1, 1]} : vector<64x10x128xf32> to vector<64x1x32xf32>
    %squeeze3A_349 = vector.shape_cast %slice3A_348 : vector<64x1x32xf32> to vector<64x32xf32>
    %mul3A_350 = arith.mulf %slice3A_323, %squeeze3A_349 : vector<64x32xf32>
    %reduce_sum3A_351 = arith.constant dense<0.000000e+00> : vector<64xf32>
    %reduce_sum3A_352 = vector.multi_reduction <add>, %mul3A_350, %reduce_sum3A_351 [1] : vector<64x32xf32> to vector<64xf32>
    %broadcast_in_dim3A_353 = vector.shape_cast %reduce_sum3A_352 : vector<64xf32> to vector<64x1xf32>
    %slice3A_354 = vector.extract_strided_slice %reshape3A_103 {offsets = [0, 3, 96], sizes = [64, 1, 32], strides = [1, 1, 1]} : vector<64x10x128xf32> to vector<64x1x32xf32>
    %squeeze3A_355 = vector.shape_cast %slice3A_354 : vector<64x1x32xf32> to vector<64x32xf32>
    %mul3A_356 = arith.mulf %slice3A_323, %squeeze3A_355 : vector<64x32xf32>
    %reduce_sum3A_357 = arith.constant dense<0.000000e+00> : vector<64xf32>
    %reduce_sum3A_358 = vector.multi_reduction <add>, %mul3A_356, %reduce_sum3A_357 [1] : vector<64x32xf32> to vector<64xf32>
    %broadcast_in_dim3A_359 = vector.shape_cast %reduce_sum3A_358 : vector<64xf32> to vector<64x1xf32>
    %slice3A_360 = vector.extract_strided_slice %reshape3A_103 {offsets = [0, 4, 0], sizes = [64, 1, 32], strides = [1, 1, 1]} : vector<64x10x128xf32> to vector<64x1x32xf32>
    %squeeze3A_361 = vector.shape_cast %slice3A_360 : vector<64x1x32xf32> to vector<64x32xf32>
    %mul3A_362 = arith.mulf %slice3A_323, %squeeze3A_361 : vector<64x32xf32>
    %reduce_sum3A_363 = arith.constant dense<0.000000e+00> : vector<64xf32>
    %reduce_sum3A_364 = vector.multi_reduction <add>, %mul3A_362, %reduce_sum3A_363 [1] : vector<64x32xf32> to vector<64xf32>
    %broadcast_in_dim3A_365 = vector.shape_cast %reduce_sum3A_364 : vector<64xf32> to vector<64x1xf32>
    %slice3A_366 = vector.extract_strided_slice %reshape3A_103 {offsets = [0, 4, 32], sizes = [64, 1, 32], strides = [1, 1, 1]} : vector<64x10x128xf32> to vector<64x1x32xf32>
    %squeeze3A_367 = vector.shape_cast %slice3A_366 : vector<64x1x32xf32> to vector<64x32xf32>
    %mul3A_368 = arith.mulf %slice3A_323, %squeeze3A_367 : vector<64x32xf32>
    %reduce_sum3A_369 = arith.constant dense<0.000000e+00> : vector<64xf32>
    %reduce_sum3A_370 = vector.multi_reduction <add>, %mul3A_368, %reduce_sum3A_369 [1] : vector<64x32xf32> to vector<64xf32>
    %broadcast_in_dim3A_371 = vector.shape_cast %reduce_sum3A_370 : vector<64xf32> to vector<64x1xf32>
    %slice3A_372 = vector.extract_strided_slice %reshape3A_103 {offsets = [0, 4, 64], sizes = [64, 1, 32], strides = [1, 1, 1]} : vector<64x10x128xf32> to vector<64x1x32xf32>
    %squeeze3A_373 = vector.shape_cast %slice3A_372 : vector<64x1x32xf32> to vector<64x32xf32>
    %mul3A_374 = arith.mulf %slice3A_323, %squeeze3A_373 : vector<64x32xf32>
    %reduce_sum3A_375 = arith.constant dense<0.000000e+00> : vector<64xf32>
    %reduce_sum3A_376 = vector.multi_reduction <add>, %mul3A_374, %reduce_sum3A_375 [1] : vector<64x32xf32> to vector<64xf32>
    %broadcast_in_dim3A_377 = vector.shape_cast %reduce_sum3A_376 : vector<64xf32> to vector<64x1xf32>
    %slice3A_378 = vector.extract_strided_slice %reshape3A_103 {offsets = [0, 4, 96], sizes = [64, 1, 32], strides = [1, 1, 1]} : vector<64x10x128xf32> to vector<64x1x32xf32>
    %squeeze3A_379 = vector.shape_cast %slice3A_378 : vector<64x1x32xf32> to vector<64x32xf32>
    %mul3A_380 = arith.mulf %slice3A_323, %squeeze3A_379 : vector<64x32xf32>
    %reduce_sum3A_381 = arith.constant dense<0.000000e+00> : vector<64xf32>
    %reduce_sum3A_382 = vector.multi_reduction <add>, %mul3A_380, %reduce_sum3A_381 [1] : vector<64x32xf32> to vector<64xf32>
    %broadcast_in_dim3A_383 = vector.shape_cast %reduce_sum3A_382 : vector<64xf32> to vector<64x1xf32>
    %concatenate3A_384 = tpu.concatenate %broadcast_in_dim3A_329, %broadcast_in_dim3A_335, %broadcast_in_dim3A_341, %broadcast_in_dim3A_347, %broadcast_in_dim3A_353, %broadcast_in_dim3A_359, %broadcast_in_dim3A_365, %broadcast_in_dim3A_371, %broadcast_in_dim3A_377, %broadcast_in_dim3A_383 in 1 : vector<64x1xf32>, vector<64x1xf32>, vector<64x1xf32>, vector<64x1xf32>, vector<64x1xf32>, vector<64x1xf32>, vector<64x1xf32>, vector<64x1xf32>, vector<64x1xf32>, vector<64x1xf32> -> vector<64x10xf32>
    %reduce_max3A_385 = arith.constant dense<0xFF800000> : vector<64xf32>
    %reduce_max3A_386 = vector.multi_reduction <maximumf>, %concatenate3A_384, %reduce_max3A_385 [1] : vector<64x10xf32> to vector<64xf32>
    %broadcast_in_dim3A_387 = vector.shape_cast %reduce_max3A_386 : vector<64xf32> to vector<64x1xf32>
    %sub3A_388 = vector.broadcast %broadcast_in_dim3A_387 : vector<64x1xf32> to vector<64x10xf32>
    %sub3A_389 = arith.subf %concatenate3A_384, %sub3A_388 : vector<64x10xf32>
    %exp3A_390 = math.exp %sub3A_389 : vector<64x10xf32>
    %reduce_sum3A_391 = arith.constant dense<0.000000e+00> : vector<64xf32>
    %reduce_sum3A_392 = vector.multi_reduction <add>, %exp3A_390, %reduce_sum3A_391 [1] : vector<64x10xf32> to vector<64xf32>
    %broadcast_in_dim3A_393 = vector.shape_cast %reduce_sum3A_392 : vector<64xf32> to vector<64x1xf32>
    %div3A_394 = vector.broadcast %broadcast_in_dim3A_393 : vector<64x1xf32> to vector<64x10xf32>
    %div3A_395 = arith.divf %exp3A_390, %div3A_394 : vector<64x10xf32>
    %broadcast_in_dim3A_396 = arith.constant 0.000000e+00 : f32
    %broadcast_in_dim3A_397 = vector.broadcast %broadcast_in_dim3A_396 : f32 to vector<64x32xf32>
    %slice3A_398 = vector.extract_strided_slice %reshape3A_104 {offsets = [0, 2, 64], sizes = [64, 1, 32], strides = [1, 1, 1]} : vector<64x10x128xf32> to vector<64x1x32xf32>
    %squeeze3A_399 = vector.shape_cast %slice3A_398 : vector<64x1x32xf32> to vector<64x32xf32>
    %slice3A_400 = vector.extract_strided_slice %reshape3A_105 {offsets = [0, 2, 64], sizes = [64, 1, 32], strides = [1, 1, 1]} : vector<64x10x128xf32> to vector<64x1x32xf32>
    %squeeze3A_401 = vector.shape_cast %slice3A_400 : vector<64x1x32xf32> to vector<64x32xf32>
    %slice3A_402 = vector.extract_strided_slice %div3A_395 {offsets = [0, 0], sizes = [64, 1], strides = [1, 1]} : vector<64x10xf32> to vector<64x1xf32>
    %mul3A_403 = vector.broadcast %slice3A_402 : vector<64x1xf32> to vector<64x32xf32>
    %mul3A_404 = arith.mulf %mul3A_403, %squeeze3A_399 : vector<64x32xf32>
    %add3A_405 = arith.addf %broadcast_in_dim3A_397, %mul3A_404 : vector<64x32xf32>
    %slice3A_406 = vector.extract_strided_slice %reshape3A_104 {offsets = [0, 2, 96], sizes = [64, 1, 32], strides = [1, 1, 1]} : vector<64x10x128xf32> to vector<64x1x32xf32>
    %squeeze3A_407 = vector.shape_cast %slice3A_406 : vector<64x1x32xf32> to vector<64x32xf32>
    %slice3A_408 = vector.extract_strided_slice %reshape3A_105 {offsets = [0, 2, 96], sizes = [64, 1, 32], strides = [1, 1, 1]} : vector<64x10x128xf32> to vector<64x1x32xf32>
    %squeeze3A_409 = vector.shape_cast %slice3A_408 : vector<64x1x32xf32> to vector<64x32xf32>
    %slice3A_410 = vector.extract_strided_slice %div3A_395 {offsets = [0, 1], sizes = [64, 1], strides = [1, 1]} : vector<64x10xf32> to vector<64x1xf32>
    %mul3A_411 = vector.broadcast %slice3A_410 : vector<64x1xf32> to vector<64x32xf32>
    %mul3A_412 = arith.mulf %mul3A_411, %squeeze3A_407 : vector<64x32xf32>
    %add3A_413 = arith.addf %add3A_405, %mul3A_412 : vector<64x32xf32>
    %max3A_414 = arith.maximumf %squeeze3A_401, %squeeze3A_409 : vector<64x32xf32>
    %slice3A_415 = vector.extract_strided_slice %reshape3A_104 {offsets = [0, 3, 0], sizes = [64, 1, 32], strides = [1, 1, 1]} : vector<64x10x128xf32> to vector<64x1x32xf32>
    %squeeze3A_416 = vector.shape_cast %slice3A_415 : vector<64x1x32xf32> to vector<64x32xf32>
    %slice3A_417 = vector.extract_strided_slice %reshape3A_105 {offsets = [0, 3, 0], sizes = [64, 1, 32], strides = [1, 1, 1]} : vector<64x10x128xf32> to vector<64x1x32xf32>
    %squeeze3A_418 = vector.shape_cast %slice3A_417 : vector<64x1x32xf32> to vector<64x32xf32>
    %slice3A_419 = vector.extract_strided_slice %div3A_395 {offsets = [0, 2], sizes = [64, 1], strides = [1, 1]} : vector<64x10xf32> to vector<64x1xf32>
    %mul3A_420 = vector.broadcast %slice3A_419 : vector<64x1xf32> to vector<64x32xf32>
    %mul3A_421 = arith.mulf %mul3A_420, %squeeze3A_416 : vector<64x32xf32>
    %add3A_422 = arith.addf %add3A_413, %mul3A_421 : vector<64x32xf32>
    %max3A_423 = arith.maximumf %max3A_414, %squeeze3A_418 : vector<64x32xf32>
    %slice3A_424 = vector.extract_strided_slice %reshape3A_104 {offsets = [0, 3, 32], sizes = [64, 1, 32], strides = [1, 1, 1]} : vector<64x10x128xf32> to vector<64x1x32xf32>
    %squeeze3A_425 = vector.shape_cast %slice3A_424 : vector<64x1x32xf32> to vector<64x32xf32>
    %slice3A_426 = vector.extract_strided_slice %reshape3A_105 {offsets = [0, 3, 32], sizes = [64, 1, 32], strides = [1, 1, 1]} : vector<64x10x128xf32> to vector<64x1x32xf32>
    %squeeze3A_427 = vector.shape_cast %slice3A_426 : vector<64x1x32xf32> to vector<64x32xf32>
    %slice3A_428 = vector.extract_strided_slice %div3A_395 {offsets = [0, 3], sizes = [64, 1], strides = [1, 1]} : vector<64x10xf32> to vector<64x1xf32>
    %mul3A_429 = vector.broadcast %slice3A_428 : vector<64x1xf32> to vector<64x32xf32>
    %mul3A_430 = arith.mulf %mul3A_429, %squeeze3A_425 : vector<64x32xf32>
    %add3A_431 = arith.addf %add3A_422, %mul3A_430 : vector<64x32xf32>
    %max3A_432 = arith.maximumf %max3A_423, %squeeze3A_427 : vector<64x32xf32>
    %slice3A_433 = vector.extract_strided_slice %reshape3A_104 {offsets = [0, 3, 64], sizes = [64, 1, 32], strides = [1, 1, 1]} : vector<64x10x128xf32> to vector<64x1x32xf32>
    %squeeze3A_434 = vector.shape_cast %slice3A_433 : vector<64x1x32xf32> to vector<64x32xf32>
    %slice3A_435 = vector.extract_strided_slice %reshape3A_105 {offsets = [0, 3, 64], sizes = [64, 1, 32], strides = [1, 1, 1]} : vector<64x10x128xf32> to vector<64x1x32xf32>
    %squeeze3A_436 = vector.shape_cast %slice3A_435 : vector<64x1x32xf32> to vector<64x32xf32>
    %slice3A_437 = vector.extract_strided_slice %div3A_395 {offsets = [0, 4], sizes = [64, 1], strides = [1, 1]} : vector<64x10xf32> to vector<64x1xf32>
    %mul3A_438 = vector.broadcast %slice3A_437 : vector<64x1xf32> to vector<64x32xf32>
    %mul3A_439 = arith.mulf %mul3A_438, %squeeze3A_434 : vector<64x32xf32>
    %add3A_440 = arith.addf %add3A_431, %mul3A_439 : vector<64x32xf32>
    %max3A_441 = arith.maximumf %max3A_432, %squeeze3A_436 : vector<64x32xf32>
    %slice3A_442 = vector.extract_strided_slice %reshape3A_104 {offsets = [0, 3, 96], sizes = [64, 1, 32], strides = [1, 1, 1]} : vector<64x10x128xf32> to vector<64x1x32xf32>
    %squeeze3A_443 = vector.shape_cast %slice3A_442 : vector<64x1x32xf32> to vector<64x32xf32>
    %slice3A_444 = vector.extract_strided_slice %reshape3A_105 {offsets = [0, 3, 96], sizes = [64, 1, 32], strides = [1, 1, 1]} : vector<64x10x128xf32> to vector<64x1x32xf32>
    %squeeze3A_445 = vector.shape_cast %slice3A_444 : vector<64x1x32xf32> to vector<64x32xf32>
    %slice3A_446 = vector.extract_strided_slice %div3A_395 {offsets = [0, 5], sizes = [64, 1], strides = [1, 1]} : vector<64x10xf32> to vector<64x1xf32>
    %mul3A_447 = vector.broadcast %slice3A_446 : vector<64x1xf32> to vector<64x32xf32>
    %mul3A_448 = arith.mulf %mul3A_447, %squeeze3A_443 : vector<64x32xf32>
    %add3A_449 = arith.addf %add3A_440, %mul3A_448 : vector<64x32xf32>
    %max3A_450 = arith.maximumf %max3A_441, %squeeze3A_445 : vector<64x32xf32>
    %slice3A_451 = vector.extract_strided_slice %reshape3A_104 {offsets = [0, 4, 0], sizes = [64, 1, 32], strides = [1, 1, 1]} : vector<64x10x128xf32> to vector<64x1x32xf32>
    %squeeze3A_452 = vector.shape_cast %slice3A_451 : vector<64x1x32xf32> to vector<64x32xf32>
    %slice3A_453 = vector.extract_strided_slice %reshape3A_105 {offsets = [0, 4, 0], sizes = [64, 1, 32], strides = [1, 1, 1]} : vector<64x10x128xf32> to vector<64x1x32xf32>
    %squeeze3A_454 = vector.shape_cast %slice3A_453 : vector<64x1x32xf32> to vector<64x32xf32>
    %slice3A_455 = vector.extract_strided_slice %div3A_395 {offsets = [0, 6], sizes = [64, 1], strides = [1, 1]} : vector<64x10xf32> to vector<64x1xf32>
    %mul3A_456 = vector.broadcast %slice3A_455 : vector<64x1xf32> to vector<64x32xf32>
    %mul3A_457 = arith.mulf %mul3A_456, %squeeze3A_452 : vector<64x32xf32>
    %add3A_458 = arith.addf %add3A_449, %mul3A_457 : vector<64x32xf32>
    %max3A_459 = arith.maximumf %max3A_450, %squeeze3A_454 : vector<64x32xf32>
    %slice3A_460 = vector.extract_strided_slice %reshape3A_104 {offsets = [0, 4, 32], sizes = [64, 1, 32], strides = [1, 1, 1]} : vector<64x10x128xf32> to vector<64x1x32xf32>
    %squeeze3A_461 = vector.shape_cast %slice3A_460 : vector<64x1x32xf32> to vector<64x32xf32>
    %slice3A_462 = vector.extract_strided_slice %reshape3A_105 {offsets = [0, 4, 32], sizes = [64, 1, 32], strides = [1, 1, 1]} : vector<64x10x128xf32> to vector<64x1x32xf32>
    %squeeze3A_463 = vector.shape_cast %slice3A_462 : vector<64x1x32xf32> to vector<64x32xf32>
    %slice3A_464 = vector.extract_strided_slice %div3A_395 {offsets = [0, 7], sizes = [64, 1], strides = [1, 1]} : vector<64x10xf32> to vector<64x1xf32>
    %mul3A_465 = vector.broadcast %slice3A_464 : vector<64x1xf32> to vector<64x32xf32>
    %mul3A_466 = arith.mulf %mul3A_465, %squeeze3A_461 : vector<64x32xf32>
    %add3A_467 = arith.addf %add3A_458, %mul3A_466 : vector<64x32xf32>
    %max3A_468 = arith.maximumf %max3A_459, %squeeze3A_463 : vector<64x32xf32>
    %slice3A_469 = vector.extract_strided_slice %reshape3A_104 {offsets = [0, 4, 64], sizes = [64, 1, 32], strides = [1, 1, 1]} : vector<64x10x128xf32> to vector<64x1x32xf32>
    %squeeze3A_470 = vector.shape_cast %slice3A_469 : vector<64x1x32xf32> to vector<64x32xf32>
    %slice3A_471 = vector.extract_strided_slice %reshape3A_105 {offsets = [0, 4, 64], sizes = [64, 1, 32], strides = [1, 1, 1]} : vector<64x10x128xf32> to vector<64x1x32xf32>
    %squeeze3A_472 = vector.shape_cast %slice3A_471 : vector<64x1x32xf32> to vector<64x32xf32>
    %slice3A_473 = vector.extract_strided_slice %div3A_395 {offsets = [0, 8], sizes = [64, 1], strides = [1, 1]} : vector<64x10xf32> to vector<64x1xf32>
    %mul3A_474 = vector.broadcast %slice3A_473 : vector<64x1xf32> to vector<64x32xf32>
    %mul3A_475 = arith.mulf %mul3A_474, %squeeze3A_470 : vector<64x32xf32>
    %add3A_476 = arith.addf %add3A_467, %mul3A_475 : vector<64x32xf32>
    %max3A_477 = arith.maximumf %max3A_468, %squeeze3A_472 : vector<64x32xf32>
    %slice3A_478 = vector.extract_strided_slice %reshape3A_104 {offsets = [0, 4, 96], sizes = [64, 1, 32], strides = [1, 1, 1]} : vector<64x10x128xf32> to vector<64x1x32xf32>
    %squeeze3A_479 = vector.shape_cast %slice3A_478 : vector<64x1x32xf32> to vector<64x32xf32>
    %slice3A_480 = vector.extract_strided_slice %reshape3A_105 {offsets = [0, 4, 96], sizes = [64, 1, 32], strides = [1, 1, 1]} : vector<64x10x128xf32> to vector<64x1x32xf32>
    %squeeze3A_481 = vector.shape_cast %slice3A_480 : vector<64x1x32xf32> to vector<64x32xf32>
    %slice3A_482 = vector.extract_strided_slice %div3A_395 {offsets = [0, 9], sizes = [64, 1], strides = [1, 1]} : vector<64x10xf32> to vector<64x1xf32>
    %mul3A_483 = vector.broadcast %slice3A_482 : vector<64x1xf32> to vector<64x32xf32>
    %mul3A_484 = arith.mulf %mul3A_483, %squeeze3A_479 : vector<64x32xf32>
    %add3A_485 = arith.addf %add3A_476, %mul3A_484 : vector<64x32xf32>
    %max3A_486 = arith.maximumf %max3A_477, %squeeze3A_481 : vector<64x32xf32>
    %broadcast_in_dim3A_487 = arith.constant 0.000000e+00 : f32
    %broadcast_in_dim3A_488 = vector.broadcast %broadcast_in_dim3A_487 : f32 to vector<64x64xf32>
    %slice3A_489 = vector.extract_strided_slice %concatenate3A {offsets = [0, 2, 128], sizes = [64, 1, 64], strides = [1, 1, 1]} : vector<64x10x256xf32> to vector<64x1x64xf32>
    %squeeze3A_490 = vector.shape_cast %slice3A_489 : vector<64x1x64xf32> to vector<64x64xf32>
    %add3A_491 = arith.addf %broadcast_in_dim3A_488, %squeeze3A_490 : vector<64x64xf32>
    %slice3A_492 = vector.extract_strided_slice %concatenate3A {offsets = [0, 2, 192], sizes = [64, 1, 64], strides = [1, 1, 1]} : vector<64x10x256xf32> to vector<64x1x64xf32>
    %squeeze3A_493 = vector.shape_cast %slice3A_492 : vector<64x1x64xf32> to vector<64x64xf32>
    %add3A_494 = arith.addf %add3A_491, %squeeze3A_493 : vector<64x64xf32>
    %slice3A_495 = vector.extract_strided_slice %concatenate3A {offsets = [0, 3, 0], sizes = [64, 1, 64], strides = [1, 1, 1]} : vector<64x10x256xf32> to vector<64x1x64xf32>
    %squeeze3A_496 = vector.shape_cast %slice3A_495 : vector<64x1x64xf32> to vector<64x64xf32>
    %add3A_497 = arith.addf %add3A_494, %squeeze3A_496 : vector<64x64xf32>
    %slice3A_498 = vector.extract_strided_slice %concatenate3A {offsets = [0, 3, 64], sizes = [64, 1, 64], strides = [1, 1, 1]} : vector<64x10x256xf32> to vector<64x1x64xf32>
    %squeeze3A_499 = vector.shape_cast %slice3A_498 : vector<64x1x64xf32> to vector<64x64xf32>
    %add3A_500 = arith.addf %add3A_497, %squeeze3A_499 : vector<64x64xf32>
    %slice3A_501 = vector.extract_strided_slice %concatenate3A {offsets = [0, 3, 128], sizes = [64, 1, 64], strides = [1, 1, 1]} : vector<64x10x256xf32> to vector<64x1x64xf32>
    %squeeze3A_502 = vector.shape_cast %slice3A_501 : vector<64x1x64xf32> to vector<64x64xf32>
    %add3A_503 = arith.addf %add3A_500, %squeeze3A_502 : vector<64x64xf32>
    %slice3A_504 = vector.extract_strided_slice %concatenate3A {offsets = [0, 3, 192], sizes = [64, 1, 64], strides = [1, 1, 1]} : vector<64x10x256xf32> to vector<64x1x64xf32>
    %squeeze3A_505 = vector.shape_cast %slice3A_504 : vector<64x1x64xf32> to vector<64x64xf32>
    %add3A_506 = arith.addf %add3A_503, %squeeze3A_505 : vector<64x64xf32>
    %slice3A_507 = vector.extract_strided_slice %concatenate3A {offsets = [0, 4, 0], sizes = [64, 1, 64], strides = [1, 1, 1]} : vector<64x10x256xf32> to vector<64x1x64xf32>
    %squeeze3A_508 = vector.shape_cast %slice3A_507 : vector<64x1x64xf32> to vector<64x64xf32>
    %add3A_509 = arith.addf %add3A_506, %squeeze3A_508 : vector<64x64xf32>
    %slice3A_510 = vector.extract_strided_slice %concatenate3A {offsets = [0, 4, 64], sizes = [64, 1, 64], strides = [1, 1, 1]} : vector<64x10x256xf32> to vector<64x1x64xf32>
    %squeeze3A_511 = vector.shape_cast %slice3A_510 : vector<64x1x64xf32> to vector<64x64xf32>
    %add3A_512 = arith.addf %add3A_509, %squeeze3A_511 : vector<64x64xf32>
    %slice3A_513 = vector.extract_strided_slice %concatenate3A {offsets = [0, 4, 128], sizes = [64, 1, 64], strides = [1, 1, 1]} : vector<64x10x256xf32> to vector<64x1x64xf32>
    %squeeze3A_514 = vector.shape_cast %slice3A_513 : vector<64x1x64xf32> to vector<64x64xf32>
    %add3A_515 = arith.addf %add3A_512, %squeeze3A_514 : vector<64x64xf32>
    %slice3A_516 = vector.extract_strided_slice %concatenate3A {offsets = [0, 4, 192], sizes = [64, 1, 64], strides = [1, 1, 1]} : vector<64x10x256xf32> to vector<64x1x64xf32>
    %squeeze3A_517 = vector.shape_cast %slice3A_516 : vector<64x1x64xf32> to vector<64x64xf32>
    %add3A_518 = arith.addf %add3A_515, %squeeze3A_517 : vector<64x64xf32>
    %mul3A_519 = arith.constant 1.000000e-01 : f32
    %mul3A_520 = vector.broadcast %mul3A_519 : f32 to vector<64x64xf32>
    %mul3A_521 = arith.mulf %add3A_518, %mul3A_520 : vector<64x64xf32>
    %slice3A_522 = vector.extract_strided_slice %get3A_3 {offsets = [0, 32], sizes = [64, 32], strides = [1, 1]} : vector<64x128xf32> to vector<64x32xf32>
    %slice3A_523 = vector.extract_strided_slice %get3A_108 {offsets = [0, 0], sizes = [1, 32], strides = [1, 1]} : vector<1x128xf32> to vector<1x32xf32>
    %mul3A_524 = vector.broadcast %slice3A_523 : vector<1x32xf32> to vector<64x32xf32>
    %mul3A_525 = arith.mulf %slice3A_522, %mul3A_524 : vector<64x32xf32>
    %reduce_sum3A_526 = arith.constant dense<0.000000e+00> : vector<64xf32>
    %reduce_sum3A_527 = vector.multi_reduction <add>, %mul3A_525, %reduce_sum3A_526 [1] : vector<64x32xf32> to vector<64xf32>
    %broadcast_in_dim3A_528 = vector.shape_cast %reduce_sum3A_527 : vector<64xf32> to vector<64x1xf32>
    %slice3A_529 = vector.extract_strided_slice %get3A_108 {offsets = [0, 32], sizes = [1, 32], strides = [1, 1]} : vector<1x128xf32> to vector<1x32xf32>
    %mul3A_530 = vector.broadcast %slice3A_529 : vector<1x32xf32> to vector<64x32xf32>
    %mul3A_531 = arith.mulf %max3A_486, %mul3A_530 : vector<64x32xf32>
    %reduce_sum3A_532 = arith.constant dense<0.000000e+00> : vector<64xf32>
    %reduce_sum3A_533 = vector.multi_reduction <add>, %mul3A_531, %reduce_sum3A_532 [1] : vector<64x32xf32> to vector<64xf32>
    %broadcast_in_dim3A_534 = vector.shape_cast %reduce_sum3A_533 : vector<64xf32> to vector<64x1xf32>
    %add3A_535 = arith.addf %broadcast_in_dim3A_528, %broadcast_in_dim3A_534 : vector<64x1xf32>
    %slice3A_536 = vector.extract_strided_slice %get3A_108 {offsets = [0, 64], sizes = [1, 64], strides = [1, 1]} : vector<1x128xf32> to vector<1x64xf32>
    %mul3A_537 = vector.broadcast %slice3A_536 : vector<1x64xf32> to vector<64x64xf32>
    %mul3A_538 = arith.mulf %mul3A_521, %mul3A_537 : vector<64x64xf32>
    %reduce_sum3A_539 = arith.constant dense<0.000000e+00> : vector<64xf32>
    %reduce_sum3A_540 = vector.multi_reduction <add>, %mul3A_538, %reduce_sum3A_539 [1] : vector<64x64xf32> to vector<64xf32>
    %broadcast_in_dim3A_541 = vector.shape_cast %reduce_sum3A_540 : vector<64xf32> to vector<64x1xf32>
    %add3A_542 = arith.addf %add3A_535, %broadcast_in_dim3A_541 : vector<64x1xf32>
    %slice3A_543 = vector.extract_strided_slice %add3A_102 {offsets = [0, 64], sizes = [64, 32], strides = [1, 1]} : vector<64x128xf32> to vector<64x32xf32>
    %slice3A_544 = vector.extract_strided_slice %reshape3A_103 {offsets = [0, 5, 0], sizes = [64, 1, 32], strides = [1, 1, 1]} : vector<64x10x128xf32> to vector<64x1x32xf32>
    %squeeze3A_545 = vector.shape_cast %slice3A_544 : vector<64x1x32xf32> to vector<64x32xf32>
    %mul3A_546 = arith.mulf %slice3A_543, %squeeze3A_545 : vector<64x32xf32>
    %reduce_sum3A_547 = arith.constant dense<0.000000e+00> : vector<64xf32>
    %reduce_sum3A_548 = vector.multi_reduction <add>, %mul3A_546, %reduce_sum3A_547 [1] : vector<64x32xf32> to vector<64xf32>
    %broadcast_in_dim3A_549 = vector.shape_cast %reduce_sum3A_548 : vector<64xf32> to vector<64x1xf32>
    %slice3A_550 = vector.extract_strided_slice %reshape3A_103 {offsets = [0, 5, 32], sizes = [64, 1, 32], strides = [1, 1, 1]} : vector<64x10x128xf32> to vector<64x1x32xf32>
    %squeeze3A_551 = vector.shape_cast %slice3A_550 : vector<64x1x32xf32> to vector<64x32xf32>
    %mul3A_552 = arith.mulf %slice3A_543, %squeeze3A_551 : vector<64x32xf32>
    %reduce_sum3A_553 = arith.constant dense<0.000000e+00> : vector<64xf32>
    %reduce_sum3A_554 = vector.multi_reduction <add>, %mul3A_552, %reduce_sum3A_553 [1] : vector<64x32xf32> to vector<64xf32>
    %broadcast_in_dim3A_555 = vector.shape_cast %reduce_sum3A_554 : vector<64xf32> to vector<64x1xf32>
    %slice3A_556 = vector.extract_strided_slice %reshape3A_103 {offsets = [0, 5, 64], sizes = [64, 1, 32], strides = [1, 1, 1]} : vector<64x10x128xf32> to vector<64x1x32xf32>
    %squeeze3A_557 = vector.shape_cast %slice3A_556 : vector<64x1x32xf32> to vector<64x32xf32>
    %mul3A_558 = arith.mulf %slice3A_543, %squeeze3A_557 : vector<64x32xf32>
    %reduce_sum3A_559 = arith.constant dense<0.000000e+00> : vector<64xf32>
    %reduce_sum3A_560 = vector.multi_reduction <add>, %mul3A_558, %reduce_sum3A_559 [1] : vector<64x32xf32> to vector<64xf32>
    %broadcast_in_dim3A_561 = vector.shape_cast %reduce_sum3A_560 : vector<64xf32> to vector<64x1xf32>
    %slice3A_562 = vector.extract_strided_slice %reshape3A_103 {offsets = [0, 5, 96], sizes = [64, 1, 32], strides = [1, 1, 1]} : vector<64x10x128xf32> to vector<64x1x32xf32>
    %squeeze3A_563 = vector.shape_cast %slice3A_562 : vector<64x1x32xf32> to vector<64x32xf32>
    %mul3A_564 = arith.mulf %slice3A_543, %squeeze3A_563 : vector<64x32xf32>
    %reduce_sum3A_565 = arith.constant dense<0.000000e+00> : vector<64xf32>
    %reduce_sum3A_566 = vector.multi_reduction <add>, %mul3A_564, %reduce_sum3A_565 [1] : vector<64x32xf32> to vector<64xf32>
    %broadcast_in_dim3A_567 = vector.shape_cast %reduce_sum3A_566 : vector<64xf32> to vector<64x1xf32>
    %slice3A_568 = vector.extract_strided_slice %reshape3A_103 {offsets = [0, 6, 0], sizes = [64, 1, 32], strides = [1, 1, 1]} : vector<64x10x128xf32> to vector<64x1x32xf32>
    %squeeze3A_569 = vector.shape_cast %slice3A_568 : vector<64x1x32xf32> to vector<64x32xf32>
    %mul3A_570 = arith.mulf %slice3A_543, %squeeze3A_569 : vector<64x32xf32>
    %reduce_sum3A_571 = arith.constant dense<0.000000e+00> : vector<64xf32>
    %reduce_sum3A_572 = vector.multi_reduction <add>, %mul3A_570, %reduce_sum3A_571 [1] : vector<64x32xf32> to vector<64xf32>
    %broadcast_in_dim3A_573 = vector.shape_cast %reduce_sum3A_572 : vector<64xf32> to vector<64x1xf32>
    %slice3A_574 = vector.extract_strided_slice %reshape3A_103 {offsets = [0, 6, 32], sizes = [64, 1, 32], strides = [1, 1, 1]} : vector<64x10x128xf32> to vector<64x1x32xf32>
    %squeeze3A_575 = vector.shape_cast %slice3A_574 : vector<64x1x32xf32> to vector<64x32xf32>
    %mul3A_576 = arith.mulf %slice3A_543, %squeeze3A_575 : vector<64x32xf32>
    %reduce_sum3A_577 = arith.constant dense<0.000000e+00> : vector<64xf32>
    %reduce_sum3A_578 = vector.multi_reduction <add>, %mul3A_576, %reduce_sum3A_577 [1] : vector<64x32xf32> to vector<64xf32>
    %broadcast_in_dim3A_579 = vector.shape_cast %reduce_sum3A_578 : vector<64xf32> to vector<64x1xf32>
    %slice3A_580 = vector.extract_strided_slice %reshape3A_103 {offsets = [0, 6, 64], sizes = [64, 1, 32], strides = [1, 1, 1]} : vector<64x10x128xf32> to vector<64x1x32xf32>
    %squeeze3A_581 = vector.shape_cast %slice3A_580 : vector<64x1x32xf32> to vector<64x32xf32>
    %mul3A_582 = arith.mulf %slice3A_543, %squeeze3A_581 : vector<64x32xf32>
    %reduce_sum3A_583 = arith.constant dense<0.000000e+00> : vector<64xf32>
    %reduce_sum3A_584 = vector.multi_reduction <add>, %mul3A_582, %reduce_sum3A_583 [1] : vector<64x32xf32> to vector<64xf32>
    %broadcast_in_dim3A_585 = vector.shape_cast %reduce_sum3A_584 : vector<64xf32> to vector<64x1xf32>
    %slice3A_586 = vector.extract_strided_slice %reshape3A_103 {offsets = [0, 6, 96], sizes = [64, 1, 32], strides = [1, 1, 1]} : vector<64x10x128xf32> to vector<64x1x32xf32>
    %squeeze3A_587 = vector.shape_cast %slice3A_586 : vector<64x1x32xf32> to vector<64x32xf32>
    %mul3A_588 = arith.mulf %slice3A_543, %squeeze3A_587 : vector<64x32xf32>
    %reduce_sum3A_589 = arith.constant dense<0.000000e+00> : vector<64xf32>
    %reduce_sum3A_590 = vector.multi_reduction <add>, %mul3A_588, %reduce_sum3A_589 [1] : vector<64x32xf32> to vector<64xf32>
    %broadcast_in_dim3A_591 = vector.shape_cast %reduce_sum3A_590 : vector<64xf32> to vector<64x1xf32>
    %slice3A_592 = vector.extract_strided_slice %reshape3A_103 {offsets = [0, 7, 0], sizes = [64, 1, 32], strides = [1, 1, 1]} : vector<64x10x128xf32> to vector<64x1x32xf32>
    %squeeze3A_593 = vector.shape_cast %slice3A_592 : vector<64x1x32xf32> to vector<64x32xf32>
    %mul3A_594 = arith.mulf %slice3A_543, %squeeze3A_593 : vector<64x32xf32>
    %reduce_sum3A_595 = arith.constant dense<0.000000e+00> : vector<64xf32>
    %reduce_sum3A_596 = vector.multi_reduction <add>, %mul3A_594, %reduce_sum3A_595 [1] : vector<64x32xf32> to vector<64xf32>
    %broadcast_in_dim3A_597 = vector.shape_cast %reduce_sum3A_596 : vector<64xf32> to vector<64x1xf32>
    %slice3A_598 = vector.extract_strided_slice %reshape3A_103 {offsets = [0, 7, 32], sizes = [64, 1, 32], strides = [1, 1, 1]} : vector<64x10x128xf32> to vector<64x1x32xf32>
    %squeeze3A_599 = vector.shape_cast %slice3A_598 : vector<64x1x32xf32> to vector<64x32xf32>
    %mul3A_600 = arith.mulf %slice3A_543, %squeeze3A_599 : vector<64x32xf32>
    %reduce_sum3A_601 = arith.constant dense<0.000000e+00> : vector<64xf32>
    %reduce_sum3A_602 = vector.multi_reduction <add>, %mul3A_600, %reduce_sum3A_601 [1] : vector<64x32xf32> to vector<64xf32>
    %broadcast_in_dim3A_603 = vector.shape_cast %reduce_sum3A_602 : vector<64xf32> to vector<64x1xf32>
    %concatenate3A_604 = tpu.concatenate %broadcast_in_dim3A_549, %broadcast_in_dim3A_555, %broadcast_in_dim3A_561, %broadcast_in_dim3A_567, %broadcast_in_dim3A_573, %broadcast_in_dim3A_579, %broadcast_in_dim3A_585, %broadcast_in_dim3A_591, %broadcast_in_dim3A_597, %broadcast_in_dim3A_603 in 1 : vector<64x1xf32>, vector<64x1xf32>, vector<64x1xf32>, vector<64x1xf32>, vector<64x1xf32>, vector<64x1xf32>, vector<64x1xf32>, vector<64x1xf32>, vector<64x1xf32>, vector<64x1xf32> -> vector<64x10xf32>
    %reduce_max3A_605 = arith.constant dense<0xFF800000> : vector<64xf32>
    %reduce_max3A_606 = vector.multi_reduction <maximumf>, %concatenate3A_604, %reduce_max3A_605 [1] : vector<64x10xf32> to vector<64xf32>
    %broadcast_in_dim3A_607 = vector.shape_cast %reduce_max3A_606 : vector<64xf32> to vector<64x1xf32>
    %sub3A_608 = vector.broadcast %broadcast_in_dim3A_607 : vector<64x1xf32> to vector<64x10xf32>
    %sub3A_609 = arith.subf %concatenate3A_604, %sub3A_608 : vector<64x10xf32>
    %exp3A_610 = math.exp %sub3A_609 : vector<64x10xf32>
    %reduce_sum3A_611 = arith.constant dense<0.000000e+00> : vector<64xf32>
    %reduce_sum3A_612 = vector.multi_reduction <add>, %exp3A_610, %reduce_sum3A_611 [1] : vector<64x10xf32> to vector<64xf32>
    %broadcast_in_dim3A_613 = vector.shape_cast %reduce_sum3A_612 : vector<64xf32> to vector<64x1xf32>
    %div3A_614 = vector.broadcast %broadcast_in_dim3A_613 : vector<64x1xf32> to vector<64x10xf32>
    %div3A_615 = arith.divf %exp3A_610, %div3A_614 : vector<64x10xf32>
    %broadcast_in_dim3A_616 = arith.constant 0.000000e+00 : f32
    %broadcast_in_dim3A_617 = vector.broadcast %broadcast_in_dim3A_616 : f32 to vector<64x32xf32>
    %slice3A_618 = vector.extract_strided_slice %reshape3A_104 {offsets = [0, 5, 0], sizes = [64, 1, 32], strides = [1, 1, 1]} : vector<64x10x128xf32> to vector<64x1x32xf32>
    %squeeze3A_619 = vector.shape_cast %slice3A_618 : vector<64x1x32xf32> to vector<64x32xf32>
    %slice3A_620 = vector.extract_strided_slice %reshape3A_105 {offsets = [0, 5, 0], sizes = [64, 1, 32], strides = [1, 1, 1]} : vector<64x10x128xf32> to vector<64x1x32xf32>
    %squeeze3A_621 = vector.shape_cast %slice3A_620 : vector<64x1x32xf32> to vector<64x32xf32>
    %slice3A_622 = vector.extract_strided_slice %div3A_615 {offsets = [0, 0], sizes = [64, 1], strides = [1, 1]} : vector<64x10xf32> to vector<64x1xf32>
    %mul3A_623 = vector.broadcast %slice3A_622 : vector<64x1xf32> to vector<64x32xf32>
    %mul3A_624 = arith.mulf %mul3A_623, %squeeze3A_619 : vector<64x32xf32>
    %add3A_625 = arith.addf %broadcast_in_dim3A_617, %mul3A_624 : vector<64x32xf32>
    %slice3A_626 = vector.extract_strided_slice %reshape3A_104 {offsets = [0, 5, 32], sizes = [64, 1, 32], strides = [1, 1, 1]} : vector<64x10x128xf32> to vector<64x1x32xf32>
    %squeeze3A_627 = vector.shape_cast %slice3A_626 : vector<64x1x32xf32> to vector<64x32xf32>
    %slice3A_628 = vector.extract_strided_slice %reshape3A_105 {offsets = [0, 5, 32], sizes = [64, 1, 32], strides = [1, 1, 1]} : vector<64x10x128xf32> to vector<64x1x32xf32>
    %squeeze3A_629 = vector.shape_cast %slice3A_628 : vector<64x1x32xf32> to vector<64x32xf32>
    %slice3A_630 = vector.extract_strided_slice %div3A_615 {offsets = [0, 1], sizes = [64, 1], strides = [1, 1]} : vector<64x10xf32> to vector<64x1xf32>
    %mul3A_631 = vector.broadcast %slice3A_630 : vector<64x1xf32> to vector<64x32xf32>
    %mul3A_632 = arith.mulf %mul3A_631, %squeeze3A_627 : vector<64x32xf32>
    %add3A_633 = arith.addf %add3A_625, %mul3A_632 : vector<64x32xf32>
    %max3A_634 = arith.maximumf %squeeze3A_621, %squeeze3A_629 : vector<64x32xf32>
    %slice3A_635 = vector.extract_strided_slice %reshape3A_104 {offsets = [0, 5, 64], sizes = [64, 1, 32], strides = [1, 1, 1]} : vector<64x10x128xf32> to vector<64x1x32xf32>
    %squeeze3A_636 = vector.shape_cast %slice3A_635 : vector<64x1x32xf32> to vector<64x32xf32>
    %slice3A_637 = vector.extract_strided_slice %reshape3A_105 {offsets = [0, 5, 64], sizes = [64, 1, 32], strides = [1, 1, 1]} : vector<64x10x128xf32> to vector<64x1x32xf32>
    %squeeze3A_638 = vector.shape_cast %slice3A_637 : vector<64x1x32xf32> to vector<64x32xf32>
    %slice3A_639 = vector.extract_strided_slice %div3A_615 {offsets = [0, 2], sizes = [64, 1], strides = [1, 1]} : vector<64x10xf32> to vector<64x1xf32>
    %mul3A_640 = vector.broadcast %slice3A_639 : vector<64x1xf32> to vector<64x32xf32>
    %mul3A_641 = arith.mulf %mul3A_640, %squeeze3A_636 : vector<64x32xf32>
    %add3A_642 = arith.addf %add3A_633, %mul3A_641 : vector<64x32xf32>
    %max3A_643 = arith.maximumf %max3A_634, %squeeze3A_638 : vector<64x32xf32>
    %slice3A_644 = vector.extract_strided_slice %reshape3A_104 {offsets = [0, 5, 96], sizes = [64, 1, 32], strides = [1, 1, 1]} : vector<64x10x128xf32> to vector<64x1x32xf32>
    %squeeze3A_645 = vector.shape_cast %slice3A_644 : vector<64x1x32xf32> to vector<64x32xf32>
    %slice3A_646 = vector.extract_strided_slice %reshape3A_105 {offsets = [0, 5, 96], sizes = [64, 1, 32], strides = [1, 1, 1]} : vector<64x10x128xf32> to vector<64x1x32xf32>
    %squeeze3A_647 = vector.shape_cast %slice3A_646 : vector<64x1x32xf32> to vector<64x32xf32>
    %slice3A_648 = vector.extract_strided_slice %div3A_615 {offsets = [0, 3], sizes = [64, 1], strides = [1, 1]} : vector<64x10xf32> to vector<64x1xf32>
    %mul3A_649 = vector.broadcast %slice3A_648 : vector<64x1xf32> to vector<64x32xf32>
    %mul3A_650 = arith.mulf %mul3A_649, %squeeze3A_645 : vector<64x32xf32>
    %add3A_651 = arith.addf %add3A_642, %mul3A_650 : vector<64x32xf32>
    %max3A_652 = arith.maximumf %max3A_643, %squeeze3A_647 : vector<64x32xf32>
    %slice3A_653 = vector.extract_strided_slice %reshape3A_104 {offsets = [0, 6, 0], sizes = [64, 1, 32], strides = [1, 1, 1]} : vector<64x10x128xf32> to vector<64x1x32xf32>
    %squeeze3A_654 = vector.shape_cast %slice3A_653 : vector<64x1x32xf32> to vector<64x32xf32>
    %slice3A_655 = vector.extract_strided_slice %reshape3A_105 {offsets = [0, 6, 0], sizes = [64, 1, 32], strides = [1, 1, 1]} : vector<64x10x128xf32> to vector<64x1x32xf32>
    %squeeze3A_656 = vector.shape_cast %slice3A_655 : vector<64x1x32xf32> to vector<64x32xf32>
    %slice3A_657 = vector.extract_strided_slice %div3A_615 {offsets = [0, 4], sizes = [64, 1], strides = [1, 1]} : vector<64x10xf32> to vector<64x1xf32>
    %mul3A_658 = vector.broadcast %slice3A_657 : vector<64x1xf32> to vector<64x32xf32>
    %mul3A_659 = arith.mulf %mul3A_658, %squeeze3A_654 : vector<64x32xf32>
    %add3A_660 = arith.addf %add3A_651, %mul3A_659 : vector<64x32xf32>
    %max3A_661 = arith.maximumf %max3A_652, %squeeze3A_656 : vector<64x32xf32>
    %slice3A_662 = vector.extract_strided_slice %reshape3A_104 {offsets = [0, 6, 32], sizes = [64, 1, 32], strides = [1, 1, 1]} : vector<64x10x128xf32> to vector<64x1x32xf32>
    %squeeze3A_663 = vector.shape_cast %slice3A_662 : vector<64x1x32xf32> to vector<64x32xf32>
    %slice3A_664 = vector.extract_strided_slice %reshape3A_105 {offsets = [0, 6, 32], sizes = [64, 1, 32], strides = [1, 1, 1]} : vector<64x10x128xf32> to vector<64x1x32xf32>
    %squeeze3A_665 = vector.shape_cast %slice3A_664 : vector<64x1x32xf32> to vector<64x32xf32>
    %slice3A_666 = vector.extract_strided_slice %div3A_615 {offsets = [0, 5], sizes = [64, 1], strides = [1, 1]} : vector<64x10xf32> to vector<64x1xf32>
    %mul3A_667 = vector.broadcast %slice3A_666 : vector<64x1xf32> to vector<64x32xf32>
    %mul3A_668 = arith.mulf %mul3A_667, %squeeze3A_663 : vector<64x32xf32>
    %add3A_669 = arith.addf %add3A_660, %mul3A_668 : vector<64x32xf32>
    %max3A_670 = arith.maximumf %max3A_661, %squeeze3A_665 : vector<64x32xf32>
    %slice3A_671 = vector.extract_strided_slice %reshape3A_104 {offsets = [0, 6, 64], sizes = [64, 1, 32], strides = [1, 1, 1]} : vector<64x10x128xf32> to vector<64x1x32xf32>
    %squeeze3A_672 = vector.shape_cast %slice3A_671 : vector<64x1x32xf32> to vector<64x32xf32>
    %slice3A_673 = vector.extract_strided_slice %reshape3A_105 {offsets = [0, 6, 64], sizes = [64, 1, 32], strides = [1, 1, 1]} : vector<64x10x128xf32> to vector<64x1x32xf32>
    %squeeze3A_674 = vector.shape_cast %slice3A_673 : vector<64x1x32xf32> to vector<64x32xf32>
    %slice3A_675 = vector.extract_strided_slice %div3A_615 {offsets = [0, 6], sizes = [64, 1], strides = [1, 1]} : vector<64x10xf32> to vector<64x1xf32>
    %mul3A_676 = vector.broadcast %slice3A_675 : vector<64x1xf32> to vector<64x32xf32>
    %mul3A_677 = arith.mulf %mul3A_676, %squeeze3A_672 : vector<64x32xf32>
    %add3A_678 = arith.addf %add3A_669, %mul3A_677 : vector<64x32xf32>
    %max3A_679 = arith.maximumf %max3A_670, %squeeze3A_674 : vector<64x32xf32>
    %slice3A_680 = vector.extract_strided_slice %reshape3A_104 {offsets = [0, 6, 96], sizes = [64, 1, 32], strides = [1, 1, 1]} : vector<64x10x128xf32> to vector<64x1x32xf32>
    %squeeze3A_681 = vector.shape_cast %slice3A_680 : vector<64x1x32xf32> to vector<64x32xf32>
    %slice3A_682 = vector.extract_strided_slice %reshape3A_105 {offsets = [0, 6, 96], sizes = [64, 1, 32], strides = [1, 1, 1]} : vector<64x10x128xf32> to vector<64x1x32xf32>
    %squeeze3A_683 = vector.shape_cast %slice3A_682 : vector<64x1x32xf32> to vector<64x32xf32>
    %slice3A_684 = vector.extract_strided_slice %div3A_615 {offsets = [0, 7], sizes = [64, 1], strides = [1, 1]} : vector<64x10xf32> to vector<64x1xf32>
    %mul3A_685 = vector.broadcast %slice3A_684 : vector<64x1xf32> to vector<64x32xf32>
    %mul3A_686 = arith.mulf %mul3A_685, %squeeze3A_681 : vector<64x32xf32>
    %add3A_687 = arith.addf %add3A_678, %mul3A_686 : vector<64x32xf32>
    %max3A_688 = arith.maximumf %max3A_679, %squeeze3A_683 : vector<64x32xf32>
    %slice3A_689 = vector.extract_strided_slice %reshape3A_104 {offsets = [0, 7, 0], sizes = [64, 1, 32], strides = [1, 1, 1]} : vector<64x10x128xf32> to vector<64x1x32xf32>
    %squeeze3A_690 = vector.shape_cast %slice3A_689 : vector<64x1x32xf32> to vector<64x32xf32>
    %slice3A_691 = vector.extract_strided_slice %reshape3A_105 {offsets = [0, 7, 0], sizes = [64, 1, 32], strides = [1, 1, 1]} : vector<64x10x128xf32> to vector<64x1x32xf32>
    %squeeze3A_692 = vector.shape_cast %slice3A_691 : vector<64x1x32xf32> to vector<64x32xf32>
    %slice3A_693 = vector.extract_strided_slice %div3A_615 {offsets = [0, 8], sizes = [64, 1], strides = [1, 1]} : vector<64x10xf32> to vector<64x1xf32>
    %mul3A_694 = vector.broadcast %slice3A_693 : vector<64x1xf32> to vector<64x32xf32>
    %mul3A_695 = arith.mulf %mul3A_694, %squeeze3A_690 : vector<64x32xf32>
    %add3A_696 = arith.addf %add3A_687, %mul3A_695 : vector<64x32xf32>
    %max3A_697 = arith.maximumf %max3A_688, %squeeze3A_692 : vector<64x32xf32>
    %slice3A_698 = vector.extract_strided_slice %reshape3A_104 {offsets = [0, 7, 32], sizes = [64, 1, 32], strides = [1, 1, 1]} : vector<64x10x128xf32> to vector<64x1x32xf32>
    %squeeze3A_699 = vector.shape_cast %slice3A_698 : vector<64x1x32xf32> to vector<64x32xf32>
    %slice3A_700 = vector.extract_strided_slice %reshape3A_105 {offsets = [0, 7, 32], sizes = [64, 1, 32], strides = [1, 1, 1]} : vector<64x10x128xf32> to vector<64x1x32xf32>
    %squeeze3A_701 = vector.shape_cast %slice3A_700 : vector<64x1x32xf32> to vector<64x32xf32>
    %slice3A_702 = vector.extract_strided_slice %div3A_615 {offsets = [0, 9], sizes = [64, 1], strides = [1, 1]} : vector<64x10xf32> to vector<64x1xf32>
    %mul3A_703 = vector.broadcast %slice3A_702 : vector<64x1xf32> to vector<64x32xf32>
    %mul3A_704 = arith.mulf %mul3A_703, %squeeze3A_699 : vector<64x32xf32>
    %add3A_705 = arith.addf %add3A_696, %mul3A_704 : vector<64x32xf32>
    %max3A_706 = arith.maximumf %max3A_697, %squeeze3A_701 : vector<64x32xf32>
    %broadcast_in_dim3A_707 = arith.constant 0.000000e+00 : f32
    %broadcast_in_dim3A_708 = vector.broadcast %broadcast_in_dim3A_707 : f32 to vector<64x64xf32>
    %slice3A_709 = vector.extract_strided_slice %concatenate3A {offsets = [0, 5, 0], sizes = [64, 1, 64], strides = [1, 1, 1]} : vector<64x10x256xf32> to vector<64x1x64xf32>
    %squeeze3A_710 = vector.shape_cast %slice3A_709 : vector<64x1x64xf32> to vector<64x64xf32>
    %add3A_711 = arith.addf %broadcast_in_dim3A_708, %squeeze3A_710 : vector<64x64xf32>
    %slice3A_712 = vector.extract_strided_slice %concatenate3A {offsets = [0, 5, 64], sizes = [64, 1, 64], strides = [1, 1, 1]} : vector<64x10x256xf32> to vector<64x1x64xf32>
    %squeeze3A_713 = vector.shape_cast %slice3A_712 : vector<64x1x64xf32> to vector<64x64xf32>
    %add3A_714 = arith.addf %add3A_711, %squeeze3A_713 : vector<64x64xf32>
    %slice3A_715 = vector.extract_strided_slice %concatenate3A {offsets = [0, 5, 128], sizes = [64, 1, 64], strides = [1, 1, 1]} : vector<64x10x256xf32> to vector<64x1x64xf32>
    %squeeze3A_716 = vector.shape_cast %slice3A_715 : vector<64x1x64xf32> to vector<64x64xf32>
    %add3A_717 = arith.addf %add3A_714, %squeeze3A_716 : vector<64x64xf32>
    %slice3A_718 = vector.extract_strided_slice %concatenate3A {offsets = [0, 5, 192], sizes = [64, 1, 64], strides = [1, 1, 1]} : vector<64x10x256xf32> to vector<64x1x64xf32>
    %squeeze3A_719 = vector.shape_cast %slice3A_718 : vector<64x1x64xf32> to vector<64x64xf32>
    %add3A_720 = arith.addf %add3A_717, %squeeze3A_719 : vector<64x64xf32>
    %slice3A_721 = vector.extract_strided_slice %concatenate3A {offsets = [0, 6, 0], sizes = [64, 1, 64], strides = [1, 1, 1]} : vector<64x10x256xf32> to vector<64x1x64xf32>
    %squeeze3A_722 = vector.shape_cast %slice3A_721 : vector<64x1x64xf32> to vector<64x64xf32>
    %add3A_723 = arith.addf %add3A_720, %squeeze3A_722 : vector<64x64xf32>
    %slice3A_724 = vector.extract_strided_slice %concatenate3A {offsets = [0, 6, 64], sizes = [64, 1, 64], strides = [1, 1, 1]} : vector<64x10x256xf32> to vector<64x1x64xf32>
    %squeeze3A_725 = vector.shape_cast %slice3A_724 : vector<64x1x64xf32> to vector<64x64xf32>
    %add3A_726 = arith.addf %add3A_723, %squeeze3A_725 : vector<64x64xf32>
    %slice3A_727 = vector.extract_strided_slice %concatenate3A {offsets = [0, 6, 128], sizes = [64, 1, 64], strides = [1, 1, 1]} : vector<64x10x256xf32> to vector<64x1x64xf32>
    %squeeze3A_728 = vector.shape_cast %slice3A_727 : vector<64x1x64xf32> to vector<64x64xf32>
    %add3A_729 = arith.addf %add3A_726, %squeeze3A_728 : vector<64x64xf32>
    %slice3A_730 = vector.extract_strided_slice %concatenate3A {offsets = [0, 6, 192], sizes = [64, 1, 64], strides = [1, 1, 1]} : vector<64x10x256xf32> to vector<64x1x64xf32>
    %squeeze3A_731 = vector.shape_cast %slice3A_730 : vector<64x1x64xf32> to vector<64x64xf32>
    %add3A_732 = arith.addf %add3A_729, %squeeze3A_731 : vector<64x64xf32>
    %slice3A_733 = vector.extract_strided_slice %concatenate3A {offsets = [0, 7, 0], sizes = [64, 1, 64], strides = [1, 1, 1]} : vector<64x10x256xf32> to vector<64x1x64xf32>
    %squeeze3A_734 = vector.shape_cast %slice3A_733 : vector<64x1x64xf32> to vector<64x64xf32>
    %add3A_735 = arith.addf %add3A_732, %squeeze3A_734 : vector<64x64xf32>
    %slice3A_736 = vector.extract_strided_slice %concatenate3A {offsets = [0, 7, 64], sizes = [64, 1, 64], strides = [1, 1, 1]} : vector<64x10x256xf32> to vector<64x1x64xf32>
    %squeeze3A_737 = vector.shape_cast %slice3A_736 : vector<64x1x64xf32> to vector<64x64xf32>
    %add3A_738 = arith.addf %add3A_735, %squeeze3A_737 : vector<64x64xf32>
    %mul3A_739 = arith.constant 1.000000e-01 : f32
    %mul3A_740 = vector.broadcast %mul3A_739 : f32 to vector<64x64xf32>
    %mul3A_741 = arith.mulf %add3A_738, %mul3A_740 : vector<64x64xf32>
    %slice3A_742 = vector.extract_strided_slice %get3A_3 {offsets = [0, 64], sizes = [64, 32], strides = [1, 1]} : vector<64x128xf32> to vector<64x32xf32>
    %slice3A_743 = vector.extract_strided_slice %get3A_108 {offsets = [0, 0], sizes = [1, 32], strides = [1, 1]} : vector<1x128xf32> to vector<1x32xf32>
    %mul3A_744 = vector.broadcast %slice3A_743 : vector<1x32xf32> to vector<64x32xf32>
    %mul3A_745 = arith.mulf %slice3A_742, %mul3A_744 : vector<64x32xf32>
    %reduce_sum3A_746 = arith.constant dense<0.000000e+00> : vector<64xf32>
    %reduce_sum3A_747 = vector.multi_reduction <add>, %mul3A_745, %reduce_sum3A_746 [1] : vector<64x32xf32> to vector<64xf32>
    %broadcast_in_dim3A_748 = vector.shape_cast %reduce_sum3A_747 : vector<64xf32> to vector<64x1xf32>
    %slice3A_749 = vector.extract_strided_slice %get3A_108 {offsets = [0, 32], sizes = [1, 32], strides = [1, 1]} : vector<1x128xf32> to vector<1x32xf32>
    %mul3A_750 = vector.broadcast %slice3A_749 : vector<1x32xf32> to vector<64x32xf32>
    %mul3A_751 = arith.mulf %max3A_706, %mul3A_750 : vector<64x32xf32>
    %reduce_sum3A_752 = arith.constant dense<0.000000e+00> : vector<64xf32>
    %reduce_sum3A_753 = vector.multi_reduction <add>, %mul3A_751, %reduce_sum3A_752 [1] : vector<64x32xf32> to vector<64xf32>
    %broadcast_in_dim3A_754 = vector.shape_cast %reduce_sum3A_753 : vector<64xf32> to vector<64x1xf32>
    %add3A_755 = arith.addf %broadcast_in_dim3A_748, %broadcast_in_dim3A_754 : vector<64x1xf32>
    %slice3A_756 = vector.extract_strided_slice %get3A_108 {offsets = [0, 64], sizes = [1, 64], strides = [1, 1]} : vector<1x128xf32> to vector<1x64xf32>
    %mul3A_757 = vector.broadcast %slice3A_756 : vector<1x64xf32> to vector<64x64xf32>
    %mul3A_758 = arith.mulf %mul3A_741, %mul3A_757 : vector<64x64xf32>
    %reduce_sum3A_759 = arith.constant dense<0.000000e+00> : vector<64xf32>
    %reduce_sum3A_760 = vector.multi_reduction <add>, %mul3A_758, %reduce_sum3A_759 [1] : vector<64x64xf32> to vector<64xf32>
    %broadcast_in_dim3A_761 = vector.shape_cast %reduce_sum3A_760 : vector<64xf32> to vector<64x1xf32>
    %add3A_762 = arith.addf %add3A_755, %broadcast_in_dim3A_761 : vector<64x1xf32>
    %slice3A_763 = vector.extract_strided_slice %add3A_102 {offsets = [0, 96], sizes = [64, 32], strides = [1, 1]} : vector<64x128xf32> to vector<64x32xf32>
    %slice3A_764 = vector.extract_strided_slice %reshape3A_103 {offsets = [0, 7, 64], sizes = [64, 1, 32], strides = [1, 1, 1]} : vector<64x10x128xf32> to vector<64x1x32xf32>
    %squeeze3A_765 = vector.shape_cast %slice3A_764 : vector<64x1x32xf32> to vector<64x32xf32>
    %mul3A_766 = arith.mulf %slice3A_763, %squeeze3A_765 : vector<64x32xf32>
    %reduce_sum3A_767 = arith.constant dense<0.000000e+00> : vector<64xf32>
    %reduce_sum3A_768 = vector.multi_reduction <add>, %mul3A_766, %reduce_sum3A_767 [1] : vector<64x32xf32> to vector<64xf32>
    %broadcast_in_dim3A_769 = vector.shape_cast %reduce_sum3A_768 : vector<64xf32> to vector<64x1xf32>
    %slice3A_770 = vector.extract_strided_slice %reshape3A_103 {offsets = [0, 7, 96], sizes = [64, 1, 32], strides = [1, 1, 1]} : vector<64x10x128xf32> to vector<64x1x32xf32>
    %squeeze3A_771 = vector.shape_cast %slice3A_770 : vector<64x1x32xf32> to vector<64x32xf32>
    %mul3A_772 = arith.mulf %slice3A_763, %squeeze3A_771 : vector<64x32xf32>
    %reduce_sum3A_773 = arith.constant dense<0.000000e+00> : vector<64xf32>
    %reduce_sum3A_774 = vector.multi_reduction <add>, %mul3A_772, %reduce_sum3A_773 [1] : vector<64x32xf32> to vector<64xf32>
    %broadcast_in_dim3A_775 = vector.shape_cast %reduce_sum3A_774 : vector<64xf32> to vector<64x1xf32>
    %slice3A_776 = vector.extract_strided_slice %reshape3A_103 {offsets = [0, 8, 0], sizes = [64, 1, 32], strides = [1, 1, 1]} : vector<64x10x128xf32> to vector<64x1x32xf32>
    %squeeze3A_777 = vector.shape_cast %slice3A_776 : vector<64x1x32xf32> to vector<64x32xf32>
    %mul3A_778 = arith.mulf %slice3A_763, %squeeze3A_777 : vector<64x32xf32>
    %reduce_sum3A_779 = arith.constant dense<0.000000e+00> : vector<64xf32>
    %reduce_sum3A_780 = vector.multi_reduction <add>, %mul3A_778, %reduce_sum3A_779 [1] : vector<64x32xf32> to vector<64xf32>
    %broadcast_in_dim3A_781 = vector.shape_cast %reduce_sum3A_780 : vector<64xf32> to vector<64x1xf32>
    %slice3A_782 = vector.extract_strided_slice %reshape3A_103 {offsets = [0, 8, 32], sizes = [64, 1, 32], strides = [1, 1, 1]} : vector<64x10x128xf32> to vector<64x1x32xf32>
    %squeeze3A_783 = vector.shape_cast %slice3A_782 : vector<64x1x32xf32> to vector<64x32xf32>
    %mul3A_784 = arith.mulf %slice3A_763, %squeeze3A_783 : vector<64x32xf32>
    %reduce_sum3A_785 = arith.constant dense<0.000000e+00> : vector<64xf32>
    %reduce_sum3A_786 = vector.multi_reduction <add>, %mul3A_784, %reduce_sum3A_785 [1] : vector<64x32xf32> to vector<64xf32>
    %broadcast_in_dim3A_787 = vector.shape_cast %reduce_sum3A_786 : vector<64xf32> to vector<64x1xf32>
    %slice3A_788 = vector.extract_strided_slice %reshape3A_103 {offsets = [0, 8, 64], sizes = [64, 1, 32], strides = [1, 1, 1]} : vector<64x10x128xf32> to vector<64x1x32xf32>
    %squeeze3A_789 = vector.shape_cast %slice3A_788 : vector<64x1x32xf32> to vector<64x32xf32>
    %mul3A_790 = arith.mulf %slice3A_763, %squeeze3A_789 : vector<64x32xf32>
    %reduce_sum3A_791 = arith.constant dense<0.000000e+00> : vector<64xf32>
    %reduce_sum3A_792 = vector.multi_reduction <add>, %mul3A_790, %reduce_sum3A_791 [1] : vector<64x32xf32> to vector<64xf32>
    %broadcast_in_dim3A_793 = vector.shape_cast %reduce_sum3A_792 : vector<64xf32> to vector<64x1xf32>
    %slice3A_794 = vector.extract_strided_slice %reshape3A_103 {offsets = [0, 8, 96], sizes = [64, 1, 32], strides = [1, 1, 1]} : vector<64x10x128xf32> to vector<64x1x32xf32>
    %squeeze3A_795 = vector.shape_cast %slice3A_794 : vector<64x1x32xf32> to vector<64x32xf32>
    %mul3A_796 = arith.mulf %slice3A_763, %squeeze3A_795 : vector<64x32xf32>
    %reduce_sum3A_797 = arith.constant dense<0.000000e+00> : vector<64xf32>
    %reduce_sum3A_798 = vector.multi_reduction <add>, %mul3A_796, %reduce_sum3A_797 [1] : vector<64x32xf32> to vector<64xf32>
    %broadcast_in_dim3A_799 = vector.shape_cast %reduce_sum3A_798 : vector<64xf32> to vector<64x1xf32>
    %slice3A_800 = vector.extract_strided_slice %reshape3A_103 {offsets = [0, 9, 0], sizes = [64, 1, 32], strides = [1, 1, 1]} : vector<64x10x128xf32> to vector<64x1x32xf32>
    %squeeze3A_801 = vector.shape_cast %slice3A_800 : vector<64x1x32xf32> to vector<64x32xf32>
    %mul3A_802 = arith.mulf %slice3A_763, %squeeze3A_801 : vector<64x32xf32>
    %reduce_sum3A_803 = arith.constant dense<0.000000e+00> : vector<64xf32>
    %reduce_sum3A_804 = vector.multi_reduction <add>, %mul3A_802, %reduce_sum3A_803 [1] : vector<64x32xf32> to vector<64xf32>
    %broadcast_in_dim3A_805 = vector.shape_cast %reduce_sum3A_804 : vector<64xf32> to vector<64x1xf32>
    %slice3A_806 = vector.extract_strided_slice %reshape3A_103 {offsets = [0, 9, 32], sizes = [64, 1, 32], strides = [1, 1, 1]} : vector<64x10x128xf32> to vector<64x1x32xf32>
    %squeeze3A_807 = vector.shape_cast %slice3A_806 : vector<64x1x32xf32> to vector<64x32xf32>
    %mul3A_808 = arith.mulf %slice3A_763, %squeeze3A_807 : vector<64x32xf32>
    %reduce_sum3A_809 = arith.constant dense<0.000000e+00> : vector<64xf32>
    %reduce_sum3A_810 = vector.multi_reduction <add>, %mul3A_808, %reduce_sum3A_809 [1] : vector<64x32xf32> to vector<64xf32>
    %broadcast_in_dim3A_811 = vector.shape_cast %reduce_sum3A_810 : vector<64xf32> to vector<64x1xf32>
    %slice3A_812 = vector.extract_strided_slice %reshape3A_103 {offsets = [0, 9, 64], sizes = [64, 1, 32], strides = [1, 1, 1]} : vector<64x10x128xf32> to vector<64x1x32xf32>
    %squeeze3A_813 = vector.shape_cast %slice3A_812 : vector<64x1x32xf32> to vector<64x32xf32>
    %mul3A_814 = arith.mulf %slice3A_763, %squeeze3A_813 : vector<64x32xf32>
    %reduce_sum3A_815 = arith.constant dense<0.000000e+00> : vector<64xf32>
    %reduce_sum3A_816 = vector.multi_reduction <add>, %mul3A_814, %reduce_sum3A_815 [1] : vector<64x32xf32> to vector<64xf32>
    %broadcast_in_dim3A_817 = vector.shape_cast %reduce_sum3A_816 : vector<64xf32> to vector<64x1xf32>
    %slice3A_818 = vector.extract_strided_slice %reshape3A_103 {offsets = [0, 9, 96], sizes = [64, 1, 32], strides = [1, 1, 1]} : vector<64x10x128xf32> to vector<64x1x32xf32>
    %squeeze3A_819 = vector.shape_cast %slice3A_818 : vector<64x1x32xf32> to vector<64x32xf32>
    %mul3A_820 = arith.mulf %slice3A_763, %squeeze3A_819 : vector<64x32xf32>
    %reduce_sum3A_821 = arith.constant dense<0.000000e+00> : vector<64xf32>
    %reduce_sum3A_822 = vector.multi_reduction <add>, %mul3A_820, %reduce_sum3A_821 [1] : vector<64x32xf32> to vector<64xf32>
    %broadcast_in_dim3A_823 = vector.shape_cast %reduce_sum3A_822 : vector<64xf32> to vector<64x1xf32>
    %concatenate3A_824 = tpu.concatenate %broadcast_in_dim3A_769, %broadcast_in_dim3A_775, %broadcast_in_dim3A_781, %broadcast_in_dim3A_787, %broadcast_in_dim3A_793, %broadcast_in_dim3A_799, %broadcast_in_dim3A_805, %broadcast_in_dim3A_811, %broadcast_in_dim3A_817, %broadcast_in_dim3A_823 in 1 : vector<64x1xf32>, vector<64x1xf32>, vector<64x1xf32>, vector<64x1xf32>, vector<64x1xf32>, vector<64x1xf32>, vector<64x1xf32>, vector<64x1xf32>, vector<64x1xf32>, vector<64x1xf32> -> vector<64x10xf32>
    %reduce_max3A_825 = arith.constant dense<0xFF800000> : vector<64xf32>
    %reduce_max3A_826 = vector.multi_reduction <maximumf>, %concatenate3A_824, %reduce_max3A_825 [1] : vector<64x10xf32> to vector<64xf32>
    %broadcast_in_dim3A_827 = vector.shape_cast %reduce_max3A_826 : vector<64xf32> to vector<64x1xf32>
    %sub3A_828 = vector.broadcast %broadcast_in_dim3A_827 : vector<64x1xf32> to vector<64x10xf32>
    %sub3A_829 = arith.subf %concatenate3A_824, %sub3A_828 : vector<64x10xf32>
    %exp3A_830 = math.exp %sub3A_829 : vector<64x10xf32>
    %reduce_sum3A_831 = arith.constant dense<0.000000e+00> : vector<64xf32>
    %reduce_sum3A_832 = vector.multi_reduction <add>, %exp3A_830, %reduce_sum3A_831 [1] : vector<64x10xf32> to vector<64xf32>
    %broadcast_in_dim3A_833 = vector.shape_cast %reduce_sum3A_832 : vector<64xf32> to vector<64x1xf32>
    %div3A_834 = vector.broadcast %broadcast_in_dim3A_833 : vector<64x1xf32> to vector<64x10xf32>
    %div3A_835 = arith.divf %exp3A_830, %div3A_834 : vector<64x10xf32>
    %broadcast_in_dim3A_836 = arith.constant 0.000000e+00 : f32
    %broadcast_in_dim3A_837 = vector.broadcast %broadcast_in_dim3A_836 : f32 to vector<64x32xf32>
    %slice3A_838 = vector.extract_strided_slice %reshape3A_104 {offsets = [0, 7, 64], sizes = [64, 1, 32], strides = [1, 1, 1]} : vector<64x10x128xf32> to vector<64x1x32xf32>
    %squeeze3A_839 = vector.shape_cast %slice3A_838 : vector<64x1x32xf32> to vector<64x32xf32>
    %slice3A_840 = vector.extract_strided_slice %reshape3A_105 {offsets = [0, 7, 64], sizes = [64, 1, 32], strides = [1, 1, 1]} : vector<64x10x128xf32> to vector<64x1x32xf32>
    %squeeze3A_841 = vector.shape_cast %slice3A_840 : vector<64x1x32xf32> to vector<64x32xf32>
    %slice3A_842 = vector.extract_strided_slice %div3A_835 {offsets = [0, 0], sizes = [64, 1], strides = [1, 1]} : vector<64x10xf32> to vector<64x1xf32>
    %mul3A_843 = vector.broadcast %slice3A_842 : vector<64x1xf32> to vector<64x32xf32>
    %mul3A_844 = arith.mulf %mul3A_843, %squeeze3A_839 : vector<64x32xf32>
    %add3A_845 = arith.addf %broadcast_in_dim3A_837, %mul3A_844 : vector<64x32xf32>
    %slice3A_846 = vector.extract_strided_slice %reshape3A_104 {offsets = [0, 7, 96], sizes = [64, 1, 32], strides = [1, 1, 1]} : vector<64x10x128xf32> to vector<64x1x32xf32>
    %squeeze3A_847 = vector.shape_cast %slice3A_846 : vector<64x1x32xf32> to vector<64x32xf32>
    %slice3A_848 = vector.extract_strided_slice %reshape3A_105 {offsets = [0, 7, 96], sizes = [64, 1, 32], strides = [1, 1, 1]} : vector<64x10x128xf32> to vector<64x1x32xf32>
    %squeeze3A_849 = vector.shape_cast %slice3A_848 : vector<64x1x32xf32> to vector<64x32xf32>
    %slice3A_850 = vector.extract_strided_slice %div3A_835 {offsets = [0, 1], sizes = [64, 1], strides = [1, 1]} : vector<64x10xf32> to vector<64x1xf32>
    %mul3A_851 = vector.broadcast %slice3A_850 : vector<64x1xf32> to vector<64x32xf32>
    %mul3A_852 = arith.mulf %mul3A_851, %squeeze3A_847 : vector<64x32xf32>
    %add3A_853 = arith.addf %add3A_845, %mul3A_852 : vector<64x32xf32>
    %max3A_854 = arith.maximumf %squeeze3A_841, %squeeze3A_849 : vector<64x32xf32>
    %slice3A_855 = vector.extract_strided_slice %reshape3A_104 {offsets = [0, 8, 0], sizes = [64, 1, 32], strides = [1, 1, 1]} : vector<64x10x128xf32> to vector<64x1x32xf32>
    %squeeze3A_856 = vector.shape_cast %slice3A_855 : vector<64x1x32xf32> to vector<64x32xf32>
    %slice3A_857 = vector.extract_strided_slice %reshape3A_105 {offsets = [0, 8, 0], sizes = [64, 1, 32], strides = [1, 1, 1]} : vector<64x10x128xf32> to vector<64x1x32xf32>
    %squeeze3A_858 = vector.shape_cast %slice3A_857 : vector<64x1x32xf32> to vector<64x32xf32>
    %slice3A_859 = vector.extract_strided_slice %div3A_835 {offsets = [0, 2], sizes = [64, 1], strides = [1, 1]} : vector<64x10xf32> to vector<64x1xf32>
    %mul3A_860 = vector.broadcast %slice3A_859 : vector<64x1xf32> to vector<64x32xf32>
    %mul3A_861 = arith.mulf %mul3A_860, %squeeze3A_856 : vector<64x32xf32>
    %add3A_862 = arith.addf %add3A_853, %mul3A_861 : vector<64x32xf32>
    %max3A_863 = arith.maximumf %max3A_854, %squeeze3A_858 : vector<64x32xf32>
    %slice3A_864 = vector.extract_strided_slice %reshape3A_104 {offsets = [0, 8, 32], sizes = [64, 1, 32], strides = [1, 1, 1]} : vector<64x10x128xf32> to vector<64x1x32xf32>
    %squeeze3A_865 = vector.shape_cast %slice3A_864 : vector<64x1x32xf32> to vector<64x32xf32>
    %slice3A_866 = vector.extract_strided_slice %reshape3A_105 {offsets = [0, 8, 32], sizes = [64, 1, 32], strides = [1, 1, 1]} : vector<64x10x128xf32> to vector<64x1x32xf32>
    %squeeze3A_867 = vector.shape_cast %slice3A_866 : vector<64x1x32xf32> to vector<64x32xf32>
    %slice3A_868 = vector.extract_strided_slice %div3A_835 {offsets = [0, 3], sizes = [64, 1], strides = [1, 1]} : vector<64x10xf32> to vector<64x1xf32>
    %mul3A_869 = vector.broadcast %slice3A_868 : vector<64x1xf32> to vector<64x32xf32>
    %mul3A_870 = arith.mulf %mul3A_869, %squeeze3A_865 : vector<64x32xf32>
    %add3A_871 = arith.addf %add3A_862, %mul3A_870 : vector<64x32xf32>
    %max3A_872 = arith.maximumf %max3A_863, %squeeze3A_867 : vector<64x32xf32>
    %slice3A_873 = vector.extract_strided_slice %reshape3A_104 {offsets = [0, 8, 64], sizes = [64, 1, 32], strides = [1, 1, 1]} : vector<64x10x128xf32> to vector<64x1x32xf32>
    %squeeze3A_874 = vector.shape_cast %slice3A_873 : vector<64x1x32xf32> to vector<64x32xf32>
    %slice3A_875 = vector.extract_strided_slice %reshape3A_105 {offsets = [0, 8, 64], sizes = [64, 1, 32], strides = [1, 1, 1]} : vector<64x10x128xf32> to vector<64x1x32xf32>
    %squeeze3A_876 = vector.shape_cast %slice3A_875 : vector<64x1x32xf32> to vector<64x32xf32>
    %slice3A_877 = vector.extract_strided_slice %div3A_835 {offsets = [0, 4], sizes = [64, 1], strides = [1, 1]} : vector<64x10xf32> to vector<64x1xf32>
    %mul3A_878 = vector.broadcast %slice3A_877 : vector<64x1xf32> to vector<64x32xf32>
    %mul3A_879 = arith.mulf %mul3A_878, %squeeze3A_874 : vector<64x32xf32>
    %add3A_880 = arith.addf %add3A_871, %mul3A_879 : vector<64x32xf32>
    %max3A_881 = arith.maximumf %max3A_872, %squeeze3A_876 : vector<64x32xf32>
    %slice3A_882 = vector.extract_strided_slice %reshape3A_104 {offsets = [0, 8, 96], sizes = [64, 1, 32], strides = [1, 1, 1]} : vector<64x10x128xf32> to vector<64x1x32xf32>
    %squeeze3A_883 = vector.shape_cast %slice3A_882 : vector<64x1x32xf32> to vector<64x32xf32>
    %slice3A_884 = vector.extract_strided_slice %reshape3A_105 {offsets = [0, 8, 96], sizes = [64, 1, 32], strides = [1, 1, 1]} : vector<64x10x128xf32> to vector<64x1x32xf32>
    %squeeze3A_885 = vector.shape_cast %slice3A_884 : vector<64x1x32xf32> to vector<64x32xf32>
    %slice3A_886 = vector.extract_strided_slice %div3A_835 {offsets = [0, 5], sizes = [64, 1], strides = [1, 1]} : vector<64x10xf32> to vector<64x1xf32>
    %mul3A_887 = vector.broadcast %slice3A_886 : vector<64x1xf32> to vector<64x32xf32>
    %mul3A_888 = arith.mulf %mul3A_887, %squeeze3A_883 : vector<64x32xf32>
    %add3A_889 = arith.addf %add3A_880, %mul3A_888 : vector<64x32xf32>
    %max3A_890 = arith.maximumf %max3A_881, %squeeze3A_885 : vector<64x32xf32>
    %slice3A_891 = vector.extract_strided_slice %reshape3A_104 {offsets = [0, 9, 0], sizes = [64, 1, 32], strides = [1, 1, 1]} : vector<64x10x128xf32> to vector<64x1x32xf32>
    %squeeze3A_892 = vector.shape_cast %slice3A_891 : vector<64x1x32xf32> to vector<64x32xf32>
    %slice3A_893 = vector.extract_strided_slice %reshape3A_105 {offsets = [0, 9, 0], sizes = [64, 1, 32], strides = [1, 1, 1]} : vector<64x10x128xf32> to vector<64x1x32xf32>
    %squeeze3A_894 = vector.shape_cast %slice3A_893 : vector<64x1x32xf32> to vector<64x32xf32>
    %slice3A_895 = vector.extract_strided_slice %div3A_835 {offsets = [0, 6], sizes = [64, 1], strides = [1, 1]} : vector<64x10xf32> to vector<64x1xf32>
    %mul3A_896 = vector.broadcast %slice3A_895 : vector<64x1xf32> to vector<64x32xf32>
    %mul3A_897 = arith.mulf %mul3A_896, %squeeze3A_892 : vector<64x32xf32>
    %add3A_898 = arith.addf %add3A_889, %mul3A_897 : vector<64x32xf32>
    %max3A_899 = arith.maximumf %max3A_890, %squeeze3A_894 : vector<64x32xf32>
    %slice3A_900 = vector.extract_strided_slice %reshape3A_104 {offsets = [0, 9, 32], sizes = [64, 1, 32], strides = [1, 1, 1]} : vector<64x10x128xf32> to vector<64x1x32xf32>
    %squeeze3A_901 = vector.shape_cast %slice3A_900 : vector<64x1x32xf32> to vector<64x32xf32>
    %slice3A_902 = vector.extract_strided_slice %reshape3A_105 {offsets = [0, 9, 32], sizes = [64, 1, 32], strides = [1, 1, 1]} : vector<64x10x128xf32> to vector<64x1x32xf32>
    %squeeze3A_903 = vector.shape_cast %slice3A_902 : vector<64x1x32xf32> to vector<64x32xf32>
    %slice3A_904 = vector.extract_strided_slice %div3A_835 {offsets = [0, 7], sizes = [64, 1], strides = [1, 1]} : vector<64x10xf32> to vector<64x1xf32>
    %mul3A_905 = vector.broadcast %slice3A_904 : vector<64x1xf32> to vector<64x32xf32>
    %mul3A_906 = arith.mulf %mul3A_905, %squeeze3A_901 : vector<64x32xf32>
    %add3A_907 = arith.addf %add3A_898, %mul3A_906 : vector<64x32xf32>
    %max3A_908 = arith.maximumf %max3A_899, %squeeze3A_903 : vector<64x32xf32>
    %slice3A_909 = vector.extract_strided_slice %reshape3A_104 {offsets = [0, 9, 64], sizes = [64, 1, 32], strides = [1, 1, 1]} : vector<64x10x128xf32> to vector<64x1x32xf32>
    %squeeze3A_910 = vector.shape_cast %slice3A_909 : vector<64x1x32xf32> to vector<64x32xf32>
    %slice3A_911 = vector.extract_strided_slice %reshape3A_105 {offsets = [0, 9, 64], sizes = [64, 1, 32], strides = [1, 1, 1]} : vector<64x10x128xf32> to vector<64x1x32xf32>
    %squeeze3A_912 = vector.shape_cast %slice3A_911 : vector<64x1x32xf32> to vector<64x32xf32>
    %slice3A_913 = vector.extract_strided_slice %div3A_835 {offsets = [0, 8], sizes = [64, 1], strides = [1, 1]} : vector<64x10xf32> to vector<64x1xf32>
    %mul3A_914 = vector.broadcast %slice3A_913 : vector<64x1xf32> to vector<64x32xf32>
    %mul3A_915 = arith.mulf %mul3A_914, %squeeze3A_910 : vector<64x32xf32>
    %add3A_916 = arith.addf %add3A_907, %mul3A_915 : vector<64x32xf32>
    %max3A_917 = arith.maximumf %max3A_908, %squeeze3A_912 : vector<64x32xf32>
    %slice3A_918 = vector.extract_strided_slice %reshape3A_104 {offsets = [0, 9, 96], sizes = [64, 1, 32], strides = [1, 1, 1]} : vector<64x10x128xf32> to vector<64x1x32xf32>
    %squeeze3A_919 = vector.shape_cast %slice3A_918 : vector<64x1x32xf32> to vector<64x32xf32>
    %slice3A_920 = vector.extract_strided_slice %reshape3A_105 {offsets = [0, 9, 96], sizes = [64, 1, 32], strides = [1, 1, 1]} : vector<64x10x128xf32> to vector<64x1x32xf32>
    %squeeze3A_921 = vector.shape_cast %slice3A_920 : vector<64x1x32xf32> to vector<64x32xf32>
    %slice3A_922 = vector.extract_strided_slice %div3A_835 {offsets = [0, 9], sizes = [64, 1], strides = [1, 1]} : vector<64x10xf32> to vector<64x1xf32>
    %mul3A_923 = vector.broadcast %slice3A_922 : vector<64x1xf32> to vector<64x32xf32>
    %mul3A_924 = arith.mulf %mul3A_923, %squeeze3A_919 : vector<64x32xf32>
    %add3A_925 = arith.addf %add3A_916, %mul3A_924 : vector<64x32xf32>
    %max3A_926 = arith.maximumf %max3A_917, %squeeze3A_921 : vector<64x32xf32>
    %broadcast_in_dim3A_927 = arith.constant 0.000000e+00 : f32
    %broadcast_in_dim3A_928 = vector.broadcast %broadcast_in_dim3A_927 : f32 to vector<64x64xf32>
    %slice3A_929 = vector.extract_strided_slice %concatenate3A {offsets = [0, 7, 128], sizes = [64, 1, 64], strides = [1, 1, 1]} : vector<64x10x256xf32> to vector<64x1x64xf32>
    %squeeze3A_930 = vector.shape_cast %slice3A_929 : vector<64x1x64xf32> to vector<64x64xf32>
    %add3A_931 = arith.addf %broadcast_in_dim3A_928, %squeeze3A_930 : vector<64x64xf32>
    %slice3A_932 = vector.extract_strided_slice %concatenate3A {offsets = [0, 7, 192], sizes = [64, 1, 64], strides = [1, 1, 1]} : vector<64x10x256xf32> to vector<64x1x64xf32>
    %squeeze3A_933 = vector.shape_cast %slice3A_932 : vector<64x1x64xf32> to vector<64x64xf32>
    %add3A_934 = arith.addf %add3A_931, %squeeze3A_933 : vector<64x64xf32>
    %slice3A_935 = vector.extract_strided_slice %concatenate3A {offsets = [0, 8, 0], sizes = [64, 1, 64], strides = [1, 1, 1]} : vector<64x10x256xf32> to vector<64x1x64xf32>
    %squeeze3A_936 = vector.shape_cast %slice3A_935 : vector<64x1x64xf32> to vector<64x64xf32>
    %add3A_937 = arith.addf %add3A_934, %squeeze3A_936 : vector<64x64xf32>
    %slice3A_938 = vector.extract_strided_slice %concatenate3A {offsets = [0, 8, 64], sizes = [64, 1, 64], strides = [1, 1, 1]} : vector<64x10x256xf32> to vector<64x1x64xf32>
    %squeeze3A_939 = vector.shape_cast %slice3A_938 : vector<64x1x64xf32> to vector<64x64xf32>
    %add3A_940 = arith.addf %add3A_937, %squeeze3A_939 : vector<64x64xf32>
    %slice3A_941 = vector.extract_strided_slice %concatenate3A {offsets = [0, 8, 128], sizes = [64, 1, 64], strides = [1, 1, 1]} : vector<64x10x256xf32> to vector<64x1x64xf32>
    %squeeze3A_942 = vector.shape_cast %slice3A_941 : vector<64x1x64xf32> to vector<64x64xf32>
    %add3A_943 = arith.addf %add3A_940, %squeeze3A_942 : vector<64x64xf32>
    %slice3A_944 = vector.extract_strided_slice %concatenate3A {offsets = [0, 8, 192], sizes = [64, 1, 64], strides = [1, 1, 1]} : vector<64x10x256xf32> to vector<64x1x64xf32>
    %squeeze3A_945 = vector.shape_cast %slice3A_944 : vector<64x1x64xf32> to vector<64x64xf32>
    %add3A_946 = arith.addf %add3A_943, %squeeze3A_945 : vector<64x64xf32>
    %slice3A_947 = vector.extract_strided_slice %concatenate3A {offsets = [0, 9, 0], sizes = [64, 1, 64], strides = [1, 1, 1]} : vector<64x10x256xf32> to vector<64x1x64xf32>
    %squeeze3A_948 = vector.shape_cast %slice3A_947 : vector<64x1x64xf32> to vector<64x64xf32>
    %add3A_949 = arith.addf %add3A_946, %squeeze3A_948 : vector<64x64xf32>
    %slice3A_950 = vector.extract_strided_slice %concatenate3A {offsets = [0, 9, 64], sizes = [64, 1, 64], strides = [1, 1, 1]} : vector<64x10x256xf32> to vector<64x1x64xf32>
    %squeeze3A_951 = vector.shape_cast %slice3A_950 : vector<64x1x64xf32> to vector<64x64xf32>
    %add3A_952 = arith.addf %add3A_949, %squeeze3A_951 : vector<64x64xf32>
    %slice3A_953 = vector.extract_strided_slice %concatenate3A {offsets = [0, 9, 128], sizes = [64, 1, 64], strides = [1, 1, 1]} : vector<64x10x256xf32> to vector<64x1x64xf32>
    %squeeze3A_954 = vector.shape_cast %slice3A_953 : vector<64x1x64xf32> to vector<64x64xf32>
    %add3A_955 = arith.addf %add3A_952, %squeeze3A_954 : vector<64x64xf32>
    %slice3A_956 = vector.extract_strided_slice %concatenate3A {offsets = [0, 9, 192], sizes = [64, 1, 64], strides = [1, 1, 1]} : vector<64x10x256xf32> to vector<64x1x64xf32>
    %squeeze3A_957 = vector.shape_cast %slice3A_956 : vector<64x1x64xf32> to vector<64x64xf32>
    %add3A_958 = arith.addf %add3A_955, %squeeze3A_957 : vector<64x64xf32>
    %mul3A_959 = arith.constant 1.000000e-01 : f32
    %mul3A_960 = vector.broadcast %mul3A_959 : f32 to vector<64x64xf32>
    %mul3A_961 = arith.mulf %add3A_958, %mul3A_960 : vector<64x64xf32>
    %slice3A_962 = vector.extract_strided_slice %get3A_3 {offsets = [0, 96], sizes = [64, 32], strides = [1, 1]} : vector<64x128xf32> to vector<64x32xf32>
    %slice3A_963 = vector.extract_strided_slice %get3A_108 {offsets = [0, 0], sizes = [1, 32], strides = [1, 1]} : vector<1x128xf32> to vector<1x32xf32>
    %mul3A_964 = vector.broadcast %slice3A_963 : vector<1x32xf32> to vector<64x32xf32>
    %mul3A_965 = arith.mulf %slice3A_962, %mul3A_964 : vector<64x32xf32>
    %reduce_sum3A_966 = arith.constant dense<0.000000e+00> : vector<64xf32>
    %reduce_sum3A_967 = vector.multi_reduction <add>, %mul3A_965, %reduce_sum3A_966 [1] : vector<64x32xf32> to vector<64xf32>
    %broadcast_in_dim3A_968 = vector.shape_cast %reduce_sum3A_967 : vector<64xf32> to vector<64x1xf32>
    %slice3A_969 = vector.extract_strided_slice %get3A_108 {offsets = [0, 32], sizes = [1, 32], strides = [1, 1]} : vector<1x128xf32> to vector<1x32xf32>
    %mul3A_970 = vector.broadcast %slice3A_969 : vector<1x32xf32> to vector<64x32xf32>
    %mul3A_971 = arith.mulf %max3A_926, %mul3A_970 : vector<64x32xf32>
    %reduce_sum3A_972 = arith.constant dense<0.000000e+00> : vector<64xf32>
    %reduce_sum3A_973 = vector.multi_reduction <add>, %mul3A_971, %reduce_sum3A_972 [1] : vector<64x32xf32> to vector<64xf32>
    %broadcast_in_dim3A_974 = vector.shape_cast %reduce_sum3A_973 : vector<64xf32> to vector<64x1xf32>
    %add3A_975 = arith.addf %broadcast_in_dim3A_968, %broadcast_in_dim3A_974 : vector<64x1xf32>
    %slice3A_976 = vector.extract_strided_slice %get3A_108 {offsets = [0, 64], sizes = [1, 64], strides = [1, 1]} : vector<1x128xf32> to vector<1x64xf32>
    %mul3A_977 = vector.broadcast %slice3A_976 : vector<1x64xf32> to vector<64x64xf32>
    %mul3A_978 = arith.mulf %mul3A_961, %mul3A_977 : vector<64x64xf32>
    %reduce_sum3A_979 = arith.constant dense<0.000000e+00> : vector<64xf32>
    %reduce_sum3A_980 = vector.multi_reduction <add>, %mul3A_978, %reduce_sum3A_979 [1] : vector<64x64xf32> to vector<64xf32>
    %broadcast_in_dim3A_981 = vector.shape_cast %reduce_sum3A_980 : vector<64xf32> to vector<64x1xf32>
    %add3A_982 = arith.addf %add3A_975, %broadcast_in_dim3A_981 : vector<64x1xf32>
    %concatenate3A_983 = tpu.concatenate %add3A_265, %add3A_485, %add3A_705, %add3A_925 in 1 : vector<64x32xf32>, vector<64x32xf32>, vector<64x32xf32>, vector<64x32xf32> -> vector<64x128xf32>
    %swap3A_984 = arith.constant 0 : index
    %swap3A_985 = arith.constant 0 : index
    %swap3A_986 = arith.constant 0 : index
    %swap3A_987 = vector.load %arg21[%swap3A_984, %swap3A_985, %swap3A_986] : memref<1x64x128xf32, #tpu.memory_space<vmem>>, vector<1x64x128xf32>
    %swap3A_988 = vector.shape_cast %swap3A_987 : vector<1x64x128xf32> to vector<64x128xf32>
    %swap3A_989 = vector.shape_cast %concatenate3A_983 : vector<64x128xf32> to vector<1x64x128xf32>
    tpu.vector_store %arg21[%swap3A_984, %swap3A_985, %swap3A_986], %swap3A_989 {strides = array<i32>} : memref<1x64x128xf32, #tpu.memory_space<vmem>>, vector<1x64x128xf32>,
    %concatenate3A_990 = tpu.concatenate %add3A_322, %add3A_542, %add3A_762, %add3A_982 in 1 : vector<64x1xf32>, vector<64x1xf32>, vector<64x1xf32>, vector<64x1xf32> -> vector<64x4xf32>
    %get3A_991 = arith.constant 0 : index
    %get3A_992 = arith.constant 0 : index
    %get3A_993 = vector.load %arg19[%get3A_991, %get3A_992] : memref<1x1xf32, #tpu.memory_space<vmem>>, vector<1x1xf32>
    %get3A_994 = vector.extract %get3A_993[0, 0] : f32 from vector<1x1xf32>
    %add3A_995 = vector.broadcast %get3A_994 : f32 to vector<64x4xf32>
    %add3A_996 = arith.addf %concatenate3A_990, %add3A_995 : vector<64x4xf32>
    %swap3A_997 = arith.constant 0 : index
    %swap3A_998 = arith.constant 0 : index
    %swap3A_999 = arith.constant 0 : index
    %swap3A_1000 = vector.load %arg22[%swap3A_997, %swap3A_998, %swap3A_999] : memref<1x64x4xf32, #tpu.memory_space<vmem>>, vector<1x64x4xf32>
    %swap3A_1001 = vector.shape_cast %swap3A_1000 : vector<1x64x4xf32> to vector<64x4xf32>
    %swap3A_1002 = vector.shape_cast %add3A_996 : vector<64x4xf32> to vector<1x64x4xf32>
    tpu.vector_store %arg22[%swap3A_997, %swap3A_998, %swap3A_999], %swap3A_1002 {strides = array<i32>} : memref<1x64x4xf32, #tpu.memory_space<vmem>>, vector<1x64x4xf32>,
    return
  }
  func.func @transform_0(%arg0: i32, %arg1: i32) -> (i32, i32, i32) {
    %c0_i32 = arith.constant 0 : i32
    %c0_i32_0 = arith.constant 0 : i32
    return %arg0, %arg1, %c0_i32 : i32, i32, i32
  }
  func.func @transform_1(%arg0: i32, %arg1: i32) -> (i32, i32, i32) {
    %c0_i32 = arith.constant 0 : i32
    %c0_i32_0 = arith.constant 0 : i32
    return %arg0, %arg1, %c0_i32 : i32, i32, i32
  }
  func.func @transform_2(%arg0: i32, %arg1: i32) -> (i32, i32, i32) {
    %c0_i32 = arith.constant 0 : i32
    %c0_i32_0 = arith.constant 0 : i32
    return %arg0, %arg1, %c0_i32 : i32, i32, i32
  }
  func.func @transform_3(%arg0: i32, %arg1: i32) -> (i32, i32, i32) {
    %c0_i32 = arith.constant 0 : i32
    %c0_i32_0 = arith.constant 0 : i32
    return %arg0, %arg1, %c0_i32 : i32, i32, i32
  }
  func.func @transform_4(%arg0: i32, %arg1: i32) -> (i32, i32, i32) {
    %c0_i32 = arith.constant 0 : i32
    %c0_i32_0 = arith.constant 0 : i32
    return %arg0, %arg1, %c0_i32 : i32, i32, i32
  }
  func.func @transform_5(%arg0: i32, %arg1: i32) -> (i32, i32, i32) {
    %c0_i32 = arith.constant 0 : i32
    %c0_i32_0 = arith.constant 0 : i32
    return %arg0, %arg1, %c0_i32 : i32, i32, i32
  }
  func.func @transform_6(%arg0: i32, %arg1: i32) -> (i32, i32) {
    %c0_i32 = arith.constant 0 : i32
    %c0_i32_0 = arith.constant 0 : i32
    %c0_i32_1 = arith.constant 0 : i32
    return %c0_i32, %c0_i32_0 : i32, i32
  }
  func.func @transform_7(%arg0: i32, %arg1: i32) -> (i32, i32) {
    %c0_i32 = arith.constant 0 : i32
    %c0_i32_0 = arith.constant 0 : i32
    %c0_i32_1 = arith.constant 0 : i32
    return %c0_i32, %c0_i32_0 : i32, i32
  }
  func.func @transform_8(%arg0: i32, %arg1: i32) -> (i32, i32) {
    %c0_i32 = arith.constant 0 : i32
    %c0_i32_0 = arith.constant 0 : i32
    %c0_i32_1 = arith.constant 0 : i32
    return %c0_i32, %c0_i32_0 : i32, i32
  }
  func.func @transform_9(%arg0: i32, %arg1: i32) -> (i32, i32) {
    %c0_i32 = arith.constant 0 : i32
    %c0_i32_0 = arith.constant 0 : i32
    %c0_i32_1 = arith.constant 0 : i32
    return %c0_i32, %c0_i32_0 : i32, i32
  }
  func.func @transform_10(%arg0: i32, %arg1: i32) -> (i32, i32) {
    %c0_i32 = arith.constant 0 : i32
    %c0_i32_0 = arith.constant 0 : i32
    %c0_i32_1 = arith.constant 0 : i32
    return %c0_i32, %c0_i32_0 : i32, i32
  }
  func.func @transform_11(%arg0: i32, %arg1: i32) -> (i32, i32) {
    %c0_i32 = arith.constant 0 : i32
    %c0_i32_0 = arith.constant 0 : i32
    %c0_i32_1 = arith.constant 0 : i32
    return %c0_i32, %c0_i32_0 : i32, i32
  }
  func.func @transform_12(%arg0: i32, %arg1: i32) -> (i32, i32) {
    %c0_i32 = arith.constant 0 : i32
    %c0_i32_0 = arith.constant 0 : i32
    %c0_i32_1 = arith.constant 0 : i32
    return %c0_i32, %c0_i32_0 : i32, i32
  }
  func.func @transform_13(%arg0: i32, %arg1: i32) -> (i32, i32) {
    %c0_i32 = arith.constant 0 : i32
    %c0_i32_0 = arith.constant 0 : i32
    %c0_i32_1 = arith.constant 0 : i32
    return %c0_i32, %c0_i32_0 : i32, i32
  }
  func.func @transform_14(%arg0: i32, %arg1: i32) -> (i32, i32) {
    %c0_i32 = arith.constant 0 : i32
    %c0_i32_0 = arith.constant 0 : i32
    %c0_i32_1 = arith.constant 0 : i32
    return %c0_i32, %c0_i32_0 : i32, i32
  }
  func.func @transform_15(%arg0: i32, %arg1: i32) -> (i32, i32) {
    %c0_i32 = arith.constant 0 : i32
    %c0_i32_0 = arith.constant 0 : i32
    %c0_i32_1 = arith.constant 0 : i32
    return %c0_i32, %c0_i32_0 : i32, i32
  }
  func.func @transform_16(%arg0: i32, %arg1: i32) -> (i32, i32) {
    %c0_i32 = arith.constant 0 : i32
    %c0_i32_0 = arith.constant 0 : i32
    %c0_i32_1 = arith.constant 0 : i32
    return %c0_i32, %c0_i32_0 : i32, i32
  }
  func.func @transform_17(%arg0: i32, %arg1: i32) -> (i32, i32) {
    %c0_i32 = arith.constant 0 : i32
    %c0_i32_0 = arith.constant 0 : i32
    %c0_i32_1 = arith.constant 0 : i32
    return %c0_i32, %c0_i32_0 : i32, i32
  }
  func.func @transform_18(%arg0: i32, %arg1: i32) -> (i32, i32, i32) {
    %c0_i32 = arith.constant 0 : i32
    %c0_i32_0 = arith.constant 0 : i32
    return %arg0, %arg1, %c0_i32 : i32, i32, i32
  }
  func.func @transform_19(%arg0: i32, %arg1: i32) -> (i32, i32, i32) {
    %c0_i32 = arith.constant 0 : i32
    %c0_i32_0 = arith.constant 0 : i32
    return %arg0, %arg1, %c0_i32 : i32, i32, i32
  }
  func.func @transform_20(%arg0: i32, %arg1: i32) -> (i32, i32, i32) {
    %c0_i32 = arith.constant 0 : i32
    %c0_i32_0 = arith.constant 0 : i32
    return %arg0, %arg1, %c0_i32 : i32, i32, i32
  }
}

module attributes {stable_mosaic.version = 14 : i64} {
  func.func @_k2_body(%arg0: i32, %arg1: i32, %arg2: memref<1x4x512x128xf32, #tpu.memory_space<vmem>>, %arg3: memref<1x4x512x4xf32, #tpu.memory_space<vmem>>, %arg4: memref<1x4x512x128xf32, #tpu.memory_space<vmem>>, %arg5: memref<256x128xf32, #tpu.memory_space<vmem>>, %arg6: memref<1x128xf32, #tpu.memory_space<vmem>>, %arg7: memref<128x256xf32, #tpu.memory_space<vmem>>, %arg8: memref<1x256xf32, #tpu.memory_space<vmem>>, %arg9: memref<1x4x512x128xf32, #tpu.memory_space<vmem>>, %arg10: memref<1x4x512x256xf32, #tpu.memory_space<vmem>>) attributes {dimension_semantics = [#tpu.dimension_semantics<arbitrary>, #tpu.dimension_semantics<arbitrary>], iteration_bounds = array<i64: 4, 2>, scalar_prefetch = 0 : i64, scratch_operands = 0 : i64, tpu.core_type = #tpu.core_type<tc>, window_params = [{transform_indices = @transform_0, window_bounds = array<i64: 1, 4, 512, 128>}, {transform_indices = @transform_1, window_bounds = array<i64: 1, 4, 512, 4>}, {transform_indices = @transform_2, window_bounds = array<i64: 1, 4, 512, 128>}, {pipeline_mode = #tpu.pipeline_mode<synchronous>, transform_indices = @transform_3, window_bounds = array<i64: 256, 128>}, {pipeline_mode = #tpu.pipeline_mode<synchronous>, transform_indices = @transform_4, window_bounds = array<i64: 1, 128>}, {pipeline_mode = #tpu.pipeline_mode<synchronous>, transform_indices = @transform_5, window_bounds = array<i64: 128, 256>}, {pipeline_mode = #tpu.pipeline_mode<synchronous>, transform_indices = @transform_6, window_bounds = array<i64: 1, 256>}, {transform_indices = @transform_7, window_bounds = array<i64: 1, 4, 512, 128>}, {transform_indices = @transform_8, window_bounds = array<i64: 1, 4, 512, 256>}]} {
    %get3A = arith.constant 0 : index
    %get3A_0 = arith.constant 0 : index
    %get3A_1 = arith.constant 0 : index
    %get3A_2 = arith.constant 0 : index
    %get3A_3 = vector.load %arg2[%get3A, %get3A_0, %get3A_1, %get3A_2] : memref<1x4x512x128xf32, #tpu.memory_space<vmem>>, vector<1x4x512x128xf32>
    %get3A_4 = vector.shape_cast %get3A_3 : vector<1x4x512x128xf32> to vector<4x512x128xf32>
    %get3A_5 = arith.constant 0 : index
    %get3A_6 = arith.constant 0 : index
    %get3A_7 = arith.constant 0 : index
    %get3A_8 = arith.constant 0 : index
    %get3A_9 = vector.load %arg3[%get3A_5, %get3A_6, %get3A_7, %get3A_8] : memref<1x4x512x4xf32, #tpu.memory_space<vmem>>, vector<1x4x512x4xf32>
    %get3A_10 = vector.shape_cast %get3A_9 : vector<1x4x512x4xf32> to vector<4x512x4xf32>
    %get3A_11 = arith.constant 0 : index
    %get3A_12 = arith.constant 0 : index
    %get3A_13 = arith.constant 0 : index
    %get3A_14 = arith.constant 0 : index
    %get3A_15 = vector.load %arg4[%get3A_11, %get3A_12, %get3A_13, %get3A_14] : memref<1x4x512x128xf32, #tpu.memory_space<vmem>>, vector<1x4x512x128xf32>
    %get3A_16 = vector.shape_cast %get3A_15 : vector<1x4x512x128xf32> to vector<4x512x128xf32>
    %reduce_max3A = arith.constant dense<0xFF800000> : vector<512x4xf32>
    %reduce_max3A_17 = vector.multi_reduction <maximumf>, %get3A_10, %reduce_max3A [0] : vector<4x512x4xf32> to vector<512x4xf32>
    %broadcast_in_dim3A = vector.shape_cast %reduce_max3A_17 : vector<512x4xf32> to vector<1x512x4xf32>
    %sub3A = vector.broadcast %broadcast_in_dim3A : vector<1x512x4xf32> to vector<4x512x4xf32>
    %sub3A_18 = arith.subf %get3A_10, %sub3A : vector<4x512x4xf32>
    %exp3A = math.exp %sub3A_18 : vector<4x512x4xf32>
    %reduce_sum3A = arith.constant dense<0.000000e+00> : vector<512x4xf32>
    %reduce_sum3A_19 = vector.multi_reduction <add>, %exp3A, %reduce_sum3A [0] : vector<4x512x4xf32> to vector<512x4xf32>
    %broadcast_in_dim3A_20 = vector.shape_cast %reduce_sum3A_19 : vector<512x4xf32> to vector<1x512x4xf32>
    %div3A = vector.broadcast %broadcast_in_dim3A_20 : vector<1x512x4xf32> to vector<4x512x4xf32>
    %div3A_21 = arith.divf %exp3A, %div3A : vector<4x512x4xf32>
    %slice3A = vector.extract_strided_slice %get3A_4 {offsets = [0, 0, 0], sizes = [4, 512, 32], strides = [1, 1, 1]} : vector<4x512x128xf32> to vector<4x512x32xf32>
    %slice3A_22 = vector.extract_strided_slice %div3A_21 {offsets = [0, 0, 0], sizes = [4, 512, 1], strides = [1, 1, 1]} : vector<4x512x4xf32> to vector<4x512x1xf32>
    %mul3A = vector.broadcast %slice3A_22 : vector<4x512x1xf32> to vector<4x512x32xf32>
    %mul3A_23 = arith.mulf %slice3A, %mul3A : vector<4x512x32xf32>
    %slice3A_24 = vector.extract_strided_slice %get3A_4 {offsets = [0, 0, 32], sizes = [4, 512, 32], strides = [1, 1, 1]} : vector<4x512x128xf32> to vector<4x512x32xf32>
    %slice3A_25 = vector.extract_strided_slice %div3A_21 {offsets = [0, 0, 1], sizes = [4, 512, 1], strides = [1, 1, 1]} : vector<4x512x4xf32> to vector<4x512x1xf32>
    %mul3A_26 = vector.broadcast %slice3A_25 : vector<4x512x1xf32> to vector<4x512x32xf32>
    %mul3A_27 = arith.mulf %slice3A_24, %mul3A_26 : vector<4x512x32xf32>
    %slice3A_28 = vector.extract_strided_slice %get3A_4 {offsets = [0, 0, 64], sizes = [4, 512, 32], strides = [1, 1, 1]} : vector<4x512x128xf32> to vector<4x512x32xf32>
    %slice3A_29 = vector.extract_strided_slice %div3A_21 {offsets = [0, 0, 2], sizes = [4, 512, 1], strides = [1, 1, 1]} : vector<4x512x4xf32> to vector<4x512x1xf32>
    %mul3A_30 = vector.broadcast %slice3A_29 : vector<4x512x1xf32> to vector<4x512x32xf32>
    %mul3A_31 = arith.mulf %slice3A_28, %mul3A_30 : vector<4x512x32xf32>
    %slice3A_32 = vector.extract_strided_slice %get3A_4 {offsets = [0, 0, 96], sizes = [4, 512, 32], strides = [1, 1, 1]} : vector<4x512x128xf32> to vector<4x512x32xf32>
    %slice3A_33 = vector.extract_strided_slice %div3A_21 {offsets = [0, 0, 3], sizes = [4, 512, 1], strides = [1, 1, 1]} : vector<4x512x4xf32> to vector<4x512x1xf32>
    %mul3A_34 = vector.broadcast %slice3A_33 : vector<4x512x1xf32> to vector<4x512x32xf32>
    %mul3A_35 = arith.mulf %slice3A_32, %mul3A_34 : vector<4x512x32xf32>
    %concatenate3A = tpu.concatenate %mul3A_23, %mul3A_27, %mul3A_31, %mul3A_35 in 2 : vector<4x512x32xf32>, vector<4x512x32xf32>, vector<4x512x32xf32>, vector<4x512x32xf32> -> vector<4x512x128xf32>
    %concatenate3A_36 = tpu.concatenate %get3A_16, %concatenate3A in 2 : vector<4x512x128xf32>, vector<4x512x128xf32> -> vector<4x512x256xf32>
    %reshape3A = vector.shape_cast %concatenate3A_36 : vector<4x512x256xf32> to vector<2048x256xf32>
    %get3A_37 = arith.constant 0 : index
    %get3A_38 = arith.constant 0 : index
    %get3A_39 = vector.load %arg5[%get3A_37, %get3A_38] : memref<256x128xf32, #tpu.memory_space<vmem>>, vector<256x128xf32>
    %dot_general3A = arith.constant dense<0.000000e+00> : vector<2048x128xf32>
    %dot_general3A_40 = tpu.matmul %reshape3A, %get3A_39, %dot_general3A {dimension_numbers = #tpu.dot_dimension_numbers<[1], [0], [0], [1], [0, 0, 1, 1], [], []>, transpose_lhs_hint = false} : vector<2048x256xf32>, vector<256x128xf32>, vector<2048x128xf32> -> vector<2048x128xf32>
    %get3A_41 = arith.constant 0 : index
    %get3A_42 = arith.constant 0 : index
    %get3A_43 = vector.load %arg6[%get3A_41, %get3A_42] : memref<1x128xf32, #tpu.memory_space<vmem>>, vector<1x128xf32>
    %add3A = vector.broadcast %get3A_43 : vector<1x128xf32> to vector<2048x128xf32>
    %add3A_44 = arith.addf %dot_general3A_40, %add3A : vector<2048x128xf32>
    %max3A = arith.constant 0.000000e+00 : f32
    %max3A_45 = vector.broadcast %max3A : f32 to vector<2048x128xf32>
    %max3A_46 = arith.maximumf %add3A_44, %max3A_45 : vector<2048x128xf32>
    %reshape3A_47 = vector.shape_cast %max3A_46 : vector<2048x128xf32> to vector<4x512x128xf32>
    %swap3A = arith.constant 0 : index
    %swap3A_48 = arith.constant 0 : index
    %swap3A_49 = arith.constant 0 : index
    %swap3A_50 = arith.constant 0 : index
    %swap3A_51 = vector.load %arg9[%swap3A, %swap3A_48, %swap3A_49, %swap3A_50] : memref<1x4x512x128xf32, #tpu.memory_space<vmem>>, vector<1x4x512x128xf32>
    %swap3A_52 = vector.shape_cast %swap3A_51 : vector<1x4x512x128xf32> to vector<4x512x128xf32>
    %swap3A_53 = vector.shape_cast %reshape3A_47 : vector<4x512x128xf32> to vector<1x4x512x128xf32>
    tpu.vector_store %arg9[%swap3A, %swap3A_48, %swap3A_49, %swap3A_50], %swap3A_53 {strides = array<i32>} : memref<1x4x512x128xf32, #tpu.memory_space<vmem>>, vector<1x4x512x128xf32>,
    %get3A_54 = arith.constant 0 : index
    %get3A_55 = arith.constant 0 : index
    %get3A_56 = vector.load %arg7[%get3A_54, %get3A_55] : memref<128x256xf32, #tpu.memory_space<vmem>>, vector<128x256xf32>
    %dot_general3A_57 = arith.constant dense<0.000000e+00> : vector<2048x256xf32>
    %dot_general3A_58 = tpu.matmul %max3A_46, %get3A_56, %dot_general3A_57 {dimension_numbers = #tpu.dot_dimension_numbers<[1], [0], [0], [1], [0, 0, 1, 1], [], []>, transpose_lhs_hint = false} : vector<2048x128xf32>, vector<128x256xf32>, vector<2048x256xf32> -> vector<2048x256xf32>
    %get3A_59 = arith.constant 0 : index
    %get3A_60 = arith.constant 0 : index
    %get3A_61 = vector.load %arg8[%get3A_59, %get3A_60] : memref<1x256xf32, #tpu.memory_space<vmem>>, vector<1x256xf32>
    %add3A_62 = vector.broadcast %get3A_61 : vector<1x256xf32> to vector<2048x256xf32>
    %add3A_63 = arith.addf %dot_general3A_58, %add3A_62 : vector<2048x256xf32>
    %reshape3A_64 = vector.shape_cast %add3A_63 : vector<2048x256xf32> to vector<4x512x256xf32>
    %swap3A_65 = arith.constant 0 : index
    %swap3A_66 = arith.constant 0 : index
    %swap3A_67 = arith.constant 0 : index
    %swap3A_68 = arith.constant 0 : index
    %swap3A_69 = vector.load %arg10[%swap3A_65, %swap3A_66, %swap3A_67, %swap3A_68] : memref<1x4x512x256xf32, #tpu.memory_space<vmem>>, vector<1x4x512x256xf32>
    %swap3A_70 = vector.shape_cast %swap3A_69 : vector<1x4x512x256xf32> to vector<4x512x256xf32>
    %swap3A_71 = vector.shape_cast %reshape3A_64 : vector<4x512x256xf32> to vector<1x4x512x256xf32>
    tpu.vector_store %arg10[%swap3A_65, %swap3A_66, %swap3A_67, %swap3A_68], %swap3A_71 {strides = array<i32>} : memref<1x4x512x256xf32, #tpu.memory_space<vmem>>, vector<1x4x512x256xf32>,
    return
  }
  func.func @transform_0(%arg0: i32, %arg1: i32) -> (i32, i32, i32, i32) {
    %c0_i32 = arith.constant 0 : i32
    %c0_i32_0 = arith.constant 0 : i32
    %c0_i32_1 = arith.constant 0 : i32
    return %arg0, %c0_i32, %arg1, %c0_i32_0 : i32, i32, i32, i32
  }
  func.func @transform_1(%arg0: i32, %arg1: i32) -> (i32, i32, i32, i32) {
    %c0_i32 = arith.constant 0 : i32
    %c0_i32_0 = arith.constant 0 : i32
    %c0_i32_1 = arith.constant 0 : i32
    return %arg0, %c0_i32, %arg1, %c0_i32_0 : i32, i32, i32, i32
  }
  func.func @transform_2(%arg0: i32, %arg1: i32) -> (i32, i32, i32, i32) {
    %c0_i32 = arith.constant 0 : i32
    %c0_i32_0 = arith.constant 0 : i32
    %c0_i32_1 = arith.constant 0 : i32
    return %arg0, %c0_i32, %arg1, %c0_i32_0 : i32, i32, i32, i32
  }
  func.func @transform_3(%arg0: i32, %arg1: i32) -> (i32, i32) {
    %c0_i32 = arith.constant 0 : i32
    %c0_i32_0 = arith.constant 0 : i32
    %c0_i32_1 = arith.constant 0 : i32
    return %c0_i32, %c0_i32_0 : i32, i32
  }
  func.func @transform_4(%arg0: i32, %arg1: i32) -> (i32, i32) {
    %c0_i32 = arith.constant 0 : i32
    %c0_i32_0 = arith.constant 0 : i32
    %c0_i32_1 = arith.constant 0 : i32
    return %c0_i32, %c0_i32_0 : i32, i32
  }
  func.func @transform_5(%arg0: i32, %arg1: i32) -> (i32, i32) {
    %c0_i32 = arith.constant 0 : i32
    %c0_i32_0 = arith.constant 0 : i32
    %c0_i32_1 = arith.constant 0 : i32
    return %c0_i32, %c0_i32_0 : i32, i32
  }
  func.func @transform_6(%arg0: i32, %arg1: i32) -> (i32, i32) {
    %c0_i32 = arith.constant 0 : i32
    %c0_i32_0 = arith.constant 0 : i32
    %c0_i32_1 = arith.constant 0 : i32
    return %c0_i32, %c0_i32_0 : i32, i32
  }
  func.func @transform_7(%arg0: i32, %arg1: i32) -> (i32, i32, i32, i32) {
    %c0_i32 = arith.constant 0 : i32
    %c0_i32_0 = arith.constant 0 : i32
    %c0_i32_1 = arith.constant 0 : i32
    return %arg0, %c0_i32, %arg1, %c0_i32_0 : i32, i32, i32, i32
  }
  func.func @transform_8(%arg0: i32, %arg1: i32) -> (i32, i32, i32, i32) {
    %c0_i32 = arith.constant 0 : i32
    %c0_i32_0 = arith.constant 0 : i32
    %c0_i32_1 = arith.constant 0 : i32
    return %arg0, %c0_i32, %arg1, %c0_i32_0 : i32, i32, i32, i32
  }
}

module attributes {stable_mosaic.version = 14 : i64} {
  func.func @_k1_body(%arg0: i32, %arg1: i32, %arg2: memref<1x64x128xf32, #tpu.memory_space<vmem>>, %arg3: memref<1x640x256xf32, #tpu.memory_space<vmem>>, %arg4: memref<1x640x256xf32, #tpu.memory_space<vmem>>, %arg5: memref<1x64x10xf32, #tpu.memory_space<vmem>>, %arg6: memref<1x64x1xf32, #tpu.memory_space<vmem>>, %arg7: memref<1x64x128xf32, #tpu.memory_space<vmem>>, %arg8: memref<128x128xf32, #tpu.memory_space<vmem>>, %arg9: memref<1x128xf32, #tpu.memory_space<vmem>>, %arg10: memref<256x128xf32, #tpu.memory_space<vmem>>, %arg11: memref<1x128xf32, #tpu.memory_space<vmem>>, %arg12: memref<256x128xf32, #tpu.memory_space<vmem>>, %arg13: memref<1x128xf32, #tpu.memory_space<vmem>>, %arg14: memref<256x128xf32, #tpu.memory_space<vmem>>, %arg15: memref<1x128xf32, #tpu.memory_space<vmem>>, %arg16: memref<128x128xf32, #tpu.memory_space<vmem>>, %arg17: memref<1x128xf32, #tpu.memory_space<vmem>>, %arg18: memref<1x128xf32, #tpu.memory_space<vmem>>, %arg19: memref<1x1xf32, #tpu.memory_space<vmem>>, %arg20: memref<1x64x128xf32, #tpu.memory_space<vmem>>, %arg21: memref<1x64x128xf32, #tpu.memory_space<vmem>>, %arg22: memref<1x64x4xf32, #tpu.memory_space<vmem>>) attributes {dimension_semantics = [#tpu.dimension_semantics<arbitrary>, #tpu.dimension_semantics<arbitrary>], iteration_bounds = array<i64: 4, 64>, scalar_prefetch = 0 : i64, scratch_operands = 0 : i64, tpu.core_type = #tpu.core_type<tc>, window_params = [{transform_indices = @transform_0, window_bounds = array<i64: 1, 64, 128>}, {transform_indices = @transform_1, window_bounds = array<i64: 1, 640, 256>}, {transform_indices = @transform_2, window_bounds = array<i64: 1, 640, 256>}, {transform_indices = @transform_3, window_bounds = array<i64: 1, 64, 10>}, {transform_indices = @transform_4, window_bounds = array<i64: 1, 64, 1>}, {transform_indices = @transform_5, window_bounds = array<i64: 1, 64, 128>}, {pipeline_mode = #tpu.pipeline_mode<synchronous>, transform_indices = @transform_6, window_bounds = array<i64: 128, 128>}, {pipeline_mode = #tpu.pipeline_mode<synchronous>, transform_indices = @transform_7, window_bounds = array<i64: 1, 128>}, {pipeline_mode = #tpu.pipeline_mode<synchronous>, transform_indices = @transform_8, window_bounds = array<i64: 256, 128>}, {pipeline_mode = #tpu.pipeline_mode<synchronous>, transform_indices = @transform_9, window_bounds = array<i64: 1, 128>}, {pipeline_mode = #tpu.pipeline_mode<synchronous>, transform_indices = @transform_10, window_bounds = array<i64: 256, 128>}, {pipeline_mode = #tpu.pipeline_mode<synchronous>, transform_indices = @transform_11, window_bounds = array<i64: 1, 128>}, {pipeline_mode = #tpu.pipeline_mode<synchronous>, transform_indices = @transform_12, window_bounds = array<i64: 256, 128>}, {pipeline_mode = #tpu.pipeline_mode<synchronous>, transform_indices = @transform_13, window_bounds = array<i64: 1, 128>}, {pipeline_mode = #tpu.pipeline_mode<synchronous>, transform_indices = @transform_14, window_bounds = array<i64: 128, 128>}, {pipeline_mode = #tpu.pipeline_mode<synchronous>, transform_indices = @transform_15, window_bounds = array<i64: 1, 128>}, {pipeline_mode = #tpu.pipeline_mode<synchronous>, transform_indices = @transform_16, window_bounds = array<i64: 1, 128>}, {pipeline_mode = #tpu.pipeline_mode<synchronous>, transform_indices = @transform_17, window_bounds = array<i64: 1, 1>}, {transform_indices = @transform_18, window_bounds = array<i64: 1, 64, 128>}, {transform_indices = @transform_19, window_bounds = array<i64: 1, 64, 128>}, {transform_indices = @transform_20, window_bounds = array<i64: 1, 64, 4>}]} {
    %get3A = arith.constant 0 : index
    %get3A_0 = arith.constant 0 : index
    %get3A_1 = arith.constant 0 : index
    %get3A_2 = vector.load %arg2[%get3A, %get3A_0, %get3A_1] : memref<1x64x128xf32, #tpu.memory_space<vmem>>, vector<1x64x128xf32>
    %get3A_3 = vector.shape_cast %get3A_2 : vector<1x64x128xf32> to vector<64x128xf32>
    %get3A_4 = arith.constant 0 : index
    %get3A_5 = arith.constant 0 : index
    %get3A_6 = arith.constant 0 : index
    %get3A_7 = vector.load %arg3[%get3A_4, %get3A_5, %get3A_6] : memref<1x640x256xf32, #tpu.memory_space<vmem>>, vector<1x640x256xf32>
    %get3A_8 = vector.shape_cast %get3A_7 : vector<1x640x256xf32> to vector<640x256xf32>
    %reshape3A = vector.shape_cast %get3A_8 : vector<640x256xf32> to vector<64x10x256xf32>
    %get3A_9 = arith.constant 0 : index
    %get3A_10 = arith.constant 0 : index
    %get3A_11 = arith.constant 0 : index
    %get3A_12 = vector.load %arg4[%get3A_9, %get3A_10, %get3A_11] : memref<1x640x256xf32, #tpu.memory_space<vmem>>, vector<1x640x256xf32>
    %get3A_13 = vector.shape_cast %get3A_12 : vector<1x640x256xf32> to vector<640x256xf32>
    %reshape3A_14 = vector.shape_cast %get3A_13 : vector<640x256xf32> to vector<64x10x256xf32>
    %get3A_15 = arith.constant 0 : index
    %get3A_16 = arith.constant 0 : index
    %get3A_17 = arith.constant 0 : index
    %get3A_18 = vector.load %arg5[%get3A_15, %get3A_16, %get3A_17] : memref<1x64x10xf32, #tpu.memory_space<vmem>>, vector<1x64x10xf32>
    %get3A_19 = vector.shape_cast %get3A_18 : vector<1x64x10xf32> to vector<64x10xf32>
    %reshape3A_20 = vector.shape_cast %get3A_19 : vector<64x10xf32> to vector<64x10x1xf32>
    %slice3A = vector.extract_strided_slice %reshape3A {offsets = [0, 0, 0], sizes = [64, 10, 128], strides = [1, 1, 1]} : vector<64x10x256xf32> to vector<64x10x128xf32>
    %slice3A_21 = vector.extract_strided_slice %reshape3A {offsets = [0, 0, 128], sizes = [64, 10, 128], strides = [1, 1, 1]} : vector<64x10x256xf32> to vector<64x10x128xf32>
    %slice3A_22 = vector.extract_strided_slice %reshape3A_14 {offsets = [0, 0, 0], sizes = [64, 10, 128], strides = [1, 1, 1]} : vector<64x10x256xf32> to vector<64x10x128xf32>
    %slice3A_23 = vector.extract_strided_slice %reshape3A_14 {offsets = [0, 0, 128], sizes = [64, 10, 128], strides = [1, 1, 1]} : vector<64x10x256xf32> to vector<64x10x128xf32>
    %mul3A = arith.mulf %slice3A, %slice3A_22 : vector<64x10x128xf32>
    %mul3A_24 = vector.broadcast %reshape3A_20 : vector<64x10x1xf32> to vector<64x10x128xf32>
    %mul3A_25 = arith.mulf %mul3A, %mul3A_24 : vector<64x10x128xf32>
    %reduce_sum3A = arith.constant dense<0.000000e+00> : vector<64x128xf32>
    %reduce_sum3A_26 = vector.multi_reduction <add>, %mul3A_25, %reduce_sum3A [1] : vector<64x10x128xf32> to vector<64x128xf32>
    %get3A_27 = arith.constant 0 : index
    %get3A_28 = arith.constant 0 : index
    %get3A_29 = vector.load %arg8[%get3A_27, %get3A_28] : memref<128x128xf32, #tpu.memory_space<vmem>>, vector<128x128xf32>
    %dot_general3A = arith.constant dense<0.000000e+00> : vector<64x128xf32>
    %dot_general3A_30 = tpu.matmul %get3A_3, %get3A_29, %dot_general3A {dimension_numbers = #tpu.dot_dimension_numbers<[1], [0], [0], [1], [0, 0, 1, 1], [], []>, transpose_lhs_hint = false} : vector<64x128xf32>, vector<128x128xf32>, vector<64x128xf32> -> vector<64x128xf32>
    %get3A_31 = arith.constant 0 : index
    %get3A_32 = arith.constant 0 : index
    %get3A_33 = vector.load %arg9[%get3A_31, %get3A_32] : memref<1x128xf32, #tpu.memory_space<vmem>>, vector<1x128xf32>
    %add3A = vector.broadcast %get3A_33 : vector<1x128xf32> to vector<64x128xf32>
    %add3A_34 = arith.addf %dot_general3A_30, %add3A : vector<64x128xf32>
    %get3A_35 = arith.constant 0 : index
    %get3A_36 = arith.constant 0 : index
    %get3A_37 = arith.constant 0 : index
    %get3A_38 = vector.load %arg7[%get3A_35, %get3A_36, %get3A_37] : memref<1x64x128xf32, #tpu.memory_space<vmem>>, vector<1x64x128xf32>
    %get3A_39 = vector.shape_cast %get3A_38 : vector<1x64x128xf32> to vector<64x128xf32>
    %mul3A_40 = arith.mulf %reduce_sum3A_26, %add3A_34 : vector<64x128xf32>
    %get3A_41 = arith.constant 0 : index
    %get3A_42 = arith.constant 0 : index
    %get3A_43 = arith.constant 0 : index
    %get3A_44 = vector.load %arg6[%get3A_41, %get3A_42, %get3A_43] : memref<1x64x1xf32, #tpu.memory_space<vmem>>, vector<1x64x1xf32>
    %get3A_45 = vector.shape_cast %get3A_44 : vector<1x64x1xf32> to vector<64x1xf32>
    %mul3A_46 = vector.broadcast %get3A_45 : vector<64x1xf32> to vector<64x128xf32>
    %mul3A_47 = arith.mulf %mul3A_40, %mul3A_46 : vector<64x128xf32>
    %mul3A_48 = arith.constant 0.333333343 : f32
    %mul3A_49 = vector.broadcast %mul3A_48 : f32 to vector<64x128xf32>
    %mul3A_50 = arith.mulf %mul3A_47, %mul3A_49 : vector<64x128xf32>
    %add3A_51 = arith.addf %get3A_39, %mul3A_50 : vector<64x128xf32>
    %swap3A = arith.constant 0 : index
    %swap3A_52 = arith.constant 0 : index
    %swap3A_53 = arith.constant 0 : index
    %swap3A_54 = vector.load %arg20[%swap3A, %swap3A_52, %swap3A_53] : memref<1x64x128xf32, #tpu.memory_space<vmem>>, vector<1x64x128xf32>
    %swap3A_55 = vector.shape_cast %swap3A_54 : vector<1x64x128xf32> to vector<64x128xf32>
    %swap3A_56 = vector.shape_cast %add3A_51 : vector<64x128xf32> to vector<1x64x128xf32>
    tpu.vector_store %arg20[%swap3A, %swap3A_52, %swap3A_53], %swap3A_56 {strides = array<i32>} : memref<1x64x128xf32, #tpu.memory_space<vmem>>, vector<1x64x128xf32>,
    %add3A_57 = arith.addf %slice3A_21, %slice3A_23 : vector<64x10x128xf32>
    %max3A = arith.constant 0.000000e+00 : f32
    %max3A_58 = vector.broadcast %max3A : f32 to vector<64x10x128xf32>
    %max3A_59 = arith.maximumf %add3A_57, %max3A_58 : vector<64x10x128xf32>
    %mul3A_60 = vector.broadcast %reshape3A_20 : vector<64x10x1xf32> to vector<64x10x128xf32>
    %mul3A_61 = arith.mulf %max3A_59, %mul3A_60 : vector<64x10x128xf32>
    %concatenate3A = tpu.concatenate %mul3A_61, %slice3A_22 in 2 : vector<64x10x128xf32>, vector<64x10x128xf32> -> vector<64x10x256xf32>
    %reshape3A_62 = vector.shape_cast %concatenate3A : vector<64x10x256xf32> to vector<640x256xf32>
    %get3A_63 = arith.constant 0 : index
    %get3A_64 = arith.constant 0 : index
    %get3A_65 = vector.load %arg10[%get3A_63, %get3A_64] : memref<256x128xf32, #tpu.memory_space<vmem>>, vector<256x128xf32>
    %dot_general3A_66 = arith.constant dense<0.000000e+00> : vector<640x128xf32>
    %dot_general3A_67 = tpu.matmul %reshape3A_62, %get3A_65, %dot_general3A_66 {dimension_numbers = #tpu.dot_dimension_numbers<[1], [0], [0], [1], [0, 0, 1, 1], [], []>, transpose_lhs_hint = false} : vector<640x256xf32>, vector<256x128xf32>, vector<640x128xf32> -> vector<640x128xf32>
    %get3A_68 = arith.constant 0 : index
    %get3A_69 = arith.constant 0 : index
    %get3A_70 = vector.load %arg11[%get3A_68, %get3A_69] : memref<1x128xf32, #tpu.memory_space<vmem>>, vector<1x128xf32>
    %add3A_71 = vector.broadcast %get3A_70 : vector<1x128xf32> to vector<640x128xf32>
    %add3A_72 = arith.addf %dot_general3A_67, %add3A_71 : vector<640x128xf32>
    %get3A_73 = arith.constant 0 : index
    %get3A_74 = arith.constant 0 : index
    %get3A_75 = vector.load %arg12[%get3A_73, %get3A_74] : memref<256x128xf32, #tpu.memory_space<vmem>>, vector<256x128xf32>
    %dot_general3A_76 = arith.constant dense<0.000000e+00> : vector<640x128xf32>
    %dot_general3A_77 = tpu.matmul %reshape3A_62, %get3A_75, %dot_general3A_76 {dimension_numbers = #tpu.dot_dimension_numbers<[1], [0], [0], [1], [0, 0, 1, 1], [], []>, transpose_lhs_hint = false} : vector<640x256xf32>, vector<256x128xf32>, vector<640x128xf32> -> vector<640x128xf32>
    %get3A_78 = arith.constant 0 : index
    %get3A_79 = arith.constant 0 : index
    %get3A_80 = vector.load %arg13[%get3A_78, %get3A_79] : memref<1x128xf32, #tpu.memory_space<vmem>>, vector<1x128xf32>
    %add3A_81 = vector.broadcast %get3A_80 : vector<1x128xf32> to vector<640x128xf32>
    %add3A_82 = arith.addf %dot_general3A_77, %add3A_81 : vector<640x128xf32>
    %get3A_83 = arith.constant 0 : index
    %get3A_84 = arith.constant 0 : index
    %get3A_85 = vector.load %arg14[%get3A_83, %get3A_84] : memref<256x128xf32, #tpu.memory_space<vmem>>, vector<256x128xf32>
    %dot_general3A_86 = arith.constant dense<0.000000e+00> : vector<640x128xf32>
    %dot_general3A_87 = tpu.matmul %reshape3A_62, %get3A_85, %dot_general3A_86 {dimension_numbers = #tpu.dot_dimension_numbers<[1], [0], [0], [1], [0, 0, 1, 1], [], []>, transpose_lhs_hint = false} : vector<640x256xf32>, vector<256x128xf32>, vector<640x128xf32> -> vector<640x128xf32>
    %get3A_88 = arith.constant 0 : index
    %get3A_89 = arith.constant 0 : index
    %get3A_90 = vector.load %arg15[%get3A_88, %get3A_89] : memref<1x128xf32, #tpu.memory_space<vmem>>, vector<1x128xf32>
    %add3A_91 = vector.broadcast %get3A_90 : vector<1x128xf32> to vector<640x128xf32>
    %add3A_92 = arith.addf %dot_general3A_87, %add3A_91 : vector<640x128xf32>
    %get3A_93 = arith.constant 0 : index
    %get3A_94 = arith.constant 0 : index
    %get3A_95 = vector.load %arg16[%get3A_93, %get3A_94] : memref<128x128xf32, #tpu.memory_space<vmem>>, vector<128x128xf32>
    %dot_general3A_96 = arith.constant dense<0.000000e+00> : vector<64x128xf32>
    %dot_general3A_97 = tpu.matmul %get3A_3, %get3A_95, %dot_general3A_96 {dimension_numbers = #tpu.dot_dimension_numbers<[1], [0], [0], [1], [0, 0, 1, 1], [], []>, transpose_lhs_hint = false} : vector<64x128xf32>, vector<128x128xf32>, vector<64x128xf32> -> vector<64x128xf32>
    %get3A_98 = arith.constant 0 : index
    %get3A_99 = arith.constant 0 : index
    %get3A_100 = vector.load %arg17[%get3A_98, %get3A_99] : memref<1x128xf32, #tpu.memory_space<vmem>>, vector<1x128xf32>
    %add3A_101 = vector.broadcast %get3A_100 : vector<1x128xf32> to vector<64x128xf32>
    %add3A_102 = arith.addf %dot_general3A_97, %add3A_101 : vector<64x128xf32>
    %reshape3A_103 = vector.shape_cast %add3A_72 : vector<640x128xf32> to vector<64x10x128xf32>
    %reshape3A_104 = vector.shape_cast %add3A_82 : vector<640x128xf32> to vector<64x10x128xf32>
    %reshape3A_105 = vector.shape_cast %add3A_92 : vector<640x128xf32> to vector<64x10x128xf32>
    %get3A_106 = arith.constant 0 : index
    %get3A_107 = arith.constant 0 : index
    %get3A_108 = vector.load %arg18[%get3A_106, %get3A_107] : memref<1x128xf32, #tpu.memory_space<vmem>>, vector<1x128xf32>
    %slice3A_109 = vector.extract_strided_slice %add3A_102 {offsets = [0, 0], sizes = [64, 32], strides = [1, 1]} : vector<64x128xf32> to vector<64x32xf32>
    %slice3A_110 = vector.extract_strided_slice %reshape3A_103 {offsets = [0, 0, 0], sizes = [64, 1, 32], strides = [1, 1, 1]} : vector<64x10x128xf32> to vector<64x1x32xf32>
    %squeeze3A = vector.shape_cast %slice3A_110 : vector<64x1x32xf32> to vector<64x32xf32>
    %mul3A_111 = arith.mulf %slice3A_109, %squeeze3A : vector<64x32xf32>
    %reduce_sum3A_112 = arith.constant dense<0.000000e+00> : vector<64xf32>
    %reduce_sum3A_113 = vector.multi_reduction <add>, %mul3A_111, %reduce_sum3A_112 [1] : vector<64x32xf32> to vector<64xf32>
    %broadcast_in_dim3A = vector.shape_cast %reduce_sum3A_113 : vector<64xf32> to vector<64x1xf32>
    %slice3A_114 = vector.extract_strided_slice %reshape3A_103 {offsets = [0, 0, 32], sizes = [64, 1, 32], strides = [1, 1, 1]} : vector<64x10x128xf32> to vector<64x1x32xf32>
    %squeeze3A_115 = vector.shape_cast %slice3A_114 : vector<64x1x32xf32> to vector<64x32xf32>
    %mul3A_116 = arith.mulf %slice3A_109, %squeeze3A_115 : vector<64x32xf32>
    %reduce_sum3A_117 = arith.constant dense<0.000000e+00> : vector<64xf32>
    %reduce_sum3A_118 = vector.multi_reduction <add>, %mul3A_116, %reduce_sum3A_117 [1] : vector<64x32xf32> to vector<64xf32>
    %broadcast_in_dim3A_119 = vector.shape_cast %reduce_sum3A_118 : vector<64xf32> to vector<64x1xf32>
    %slice3A_120 = vector.extract_strided_slice %reshape3A_103 {offsets = [0, 0, 64], sizes = [64, 1, 32], strides = [1, 1, 1]} : vector<64x10x128xf32> to vector<64x1x32xf32>
    %squeeze3A_121 = vector.shape_cast %slice3A_120 : vector<64x1x32xf32> to vector<64x32xf32>
    %mul3A_122 = arith.mulf %slice3A_109, %squeeze3A_121 : vector<64x32xf32>
    %reduce_sum3A_123 = arith.constant dense<0.000000e+00> : vector<64xf32>
    %reduce_sum3A_124 = vector.multi_reduction <add>, %mul3A_122, %reduce_sum3A_123 [1] : vector<64x32xf32> to vector<64xf32>
    %broadcast_in_dim3A_125 = vector.shape_cast %reduce_sum3A_124 : vector<64xf32> to vector<64x1xf32>
    %slice3A_126 = vector.extract_strided_slice %reshape3A_103 {offsets = [0, 0, 96], sizes = [64, 1, 32], strides = [1, 1, 1]} : vector<64x10x128xf32> to vector<64x1x32xf32>
    %squeeze3A_127 = vector.shape_cast %slice3A_126 : vector<64x1x32xf32> to vector<64x32xf32>
    %mul3A_128 = arith.mulf %slice3A_109, %squeeze3A_127 : vector<64x32xf32>
    %reduce_sum3A_129 = arith.constant dense<0.000000e+00> : vector<64xf32>
    %reduce_sum3A_130 = vector.multi_reduction <add>, %mul3A_128, %reduce_sum3A_129 [1] : vector<64x32xf32> to vector<64xf32>
    %broadcast_in_dim3A_131 = vector.shape_cast %reduce_sum3A_130 : vector<64xf32> to vector<64x1xf32>
    %slice3A_132 = vector.extract_strided_slice %reshape3A_103 {offsets = [0, 1, 0], sizes = [64, 1, 32], strides = [1, 1, 1]} : vector<64x10x128xf32> to vector<64x1x32xf32>
    %squeeze3A_133 = vector.shape_cast %slice3A_132 : vector<64x1x32xf32> to vector<64x32xf32>
    %mul3A_134 = arith.mulf %slice3A_109, %squeeze3A_133 : vector<64x32xf32>
    %reduce_sum3A_135 = arith.constant dense<0.000000e+00> : vector<64xf32>
    %reduce_sum3A_136 = vector.multi_reduction <add>, %mul3A_134, %reduce_sum3A_135 [1] : vector<64x32xf32> to vector<64xf32>
    %broadcast_in_dim3A_137 = vector.shape_cast %reduce_sum3A_136 : vector<64xf32> to vector<64x1xf32>
    %slice3A_138 = vector.extract_strided_slice %reshape3A_103 {offsets = [0, 1, 32], sizes = [64, 1, 32], strides = [1, 1, 1]} : vector<64x10x128xf32> to vector<64x1x32xf32>
    %squeeze3A_139 = vector.shape_cast %slice3A_138 : vector<64x1x32xf32> to vector<64x32xf32>
    %mul3A_140 = arith.mulf %slice3A_109, %squeeze3A_139 : vector<64x32xf32>
    %reduce_sum3A_141 = arith.constant dense<0.000000e+00> : vector<64xf32>
    %reduce_sum3A_142 = vector.multi_reduction <add>, %mul3A_140, %reduce_sum3A_141 [1] : vector<64x32xf32> to vector<64xf32>
    %broadcast_in_dim3A_143 = vector.shape_cast %reduce_sum3A_142 : vector<64xf32> to vector<64x1xf32>
    %slice3A_144 = vector.extract_strided_slice %reshape3A_103 {offsets = [0, 1, 64], sizes = [64, 1, 32], strides = [1, 1, 1]} : vector<64x10x128xf32> to vector<64x1x32xf32>
    %squeeze3A_145 = vector.shape_cast %slice3A_144 : vector<64x1x32xf32> to vector<64x32xf32>
    %mul3A_146 = arith.mulf %slice3A_109, %squeeze3A_145 : vector<64x32xf32>
    %reduce_sum3A_147 = arith.constant dense<0.000000e+00> : vector<64xf32>
    %reduce_sum3A_148 = vector.multi_reduction <add>, %mul3A_146, %reduce_sum3A_147 [1] : vector<64x32xf32> to vector<64xf32>
    %broadcast_in_dim3A_149 = vector.shape_cast %reduce_sum3A_148 : vector<64xf32> to vector<64x1xf32>
    %slice3A_150 = vector.extract_strided_slice %reshape3A_103 {offsets = [0, 1, 96], sizes = [64, 1, 32], strides = [1, 1, 1]} : vector<64x10x128xf32> to vector<64x1x32xf32>
    %squeeze3A_151 = vector.shape_cast %slice3A_150 : vector<64x1x32xf32> to vector<64x32xf32>
    %mul3A_152 = arith.mulf %slice3A_109, %squeeze3A_151 : vector<64x32xf32>
    %reduce_sum3A_153 = arith.constant dense<0.000000e+00> : vector<64xf32>
    %reduce_sum3A_154 = vector.multi_reduction <add>, %mul3A_152, %reduce_sum3A_153 [1] : vector<64x32xf32> to vector<64xf32>
    %broadcast_in_dim3A_155 = vector.shape_cast %reduce_sum3A_154 : vector<64xf32> to vector<64x1xf32>
    %slice3A_156 = vector.extract_strided_slice %reshape3A_103 {offsets = [0, 2, 0], sizes = [64, 1, 32], strides = [1, 1, 1]} : vector<64x10x128xf32> to vector<64x1x32xf32>
    %squeeze3A_157 = vector.shape_cast %slice3A_156 : vector<64x1x32xf32> to vector<64x32xf32>
    %mul3A_158 = arith.mulf %slice3A_109, %squeeze3A_157 : vector<64x32xf32>
    %reduce_sum3A_159 = arith.constant dense<0.000000e+00> : vector<64xf32>
    %reduce_sum3A_160 = vector.multi_reduction <add>, %mul3A_158, %reduce_sum3A_159 [1] : vector<64x32xf32> to vector<64xf32>
    %broadcast_in_dim3A_161 = vector.shape_cast %reduce_sum3A_160 : vector<64xf32> to vector<64x1xf32>
    %slice3A_162 = vector.extract_strided_slice %reshape3A_103 {offsets = [0, 2, 32], sizes = [64, 1, 32], strides = [1, 1, 1]} : vector<64x10x128xf32> to vector<64x1x32xf32>
    %squeeze3A_163 = vector.shape_cast %slice3A_162 : vector<64x1x32xf32> to vector<64x32xf32>
    %mul3A_164 = arith.mulf %slice3A_109, %squeeze3A_163 : vector<64x32xf32>
    %reduce_sum3A_165 = arith.constant dense<0.000000e+00> : vector<64xf32>
    %reduce_sum3A_166 = vector.multi_reduction <add>, %mul3A_164, %reduce_sum3A_165 [1] : vector<64x32xf32> to vector<64xf32>
    %broadcast_in_dim3A_167 = vector.shape_cast %reduce_sum3A_166 : vector<64xf32> to vector<64x1xf32>
    %concatenate3A_168 = tpu.concatenate %broadcast_in_dim3A, %broadcast_in_dim3A_119, %broadcast_in_dim3A_125, %broadcast_in_dim3A_131, %broadcast_in_dim3A_137, %broadcast_in_dim3A_143, %broadcast_in_dim3A_149, %broadcast_in_dim3A_155, %broadcast_in_dim3A_161, %broadcast_in_dim3A_167 in 1 : vector<64x1xf32>, vector<64x1xf32>, vector<64x1xf32>, vector<64x1xf32>, vector<64x1xf32>, vector<64x1xf32>, vector<64x1xf32>, vector<64x1xf32>, vector<64x1xf32>, vector<64x1xf32> -> vector<64x10xf32>
    %reduce_max3A = arith.constant dense<0xFF800000> : vector<64xf32>
    %reduce_max3A_169 = vector.multi_reduction <maximumf>, %concatenate3A_168, %reduce_max3A [1] : vector<64x10xf32> to vector<64xf32>
    %broadcast_in_dim3A_170 = vector.shape_cast %reduce_max3A_169 : vector<64xf32> to vector<64x1xf32>
    %sub3A = vector.broadcast %broadcast_in_dim3A_170 : vector<64x1xf32> to vector<64x10xf32>
    %sub3A_171 = arith.subf %concatenate3A_168, %sub3A : vector<64x10xf32>
    %exp3A = math.exp %sub3A_171 : vector<64x10xf32>
    %reduce_sum3A_172 = arith.constant dense<0.000000e+00> : vector<64xf32>
    %reduce_sum3A_173 = vector.multi_reduction <add>, %exp3A, %reduce_sum3A_172 [1] : vector<64x10xf32> to vector<64xf32>
    %broadcast_in_dim3A_174 = vector.shape_cast %reduce_sum3A_173 : vector<64xf32> to vector<64x1xf32>
    %div3A = vector.broadcast %broadcast_in_dim3A_174 : vector<64x1xf32> to vector<64x10xf32>
    %div3A_175 = arith.divf %exp3A, %div3A : vector<64x10xf32>
    %broadcast_in_dim3A_176 = arith.constant 0.000000e+00 : f32
    %broadcast_in_dim3A_177 = vector.broadcast %broadcast_in_dim3A_176 : f32 to vector<64x32xf32>
    %slice3A_178 = vector.extract_strided_slice %reshape3A_104 {offsets = [0, 0, 0], sizes = [64, 1, 32], strides = [1, 1, 1]} : vector<64x10x128xf32> to vector<64x1x32xf32>
    %squeeze3A_179 = vector.shape_cast %slice3A_178 : vector<64x1x32xf32> to vector<64x32xf32>
    %slice3A_180 = vector.extract_strided_slice %reshape3A_105 {offsets = [0, 0, 0], sizes = [64, 1, 32], strides = [1, 1, 1]} : vector<64x10x128xf32> to vector<64x1x32xf32>
    %squeeze3A_181 = vector.shape_cast %slice3A_180 : vector<64x1x32xf32> to vector<64x32xf32>
    %slice3A_182 = vector.extract_strided_slice %div3A_175 {offsets = [0, 0], sizes = [64, 1], strides = [1, 1]} : vector<64x10xf32> to vector<64x1xf32>
    %mul3A_183 = vector.broadcast %slice3A_182 : vector<64x1xf32> to vector<64x32xf32>
    %mul3A_184 = arith.mulf %mul3A_183, %squeeze3A_179 : vector<64x32xf32>
    %add3A_185 = arith.addf %broadcast_in_dim3A_177, %mul3A_184 : vector<64x32xf32>
    %slice3A_186 = vector.extract_strided_slice %reshape3A_104 {offsets = [0, 0, 32], sizes = [64, 1, 32], strides = [1, 1, 1]} : vector<64x10x128xf32> to vector<64x1x32xf32>
    %squeeze3A_187 = vector.shape_cast %slice3A_186 : vector<64x1x32xf32> to vector<64x32xf32>
    %slice3A_188 = vector.extract_strided_slice %reshape3A_105 {offsets = [0, 0, 32], sizes = [64, 1, 32], strides = [1, 1, 1]} : vector<64x10x128xf32> to vector<64x1x32xf32>
    %squeeze3A_189 = vector.shape_cast %slice3A_188 : vector<64x1x32xf32> to vector<64x32xf32>
    %slice3A_190 = vector.extract_strided_slice %div3A_175 {offsets = [0, 1], sizes = [64, 1], strides = [1, 1]} : vector<64x10xf32> to vector<64x1xf32>
    %mul3A_191 = vector.broadcast %slice3A_190 : vector<64x1xf32> to vector<64x32xf32>
    %mul3A_192 = arith.mulf %mul3A_191, %squeeze3A_187 : vector<64x32xf32>
    %add3A_193 = arith.addf %add3A_185, %mul3A_192 : vector<64x32xf32>
    %max3A_194 = arith.maximumf %squeeze3A_181, %squeeze3A_189 : vector<64x32xf32>
    %slice3A_195 = vector.extract_strided_slice %reshape3A_104 {offsets = [0, 0, 64], sizes = [64, 1, 32], strides = [1, 1, 1]} : vector<64x10x128xf32> to vector<64x1x32xf32>
    %squeeze3A_196 = vector.shape_cast %slice3A_195 : vector<64x1x32xf32> to vector<64x32xf32>
    %slice3A_197 = vector.extract_strided_slice %reshape3A_105 {offsets = [0, 0, 64], sizes = [64, 1, 32], strides = [1, 1, 1]} : vector<64x10x128xf32> to vector<64x1x32xf32>
    %squeeze3A_198 = vector.shape_cast %slice3A_197 : vector<64x1x32xf32> to vector<64x32xf32>
    %slice3A_199 = vector.extract_strided_slice %div3A_175 {offsets = [0, 2], sizes = [64, 1], strides = [1, 1]} : vector<64x10xf32> to vector<64x1xf32>
    %mul3A_200 = vector.broadcast %slice3A_199 : vector<64x1xf32> to vector<64x32xf32>
    %mul3A_201 = arith.mulf %mul3A_200, %squeeze3A_196 : vector<64x32xf32>
    %add3A_202 = arith.addf %add3A_193, %mul3A_201 : vector<64x32xf32>
    %max3A_203 = arith.maximumf %max3A_194, %squeeze3A_198 : vector<64x32xf32>
    %slice3A_204 = vector.extract_strided_slice %reshape3A_104 {offsets = [0, 0, 96], sizes = [64, 1, 32], strides = [1, 1, 1]} : vector<64x10x128xf32> to vector<64x1x32xf32>
    %squeeze3A_205 = vector.shape_cast %slice3A_204 : vector<64x1x32xf32> to vector<64x32xf32>
    %slice3A_206 = vector.extract_strided_slice %reshape3A_105 {offsets = [0, 0, 96], sizes = [64, 1, 32], strides = [1, 1, 1]} : vector<64x10x128xf32> to vector<64x1x32xf32>
    %squeeze3A_207 = vector.shape_cast %slice3A_206 : vector<64x1x32xf32> to vector<64x32xf32>
    %slice3A_208 = vector.extract_strided_slice %div3A_175 {offsets = [0, 3], sizes = [64, 1], strides = [1, 1]} : vector<64x10xf32> to vector<64x1xf32>
    %mul3A_209 = vector.broadcast %slice3A_208 : vector<64x1xf32> to vector<64x32xf32>
    %mul3A_210 = arith.mulf %mul3A_209, %squeeze3A_205 : vector<64x32xf32>
    %add3A_211 = arith.addf %add3A_202, %mul3A_210 : vector<64x32xf32>
    %max3A_212 = arith.maximumf %max3A_203, %squeeze3A_207 : vector<64x32xf32>
    %slice3A_213 = vector.extract_strided_slice %reshape3A_104 {offsets = [0, 1, 0], sizes = [64, 1, 32], strides = [1, 1, 1]} : vector<64x10x128xf32> to vector<64x1x32xf32>
    %squeeze3A_214 = vector.shape_cast %slice3A_213 : vector<64x1x32xf32> to vector<64x32xf32>
    %slice3A_215 = vector.extract_strided_slice %reshape3A_105 {offsets = [0, 1, 0], sizes = [64, 1, 32], strides = [1, 1, 1]} : vector<64x10x128xf32> to vector<64x1x32xf32>
    %squeeze3A_216 = vector.shape_cast %slice3A_215 : vector<64x1x32xf32> to vector<64x32xf32>
    %slice3A_217 = vector.extract_strided_slice %div3A_175 {offsets = [0, 4], sizes = [64, 1], strides = [1, 1]} : vector<64x10xf32> to vector<64x1xf32>
    %mul3A_218 = vector.broadcast %slice3A_217 : vector<64x1xf32> to vector<64x32xf32>
    %mul3A_219 = arith.mulf %mul3A_218, %squeeze3A_214 : vector<64x32xf32>
    %add3A_220 = arith.addf %add3A_211, %mul3A_219 : vector<64x32xf32>
    %max3A_221 = arith.maximumf %max3A_212, %squeeze3A_216 : vector<64x32xf32>
    %slice3A_222 = vector.extract_strided_slice %reshape3A_104 {offsets = [0, 1, 32], sizes = [64, 1, 32], strides = [1, 1, 1]} : vector<64x10x128xf32> to vector<64x1x32xf32>
    %squeeze3A_223 = vector.shape_cast %slice3A_222 : vector<64x1x32xf32> to vector<64x32xf32>
    %slice3A_224 = vector.extract_strided_slice %reshape3A_105 {offsets = [0, 1, 32], sizes = [64, 1, 32], strides = [1, 1, 1]} : vector<64x10x128xf32> to vector<64x1x32xf32>
    %squeeze3A_225 = vector.shape_cast %slice3A_224 : vector<64x1x32xf32> to vector<64x32xf32>
    %slice3A_226 = vector.extract_strided_slice %div3A_175 {offsets = [0, 5], sizes = [64, 1], strides = [1, 1]} : vector<64x10xf32> to vector<64x1xf32>
    %mul3A_227 = vector.broadcast %slice3A_226 : vector<64x1xf32> to vector<64x32xf32>
    %mul3A_228 = arith.mulf %mul3A_227, %squeeze3A_223 : vector<64x32xf32>
    %add3A_229 = arith.addf %add3A_220, %mul3A_228 : vector<64x32xf32>
    %max3A_230 = arith.maximumf %max3A_221, %squeeze3A_225 : vector<64x32xf32>
    %slice3A_231 = vector.extract_strided_slice %reshape3A_104 {offsets = [0, 1, 64], sizes = [64, 1, 32], strides = [1, 1, 1]} : vector<64x10x128xf32> to vector<64x1x32xf32>
    %squeeze3A_232 = vector.shape_cast %slice3A_231 : vector<64x1x32xf32> to vector<64x32xf32>
    %slice3A_233 = vector.extract_strided_slice %reshape3A_105 {offsets = [0, 1, 64], sizes = [64, 1, 32], strides = [1, 1, 1]} : vector<64x10x128xf32> to vector<64x1x32xf32>
    %squeeze3A_234 = vector.shape_cast %slice3A_233 : vector<64x1x32xf32> to vector<64x32xf32>
    %slice3A_235 = vector.extract_strided_slice %div3A_175 {offsets = [0, 6], sizes = [64, 1], strides = [1, 1]} : vector<64x10xf32> to vector<64x1xf32>
    %mul3A_236 = vector.broadcast %slice3A_235 : vector<64x1xf32> to vector<64x32xf32>
    %mul3A_237 = arith.mulf %mul3A_236, %squeeze3A_232 : vector<64x32xf32>
    %add3A_238 = arith.addf %add3A_229, %mul3A_237 : vector<64x32xf32>
    %max3A_239 = arith.maximumf %max3A_230, %squeeze3A_234 : vector<64x32xf32>
    %slice3A_240 = vector.extract_strided_slice %reshape3A_104 {offsets = [0, 1, 96], sizes = [64, 1, 32], strides = [1, 1, 1]} : vector<64x10x128xf32> to vector<64x1x32xf32>
    %squeeze3A_241 = vector.shape_cast %slice3A_240 : vector<64x1x32xf32> to vector<64x32xf32>
    %slice3A_242 = vector.extract_strided_slice %reshape3A_105 {offsets = [0, 1, 96], sizes = [64, 1, 32], strides = [1, 1, 1]} : vector<64x10x128xf32> to vector<64x1x32xf32>
    %squeeze3A_243 = vector.shape_cast %slice3A_242 : vector<64x1x32xf32> to vector<64x32xf32>
    %slice3A_244 = vector.extract_strided_slice %div3A_175 {offsets = [0, 7], sizes = [64, 1], strides = [1, 1]} : vector<64x10xf32> to vector<64x1xf32>
    %mul3A_245 = vector.broadcast %slice3A_244 : vector<64x1xf32> to vector<64x32xf32>
    %mul3A_246 = arith.mulf %mul3A_245, %squeeze3A_241 : vector<64x32xf32>
    %add3A_247 = arith.addf %add3A_238, %mul3A_246 : vector<64x32xf32>
    %max3A_248 = arith.maximumf %max3A_239, %squeeze3A_243 : vector<64x32xf32>
    %slice3A_249 = vector.extract_strided_slice %reshape3A_104 {offsets = [0, 2, 0], sizes = [64, 1, 32], strides = [1, 1, 1]} : vector<64x10x128xf32> to vector<64x1x32xf32>
    %squeeze3A_250 = vector.shape_cast %slice3A_249 : vector<64x1x32xf32> to vector<64x32xf32>
    %slice3A_251 = vector.extract_strided_slice %reshape3A_105 {offsets = [0, 2, 0], sizes = [64, 1, 32], strides = [1, 1, 1]} : vector<64x10x128xf32> to vector<64x1x32xf32>
    %squeeze3A_252 = vector.shape_cast %slice3A_251 : vector<64x1x32xf32> to vector<64x32xf32>
    %slice3A_253 = vector.extract_strided_slice %div3A_175 {offsets = [0, 8], sizes = [64, 1], strides = [1, 1]} : vector<64x10xf32> to vector<64x1xf32>
    %mul3A_254 = vector.broadcast %slice3A_253 : vector<64x1xf32> to vector<64x32xf32>
    %mul3A_255 = arith.mulf %mul3A_254, %squeeze3A_250 : vector<64x32xf32>
    %add3A_256 = arith.addf %add3A_247, %mul3A_255 : vector<64x32xf32>
    %max3A_257 = arith.maximumf %max3A_248, %squeeze3A_252 : vector<64x32xf32>
    %slice3A_258 = vector.extract_strided_slice %reshape3A_104 {offsets = [0, 2, 32], sizes = [64, 1, 32], strides = [1, 1, 1]} : vector<64x10x128xf32> to vector<64x1x32xf32>
    %squeeze3A_259 = vector.shape_cast %slice3A_258 : vector<64x1x32xf32> to vector<64x32xf32>
    %slice3A_260 = vector.extract_strided_slice %reshape3A_105 {offsets = [0, 2, 32], sizes = [64, 1, 32], strides = [1, 1, 1]} : vector<64x10x128xf32> to vector<64x1x32xf32>
    %squeeze3A_261 = vector.shape_cast %slice3A_260 : vector<64x1x32xf32> to vector<64x32xf32>
    %slice3A_262 = vector.extract_strided_slice %div3A_175 {offsets = [0, 9], sizes = [64, 1], strides = [1, 1]} : vector<64x10xf32> to vector<64x1xf32>
    %mul3A_263 = vector.broadcast %slice3A_262 : vector<64x1xf32> to vector<64x32xf32>
    %mul3A_264 = arith.mulf %mul3A_263, %squeeze3A_259 : vector<64x32xf32>
    %add3A_265 = arith.addf %add3A_256, %mul3A_264 : vector<64x32xf32>
    %max3A_266 = arith.maximumf %max3A_257, %squeeze3A_261 : vector<64x32xf32>
    %broadcast_in_dim3A_267 = arith.constant 0.000000e+00 : f32
    %broadcast_in_dim3A_268 = vector.broadcast %broadcast_in_dim3A_267 : f32 to vector<64x64xf32>
    %slice3A_269 = vector.extract_strided_slice %concatenate3A {offsets = [0, 0, 0], sizes = [64, 1, 64], strides = [1, 1, 1]} : vector<64x10x256xf32> to vector<64x1x64xf32>
    %squeeze3A_270 = vector.shape_cast %slice3A_269 : vector<64x1x64xf32> to vector<64x64xf32>
    %add3A_271 = arith.addf %broadcast_in_dim3A_268, %squeeze3A_270 : vector<64x64xf32>
    %slice3A_272 = vector.extract_strided_slice %concatenate3A {offsets = [0, 0, 64], sizes = [64, 1, 64], strides = [1, 1, 1]} : vector<64x10x256xf32> to vector<64x1x64xf32>
    %squeeze3A_273 = vector.shape_cast %slice3A_272 : vector<64x1x64xf32> to vector<64x64xf32>
    %add3A_274 = arith.addf %add3A_271, %squeeze3A_273 : vector<64x64xf32>
    %slice3A_275 = vector.extract_strided_slice %concatenate3A {offsets = [0, 0, 128], sizes = [64, 1, 64], strides = [1, 1, 1]} : vector<64x10x256xf32> to vector<64x1x64xf32>
    %squeeze3A_276 = vector.shape_cast %slice3A_275 : vector<64x1x64xf32> to vector<64x64xf32>
    %add3A_277 = arith.addf %add3A_274, %squeeze3A_276 : vector<64x64xf32>
    %slice3A_278 = vector.extract_strided_slice %concatenate3A {offsets = [0, 0, 192], sizes = [64, 1, 64], strides = [1, 1, 1]} : vector<64x10x256xf32> to vector<64x1x64xf32>
    %squeeze3A_279 = vector.shape_cast %slice3A_278 : vector<64x1x64xf32> to vector<64x64xf32>
    %add3A_280 = arith.addf %add3A_277, %squeeze3A_279 : vector<64x64xf32>
    %slice3A_281 = vector.extract_strided_slice %concatenate3A {offsets = [0, 1, 0], sizes = [64, 1, 64], strides = [1, 1, 1]} : vector<64x10x256xf32> to vector<64x1x64xf32>
    %squeeze3A_282 = vector.shape_cast %slice3A_281 : vector<64x1x64xf32> to vector<64x64xf32>
    %add3A_283 = arith.addf %add3A_280, %squeeze3A_282 : vector<64x64xf32>
    %slice3A_284 = vector.extract_strided_slice %concatenate3A {offsets = [0, 1, 64], sizes = [64, 1, 64], strides = [1, 1, 1]} : vector<64x10x256xf32> to vector<64x1x64xf32>
    %squeeze3A_285 = vector.shape_cast %slice3A_284 : vector<64x1x64xf32> to vector<64x64xf32>
    %add3A_286 = arith.addf %add3A_283, %squeeze3A_285 : vector<64x64xf32>
    %slice3A_287 = vector.extract_strided_slice %concatenate3A {offsets = [0, 1, 128], sizes = [64, 1, 64], strides = [1, 1, 1]} : vector<64x10x256xf32> to vector<64x1x64xf32>
    %squeeze3A_288 = vector.shape_cast %slice3A_287 : vector<64x1x64xf32> to vector<64x64xf32>
    %add3A_289 = arith.addf %add3A_286, %squeeze3A_288 : vector<64x64xf32>
    %slice3A_290 = vector.extract_strided_slice %concatenate3A {offsets = [0, 1, 192], sizes = [64, 1, 64], strides = [1, 1, 1]} : vector<64x10x256xf32> to vector<64x1x64xf32>
    %squeeze3A_291 = vector.shape_cast %slice3A_290 : vector<64x1x64xf32> to vector<64x64xf32>
    %add3A_292 = arith.addf %add3A_289, %squeeze3A_291 : vector<64x64xf32>
    %slice3A_293 = vector.extract_strided_slice %concatenate3A {offsets = [0, 2, 0], sizes = [64, 1, 64], strides = [1, 1, 1]} : vector<64x10x256xf32> to vector<64x1x64xf32>
    %squeeze3A_294 = vector.shape_cast %slice3A_293 : vector<64x1x64xf32> to vector<64x64xf32>
    %add3A_295 = arith.addf %add3A_292, %squeeze3A_294 : vector<64x64xf32>
    %slice3A_296 = vector.extract_strided_slice %concatenate3A {offsets = [0, 2, 64], sizes = [64, 1, 64], strides = [1, 1, 1]} : vector<64x10x256xf32> to vector<64x1x64xf32>
    %squeeze3A_297 = vector.shape_cast %slice3A_296 : vector<64x1x64xf32> to vector<64x64xf32>
    %add3A_298 = arith.addf %add3A_295, %squeeze3A_297 : vector<64x64xf32>
    %mul3A_299 = arith.constant 1.000000e-01 : f32
    %mul3A_300 = vector.broadcast %mul3A_299 : f32 to vector<64x64xf32>
    %mul3A_301 = arith.mulf %add3A_298, %mul3A_300 : vector<64x64xf32>
    %slice3A_302 = vector.extract_strided_slice %get3A_3 {offsets = [0, 0], sizes = [64, 32], strides = [1, 1]} : vector<64x128xf32> to vector<64x32xf32>
    %slice3A_303 = vector.extract_strided_slice %get3A_108 {offsets = [0, 0], sizes = [1, 32], strides = [1, 1]} : vector<1x128xf32> to vector<1x32xf32>
    %mul3A_304 = vector.broadcast %slice3A_303 : vector<1x32xf32> to vector<64x32xf32>
    %mul3A_305 = arith.mulf %slice3A_302, %mul3A_304 : vector<64x32xf32>
    %reduce_sum3A_306 = arith.constant dense<0.000000e+00> : vector<64xf32>
    %reduce_sum3A_307 = vector.multi_reduction <add>, %mul3A_305, %reduce_sum3A_306 [1] : vector<64x32xf32> to vector<64xf32>
    %broadcast_in_dim3A_308 = vector.shape_cast %reduce_sum3A_307 : vector<64xf32> to vector<64x1xf32>
    %slice3A_309 = vector.extract_strided_slice %get3A_108 {offsets = [0, 32], sizes = [1, 32], strides = [1, 1]} : vector<1x128xf32> to vector<1x32xf32>
    %mul3A_310 = vector.broadcast %slice3A_309 : vector<1x32xf32> to vector<64x32xf32>
    %mul3A_311 = arith.mulf %max3A_266, %mul3A_310 : vector<64x32xf32>
    %reduce_sum3A_312 = arith.constant dense<0.000000e+00> : vector<64xf32>
    %reduce_sum3A_313 = vector.multi_reduction <add>, %mul3A_311, %reduce_sum3A_312 [1] : vector<64x32xf32> to vector<64xf32>
    %broadcast_in_dim3A_314 = vector.shape_cast %reduce_sum3A_313 : vector<64xf32> to vector<64x1xf32>
    %add3A_315 = arith.addf %broadcast_in_dim3A_308, %broadcast_in_dim3A_314 : vector<64x1xf32>
    %slice3A_316 = vector.extract_strided_slice %get3A_108 {offsets = [0, 64], sizes = [1, 64], strides = [1, 1]} : vector<1x128xf32> to vector<1x64xf32>
    %mul3A_317 = vector.broadcast %slice3A_316 : vector<1x64xf32> to vector<64x64xf32>
    %mul3A_318 = arith.mulf %mul3A_301, %mul3A_317 : vector<64x64xf32>
    %reduce_sum3A_319 = arith.constant dense<0.000000e+00> : vector<64xf32>
    %reduce_sum3A_320 = vector.multi_reduction <add>, %mul3A_318, %reduce_sum3A_319 [1] : vector<64x64xf32> to vector<64xf32>
    %broadcast_in_dim3A_321 = vector.shape_cast %reduce_sum3A_320 : vector<64xf32> to vector<64x1xf32>
    %add3A_322 = arith.addf %add3A_315, %broadcast_in_dim3A_321 : vector<64x1xf32>
    %slice3A_323 = vector.extract_strided_slice %add3A_102 {offsets = [0, 32], sizes = [64, 32], strides = [1, 1]} : vector<64x128xf32> to vector<64x32xf32>
    %slice3A_324 = vector.extract_strided_slice %reshape3A_103 {offsets = [0, 2, 64], sizes = [64, 1, 32], strides = [1, 1, 1]} : vector<64x10x128xf32> to vector<64x1x32xf32>
    %squeeze3A_325 = vector.shape_cast %slice3A_324 : vector<64x1x32xf32> to vector<64x32xf32>
    %mul3A_326 = arith.mulf %slice3A_323, %squeeze3A_325 : vector<64x32xf32>
    %reduce_sum3A_327 = arith.constant dense<0.000000e+00> : vector<64xf32>
    %reduce_sum3A_328 = vector.multi_reduction <add>, %mul3A_326, %reduce_sum3A_327 [1] : vector<64x32xf32> to vector<64xf32>
    %broadcast_in_dim3A_329 = vector.shape_cast %reduce_sum3A_328 : vector<64xf32> to vector<64x1xf32>
    %slice3A_330 = vector.extract_strided_slice %reshape3A_103 {offsets = [0, 2, 96], sizes = [64, 1, 32], strides = [1, 1, 1]} : vector<64x10x128xf32> to vector<64x1x32xf32>
    %squeeze3A_331 = vector.shape_cast %slice3A_330 : vector<64x1x32xf32> to vector<64x32xf32>
    %mul3A_332 = arith.mulf %slice3A_323, %squeeze3A_331 : vector<64x32xf32>
    %reduce_sum3A_333 = arith.constant dense<0.000000e+00> : vector<64xf32>
    %reduce_sum3A_334 = vector.multi_reduction <add>, %mul3A_332, %reduce_sum3A_333 [1] : vector<64x32xf32> to vector<64xf32>
    %broadcast_in_dim3A_335 = vector.shape_cast %reduce_sum3A_334 : vector<64xf32> to vector<64x1xf32>
    %slice3A_336 = vector.extract_strided_slice %reshape3A_103 {offsets = [0, 3, 0], sizes = [64, 1, 32], strides = [1, 1, 1]} : vector<64x10x128xf32> to vector<64x1x32xf32>
    %squeeze3A_337 = vector.shape_cast %slice3A_336 : vector<64x1x32xf32> to vector<64x32xf32>
    %mul3A_338 = arith.mulf %slice3A_323, %squeeze3A_337 : vector<64x32xf32>
    %reduce_sum3A_339 = arith.constant dense<0.000000e+00> : vector<64xf32>
    %reduce_sum3A_340 = vector.multi_reduction <add>, %mul3A_338, %reduce_sum3A_339 [1] : vector<64x32xf32> to vector<64xf32>
    %broadcast_in_dim3A_341 = vector.shape_cast %reduce_sum3A_340 : vector<64xf32> to vector<64x1xf32>
    %slice3A_342 = vector.extract_strided_slice %reshape3A_103 {offsets = [0, 3, 32], sizes = [64, 1, 32], strides = [1, 1, 1]} : vector<64x10x128xf32> to vector<64x1x32xf32>
    %squeeze3A_343 = vector.shape_cast %slice3A_342 : vector<64x1x32xf32> to vector<64x32xf32>
    %mul3A_344 = arith.mulf %slice3A_323, %squeeze3A_343 : vector<64x32xf32>
    %reduce_sum3A_345 = arith.constant dense<0.000000e+00> : vector<64xf32>
    %reduce_sum3A_346 = vector.multi_reduction <add>, %mul3A_344, %reduce_sum3A_345 [1] : vector<64x32xf32> to vector<64xf32>
    %broadcast_in_dim3A_347 = vector.shape_cast %reduce_sum3A_346 : vector<64xf32> to vector<64x1xf32>
    %slice3A_348 = vector.extract_strided_slice %reshape3A_103 {offsets = [0, 3, 64], sizes = [64, 1, 32], strides = [1, 1, 1]} : vector<64x10x128xf32> to vector<64x1x32xf32>
    %squeeze3A_349 = vector.shape_cast %slice3A_348 : vector<64x1x32xf32> to vector<64x32xf32>
    %mul3A_350 = arith.mulf %slice3A_323, %squeeze3A_349 : vector<64x32xf32>
    %reduce_sum3A_351 = arith.constant dense<0.000000e+00> : vector<64xf32>
    %reduce_sum3A_352 = vector.multi_reduction <add>, %mul3A_350, %reduce_sum3A_351 [1] : vector<64x32xf32> to vector<64xf32>
    %broadcast_in_dim3A_353 = vector.shape_cast %reduce_sum3A_352 : vector<64xf32> to vector<64x1xf32>
    %slice3A_354 = vector.extract_strided_slice %reshape3A_103 {offsets = [0, 3, 96], sizes = [64, 1, 32], strides = [1, 1, 1]} : vector<64x10x128xf32> to vector<64x1x32xf32>
    %squeeze3A_355 = vector.shape_cast %slice3A_354 : vector<64x1x32xf32> to vector<64x32xf32>
    %mul3A_356 = arith.mulf %slice3A_323, %squeeze3A_355 : vector<64x32xf32>
    %reduce_sum3A_357 = arith.constant dense<0.000000e+00> : vector<64xf32>
    %reduce_sum3A_358 = vector.multi_reduction <add>, %mul3A_356, %reduce_sum3A_357 [1] : vector<64x32xf32> to vector<64xf32>
    %broadcast_in_dim3A_359 = vector.shape_cast %reduce_sum3A_358 : vector<64xf32> to vector<64x1xf32>
    %slice3A_360 = vector.extract_strided_slice %reshape3A_103 {offsets = [0, 4, 0], sizes = [64, 1, 32], strides = [1, 1, 1]} : vector<64x10x128xf32> to vector<64x1x32xf32>
    %squeeze3A_361 = vector.shape_cast %slice3A_360 : vector<64x1x32xf32> to vector<64x32xf32>
    %mul3A_362 = arith.mulf %slice3A_323, %squeeze3A_361 : vector<64x32xf32>
    %reduce_sum3A_363 = arith.constant dense<0.000000e+00> : vector<64xf32>
    %reduce_sum3A_364 = vector.multi_reduction <add>, %mul3A_362, %reduce_sum3A_363 [1] : vector<64x32xf32> to vector<64xf32>
    %broadcast_in_dim3A_365 = vector.shape_cast %reduce_sum3A_364 : vector<64xf32> to vector<64x1xf32>
    %slice3A_366 = vector.extract_strided_slice %reshape3A_103 {offsets = [0, 4, 32], sizes = [64, 1, 32], strides = [1, 1, 1]} : vector<64x10x128xf32> to vector<64x1x32xf32>
    %squeeze3A_367 = vector.shape_cast %slice3A_366 : vector<64x1x32xf32> to vector<64x32xf32>
    %mul3A_368 = arith.mulf %slice3A_323, %squeeze3A_367 : vector<64x32xf32>
    %reduce_sum3A_369 = arith.constant dense<0.000000e+00> : vector<64xf32>
    %reduce_sum3A_370 = vector.multi_reduction <add>, %mul3A_368, %reduce_sum3A_369 [1] : vector<64x32xf32> to vector<64xf32>
    %broadcast_in_dim3A_371 = vector.shape_cast %reduce_sum3A_370 : vector<64xf32> to vector<64x1xf32>
    %slice3A_372 = vector.extract_strided_slice %reshape3A_103 {offsets = [0, 4, 64], sizes = [64, 1, 32], strides = [1, 1, 1]} : vector<64x10x128xf32> to vector<64x1x32xf32>
    %squeeze3A_373 = vector.shape_cast %slice3A_372 : vector<64x1x32xf32> to vector<64x32xf32>
    %mul3A_374 = arith.mulf %slice3A_323, %squeeze3A_373 : vector<64x32xf32>
    %reduce_sum3A_375 = arith.constant dense<0.000000e+00> : vector<64xf32>
    %reduce_sum3A_376 = vector.multi_reduction <add>, %mul3A_374, %reduce_sum3A_375 [1] : vector<64x32xf32> to vector<64xf32>
    %broadcast_in_dim3A_377 = vector.shape_cast %reduce_sum3A_376 : vector<64xf32> to vector<64x1xf32>
    %slice3A_378 = vector.extract_strided_slice %reshape3A_103 {offsets = [0, 4, 96], sizes = [64, 1, 32], strides = [1, 1, 1]} : vector<64x10x128xf32> to vector<64x1x32xf32>
    %squeeze3A_379 = vector.shape_cast %slice3A_378 : vector<64x1x32xf32> to vector<64x32xf32>
    %mul3A_380 = arith.mulf %slice3A_323, %squeeze3A_379 : vector<64x32xf32>
    %reduce_sum3A_381 = arith.constant dense<0.000000e+00> : vector<64xf32>
    %reduce_sum3A_382 = vector.multi_reduction <add>, %mul3A_380, %reduce_sum3A_381 [1] : vector<64x32xf32> to vector<64xf32>
    %broadcast_in_dim3A_383 = vector.shape_cast %reduce_sum3A_382 : vector<64xf32> to vector<64x1xf32>
    %concatenate3A_384 = tpu.concatenate %broadcast_in_dim3A_329, %broadcast_in_dim3A_335, %broadcast_in_dim3A_341, %broadcast_in_dim3A_347, %broadcast_in_dim3A_353, %broadcast_in_dim3A_359, %broadcast_in_dim3A_365, %broadcast_in_dim3A_371, %broadcast_in_dim3A_377, %broadcast_in_dim3A_383 in 1 : vector<64x1xf32>, vector<64x1xf32>, vector<64x1xf32>, vector<64x1xf32>, vector<64x1xf32>, vector<64x1xf32>, vector<64x1xf32>, vector<64x1xf32>, vector<64x1xf32>, vector<64x1xf32> -> vector<64x10xf32>
    %reduce_max3A_385 = arith.constant dense<0xFF800000> : vector<64xf32>
    %reduce_max3A_386 = vector.multi_reduction <maximumf>, %concatenate3A_384, %reduce_max3A_385 [1] : vector<64x10xf32> to vector<64xf32>
    %broadcast_in_dim3A_387 = vector.shape_cast %reduce_max3A_386 : vector<64xf32> to vector<64x1xf32>
    %sub3A_388 = vector.broadcast %broadcast_in_dim3A_387 : vector<64x1xf32> to vector<64x10xf32>
    %sub3A_389 = arith.subf %concatenate3A_384, %sub3A_388 : vector<64x10xf32>
    %exp3A_390 = math.exp %sub3A_389 : vector<64x10xf32>
    %reduce_sum3A_391 = arith.constant dense<0.000000e+00> : vector<64xf32>
    %reduce_sum3A_392 = vector.multi_reduction <add>, %exp3A_390, %reduce_sum3A_391 [1] : vector<64x10xf32> to vector<64xf32>
    %broadcast_in_dim3A_393 = vector.shape_cast %reduce_sum3A_392 : vector<64xf32> to vector<64x1xf32>
    %div3A_394 = vector.broadcast %broadcast_in_dim3A_393 : vector<64x1xf32> to vector<64x10xf32>
    %div3A_395 = arith.divf %exp3A_390, %div3A_394 : vector<64x10xf32>
    %broadcast_in_dim3A_396 = arith.constant 0.000000e+00 : f32
    %broadcast_in_dim3A_397 = vector.broadcast %broadcast_in_dim3A_396 : f32 to vector<64x32xf32>
    %slice3A_398 = vector.extract_strided_slice %reshape3A_104 {offsets = [0, 2, 64], sizes = [64, 1, 32], strides = [1, 1, 1]} : vector<64x10x128xf32> to vector<64x1x32xf32>
    %squeeze3A_399 = vector.shape_cast %slice3A_398 : vector<64x1x32xf32> to vector<64x32xf32>
    %slice3A_400 = vector.extract_strided_slice %reshape3A_105 {offsets = [0, 2, 64], sizes = [64, 1, 32], strides = [1, 1, 1]} : vector<64x10x128xf32> to vector<64x1x32xf32>
    %squeeze3A_401 = vector.shape_cast %slice3A_400 : vector<64x1x32xf32> to vector<64x32xf32>
    %slice3A_402 = vector.extract_strided_slice %div3A_395 {offsets = [0, 0], sizes = [64, 1], strides = [1, 1]} : vector<64x10xf32> to vector<64x1xf32>
    %mul3A_403 = vector.broadcast %slice3A_402 : vector<64x1xf32> to vector<64x32xf32>
    %mul3A_404 = arith.mulf %mul3A_403, %squeeze3A_399 : vector<64x32xf32>
    %add3A_405 = arith.addf %broadcast_in_dim3A_397, %mul3A_404 : vector<64x32xf32>
    %slice3A_406 = vector.extract_strided_slice %reshape3A_104 {offsets = [0, 2, 96], sizes = [64, 1, 32], strides = [1, 1, 1]} : vector<64x10x128xf32> to vector<64x1x32xf32>
    %squeeze3A_407 = vector.shape_cast %slice3A_406 : vector<64x1x32xf32> to vector<64x32xf32>
    %slice3A_408 = vector.extract_strided_slice %reshape3A_105 {offsets = [0, 2, 96], sizes = [64, 1, 32], strides = [1, 1, 1]} : vector<64x10x128xf32> to vector<64x1x32xf32>
    %squeeze3A_409 = vector.shape_cast %slice3A_408 : vector<64x1x32xf32> to vector<64x32xf32>
    %slice3A_410 = vector.extract_strided_slice %div3A_395 {offsets = [0, 1], sizes = [64, 1], strides = [1, 1]} : vector<64x10xf32> to vector<64x1xf32>
    %mul3A_411 = vector.broadcast %slice3A_410 : vector<64x1xf32> to vector<64x32xf32>
    %mul3A_412 = arith.mulf %mul3A_411, %squeeze3A_407 : vector<64x32xf32>
    %add3A_413 = arith.addf %add3A_405, %mul3A_412 : vector<64x32xf32>
    %max3A_414 = arith.maximumf %squeeze3A_401, %squeeze3A_409 : vector<64x32xf32>
    %slice3A_415 = vector.extract_strided_slice %reshape3A_104 {offsets = [0, 3, 0], sizes = [64, 1, 32], strides = [1, 1, 1]} : vector<64x10x128xf32> to vector<64x1x32xf32>
    %squeeze3A_416 = vector.shape_cast %slice3A_415 : vector<64x1x32xf32> to vector<64x32xf32>
    %slice3A_417 = vector.extract_strided_slice %reshape3A_105 {offsets = [0, 3, 0], sizes = [64, 1, 32], strides = [1, 1, 1]} : vector<64x10x128xf32> to vector<64x1x32xf32>
    %squeeze3A_418 = vector.shape_cast %slice3A_417 : vector<64x1x32xf32> to vector<64x32xf32>
    %slice3A_419 = vector.extract_strided_slice %div3A_395 {offsets = [0, 2], sizes = [64, 1], strides = [1, 1]} : vector<64x10xf32> to vector<64x1xf32>
    %mul3A_420 = vector.broadcast %slice3A_419 : vector<64x1xf32> to vector<64x32xf32>
    %mul3A_421 = arith.mulf %mul3A_420, %squeeze3A_416 : vector<64x32xf32>
    %add3A_422 = arith.addf %add3A_413, %mul3A_421 : vector<64x32xf32>
    %max3A_423 = arith.maximumf %max3A_414, %squeeze3A_418 : vector<64x32xf32>
    %slice3A_424 = vector.extract_strided_slice %reshape3A_104 {offsets = [0, 3, 32], sizes = [64, 1, 32], strides = [1, 1, 1]} : vector<64x10x128xf32> to vector<64x1x32xf32>
    %squeeze3A_425 = vector.shape_cast %slice3A_424 : vector<64x1x32xf32> to vector<64x32xf32>
    %slice3A_426 = vector.extract_strided_slice %reshape3A_105 {offsets = [0, 3, 32], sizes = [64, 1, 32], strides = [1, 1, 1]} : vector<64x10x128xf32> to vector<64x1x32xf32>
    %squeeze3A_427 = vector.shape_cast %slice3A_426 : vector<64x1x32xf32> to vector<64x32xf32>
    %slice3A_428 = vector.extract_strided_slice %div3A_395 {offsets = [0, 3], sizes = [64, 1], strides = [1, 1]} : vector<64x10xf32> to vector<64x1xf32>
    %mul3A_429 = vector.broadcast %slice3A_428 : vector<64x1xf32> to vector<64x32xf32>
    %mul3A_430 = arith.mulf %mul3A_429, %squeeze3A_425 : vector<64x32xf32>
    %add3A_431 = arith.addf %add3A_422, %mul3A_430 : vector<64x32xf32>
    %max3A_432 = arith.maximumf %max3A_423, %squeeze3A_427 : vector<64x32xf32>
    %slice3A_433 = vector.extract_strided_slice %reshape3A_104 {offsets = [0, 3, 64], sizes = [64, 1, 32], strides = [1, 1, 1]} : vector<64x10x128xf32> to vector<64x1x32xf32>
    %squeeze3A_434 = vector.shape_cast %slice3A_433 : vector<64x1x32xf32> to vector<64x32xf32>
    %slice3A_435 = vector.extract_strided_slice %reshape3A_105 {offsets = [0, 3, 64], sizes = [64, 1, 32], strides = [1, 1, 1]} : vector<64x10x128xf32> to vector<64x1x32xf32>
    %squeeze3A_436 = vector.shape_cast %slice3A_435 : vector<64x1x32xf32> to vector<64x32xf32>
    %slice3A_437 = vector.extract_strided_slice %div3A_395 {offsets = [0, 4], sizes = [64, 1], strides = [1, 1]} : vector<64x10xf32> to vector<64x1xf32>
    %mul3A_438 = vector.broadcast %slice3A_437 : vector<64x1xf32> to vector<64x32xf32>
    %mul3A_439 = arith.mulf %mul3A_438, %squeeze3A_434 : vector<64x32xf32>
    %add3A_440 = arith.addf %add3A_431, %mul3A_439 : vector<64x32xf32>
    %max3A_441 = arith.maximumf %max3A_432, %squeeze3A_436 : vector<64x32xf32>
    %slice3A_442 = vector.extract_strided_slice %reshape3A_104 {offsets = [0, 3, 96], sizes = [64, 1, 32], strides = [1, 1, 1]} : vector<64x10x128xf32> to vector<64x1x32xf32>
    %squeeze3A_443 = vector.shape_cast %slice3A_442 : vector<64x1x32xf32> to vector<64x32xf32>
    %slice3A_444 = vector.extract_strided_slice %reshape3A_105 {offsets = [0, 3, 96], sizes = [64, 1, 32], strides = [1, 1, 1]} : vector<64x10x128xf32> to vector<64x1x32xf32>
    %squeeze3A_445 = vector.shape_cast %slice3A_444 : vector<64x1x32xf32> to vector<64x32xf32>
    %slice3A_446 = vector.extract_strided_slice %div3A_395 {offsets = [0, 5], sizes = [64, 1], strides = [1, 1]} : vector<64x10xf32> to vector<64x1xf32>
    %mul3A_447 = vector.broadcast %slice3A_446 : vector<64x1xf32> to vector<64x32xf32>
    %mul3A_448 = arith.mulf %mul3A_447, %squeeze3A_443 : vector<64x32xf32>
    %add3A_449 = arith.addf %add3A_440, %mul3A_448 : vector<64x32xf32>
    %max3A_450 = arith.maximumf %max3A_441, %squeeze3A_445 : vector<64x32xf32>
    %slice3A_451 = vector.extract_strided_slice %reshape3A_104 {offsets = [0, 4, 0], sizes = [64, 1, 32], strides = [1, 1, 1]} : vector<64x10x128xf32> to vector<64x1x32xf32>
    %squeeze3A_452 = vector.shape_cast %slice3A_451 : vector<64x1x32xf32> to vector<64x32xf32>
    %slice3A_453 = vector.extract_strided_slice %reshape3A_105 {offsets = [0, 4, 0], sizes = [64, 1, 32], strides = [1, 1, 1]} : vector<64x10x128xf32> to vector<64x1x32xf32>
    %squeeze3A_454 = vector.shape_cast %slice3A_453 : vector<64x1x32xf32> to vector<64x32xf32>
    %slice3A_455 = vector.extract_strided_slice %div3A_395 {offsets = [0, 6], sizes = [64, 1], strides = [1, 1]} : vector<64x10xf32> to vector<64x1xf32>
    %mul3A_456 = vector.broadcast %slice3A_455 : vector<64x1xf32> to vector<64x32xf32>
    %mul3A_457 = arith.mulf %mul3A_456, %squeeze3A_452 : vector<64x32xf32>
    %add3A_458 = arith.addf %add3A_449, %mul3A_457 : vector<64x32xf32>
    %max3A_459 = arith.maximumf %max3A_450, %squeeze3A_454 : vector<64x32xf32>
    %slice3A_460 = vector.extract_strided_slice %reshape3A_104 {offsets = [0, 4, 32], sizes = [64, 1, 32], strides = [1, 1, 1]} : vector<64x10x128xf32> to vector<64x1x32xf32>
    %squeeze3A_461 = vector.shape_cast %slice3A_460 : vector<64x1x32xf32> to vector<64x32xf32>
    %slice3A_462 = vector.extract_strided_slice %reshape3A_105 {offsets = [0, 4, 32], sizes = [64, 1, 32], strides = [1, 1, 1]} : vector<64x10x128xf32> to vector<64x1x32xf32>
    %squeeze3A_463 = vector.shape_cast %slice3A_462 : vector<64x1x32xf32> to vector<64x32xf32>
    %slice3A_464 = vector.extract_strided_slice %div3A_395 {offsets = [0, 7], sizes = [64, 1], strides = [1, 1]} : vector<64x10xf32> to vector<64x1xf32>
    %mul3A_465 = vector.broadcast %slice3A_464 : vector<64x1xf32> to vector<64x32xf32>
    %mul3A_466 = arith.mulf %mul3A_465, %squeeze3A_461 : vector<64x32xf32>
    %add3A_467 = arith.addf %add3A_458, %mul3A_466 : vector<64x32xf32>
    %max3A_468 = arith.maximumf %max3A_459, %squeeze3A_463 : vector<64x32xf32>
    %slice3A_469 = vector.extract_strided_slice %reshape3A_104 {offsets = [0, 4, 64], sizes = [64, 1, 32], strides = [1, 1, 1]} : vector<64x10x128xf32> to vector<64x1x32xf32>
    %squeeze3A_470 = vector.shape_cast %slice3A_469 : vector<64x1x32xf32> to vector<64x32xf32>
    %slice3A_471 = vector.extract_strided_slice %reshape3A_105 {offsets = [0, 4, 64], sizes = [64, 1, 32], strides = [1, 1, 1]} : vector<64x10x128xf32> to vector<64x1x32xf32>
    %squeeze3A_472 = vector.shape_cast %slice3A_471 : vector<64x1x32xf32> to vector<64x32xf32>
    %slice3A_473 = vector.extract_strided_slice %div3A_395 {offsets = [0, 8], sizes = [64, 1], strides = [1, 1]} : vector<64x10xf32> to vector<64x1xf32>
    %mul3A_474 = vector.broadcast %slice3A_473 : vector<64x1xf32> to vector<64x32xf32>
    %mul3A_475 = arith.mulf %mul3A_474, %squeeze3A_470 : vector<64x32xf32>
    %add3A_476 = arith.addf %add3A_467, %mul3A_475 : vector<64x32xf32>
    %max3A_477 = arith.maximumf %max3A_468, %squeeze3A_472 : vector<64x32xf32>
    %slice3A_478 = vector.extract_strided_slice %reshape3A_104 {offsets = [0, 4, 96], sizes = [64, 1, 32], strides = [1, 1, 1]} : vector<64x10x128xf32> to vector<64x1x32xf32>
    %squeeze3A_479 = vector.shape_cast %slice3A_478 : vector<64x1x32xf32> to vector<64x32xf32>
    %slice3A_480 = vector.extract_strided_slice %reshape3A_105 {offsets = [0, 4, 96], sizes = [64, 1, 32], strides = [1, 1, 1]} : vector<64x10x128xf32> to vector<64x1x32xf32>
    %squeeze3A_481 = vector.shape_cast %slice3A_480 : vector<64x1x32xf32> to vector<64x32xf32>
    %slice3A_482 = vector.extract_strided_slice %div3A_395 {offsets = [0, 9], sizes = [64, 1], strides = [1, 1]} : vector<64x10xf32> to vector<64x1xf32>
    %mul3A_483 = vector.broadcast %slice3A_482 : vector<64x1xf32> to vector<64x32xf32>
    %mul3A_484 = arith.mulf %mul3A_483, %squeeze3A_479 : vector<64x32xf32>
    %add3A_485 = arith.addf %add3A_476, %mul3A_484 : vector<64x32xf32>
    %max3A_486 = arith.maximumf %max3A_477, %squeeze3A_481 : vector<64x32xf32>
    %broadcast_in_dim3A_487 = arith.constant 0.000000e+00 : f32
    %broadcast_in_dim3A_488 = vector.broadcast %broadcast_in_dim3A_487 : f32 to vector<64x64xf32>
    %slice3A_489 = vector.extract_strided_slice %concatenate3A {offsets = [0, 2, 128], sizes = [64, 1, 64], strides = [1, 1, 1]} : vector<64x10x256xf32> to vector<64x1x64xf32>
    %squeeze3A_490 = vector.shape_cast %slice3A_489 : vector<64x1x64xf32> to vector<64x64xf32>
    %add3A_491 = arith.addf %broadcast_in_dim3A_488, %squeeze3A_490 : vector<64x64xf32>
    %slice3A_492 = vector.extract_strided_slice %concatenate3A {offsets = [0, 2, 192], sizes = [64, 1, 64], strides = [1, 1, 1]} : vector<64x10x256xf32> to vector<64x1x64xf32>
    %squeeze3A_493 = vector.shape_cast %slice3A_492 : vector<64x1x64xf32> to vector<64x64xf32>
    %add3A_494 = arith.addf %add3A_491, %squeeze3A_493 : vector<64x64xf32>
    %slice3A_495 = vector.extract_strided_slice %concatenate3A {offsets = [0, 3, 0], sizes = [64, 1, 64], strides = [1, 1, 1]} : vector<64x10x256xf32> to vector<64x1x64xf32>
    %squeeze3A_496 = vector.shape_cast %slice3A_495 : vector<64x1x64xf32> to vector<64x64xf32>
    %add3A_497 = arith.addf %add3A_494, %squeeze3A_496 : vector<64x64xf32>
    %slice3A_498 = vector.extract_strided_slice %concatenate3A {offsets = [0, 3, 64], sizes = [64, 1, 64], strides = [1, 1, 1]} : vector<64x10x256xf32> to vector<64x1x64xf32>
    %squeeze3A_499 = vector.shape_cast %slice3A_498 : vector<64x1x64xf32> to vector<64x64xf32>
    %add3A_500 = arith.addf %add3A_497, %squeeze3A_499 : vector<64x64xf32>
    %slice3A_501 = vector.extract_strided_slice %concatenate3A {offsets = [0, 3, 128], sizes = [64, 1, 64], strides = [1, 1, 1]} : vector<64x10x256xf32> to vector<64x1x64xf32>
    %squeeze3A_502 = vector.shape_cast %slice3A_501 : vector<64x1x64xf32> to vector<64x64xf32>
    %add3A_503 = arith.addf %add3A_500, %squeeze3A_502 : vector<64x64xf32>
    %slice3A_504 = vector.extract_strided_slice %concatenate3A {offsets = [0, 3, 192], sizes = [64, 1, 64], strides = [1, 1, 1]} : vector<64x10x256xf32> to vector<64x1x64xf32>
    %squeeze3A_505 = vector.shape_cast %slice3A_504 : vector<64x1x64xf32> to vector<64x64xf32>
    %add3A_506 = arith.addf %add3A_503, %squeeze3A_505 : vector<64x64xf32>
    %slice3A_507 = vector.extract_strided_slice %concatenate3A {offsets = [0, 4, 0], sizes = [64, 1, 64], strides = [1, 1, 1]} : vector<64x10x256xf32> to vector<64x1x64xf32>
    %squeeze3A_508 = vector.shape_cast %slice3A_507 : vector<64x1x64xf32> to vector<64x64xf32>
    %add3A_509 = arith.addf %add3A_506, %squeeze3A_508 : vector<64x64xf32>
    %slice3A_510 = vector.extract_strided_slice %concatenate3A {offsets = [0, 4, 64], sizes = [64, 1, 64], strides = [1, 1, 1]} : vector<64x10x256xf32> to vector<64x1x64xf32>
    %squeeze3A_511 = vector.shape_cast %slice3A_510 : vector<64x1x64xf32> to vector<64x64xf32>
    %add3A_512 = arith.addf %add3A_509, %squeeze3A_511 : vector<64x64xf32>
    %slice3A_513 = vector.extract_strided_slice %concatenate3A {offsets = [0, 4, 128], sizes = [64, 1, 64], strides = [1, 1, 1]} : vector<64x10x256xf32> to vector<64x1x64xf32>
    %squeeze3A_514 = vector.shape_cast %slice3A_513 : vector<64x1x64xf32> to vector<64x64xf32>
    %add3A_515 = arith.addf %add3A_512, %squeeze3A_514 : vector<64x64xf32>
    %slice3A_516 = vector.extract_strided_slice %concatenate3A {offsets = [0, 4, 192], sizes = [64, 1, 64], strides = [1, 1, 1]} : vector<64x10x256xf32> to vector<64x1x64xf32>
    %squeeze3A_517 = vector.shape_cast %slice3A_516 : vector<64x1x64xf32> to vector<64x64xf32>
    %add3A_518 = arith.addf %add3A_515, %squeeze3A_517 : vector<64x64xf32>
    %mul3A_519 = arith.constant 1.000000e-01 : f32
    %mul3A_520 = vector.broadcast %mul3A_519 : f32 to vector<64x64xf32>
    %mul3A_521 = arith.mulf %add3A_518, %mul3A_520 : vector<64x64xf32>
    %slice3A_522 = vector.extract_strided_slice %get3A_3 {offsets = [0, 32], sizes = [64, 32], strides = [1, 1]} : vector<64x128xf32> to vector<64x32xf32>
    %slice3A_523 = vector.extract_strided_slice %get3A_108 {offsets = [0, 0], sizes = [1, 32], strides = [1, 1]} : vector<1x128xf32> to vector<1x32xf32>
    %mul3A_524 = vector.broadcast %slice3A_523 : vector<1x32xf32> to vector<64x32xf32>
    %mul3A_525 = arith.mulf %slice3A_522, %mul3A_524 : vector<64x32xf32>
    %reduce_sum3A_526 = arith.constant dense<0.000000e+00> : vector<64xf32>
    %reduce_sum3A_527 = vector.multi_reduction <add>, %mul3A_525, %reduce_sum3A_526 [1] : vector<64x32xf32> to vector<64xf32>
    %broadcast_in_dim3A_528 = vector.shape_cast %reduce_sum3A_527 : vector<64xf32> to vector<64x1xf32>
    %slice3A_529 = vector.extract_strided_slice %get3A_108 {offsets = [0, 32], sizes = [1, 32], strides = [1, 1]} : vector<1x128xf32> to vector<1x32xf32>
    %mul3A_530 = vector.broadcast %slice3A_529 : vector<1x32xf32> to vector<64x32xf32>
    %mul3A_531 = arith.mulf %max3A_486, %mul3A_530 : vector<64x32xf32>
    %reduce_sum3A_532 = arith.constant dense<0.000000e+00> : vector<64xf32>
    %reduce_sum3A_533 = vector.multi_reduction <add>, %mul3A_531, %reduce_sum3A_532 [1] : vector<64x32xf32> to vector<64xf32>
    %broadcast_in_dim3A_534 = vector.shape_cast %reduce_sum3A_533 : vector<64xf32> to vector<64x1xf32>
    %add3A_535 = arith.addf %broadcast_in_dim3A_528, %broadcast_in_dim3A_534 : vector<64x1xf32>
    %slice3A_536 = vector.extract_strided_slice %get3A_108 {offsets = [0, 64], sizes = [1, 64], strides = [1, 1]} : vector<1x128xf32> to vector<1x64xf32>
    %mul3A_537 = vector.broadcast %slice3A_536 : vector<1x64xf32> to vector<64x64xf32>
    %mul3A_538 = arith.mulf %mul3A_521, %mul3A_537 : vector<64x64xf32>
    %reduce_sum3A_539 = arith.constant dense<0.000000e+00> : vector<64xf32>
    %reduce_sum3A_540 = vector.multi_reduction <add>, %mul3A_538, %reduce_sum3A_539 [1] : vector<64x64xf32> to vector<64xf32>
    %broadcast_in_dim3A_541 = vector.shape_cast %reduce_sum3A_540 : vector<64xf32> to vector<64x1xf32>
    %add3A_542 = arith.addf %add3A_535, %broadcast_in_dim3A_541 : vector<64x1xf32>
    %slice3A_543 = vector.extract_strided_slice %add3A_102 {offsets = [0, 64], sizes = [64, 32], strides = [1, 1]} : vector<64x128xf32> to vector<64x32xf32>
    %slice3A_544 = vector.extract_strided_slice %reshape3A_103 {offsets = [0, 5, 0], sizes = [64, 1, 32], strides = [1, 1, 1]} : vector<64x10x128xf32> to vector<64x1x32xf32>
    %squeeze3A_545 = vector.shape_cast %slice3A_544 : vector<64x1x32xf32> to vector<64x32xf32>
    %mul3A_546 = arith.mulf %slice3A_543, %squeeze3A_545 : vector<64x32xf32>
    %reduce_sum3A_547 = arith.constant dense<0.000000e+00> : vector<64xf32>
    %reduce_sum3A_548 = vector.multi_reduction <add>, %mul3A_546, %reduce_sum3A_547 [1] : vector<64x32xf32> to vector<64xf32>
    %broadcast_in_dim3A_549 = vector.shape_cast %reduce_sum3A_548 : vector<64xf32> to vector<64x1xf32>
    %slice3A_550 = vector.extract_strided_slice %reshape3A_103 {offsets = [0, 5, 32], sizes = [64, 1, 32], strides = [1, 1, 1]} : vector<64x10x128xf32> to vector<64x1x32xf32>
    %squeeze3A_551 = vector.shape_cast %slice3A_550 : vector<64x1x32xf32> to vector<64x32xf32>
    %mul3A_552 = arith.mulf %slice3A_543, %squeeze3A_551 : vector<64x32xf32>
    %reduce_sum3A_553 = arith.constant dense<0.000000e+00> : vector<64xf32>
    %reduce_sum3A_554 = vector.multi_reduction <add>, %mul3A_552, %reduce_sum3A_553 [1] : vector<64x32xf32> to vector<64xf32>
    %broadcast_in_dim3A_555 = vector.shape_cast %reduce_sum3A_554 : vector<64xf32> to vector<64x1xf32>
    %slice3A_556 = vector.extract_strided_slice %reshape3A_103 {offsets = [0, 5, 64], sizes = [64, 1, 32], strides = [1, 1, 1]} : vector<64x10x128xf32> to vector<64x1x32xf32>
    %squeeze3A_557 = vector.shape_cast %slice3A_556 : vector<64x1x32xf32> to vector<64x32xf32>
    %mul3A_558 = arith.mulf %slice3A_543, %squeeze3A_557 : vector<64x32xf32>
    %reduce_sum3A_559 = arith.constant dense<0.000000e+00> : vector<64xf32>
    %reduce_sum3A_560 = vector.multi_reduction <add>, %mul3A_558, %reduce_sum3A_559 [1] : vector<64x32xf32> to vector<64xf32>
    %broadcast_in_dim3A_561 = vector.shape_cast %reduce_sum3A_560 : vector<64xf32> to vector<64x1xf32>
    %slice3A_562 = vector.extract_strided_slice %reshape3A_103 {offsets = [0, 5, 96], sizes = [64, 1, 32], strides = [1, 1, 1]} : vector<64x10x128xf32> to vector<64x1x32xf32>
    %squeeze3A_563 = vector.shape_cast %slice3A_562 : vector<64x1x32xf32> to vector<64x32xf32>
    %mul3A_564 = arith.mulf %slice3A_543, %squeeze3A_563 : vector<64x32xf32>
    %reduce_sum3A_565 = arith.constant dense<0.000000e+00> : vector<64xf32>
    %reduce_sum3A_566 = vector.multi_reduction <add>, %mul3A_564, %reduce_sum3A_565 [1] : vector<64x32xf32> to vector<64xf32>
    %broadcast_in_dim3A_567 = vector.shape_cast %reduce_sum3A_566 : vector<64xf32> to vector<64x1xf32>
    %slice3A_568 = vector.extract_strided_slice %reshape3A_103 {offsets = [0, 6, 0], sizes = [64, 1, 32], strides = [1, 1, 1]} : vector<64x10x128xf32> to vector<64x1x32xf32>
    %squeeze3A_569 = vector.shape_cast %slice3A_568 : vector<64x1x32xf32> to vector<64x32xf32>
    %mul3A_570 = arith.mulf %slice3A_543, %squeeze3A_569 : vector<64x32xf32>
    %reduce_sum3A_571 = arith.constant dense<0.000000e+00> : vector<64xf32>
    %reduce_sum3A_572 = vector.multi_reduction <add>, %mul3A_570, %reduce_sum3A_571 [1] : vector<64x32xf32> to vector<64xf32>
    %broadcast_in_dim3A_573 = vector.shape_cast %reduce_sum3A_572 : vector<64xf32> to vector<64x1xf32>
    %slice3A_574 = vector.extract_strided_slice %reshape3A_103 {offsets = [0, 6, 32], sizes = [64, 1, 32], strides = [1, 1, 1]} : vector<64x10x128xf32> to vector<64x1x32xf32>
    %squeeze3A_575 = vector.shape_cast %slice3A_574 : vector<64x1x32xf32> to vector<64x32xf32>
    %mul3A_576 = arith.mulf %slice3A_543, %squeeze3A_575 : vector<64x32xf32>
    %reduce_sum3A_577 = arith.constant dense<0.000000e+00> : vector<64xf32>
    %reduce_sum3A_578 = vector.multi_reduction <add>, %mul3A_576, %reduce_sum3A_577 [1] : vector<64x32xf32> to vector<64xf32>
    %broadcast_in_dim3A_579 = vector.shape_cast %reduce_sum3A_578 : vector<64xf32> to vector<64x1xf32>
    %slice3A_580 = vector.extract_strided_slice %reshape3A_103 {offsets = [0, 6, 64], sizes = [64, 1, 32], strides = [1, 1, 1]} : vector<64x10x128xf32> to vector<64x1x32xf32>
    %squeeze3A_581 = vector.shape_cast %slice3A_580 : vector<64x1x32xf32> to vector<64x32xf32>
    %mul3A_582 = arith.mulf %slice3A_543, %squeeze3A_581 : vector<64x32xf32>
    %reduce_sum3A_583 = arith.constant dense<0.000000e+00> : vector<64xf32>
    %reduce_sum3A_584 = vector.multi_reduction <add>, %mul3A_582, %reduce_sum3A_583 [1] : vector<64x32xf32> to vector<64xf32>
    %broadcast_in_dim3A_585 = vector.shape_cast %reduce_sum3A_584 : vector<64xf32> to vector<64x1xf32>
    %slice3A_586 = vector.extract_strided_slice %reshape3A_103 {offsets = [0, 6, 96], sizes = [64, 1, 32], strides = [1, 1, 1]} : vector<64x10x128xf32> to vector<64x1x32xf32>
    %squeeze3A_587 = vector.shape_cast %slice3A_586 : vector<64x1x32xf32> to vector<64x32xf32>
    %mul3A_588 = arith.mulf %slice3A_543, %squeeze3A_587 : vector<64x32xf32>
    %reduce_sum3A_589 = arith.constant dense<0.000000e+00> : vector<64xf32>
    %reduce_sum3A_590 = vector.multi_reduction <add>, %mul3A_588, %reduce_sum3A_589 [1] : vector<64x32xf32> to vector<64xf32>
    %broadcast_in_dim3A_591 = vector.shape_cast %reduce_sum3A_590 : vector<64xf32> to vector<64x1xf32>
    %slice3A_592 = vector.extract_strided_slice %reshape3A_103 {offsets = [0, 7, 0], sizes = [64, 1, 32], strides = [1, 1, 1]} : vector<64x10x128xf32> to vector<64x1x32xf32>
    %squeeze3A_593 = vector.shape_cast %slice3A_592 : vector<64x1x32xf32> to vector<64x32xf32>
    %mul3A_594 = arith.mulf %slice3A_543, %squeeze3A_593 : vector<64x32xf32>
    %reduce_sum3A_595 = arith.constant dense<0.000000e+00> : vector<64xf32>
    %reduce_sum3A_596 = vector.multi_reduction <add>, %mul3A_594, %reduce_sum3A_595 [1] : vector<64x32xf32> to vector<64xf32>
    %broadcast_in_dim3A_597 = vector.shape_cast %reduce_sum3A_596 : vector<64xf32> to vector<64x1xf32>
    %slice3A_598 = vector.extract_strided_slice %reshape3A_103 {offsets = [0, 7, 32], sizes = [64, 1, 32], strides = [1, 1, 1]} : vector<64x10x128xf32> to vector<64x1x32xf32>
    %squeeze3A_599 = vector.shape_cast %slice3A_598 : vector<64x1x32xf32> to vector<64x32xf32>
    %mul3A_600 = arith.mulf %slice3A_543, %squeeze3A_599 : vector<64x32xf32>
    %reduce_sum3A_601 = arith.constant dense<0.000000e+00> : vector<64xf32>
    %reduce_sum3A_602 = vector.multi_reduction <add>, %mul3A_600, %reduce_sum3A_601 [1] : vector<64x32xf32> to vector<64xf32>
    %broadcast_in_dim3A_603 = vector.shape_cast %reduce_sum3A_602 : vector<64xf32> to vector<64x1xf32>
    %concatenate3A_604 = tpu.concatenate %broadcast_in_dim3A_549, %broadcast_in_dim3A_555, %broadcast_in_dim3A_561, %broadcast_in_dim3A_567, %broadcast_in_dim3A_573, %broadcast_in_dim3A_579, %broadcast_in_dim3A_585, %broadcast_in_dim3A_591, %broadcast_in_dim3A_597, %broadcast_in_dim3A_603 in 1 : vector<64x1xf32>, vector<64x1xf32>, vector<64x1xf32>, vector<64x1xf32>, vector<64x1xf32>, vector<64x1xf32>, vector<64x1xf32>, vector<64x1xf32>, vector<64x1xf32>, vector<64x1xf32> -> vector<64x10xf32>
    %reduce_max3A_605 = arith.constant dense<0xFF800000> : vector<64xf32>
    %reduce_max3A_606 = vector.multi_reduction <maximumf>, %concatenate3A_604, %reduce_max3A_605 [1] : vector<64x10xf32> to vector<64xf32>
    %broadcast_in_dim3A_607 = vector.shape_cast %reduce_max3A_606 : vector<64xf32> to vector<64x1xf32>
    %sub3A_608 = vector.broadcast %broadcast_in_dim3A_607 : vector<64x1xf32> to vector<64x10xf32>
    %sub3A_609 = arith.subf %concatenate3A_604, %sub3A_608 : vector<64x10xf32>
    %exp3A_610 = math.exp %sub3A_609 : vector<64x10xf32>
    %reduce_sum3A_611 = arith.constant dense<0.000000e+00> : vector<64xf32>
    %reduce_sum3A_612 = vector.multi_reduction <add>, %exp3A_610, %reduce_sum3A_611 [1] : vector<64x10xf32> to vector<64xf32>
    %broadcast_in_dim3A_613 = vector.shape_cast %reduce_sum3A_612 : vector<64xf32> to vector<64x1xf32>
    %div3A_614 = vector.broadcast %broadcast_in_dim3A_613 : vector<64x1xf32> to vector<64x10xf32>
    %div3A_615 = arith.divf %exp3A_610, %div3A_614 : vector<64x10xf32>
    %broadcast_in_dim3A_616 = arith.constant 0.000000e+00 : f32
    %broadcast_in_dim3A_617 = vector.broadcast %broadcast_in_dim3A_616 : f32 to vector<64x32xf32>
    %slice3A_618 = vector.extract_strided_slice %reshape3A_104 {offsets = [0, 5, 0], sizes = [64, 1, 32], strides = [1, 1, 1]} : vector<64x10x128xf32> to vector<64x1x32xf32>
    %squeeze3A_619 = vector.shape_cast %slice3A_618 : vector<64x1x32xf32> to vector<64x32xf32>
    %slice3A_620 = vector.extract_strided_slice %reshape3A_105 {offsets = [0, 5, 0], sizes = [64, 1, 32], strides = [1, 1, 1]} : vector<64x10x128xf32> to vector<64x1x32xf32>
    %squeeze3A_621 = vector.shape_cast %slice3A_620 : vector<64x1x32xf32> to vector<64x32xf32>
    %slice3A_622 = vector.extract_strided_slice %div3A_615 {offsets = [0, 0], sizes = [64, 1], strides = [1, 1]} : vector<64x10xf32> to vector<64x1xf32>
    %mul3A_623 = vector.broadcast %slice3A_622 : vector<64x1xf32> to vector<64x32xf32>
    %mul3A_624 = arith.mulf %mul3A_623, %squeeze3A_619 : vector<64x32xf32>
    %add3A_625 = arith.addf %broadcast_in_dim3A_617, %mul3A_624 : vector<64x32xf32>
    %slice3A_626 = vector.extract_strided_slice %reshape3A_104 {offsets = [0, 5, 32], sizes = [64, 1, 32], strides = [1, 1, 1]} : vector<64x10x128xf32> to vector<64x1x32xf32>
    %squeeze3A_627 = vector.shape_cast %slice3A_626 : vector<64x1x32xf32> to vector<64x32xf32>
    %slice3A_628 = vector.extract_strided_slice %reshape3A_105 {offsets = [0, 5, 32], sizes = [64, 1, 32], strides = [1, 1, 1]} : vector<64x10x128xf32> to vector<64x1x32xf32>
    %squeeze3A_629 = vector.shape_cast %slice3A_628 : vector<64x1x32xf32> to vector<64x32xf32>
    %slice3A_630 = vector.extract_strided_slice %div3A_615 {offsets = [0, 1], sizes = [64, 1], strides = [1, 1]} : vector<64x10xf32> to vector<64x1xf32>
    %mul3A_631 = vector.broadcast %slice3A_630 : vector<64x1xf32> to vector<64x32xf32>
    %mul3A_632 = arith.mulf %mul3A_631, %squeeze3A_627 : vector<64x32xf32>
    %add3A_633 = arith.addf %add3A_625, %mul3A_632 : vector<64x32xf32>
    %max3A_634 = arith.maximumf %squeeze3A_621, %squeeze3A_629 : vector<64x32xf32>
    %slice3A_635 = vector.extract_strided_slice %reshape3A_104 {offsets = [0, 5, 64], sizes = [64, 1, 32], strides = [1, 1, 1]} : vector<64x10x128xf32> to vector<64x1x32xf32>
    %squeeze3A_636 = vector.shape_cast %slice3A_635 : vector<64x1x32xf32> to vector<64x32xf32>
    %slice3A_637 = vector.extract_strided_slice %reshape3A_105 {offsets = [0, 5, 64], sizes = [64, 1, 32], strides = [1, 1, 1]} : vector<64x10x128xf32> to vector<64x1x32xf32>
    %squeeze3A_638 = vector.shape_cast %slice3A_637 : vector<64x1x32xf32> to vector<64x32xf32>
    %slice3A_639 = vector.extract_strided_slice %div3A_615 {offsets = [0, 2], sizes = [64, 1], strides = [1, 1]} : vector<64x10xf32> to vector<64x1xf32>
    %mul3A_640 = vector.broadcast %slice3A_639 : vector<64x1xf32> to vector<64x32xf32>
    %mul3A_641 = arith.mulf %mul3A_640, %squeeze3A_636 : vector<64x32xf32>
    %add3A_642 = arith.addf %add3A_633, %mul3A_641 : vector<64x32xf32>
    %max3A_643 = arith.maximumf %max3A_634, %squeeze3A_638 : vector<64x32xf32>
    %slice3A_644 = vector.extract_strided_slice %reshape3A_104 {offsets = [0, 5, 96], sizes = [64, 1, 32], strides = [1, 1, 1]} : vector<64x10x128xf32> to vector<64x1x32xf32>
    %squeeze3A_645 = vector.shape_cast %slice3A_644 : vector<64x1x32xf32> to vector<64x32xf32>
    %slice3A_646 = vector.extract_strided_slice %reshape3A_105 {offsets = [0, 5, 96], sizes = [64, 1, 32], strides = [1, 1, 1]} : vector<64x10x128xf32> to vector<64x1x32xf32>
    %squeeze3A_647 = vector.shape_cast %slice3A_646 : vector<64x1x32xf32> to vector<64x32xf32>
    %slice3A_648 = vector.extract_strided_slice %div3A_615 {offsets = [0, 3], sizes = [64, 1], strides = [1, 1]} : vector<64x10xf32> to vector<64x1xf32>
    %mul3A_649 = vector.broadcast %slice3A_648 : vector<64x1xf32> to vector<64x32xf32>
    %mul3A_650 = arith.mulf %mul3A_649, %squeeze3A_645 : vector<64x32xf32>
    %add3A_651 = arith.addf %add3A_642, %mul3A_650 : vector<64x32xf32>
    %max3A_652 = arith.maximumf %max3A_643, %squeeze3A_647 : vector<64x32xf32>
    %slice3A_653 = vector.extract_strided_slice %reshape3A_104 {offsets = [0, 6, 0], sizes = [64, 1, 32], strides = [1, 1, 1]} : vector<64x10x128xf32> to vector<64x1x32xf32>
    %squeeze3A_654 = vector.shape_cast %slice3A_653 : vector<64x1x32xf32> to vector<64x32xf32>
    %slice3A_655 = vector.extract_strided_slice %reshape3A_105 {offsets = [0, 6, 0], sizes = [64, 1, 32], strides = [1, 1, 1]} : vector<64x10x128xf32> to vector<64x1x32xf32>
    %squeeze3A_656 = vector.shape_cast %slice3A_655 : vector<64x1x32xf32> to vector<64x32xf32>
    %slice3A_657 = vector.extract_strided_slice %div3A_615 {offsets = [0, 4], sizes = [64, 1], strides = [1, 1]} : vector<64x10xf32> to vector<64x1xf32>
    %mul3A_658 = vector.broadcast %slice3A_657 : vector<64x1xf32> to vector<64x32xf32>
    %mul3A_659 = arith.mulf %mul3A_658, %squeeze3A_654 : vector<64x32xf32>
    %add3A_660 = arith.addf %add3A_651, %mul3A_659 : vector<64x32xf32>
    %max3A_661 = arith.maximumf %max3A_652, %squeeze3A_656 : vector<64x32xf32>
    %slice3A_662 = vector.extract_strided_slice %reshape3A_104 {offsets = [0, 6, 32], sizes = [64, 1, 32], strides = [1, 1, 1]} : vector<64x10x128xf32> to vector<64x1x32xf32>
    %squeeze3A_663 = vector.shape_cast %slice3A_662 : vector<64x1x32xf32> to vector<64x32xf32>
    %slice3A_664 = vector.extract_strided_slice %reshape3A_105 {offsets = [0, 6, 32], sizes = [64, 1, 32], strides = [1, 1, 1]} : vector<64x10x128xf32> to vector<64x1x32xf32>
    %squeeze3A_665 = vector.shape_cast %slice3A_664 : vector<64x1x32xf32> to vector<64x32xf32>
    %slice3A_666 = vector.extract_strided_slice %div3A_615 {offsets = [0, 5], sizes = [64, 1], strides = [1, 1]} : vector<64x10xf32> to vector<64x1xf32>
    %mul3A_667 = vector.broadcast %slice3A_666 : vector<64x1xf32> to vector<64x32xf32>
    %mul3A_668 = arith.mulf %mul3A_667, %squeeze3A_663 : vector<64x32xf32>
    %add3A_669 = arith.addf %add3A_660, %mul3A_668 : vector<64x32xf32>
    %max3A_670 = arith.maximumf %max3A_661, %squeeze3A_665 : vector<64x32xf32>
    %slice3A_671 = vector.extract_strided_slice %reshape3A_104 {offsets = [0, 6, 64], sizes = [64, 1, 32], strides = [1, 1, 1]} : vector<64x10x128xf32> to vector<64x1x32xf32>
    %squeeze3A_672 = vector.shape_cast %slice3A_671 : vector<64x1x32xf32> to vector<64x32xf32>
    %slice3A_673 = vector.extract_strided_slice %reshape3A_105 {offsets = [0, 6, 64], sizes = [64, 1, 32], strides = [1, 1, 1]} : vector<64x10x128xf32> to vector<64x1x32xf32>
    %squeeze3A_674 = vector.shape_cast %slice3A_673 : vector<64x1x32xf32> to vector<64x32xf32>
    %slice3A_675 = vector.extract_strided_slice %div3A_615 {offsets = [0, 6], sizes = [64, 1], strides = [1, 1]} : vector<64x10xf32> to vector<64x1xf32>
    %mul3A_676 = vector.broadcast %slice3A_675 : vector<64x1xf32> to vector<64x32xf32>
    %mul3A_677 = arith.mulf %mul3A_676, %squeeze3A_672 : vector<64x32xf32>
    %add3A_678 = arith.addf %add3A_669, %mul3A_677 : vector<64x32xf32>
    %max3A_679 = arith.maximumf %max3A_670, %squeeze3A_674 : vector<64x32xf32>
    %slice3A_680 = vector.extract_strided_slice %reshape3A_104 {offsets = [0, 6, 96], sizes = [64, 1, 32], strides = [1, 1, 1]} : vector<64x10x128xf32> to vector<64x1x32xf32>
    %squeeze3A_681 = vector.shape_cast %slice3A_680 : vector<64x1x32xf32> to vector<64x32xf32>
    %slice3A_682 = vector.extract_strided_slice %reshape3A_105 {offsets = [0, 6, 96], sizes = [64, 1, 32], strides = [1, 1, 1]} : vector<64x10x128xf32> to vector<64x1x32xf32>
    %squeeze3A_683 = vector.shape_cast %slice3A_682 : vector<64x1x32xf32> to vector<64x32xf32>
    %slice3A_684 = vector.extract_strided_slice %div3A_615 {offsets = [0, 7], sizes = [64, 1], strides = [1, 1]} : vector<64x10xf32> to vector<64x1xf32>
    %mul3A_685 = vector.broadcast %slice3A_684 : vector<64x1xf32> to vector<64x32xf32>
    %mul3A_686 = arith.mulf %mul3A_685, %squeeze3A_681 : vector<64x32xf32>
    %add3A_687 = arith.addf %add3A_678, %mul3A_686 : vector<64x32xf32>
    %max3A_688 = arith.maximumf %max3A_679, %squeeze3A_683 : vector<64x32xf32>
    %slice3A_689 = vector.extract_strided_slice %reshape3A_104 {offsets = [0, 7, 0], sizes = [64, 1, 32], strides = [1, 1, 1]} : vector<64x10x128xf32> to vector<64x1x32xf32>
    %squeeze3A_690 = vector.shape_cast %slice3A_689 : vector<64x1x32xf32> to vector<64x32xf32>
    %slice3A_691 = vector.extract_strided_slice %reshape3A_105 {offsets = [0, 7, 0], sizes = [64, 1, 32], strides = [1, 1, 1]} : vector<64x10x128xf32> to vector<64x1x32xf32>
    %squeeze3A_692 = vector.shape_cast %slice3A_691 : vector<64x1x32xf32> to vector<64x32xf32>
    %slice3A_693 = vector.extract_strided_slice %div3A_615 {offsets = [0, 8], sizes = [64, 1], strides = [1, 1]} : vector<64x10xf32> to vector<64x1xf32>
    %mul3A_694 = vector.broadcast %slice3A_693 : vector<64x1xf32> to vector<64x32xf32>
    %mul3A_695 = arith.mulf %mul3A_694, %squeeze3A_690 : vector<64x32xf32>
    %add3A_696 = arith.addf %add3A_687, %mul3A_695 : vector<64x32xf32>
    %max3A_697 = arith.maximumf %max3A_688, %squeeze3A_692 : vector<64x32xf32>
    %slice3A_698 = vector.extract_strided_slice %reshape3A_104 {offsets = [0, 7, 32], sizes = [64, 1, 32], strides = [1, 1, 1]} : vector<64x10x128xf32> to vector<64x1x32xf32>
    %squeeze3A_699 = vector.shape_cast %slice3A_698 : vector<64x1x32xf32> to vector<64x32xf32>
    %slice3A_700 = vector.extract_strided_slice %reshape3A_105 {offsets = [0, 7, 32], sizes = [64, 1, 32], strides = [1, 1, 1]} : vector<64x10x128xf32> to vector<64x1x32xf32>
    %squeeze3A_701 = vector.shape_cast %slice3A_700 : vector<64x1x32xf32> to vector<64x32xf32>
    %slice3A_702 = vector.extract_strided_slice %div3A_615 {offsets = [0, 9], sizes = [64, 1], strides = [1, 1]} : vector<64x10xf32> to vector<64x1xf32>
    %mul3A_703 = vector.broadcast %slice3A_702 : vector<64x1xf32> to vector<64x32xf32>
    %mul3A_704 = arith.mulf %mul3A_703, %squeeze3A_699 : vector<64x32xf32>
    %add3A_705 = arith.addf %add3A_696, %mul3A_704 : vector<64x32xf32>
    %max3A_706 = arith.maximumf %max3A_697, %squeeze3A_701 : vector<64x32xf32>
    %broadcast_in_dim3A_707 = arith.constant 0.000000e+00 : f32
    %broadcast_in_dim3A_708 = vector.broadcast %broadcast_in_dim3A_707 : f32 to vector<64x64xf32>
    %slice3A_709 = vector.extract_strided_slice %concatenate3A {offsets = [0, 5, 0], sizes = [64, 1, 64], strides = [1, 1, 1]} : vector<64x10x256xf32> to vector<64x1x64xf32>
    %squeeze3A_710 = vector.shape_cast %slice3A_709 : vector<64x1x64xf32> to vector<64x64xf32>
    %add3A_711 = arith.addf %broadcast_in_dim3A_708, %squeeze3A_710 : vector<64x64xf32>
    %slice3A_712 = vector.extract_strided_slice %concatenate3A {offsets = [0, 5, 64], sizes = [64, 1, 64], strides = [1, 1, 1]} : vector<64x10x256xf32> to vector<64x1x64xf32>
    %squeeze3A_713 = vector.shape_cast %slice3A_712 : vector<64x1x64xf32> to vector<64x64xf32>
    %add3A_714 = arith.addf %add3A_711, %squeeze3A_713 : vector<64x64xf32>
    %slice3A_715 = vector.extract_strided_slice %concatenate3A {offsets = [0, 5, 128], sizes = [64, 1, 64], strides = [1, 1, 1]} : vector<64x10x256xf32> to vector<64x1x64xf32>
    %squeeze3A_716 = vector.shape_cast %slice3A_715 : vector<64x1x64xf32> to vector<64x64xf32>
    %add3A_717 = arith.addf %add3A_714, %squeeze3A_716 : vector<64x64xf32>
    %slice3A_718 = vector.extract_strided_slice %concatenate3A {offsets = [0, 5, 192], sizes = [64, 1, 64], strides = [1, 1, 1]} : vector<64x10x256xf32> to vector<64x1x64xf32>
    %squeeze3A_719 = vector.shape_cast %slice3A_718 : vector<64x1x64xf32> to vector<64x64xf32>
    %add3A_720 = arith.addf %add3A_717, %squeeze3A_719 : vector<64x64xf32>
    %slice3A_721 = vector.extract_strided_slice %concatenate3A {offsets = [0, 6, 0], sizes = [64, 1, 64], strides = [1, 1, 1]} : vector<64x10x256xf32> to vector<64x1x64xf32>
    %squeeze3A_722 = vector.shape_cast %slice3A_721 : vector<64x1x64xf32> to vector<64x64xf32>
    %add3A_723 = arith.addf %add3A_720, %squeeze3A_722 : vector<64x64xf32>
    %slice3A_724 = vector.extract_strided_slice %concatenate3A {offsets = [0, 6, 64], sizes = [64, 1, 64], strides = [1, 1, 1]} : vector<64x10x256xf32> to vector<64x1x64xf32>
    %squeeze3A_725 = vector.shape_cast %slice3A_724 : vector<64x1x64xf32> to vector<64x64xf32>
    %add3A_726 = arith.addf %add3A_723, %squeeze3A_725 : vector<64x64xf32>
    %slice3A_727 = vector.extract_strided_slice %concatenate3A {offsets = [0, 6, 128], sizes = [64, 1, 64], strides = [1, 1, 1]} : vector<64x10x256xf32> to vector<64x1x64xf32>
    %squeeze3A_728 = vector.shape_cast %slice3A_727 : vector<64x1x64xf32> to vector<64x64xf32>
    %add3A_729 = arith.addf %add3A_726, %squeeze3A_728 : vector<64x64xf32>
    %slice3A_730 = vector.extract_strided_slice %concatenate3A {offsets = [0, 6, 192], sizes = [64, 1, 64], strides = [1, 1, 1]} : vector<64x10x256xf32> to vector<64x1x64xf32>
    %squeeze3A_731 = vector.shape_cast %slice3A_730 : vector<64x1x64xf32> to vector<64x64xf32>
    %add3A_732 = arith.addf %add3A_729, %squeeze3A_731 : vector<64x64xf32>
    %slice3A_733 = vector.extract_strided_slice %concatenate3A {offsets = [0, 7, 0], sizes = [64, 1, 64], strides = [1, 1, 1]} : vector<64x10x256xf32> to vector<64x1x64xf32>
    %squeeze3A_734 = vector.shape_cast %slice3A_733 : vector<64x1x64xf32> to vector<64x64xf32>
    %add3A_735 = arith.addf %add3A_732, %squeeze3A_734 : vector<64x64xf32>
    %slice3A_736 = vector.extract_strided_slice %concatenate3A {offsets = [0, 7, 64], sizes = [64, 1, 64], strides = [1, 1, 1]} : vector<64x10x256xf32> to vector<64x1x64xf32>
    %squeeze3A_737 = vector.shape_cast %slice3A_736 : vector<64x1x64xf32> to vector<64x64xf32>
    %add3A_738 = arith.addf %add3A_735, %squeeze3A_737 : vector<64x64xf32>
    %mul3A_739 = arith.constant 1.000000e-01 : f32
    %mul3A_740 = vector.broadcast %mul3A_739 : f32 to vector<64x64xf32>
    %mul3A_741 = arith.mulf %add3A_738, %mul3A_740 : vector<64x64xf32>
    %slice3A_742 = vector.extract_strided_slice %get3A_3 {offsets = [0, 64], sizes = [64, 32], strides = [1, 1]} : vector<64x128xf32> to vector<64x32xf32>
    %slice3A_743 = vector.extract_strided_slice %get3A_108 {offsets = [0, 0], sizes = [1, 32], strides = [1, 1]} : vector<1x128xf32> to vector<1x32xf32>
    %mul3A_744 = vector.broadcast %slice3A_743 : vector<1x32xf32> to vector<64x32xf32>
    %mul3A_745 = arith.mulf %slice3A_742, %mul3A_744 : vector<64x32xf32>
    %reduce_sum3A_746 = arith.constant dense<0.000000e+00> : vector<64xf32>
    %reduce_sum3A_747 = vector.multi_reduction <add>, %mul3A_745, %reduce_sum3A_746 [1] : vector<64x32xf32> to vector<64xf32>
    %broadcast_in_dim3A_748 = vector.shape_cast %reduce_sum3A_747 : vector<64xf32> to vector<64x1xf32>
    %slice3A_749 = vector.extract_strided_slice %get3A_108 {offsets = [0, 32], sizes = [1, 32], strides = [1, 1]} : vector<1x128xf32> to vector<1x32xf32>
    %mul3A_750 = vector.broadcast %slice3A_749 : vector<1x32xf32> to vector<64x32xf32>
    %mul3A_751 = arith.mulf %max3A_706, %mul3A_750 : vector<64x32xf32>
    %reduce_sum3A_752 = arith.constant dense<0.000000e+00> : vector<64xf32>
    %reduce_sum3A_753 = vector.multi_reduction <add>, %mul3A_751, %reduce_sum3A_752 [1] : vector<64x32xf32> to vector<64xf32>
    %broadcast_in_dim3A_754 = vector.shape_cast %reduce_sum3A_753 : vector<64xf32> to vector<64x1xf32>
    %add3A_755 = arith.addf %broadcast_in_dim3A_748, %broadcast_in_dim3A_754 : vector<64x1xf32>
    %slice3A_756 = vector.extract_strided_slice %get3A_108 {offsets = [0, 64], sizes = [1, 64], strides = [1, 1]} : vector<1x128xf32> to vector<1x64xf32>
    %mul3A_757 = vector.broadcast %slice3A_756 : vector<1x64xf32> to vector<64x64xf32>
    %mul3A_758 = arith.mulf %mul3A_741, %mul3A_757 : vector<64x64xf32>
    %reduce_sum3A_759 = arith.constant dense<0.000000e+00> : vector<64xf32>
    %reduce_sum3A_760 = vector.multi_reduction <add>, %mul3A_758, %reduce_sum3A_759 [1] : vector<64x64xf32> to vector<64xf32>
    %broadcast_in_dim3A_761 = vector.shape_cast %reduce_sum3A_760 : vector<64xf32> to vector<64x1xf32>
    %add3A_762 = arith.addf %add3A_755, %broadcast_in_dim3A_761 : vector<64x1xf32>
    %slice3A_763 = vector.extract_strided_slice %add3A_102 {offsets = [0, 96], sizes = [64, 32], strides = [1, 1]} : vector<64x128xf32> to vector<64x32xf32>
    %slice3A_764 = vector.extract_strided_slice %reshape3A_103 {offsets = [0, 7, 64], sizes = [64, 1, 32], strides = [1, 1, 1]} : vector<64x10x128xf32> to vector<64x1x32xf32>
    %squeeze3A_765 = vector.shape_cast %slice3A_764 : vector<64x1x32xf32> to vector<64x32xf32>
    %mul3A_766 = arith.mulf %slice3A_763, %squeeze3A_765 : vector<64x32xf32>
    %reduce_sum3A_767 = arith.constant dense<0.000000e+00> : vector<64xf32>
    %reduce_sum3A_768 = vector.multi_reduction <add>, %mul3A_766, %reduce_sum3A_767 [1] : vector<64x32xf32> to vector<64xf32>
    %broadcast_in_dim3A_769 = vector.shape_cast %reduce_sum3A_768 : vector<64xf32> to vector<64x1xf32>
    %slice3A_770 = vector.extract_strided_slice %reshape3A_103 {offsets = [0, 7, 96], sizes = [64, 1, 32], strides = [1, 1, 1]} : vector<64x10x128xf32> to vector<64x1x32xf32>
    %squeeze3A_771 = vector.shape_cast %slice3A_770 : vector<64x1x32xf32> to vector<64x32xf32>
    %mul3A_772 = arith.mulf %slice3A_763, %squeeze3A_771 : vector<64x32xf32>
    %reduce_sum3A_773 = arith.constant dense<0.000000e+00> : vector<64xf32>
    %reduce_sum3A_774 = vector.multi_reduction <add>, %mul3A_772, %reduce_sum3A_773 [1] : vector<64x32xf32> to vector<64xf32>
    %broadcast_in_dim3A_775 = vector.shape_cast %reduce_sum3A_774 : vector<64xf32> to vector<64x1xf32>
    %slice3A_776 = vector.extract_strided_slice %reshape3A_103 {offsets = [0, 8, 0], sizes = [64, 1, 32], strides = [1, 1, 1]} : vector<64x10x128xf32> to vector<64x1x32xf32>
    %squeeze3A_777 = vector.shape_cast %slice3A_776 : vector<64x1x32xf32> to vector<64x32xf32>
    %mul3A_778 = arith.mulf %slice3A_763, %squeeze3A_777 : vector<64x32xf32>
    %reduce_sum3A_779 = arith.constant dense<0.000000e+00> : vector<64xf32>
    %reduce_sum3A_780 = vector.multi_reduction <add>, %mul3A_778, %reduce_sum3A_779 [1] : vector<64x32xf32> to vector<64xf32>
    %broadcast_in_dim3A_781 = vector.shape_cast %reduce_sum3A_780 : vector<64xf32> to vector<64x1xf32>
    %slice3A_782 = vector.extract_strided_slice %reshape3A_103 {offsets = [0, 8, 32], sizes = [64, 1, 32], strides = [1, 1, 1]} : vector<64x10x128xf32> to vector<64x1x32xf32>
    %squeeze3A_783 = vector.shape_cast %slice3A_782 : vector<64x1x32xf32> to vector<64x32xf32>
    %mul3A_784 = arith.mulf %slice3A_763, %squeeze3A_783 : vector<64x32xf32>
    %reduce_sum3A_785 = arith.constant dense<0.000000e+00> : vector<64xf32>
    %reduce_sum3A_786 = vector.multi_reduction <add>, %mul3A_784, %reduce_sum3A_785 [1] : vector<64x32xf32> to vector<64xf32>
    %broadcast_in_dim3A_787 = vector.shape_cast %reduce_sum3A_786 : vector<64xf32> to vector<64x1xf32>
    %slice3A_788 = vector.extract_strided_slice %reshape3A_103 {offsets = [0, 8, 64], sizes = [64, 1, 32], strides = [1, 1, 1]} : vector<64x10x128xf32> to vector<64x1x32xf32>
    %squeeze3A_789 = vector.shape_cast %slice3A_788 : vector<64x1x32xf32> to vector<64x32xf32>
    %mul3A_790 = arith.mulf %slice3A_763, %squeeze3A_789 : vector<64x32xf32>
    %reduce_sum3A_791 = arith.constant dense<0.000000e+00> : vector<64xf32>
    %reduce_sum3A_792 = vector.multi_reduction <add>, %mul3A_790, %reduce_sum3A_791 [1] : vector<64x32xf32> to vector<64xf32>
    %broadcast_in_dim3A_793 = vector.shape_cast %reduce_sum3A_792 : vector<64xf32> to vector<64x1xf32>
    %slice3A_794 = vector.extract_strided_slice %reshape3A_103 {offsets = [0, 8, 96], sizes = [64, 1, 32], strides = [1, 1, 1]} : vector<64x10x128xf32> to vector<64x1x32xf32>
    %squeeze3A_795 = vector.shape_cast %slice3A_794 : vector<64x1x32xf32> to vector<64x32xf32>
    %mul3A_796 = arith.mulf %slice3A_763, %squeeze3A_795 : vector<64x32xf32>
    %reduce_sum3A_797 = arith.constant dense<0.000000e+00> : vector<64xf32>
    %reduce_sum3A_798 = vector.multi_reduction <add>, %mul3A_796, %reduce_sum3A_797 [1] : vector<64x32xf32> to vector<64xf32>
    %broadcast_in_dim3A_799 = vector.shape_cast %reduce_sum3A_798 : vector<64xf32> to vector<64x1xf32>
    %slice3A_800 = vector.extract_strided_slice %reshape3A_103 {offsets = [0, 9, 0], sizes = [64, 1, 32], strides = [1, 1, 1]} : vector<64x10x128xf32> to vector<64x1x32xf32>
    %squeeze3A_801 = vector.shape_cast %slice3A_800 : vector<64x1x32xf32> to vector<64x32xf32>
    %mul3A_802 = arith.mulf %slice3A_763, %squeeze3A_801 : vector<64x32xf32>
    %reduce_sum3A_803 = arith.constant dense<0.000000e+00> : vector<64xf32>
    %reduce_sum3A_804 = vector.multi_reduction <add>, %mul3A_802, %reduce_sum3A_803 [1] : vector<64x32xf32> to vector<64xf32>
    %broadcast_in_dim3A_805 = vector.shape_cast %reduce_sum3A_804 : vector<64xf32> to vector<64x1xf32>
    %slice3A_806 = vector.extract_strided_slice %reshape3A_103 {offsets = [0, 9, 32], sizes = [64, 1, 32], strides = [1, 1, 1]} : vector<64x10x128xf32> to vector<64x1x32xf32>
    %squeeze3A_807 = vector.shape_cast %slice3A_806 : vector<64x1x32xf32> to vector<64x32xf32>
    %mul3A_808 = arith.mulf %slice3A_763, %squeeze3A_807 : vector<64x32xf32>
    %reduce_sum3A_809 = arith.constant dense<0.000000e+00> : vector<64xf32>
    %reduce_sum3A_810 = vector.multi_reduction <add>, %mul3A_808, %reduce_sum3A_809 [1] : vector<64x32xf32> to vector<64xf32>
    %broadcast_in_dim3A_811 = vector.shape_cast %reduce_sum3A_810 : vector<64xf32> to vector<64x1xf32>
    %slice3A_812 = vector.extract_strided_slice %reshape3A_103 {offsets = [0, 9, 64], sizes = [64, 1, 32], strides = [1, 1, 1]} : vector<64x10x128xf32> to vector<64x1x32xf32>
    %squeeze3A_813 = vector.shape_cast %slice3A_812 : vector<64x1x32xf32> to vector<64x32xf32>
    %mul3A_814 = arith.mulf %slice3A_763, %squeeze3A_813 : vector<64x32xf32>
    %reduce_sum3A_815 = arith.constant dense<0.000000e+00> : vector<64xf32>
    %reduce_sum3A_816 = vector.multi_reduction <add>, %mul3A_814, %reduce_sum3A_815 [1] : vector<64x32xf32> to vector<64xf32>
    %broadcast_in_dim3A_817 = vector.shape_cast %reduce_sum3A_816 : vector<64xf32> to vector<64x1xf32>
    %slice3A_818 = vector.extract_strided_slice %reshape3A_103 {offsets = [0, 9, 96], sizes = [64, 1, 32], strides = [1, 1, 1]} : vector<64x10x128xf32> to vector<64x1x32xf32>
    %squeeze3A_819 = vector.shape_cast %slice3A_818 : vector<64x1x32xf32> to vector<64x32xf32>
    %mul3A_820 = arith.mulf %slice3A_763, %squeeze3A_819 : vector<64x32xf32>
    %reduce_sum3A_821 = arith.constant dense<0.000000e+00> : vector<64xf32>
    %reduce_sum3A_822 = vector.multi_reduction <add>, %mul3A_820, %reduce_sum3A_821 [1] : vector<64x32xf32> to vector<64xf32>
    %broadcast_in_dim3A_823 = vector.shape_cast %reduce_sum3A_822 : vector<64xf32> to vector<64x1xf32>
    %concatenate3A_824 = tpu.concatenate %broadcast_in_dim3A_769, %broadcast_in_dim3A_775, %broadcast_in_dim3A_781, %broadcast_in_dim3A_787, %broadcast_in_dim3A_793, %broadcast_in_dim3A_799, %broadcast_in_dim3A_805, %broadcast_in_dim3A_811, %broadcast_in_dim3A_817, %broadcast_in_dim3A_823 in 1 : vector<64x1xf32>, vector<64x1xf32>, vector<64x1xf32>, vector<64x1xf32>, vector<64x1xf32>, vector<64x1xf32>, vector<64x1xf32>, vector<64x1xf32>, vector<64x1xf32>, vector<64x1xf32> -> vector<64x10xf32>
    %reduce_max3A_825 = arith.constant dense<0xFF800000> : vector<64xf32>
    %reduce_max3A_826 = vector.multi_reduction <maximumf>, %concatenate3A_824, %reduce_max3A_825 [1] : vector<64x10xf32> to vector<64xf32>
    %broadcast_in_dim3A_827 = vector.shape_cast %reduce_max3A_826 : vector<64xf32> to vector<64x1xf32>
    %sub3A_828 = vector.broadcast %broadcast_in_dim3A_827 : vector<64x1xf32> to vector<64x10xf32>
    %sub3A_829 = arith.subf %concatenate3A_824, %sub3A_828 : vector<64x10xf32>
    %exp3A_830 = math.exp %sub3A_829 : vector<64x10xf32>
    %reduce_sum3A_831 = arith.constant dense<0.000000e+00> : vector<64xf32>
    %reduce_sum3A_832 = vector.multi_reduction <add>, %exp3A_830, %reduce_sum3A_831 [1] : vector<64x10xf32> to vector<64xf32>
    %broadcast_in_dim3A_833 = vector.shape_cast %reduce_sum3A_832 : vector<64xf32> to vector<64x1xf32>
    %div3A_834 = vector.broadcast %broadcast_in_dim3A_833 : vector<64x1xf32> to vector<64x10xf32>
    %div3A_835 = arith.divf %exp3A_830, %div3A_834 : vector<64x10xf32>
    %broadcast_in_dim3A_836 = arith.constant 0.000000e+00 : f32
    %broadcast_in_dim3A_837 = vector.broadcast %broadcast_in_dim3A_836 : f32 to vector<64x32xf32>
    %slice3A_838 = vector.extract_strided_slice %reshape3A_104 {offsets = [0, 7, 64], sizes = [64, 1, 32], strides = [1, 1, 1]} : vector<64x10x128xf32> to vector<64x1x32xf32>
    %squeeze3A_839 = vector.shape_cast %slice3A_838 : vector<64x1x32xf32> to vector<64x32xf32>
    %slice3A_840 = vector.extract_strided_slice %reshape3A_105 {offsets = [0, 7, 64], sizes = [64, 1, 32], strides = [1, 1, 1]} : vector<64x10x128xf32> to vector<64x1x32xf32>
    %squeeze3A_841 = vector.shape_cast %slice3A_840 : vector<64x1x32xf32> to vector<64x32xf32>
    %slice3A_842 = vector.extract_strided_slice %div3A_835 {offsets = [0, 0], sizes = [64, 1], strides = [1, 1]} : vector<64x10xf32> to vector<64x1xf32>
    %mul3A_843 = vector.broadcast %slice3A_842 : vector<64x1xf32> to vector<64x32xf32>
    %mul3A_844 = arith.mulf %mul3A_843, %squeeze3A_839 : vector<64x32xf32>
    %add3A_845 = arith.addf %broadcast_in_dim3A_837, %mul3A_844 : vector<64x32xf32>
    %slice3A_846 = vector.extract_strided_slice %reshape3A_104 {offsets = [0, 7, 96], sizes = [64, 1, 32], strides = [1, 1, 1]} : vector<64x10x128xf32> to vector<64x1x32xf32>
    %squeeze3A_847 = vector.shape_cast %slice3A_846 : vector<64x1x32xf32> to vector<64x32xf32>
    %slice3A_848 = vector.extract_strided_slice %reshape3A_105 {offsets = [0, 7, 96], sizes = [64, 1, 32], strides = [1, 1, 1]} : vector<64x10x128xf32> to vector<64x1x32xf32>
    %squeeze3A_849 = vector.shape_cast %slice3A_848 : vector<64x1x32xf32> to vector<64x32xf32>
    %slice3A_850 = vector.extract_strided_slice %div3A_835 {offsets = [0, 1], sizes = [64, 1], strides = [1, 1]} : vector<64x10xf32> to vector<64x1xf32>
    %mul3A_851 = vector.broadcast %slice3A_850 : vector<64x1xf32> to vector<64x32xf32>
    %mul3A_852 = arith.mulf %mul3A_851, %squeeze3A_847 : vector<64x32xf32>
    %add3A_853 = arith.addf %add3A_845, %mul3A_852 : vector<64x32xf32>
    %max3A_854 = arith.maximumf %squeeze3A_841, %squeeze3A_849 : vector<64x32xf32>
    %slice3A_855 = vector.extract_strided_slice %reshape3A_104 {offsets = [0, 8, 0], sizes = [64, 1, 32], strides = [1, 1, 1]} : vector<64x10x128xf32> to vector<64x1x32xf32>
    %squeeze3A_856 = vector.shape_cast %slice3A_855 : vector<64x1x32xf32> to vector<64x32xf32>
    %slice3A_857 = vector.extract_strided_slice %reshape3A_105 {offsets = [0, 8, 0], sizes = [64, 1, 32], strides = [1, 1, 1]} : vector<64x10x128xf32> to vector<64x1x32xf32>
    %squeeze3A_858 = vector.shape_cast %slice3A_857 : vector<64x1x32xf32> to vector<64x32xf32>
    %slice3A_859 = vector.extract_strided_slice %div3A_835 {offsets = [0, 2], sizes = [64, 1], strides = [1, 1]} : vector<64x10xf32> to vector<64x1xf32>
    %mul3A_860 = vector.broadcast %slice3A_859 : vector<64x1xf32> to vector<64x32xf32>
    %mul3A_861 = arith.mulf %mul3A_860, %squeeze3A_856 : vector<64x32xf32>
    %add3A_862 = arith.addf %add3A_853, %mul3A_861 : vector<64x32xf32>
    %max3A_863 = arith.maximumf %max3A_854, %squeeze3A_858 : vector<64x32xf32>
    %slice3A_864 = vector.extract_strided_slice %reshape3A_104 {offsets = [0, 8, 32], sizes = [64, 1, 32], strides = [1, 1, 1]} : vector<64x10x128xf32> to vector<64x1x32xf32>
    %squeeze3A_865 = vector.shape_cast %slice3A_864 : vector<64x1x32xf32> to vector<64x32xf32>
    %slice3A_866 = vector.extract_strided_slice %reshape3A_105 {offsets = [0, 8, 32], sizes = [64, 1, 32], strides = [1, 1, 1]} : vector<64x10x128xf32> to vector<64x1x32xf32>
    %squeeze3A_867 = vector.shape_cast %slice3A_866 : vector<64x1x32xf32> to vector<64x32xf32>
    %slice3A_868 = vector.extract_strided_slice %div3A_835 {offsets = [0, 3], sizes = [64, 1], strides = [1, 1]} : vector<64x10xf32> to vector<64x1xf32>
    %mul3A_869 = vector.broadcast %slice3A_868 : vector<64x1xf32> to vector<64x32xf32>
    %mul3A_870 = arith.mulf %mul3A_869, %squeeze3A_865 : vector<64x32xf32>
    %add3A_871 = arith.addf %add3A_862, %mul3A_870 : vector<64x32xf32>
    %max3A_872 = arith.maximumf %max3A_863, %squeeze3A_867 : vector<64x32xf32>
    %slice3A_873 = vector.extract_strided_slice %reshape3A_104 {offsets = [0, 8, 64], sizes = [64, 1, 32], strides = [1, 1, 1]} : vector<64x10x128xf32> to vector<64x1x32xf32>
    %squeeze3A_874 = vector.shape_cast %slice3A_873 : vector<64x1x32xf32> to vector<64x32xf32>
    %slice3A_875 = vector.extract_strided_slice %reshape3A_105 {offsets = [0, 8, 64], sizes = [64, 1, 32], strides = [1, 1, 1]} : vector<64x10x128xf32> to vector<64x1x32xf32>
    %squeeze3A_876 = vector.shape_cast %slice3A_875 : vector<64x1x32xf32> to vector<64x32xf32>
    %slice3A_877 = vector.extract_strided_slice %div3A_835 {offsets = [0, 4], sizes = [64, 1], strides = [1, 1]} : vector<64x10xf32> to vector<64x1xf32>
    %mul3A_878 = vector.broadcast %slice3A_877 : vector<64x1xf32> to vector<64x32xf32>
    %mul3A_879 = arith.mulf %mul3A_878, %squeeze3A_874 : vector<64x32xf32>
    %add3A_880 = arith.addf %add3A_871, %mul3A_879 : vector<64x32xf32>
    %max3A_881 = arith.maximumf %max3A_872, %squeeze3A_876 : vector<64x32xf32>
    %slice3A_882 = vector.extract_strided_slice %reshape3A_104 {offsets = [0, 8, 96], sizes = [64, 1, 32], strides = [1, 1, 1]} : vector<64x10x128xf32> to vector<64x1x32xf32>
    %squeeze3A_883 = vector.shape_cast %slice3A_882 : vector<64x1x32xf32> to vector<64x32xf32>
    %slice3A_884 = vector.extract_strided_slice %reshape3A_105 {offsets = [0, 8, 96], sizes = [64, 1, 32], strides = [1, 1, 1]} : vector<64x10x128xf32> to vector<64x1x32xf32>
    %squeeze3A_885 = vector.shape_cast %slice3A_884 : vector<64x1x32xf32> to vector<64x32xf32>
    %slice3A_886 = vector.extract_strided_slice %div3A_835 {offsets = [0, 5], sizes = [64, 1], strides = [1, 1]} : vector<64x10xf32> to vector<64x1xf32>
    %mul3A_887 = vector.broadcast %slice3A_886 : vector<64x1xf32> to vector<64x32xf32>
    %mul3A_888 = arith.mulf %mul3A_887, %squeeze3A_883 : vector<64x32xf32>
    %add3A_889 = arith.addf %add3A_880, %mul3A_888 : vector<64x32xf32>
    %max3A_890 = arith.maximumf %max3A_881, %squeeze3A_885 : vector<64x32xf32>
    %slice3A_891 = vector.extract_strided_slice %reshape3A_104 {offsets = [0, 9, 0], sizes = [64, 1, 32], strides = [1, 1, 1]} : vector<64x10x128xf32> to vector<64x1x32xf32>
    %squeeze3A_892 = vector.shape_cast %slice3A_891 : vector<64x1x32xf32> to vector<64x32xf32>
    %slice3A_893 = vector.extract_strided_slice %reshape3A_105 {offsets = [0, 9, 0], sizes = [64, 1, 32], strides = [1, 1, 1]} : vector<64x10x128xf32> to vector<64x1x32xf32>
    %squeeze3A_894 = vector.shape_cast %slice3A_893 : vector<64x1x32xf32> to vector<64x32xf32>
    %slice3A_895 = vector.extract_strided_slice %div3A_835 {offsets = [0, 6], sizes = [64, 1], strides = [1, 1]} : vector<64x10xf32> to vector<64x1xf32>
    %mul3A_896 = vector.broadcast %slice3A_895 : vector<64x1xf32> to vector<64x32xf32>
    %mul3A_897 = arith.mulf %mul3A_896, %squeeze3A_892 : vector<64x32xf32>
    %add3A_898 = arith.addf %add3A_889, %mul3A_897 : vector<64x32xf32>
    %max3A_899 = arith.maximumf %max3A_890, %squeeze3A_894 : vector<64x32xf32>
    %slice3A_900 = vector.extract_strided_slice %reshape3A_104 {offsets = [0, 9, 32], sizes = [64, 1, 32], strides = [1, 1, 1]} : vector<64x10x128xf32> to vector<64x1x32xf32>
    %squeeze3A_901 = vector.shape_cast %slice3A_900 : vector<64x1x32xf32> to vector<64x32xf32>
    %slice3A_902 = vector.extract_strided_slice %reshape3A_105 {offsets = [0, 9, 32], sizes = [64, 1, 32], strides = [1, 1, 1]} : vector<64x10x128xf32> to vector<64x1x32xf32>
    %squeeze3A_903 = vector.shape_cast %slice3A_902 : vector<64x1x32xf32> to vector<64x32xf32>
    %slice3A_904 = vector.extract_strided_slice %div3A_835 {offsets = [0, 7], sizes = [64, 1], strides = [1, 1]} : vector<64x10xf32> to vector<64x1xf32>
    %mul3A_905 = vector.broadcast %slice3A_904 : vector<64x1xf32> to vector<64x32xf32>
    %mul3A_906 = arith.mulf %mul3A_905, %squeeze3A_901 : vector<64x32xf32>
    %add3A_907 = arith.addf %add3A_898, %mul3A_906 : vector<64x32xf32>
    %max3A_908 = arith.maximumf %max3A_899, %squeeze3A_903 : vector<64x32xf32>
    %slice3A_909 = vector.extract_strided_slice %reshape3A_104 {offsets = [0, 9, 64], sizes = [64, 1, 32], strides = [1, 1, 1]} : vector<64x10x128xf32> to vector<64x1x32xf32>
    %squeeze3A_910 = vector.shape_cast %slice3A_909 : vector<64x1x32xf32> to vector<64x32xf32>
    %slice3A_911 = vector.extract_strided_slice %reshape3A_105 {offsets = [0, 9, 64], sizes = [64, 1, 32], strides = [1, 1, 1]} : vector<64x10x128xf32> to vector<64x1x32xf32>
    %squeeze3A_912 = vector.shape_cast %slice3A_911 : vector<64x1x32xf32> to vector<64x32xf32>
    %slice3A_913 = vector.extract_strided_slice %div3A_835 {offsets = [0, 8], sizes = [64, 1], strides = [1, 1]} : vector<64x10xf32> to vector<64x1xf32>
    %mul3A_914 = vector.broadcast %slice3A_913 : vector<64x1xf32> to vector<64x32xf32>
    %mul3A_915 = arith.mulf %mul3A_914, %squeeze3A_910 : vector<64x32xf32>
    %add3A_916 = arith.addf %add3A_907, %mul3A_915 : vector<64x32xf32>
    %max3A_917 = arith.maximumf %max3A_908, %squeeze3A_912 : vector<64x32xf32>
    %slice3A_918 = vector.extract_strided_slice %reshape3A_104 {offsets = [0, 9, 96], sizes = [64, 1, 32], strides = [1, 1, 1]} : vector<64x10x128xf32> to vector<64x1x32xf32>
    %squeeze3A_919 = vector.shape_cast %slice3A_918 : vector<64x1x32xf32> to vector<64x32xf32>
    %slice3A_920 = vector.extract_strided_slice %reshape3A_105 {offsets = [0, 9, 96], sizes = [64, 1, 32], strides = [1, 1, 1]} : vector<64x10x128xf32> to vector<64x1x32xf32>
    %squeeze3A_921 = vector.shape_cast %slice3A_920 : vector<64x1x32xf32> to vector<64x32xf32>
    %slice3A_922 = vector.extract_strided_slice %div3A_835 {offsets = [0, 9], sizes = [64, 1], strides = [1, 1]} : vector<64x10xf32> to vector<64x1xf32>
    %mul3A_923 = vector.broadcast %slice3A_922 : vector<64x1xf32> to vector<64x32xf32>
    %mul3A_924 = arith.mulf %mul3A_923, %squeeze3A_919 : vector<64x32xf32>
    %add3A_925 = arith.addf %add3A_916, %mul3A_924 : vector<64x32xf32>
    %max3A_926 = arith.maximumf %max3A_917, %squeeze3A_921 : vector<64x32xf32>
    %broadcast_in_dim3A_927 = arith.constant 0.000000e+00 : f32
    %broadcast_in_dim3A_928 = vector.broadcast %broadcast_in_dim3A_927 : f32 to vector<64x64xf32>
    %slice3A_929 = vector.extract_strided_slice %concatenate3A {offsets = [0, 7, 128], sizes = [64, 1, 64], strides = [1, 1, 1]} : vector<64x10x256xf32> to vector<64x1x64xf32>
    %squeeze3A_930 = vector.shape_cast %slice3A_929 : vector<64x1x64xf32> to vector<64x64xf32>
    %add3A_931 = arith.addf %broadcast_in_dim3A_928, %squeeze3A_930 : vector<64x64xf32>
    %slice3A_932 = vector.extract_strided_slice %concatenate3A {offsets = [0, 7, 192], sizes = [64, 1, 64], strides = [1, 1, 1]} : vector<64x10x256xf32> to vector<64x1x64xf32>
    %squeeze3A_933 = vector.shape_cast %slice3A_932 : vector<64x1x64xf32> to vector<64x64xf32>
    %add3A_934 = arith.addf %add3A_931, %squeeze3A_933 : vector<64x64xf32>
    %slice3A_935 = vector.extract_strided_slice %concatenate3A {offsets = [0, 8, 0], sizes = [64, 1, 64], strides = [1, 1, 1]} : vector<64x10x256xf32> to vector<64x1x64xf32>
    %squeeze3A_936 = vector.shape_cast %slice3A_935 : vector<64x1x64xf32> to vector<64x64xf32>
    %add3A_937 = arith.addf %add3A_934, %squeeze3A_936 : vector<64x64xf32>
    %slice3A_938 = vector.extract_strided_slice %concatenate3A {offsets = [0, 8, 64], sizes = [64, 1, 64], strides = [1, 1, 1]} : vector<64x10x256xf32> to vector<64x1x64xf32>
    %squeeze3A_939 = vector.shape_cast %slice3A_938 : vector<64x1x64xf32> to vector<64x64xf32>
    %add3A_940 = arith.addf %add3A_937, %squeeze3A_939 : vector<64x64xf32>
    %slice3A_941 = vector.extract_strided_slice %concatenate3A {offsets = [0, 8, 128], sizes = [64, 1, 64], strides = [1, 1, 1]} : vector<64x10x256xf32> to vector<64x1x64xf32>
    %squeeze3A_942 = vector.shape_cast %slice3A_941 : vector<64x1x64xf32> to vector<64x64xf32>
    %add3A_943 = arith.addf %add3A_940, %squeeze3A_942 : vector<64x64xf32>
    %slice3A_944 = vector.extract_strided_slice %concatenate3A {offsets = [0, 8, 192], sizes = [64, 1, 64], strides = [1, 1, 1]} : vector<64x10x256xf32> to vector<64x1x64xf32>
    %squeeze3A_945 = vector.shape_cast %slice3A_944 : vector<64x1x64xf32> to vector<64x64xf32>
    %add3A_946 = arith.addf %add3A_943, %squeeze3A_945 : vector<64x64xf32>
    %slice3A_947 = vector.extract_strided_slice %concatenate3A {offsets = [0, 9, 0], sizes = [64, 1, 64], strides = [1, 1, 1]} : vector<64x10x256xf32> to vector<64x1x64xf32>
    %squeeze3A_948 = vector.shape_cast %slice3A_947 : vector<64x1x64xf32> to vector<64x64xf32>
    %add3A_949 = arith.addf %add3A_946, %squeeze3A_948 : vector<64x64xf32>
    %slice3A_950 = vector.extract_strided_slice %concatenate3A {offsets = [0, 9, 64], sizes = [64, 1, 64], strides = [1, 1, 1]} : vector<64x10x256xf32> to vector<64x1x64xf32>
    %squeeze3A_951 = vector.shape_cast %slice3A_950 : vector<64x1x64xf32> to vector<64x64xf32>
    %add3A_952 = arith.addf %add3A_949, %squeeze3A_951 : vector<64x64xf32>
    %slice3A_953 = vector.extract_strided_slice %concatenate3A {offsets = [0, 9, 128], sizes = [64, 1, 64], strides = [1, 1, 1]} : vector<64x10x256xf32> to vector<64x1x64xf32>
    %squeeze3A_954 = vector.shape_cast %slice3A_953 : vector<64x1x64xf32> to vector<64x64xf32>
    %add3A_955 = arith.addf %add3A_952, %squeeze3A_954 : vector<64x64xf32>
    %slice3A_956 = vector.extract_strided_slice %concatenate3A {offsets = [0, 9, 192], sizes = [64, 1, 64], strides = [1, 1, 1]} : vector<64x10x256xf32> to vector<64x1x64xf32>
    %squeeze3A_957 = vector.shape_cast %slice3A_956 : vector<64x1x64xf32> to vector<64x64xf32>
    %add3A_958 = arith.addf %add3A_955, %squeeze3A_957 : vector<64x64xf32>
    %mul3A_959 = arith.constant 1.000000e-01 : f32
    %mul3A_960 = vector.broadcast %mul3A_959 : f32 to vector<64x64xf32>
    %mul3A_961 = arith.mulf %add3A_958, %mul3A_960 : vector<64x64xf32>
    %slice3A_962 = vector.extract_strided_slice %get3A_3 {offsets = [0, 96], sizes = [64, 32], strides = [1, 1]} : vector<64x128xf32> to vector<64x32xf32>
    %slice3A_963 = vector.extract_strided_slice %get3A_108 {offsets = [0, 0], sizes = [1, 32], strides = [1, 1]} : vector<1x128xf32> to vector<1x32xf32>
    %mul3A_964 = vector.broadcast %slice3A_963 : vector<1x32xf32> to vector<64x32xf32>
    %mul3A_965 = arith.mulf %slice3A_962, %mul3A_964 : vector<64x32xf32>
    %reduce_sum3A_966 = arith.constant dense<0.000000e+00> : vector<64xf32>
    %reduce_sum3A_967 = vector.multi_reduction <add>, %mul3A_965, %reduce_sum3A_966 [1] : vector<64x32xf32> to vector<64xf32>
    %broadcast_in_dim3A_968 = vector.shape_cast %reduce_sum3A_967 : vector<64xf32> to vector<64x1xf32>
    %slice3A_969 = vector.extract_strided_slice %get3A_108 {offsets = [0, 32], sizes = [1, 32], strides = [1, 1]} : vector<1x128xf32> to vector<1x32xf32>
    %mul3A_970 = vector.broadcast %slice3A_969 : vector<1x32xf32> to vector<64x32xf32>
    %mul3A_971 = arith.mulf %max3A_926, %mul3A_970 : vector<64x32xf32>
    %reduce_sum3A_972 = arith.constant dense<0.000000e+00> : vector<64xf32>
    %reduce_sum3A_973 = vector.multi_reduction <add>, %mul3A_971, %reduce_sum3A_972 [1] : vector<64x32xf32> to vector<64xf32>
    %broadcast_in_dim3A_974 = vector.shape_cast %reduce_sum3A_973 : vector<64xf32> to vector<64x1xf32>
    %add3A_975 = arith.addf %broadcast_in_dim3A_968, %broadcast_in_dim3A_974 : vector<64x1xf32>
    %slice3A_976 = vector.extract_strided_slice %get3A_108 {offsets = [0, 64], sizes = [1, 64], strides = [1, 1]} : vector<1x128xf32> to vector<1x64xf32>
    %mul3A_977 = vector.broadcast %slice3A_976 : vector<1x64xf32> to vector<64x64xf32>
    %mul3A_978 = arith.mulf %mul3A_961, %mul3A_977 : vector<64x64xf32>
    %reduce_sum3A_979 = arith.constant dense<0.000000e+00> : vector<64xf32>
    %reduce_sum3A_980 = vector.multi_reduction <add>, %mul3A_978, %reduce_sum3A_979 [1] : vector<64x64xf32> to vector<64xf32>
    %broadcast_in_dim3A_981 = vector.shape_cast %reduce_sum3A_980 : vector<64xf32> to vector<64x1xf32>
    %add3A_982 = arith.addf %add3A_975, %broadcast_in_dim3A_981 : vector<64x1xf32>
    %concatenate3A_983 = tpu.concatenate %add3A_265, %add3A_485, %add3A_705, %add3A_925 in 1 : vector<64x32xf32>, vector<64x32xf32>, vector<64x32xf32>, vector<64x32xf32> -> vector<64x128xf32>
    %swap3A_984 = arith.constant 0 : index
    %swap3A_985 = arith.constant 0 : index
    %swap3A_986 = arith.constant 0 : index
    %swap3A_987 = vector.load %arg21[%swap3A_984, %swap3A_985, %swap3A_986] : memref<1x64x128xf32, #tpu.memory_space<vmem>>, vector<1x64x128xf32>
    %swap3A_988 = vector.shape_cast %swap3A_987 : vector<1x64x128xf32> to vector<64x128xf32>
    %swap3A_989 = vector.shape_cast %concatenate3A_983 : vector<64x128xf32> to vector<1x64x128xf32>
    tpu.vector_store %arg21[%swap3A_984, %swap3A_985, %swap3A_986], %swap3A_989 {strides = array<i32>} : memref<1x64x128xf32, #tpu.memory_space<vmem>>, vector<1x64x128xf32>,
    %concatenate3A_990 = tpu.concatenate %add3A_322, %add3A_542, %add3A_762, %add3A_982 in 1 : vector<64x1xf32>, vector<64x1xf32>, vector<64x1xf32>, vector<64x1xf32> -> vector<64x4xf32>
    %get3A_991 = arith.constant 0 : index
    %get3A_992 = arith.constant 0 : index
    %get3A_993 = vector.load %arg19[%get3A_991, %get3A_992] : memref<1x1xf32, #tpu.memory_space<vmem>>, vector<1x1xf32>
    %get3A_994 = vector.extract %get3A_993[0, 0] : f32 from vector<1x1xf32>
    %add3A_995 = vector.broadcast %get3A_994 : f32 to vector<64x4xf32>
    %add3A_996 = arith.addf %concatenate3A_990, %add3A_995 : vector<64x4xf32>
    %swap3A_997 = arith.constant 0 : index
    %swap3A_998 = arith.constant 0 : index
    %swap3A_999 = arith.constant 0 : index
    %swap3A_1000 = vector.load %arg22[%swap3A_997, %swap3A_998, %swap3A_999] : memref<1x64x4xf32, #tpu.memory_space<vmem>>, vector<1x64x4xf32>
    %swap3A_1001 = vector.shape_cast %swap3A_1000 : vector<1x64x4xf32> to vector<64x4xf32>
    %swap3A_1002 = vector.shape_cast %add3A_996 : vector<64x4xf32> to vector<1x64x4xf32>
    tpu.vector_store %arg22[%swap3A_997, %swap3A_998, %swap3A_999], %swap3A_1002 {strides = array<i32>} : memref<1x64x4xf32, #tpu.memory_space<vmem>>, vector<1x64x4xf32>,
    return
  }
  func.func @transform_0(%arg0: i32, %arg1: i32) -> (i32, i32, i32) {
    %c0_i32 = arith.constant 0 : i32
    %c0_i32_0 = arith.constant 0 : i32
    return %arg0, %arg1, %c0_i32 : i32, i32, i32
  }
  func.func @transform_1(%arg0: i32, %arg1: i32) -> (i32, i32, i32) {
    %c0_i32 = arith.constant 0 : i32
    %c0_i32_0 = arith.constant 0 : i32
    return %arg0, %arg1, %c0_i32 : i32, i32, i32
  }
  func.func @transform_2(%arg0: i32, %arg1: i32) -> (i32, i32, i32) {
    %c0_i32 = arith.constant 0 : i32
    %c0_i32_0 = arith.constant 0 : i32
    return %arg0, %arg1, %c0_i32 : i32, i32, i32
  }
  func.func @transform_3(%arg0: i32, %arg1: i32) -> (i32, i32, i32) {
    %c0_i32 = arith.constant 0 : i32
    %c0_i32_0 = arith.constant 0 : i32
    return %arg0, %arg1, %c0_i32 : i32, i32, i32
  }
  func.func @transform_4(%arg0: i32, %arg1: i32) -> (i32, i32, i32) {
    %c0_i32 = arith.constant 0 : i32
    %c0_i32_0 = arith.constant 0 : i32
    return %arg0, %arg1, %c0_i32 : i32, i32, i32
  }
  func.func @transform_5(%arg0: i32, %arg1: i32) -> (i32, i32, i32) {
    %c0_i32 = arith.constant 0 : i32
    %c0_i32_0 = arith.constant 0 : i32
    return %arg0, %arg1, %c0_i32 : i32, i32, i32
  }
  func.func @transform_6(%arg0: i32, %arg1: i32) -> (i32, i32) {
    %c0_i32 = arith.constant 0 : i32
    %c0_i32_0 = arith.constant 0 : i32
    %c0_i32_1 = arith.constant 0 : i32
    return %c0_i32, %c0_i32_0 : i32, i32
  }
  func.func @transform_7(%arg0: i32, %arg1: i32) -> (i32, i32) {
    %c0_i32 = arith.constant 0 : i32
    %c0_i32_0 = arith.constant 0 : i32
    %c0_i32_1 = arith.constant 0 : i32
    return %c0_i32, %c0_i32_0 : i32, i32
  }
  func.func @transform_8(%arg0: i32, %arg1: i32) -> (i32, i32) {
    %c0_i32 = arith.constant 0 : i32
    %c0_i32_0 = arith.constant 0 : i32
    %c0_i32_1 = arith.constant 0 : i32
    return %c0_i32, %c0_i32_0 : i32, i32
  }
  func.func @transform_9(%arg0: i32, %arg1: i32) -> (i32, i32) {
    %c0_i32 = arith.constant 0 : i32
    %c0_i32_0 = arith.constant 0 : i32
    %c0_i32_1 = arith.constant 0 : i32
    return %c0_i32, %c0_i32_0 : i32, i32
  }
  func.func @transform_10(%arg0: i32, %arg1: i32) -> (i32, i32) {
    %c0_i32 = arith.constant 0 : i32
    %c0_i32_0 = arith.constant 0 : i32
    %c0_i32_1 = arith.constant 0 : i32
    return %c0_i32, %c0_i32_0 : i32, i32
  }
  func.func @transform_11(%arg0: i32, %arg1: i32) -> (i32, i32) {
    %c0_i32 = arith.constant 0 : i32
    %c0_i32_0 = arith.constant 0 : i32
    %c0_i32_1 = arith.constant 0 : i32
    return %c0_i32, %c0_i32_0 : i32, i32
  }
  func.func @transform_12(%arg0: i32, %arg1: i32) -> (i32, i32) {
    %c0_i32 = arith.constant 0 : i32
    %c0_i32_0 = arith.constant 0 : i32
    %c0_i32_1 = arith.constant 0 : i32
    return %c0_i32, %c0_i32_0 : i32, i32
  }
  func.func @transform_13(%arg0: i32, %arg1: i32) -> (i32, i32) {
    %c0_i32 = arith.constant 0 : i32
    %c0_i32_0 = arith.constant 0 : i32
    %c0_i32_1 = arith.constant 0 : i32
    return %c0_i32, %c0_i32_0 : i32, i32
  }
  func.func @transform_14(%arg0: i32, %arg1: i32) -> (i32, i32) {
    %c0_i32 = arith.constant 0 : i32
    %c0_i32_0 = arith.constant 0 : i32
    %c0_i32_1 = arith.constant 0 : i32
    return %c0_i32, %c0_i32_0 : i32, i32
  }
  func.func @transform_15(%arg0: i32, %arg1: i32) -> (i32, i32) {
    %c0_i32 = arith.constant 0 : i32
    %c0_i32_0 = arith.constant 0 : i32
    %c0_i32_1 = arith.constant 0 : i32
    return %c0_i32, %c0_i32_0 : i32, i32
  }
  func.func @transform_16(%arg0: i32, %arg1: i32) -> (i32, i32) {
    %c0_i32 = arith.constant 0 : i32
    %c0_i32_0 = arith.constant 0 : i32
    %c0_i32_1 = arith.constant 0 : i32
    return %c0_i32, %c0_i32_0 : i32, i32
  }
  func.func @transform_17(%arg0: i32, %arg1: i32) -> (i32, i32) {
    %c0_i32 = arith.constant 0 : i32
    %c0_i32_0 = arith.constant 0 : i32
    %c0_i32_1 = arith.constant 0 : i32
    return %c0_i32, %c0_i32_0 : i32, i32
  }
  func.func @transform_18(%arg0: i32, %arg1: i32) -> (i32, i32, i32) {
    %c0_i32 = arith.constant 0 : i32
    %c0_i32_0 = arith.constant 0 : i32
    return %arg0, %arg1, %c0_i32 : i32, i32, i32
  }
  func.func @transform_19(%arg0: i32, %arg1: i32) -> (i32, i32, i32) {
    %c0_i32 = arith.constant 0 : i32
    %c0_i32_0 = arith.constant 0 : i32
    return %arg0, %arg1, %c0_i32 : i32, i32, i32
  }
  func.func @transform_20(%arg0: i32, %arg1: i32) -> (i32, i32, i32) {
    %c0_i32 = arith.constant 0 : i32
    %c0_i32_0 = arith.constant 0 : i32
    return %arg0, %arg1, %c0_i32 : i32, i32, i32
  }
}

</mosaic_0001>

<sc_bundles>
// kernel: kernel.12.cloned.1.call-start
scs
__scs_entry_jumppad:
0x0: {  	(pc) =	sbr.rel $0x88, $3  }
0x1: {  	(tag) =	ssettag $0x0;
	lr =	simm.s32 $0x1  }
0x2: {  	[smem:$0x3F85] =	sst lr;
	_ =	strace $0xD0000000  }
0x3: {  	_ = 	snop  }
0x4: {  	_ = 	snop  }
0x5: {  	_ = 	snop  }
0x6: {  	_ = 	snop  }
0x7: {  	_ = 	snop  }
__scs_overlays_trampoline_lowered:
0x8: {  	[smem:$0x3F94] =	sst s0  }
0x9: {  	[smem:$0x3F95] =	sst s1  }
0xa: {  	[smem:$0x3F96] =	sst s2  }
0xb: {  	[smem:$0x3F97] =	sst s3  }
0xc: {  	[smem:$0x3F98] =	sst s4  }
0xd: {  	[smem:$0x3F99] =	sst s5  }
0xe: {  	[smem:$0x3F9A] =	sst s6  }
0xf: {  	[smem:$0x3F9B] =	sst s7  }
0x10: {  	[smem:$0x3F9C] =	sst s8  }
0x11: {  	[smem:$0x3F9D] =	sst s9;
	s0 =	simm.s32 @!p0 $0x0  }
0x12: {  	s1 =	sld [smem:$0x3F83];
	s0 =	simm.s32 @p0 $0x1  }
0x13: {  	[smem:$0x3F9E] =	sst s0;
	s0 =	simm.s32 @!p1 $0x0  }
0x14: {  	s2 =	sld [smem:$0x3F82];
	s0 =	simm.s32 @p1 $0x1  }
0x15: {  	[smem:$0x3F9F] =	sst s0;
	s0 =	simm.s32 @!p2 $0x0  }
0x16: {  	s3 =	sld [smem:$0x3FDB];
	s0 =	simm.s32 @p2 $0x1  }
0x17: {  	s4 =	simm.s32 $0x1BF5;
	[smem:$0x3FA1] =	sst s0  }
0x18: {  	s0 =	sld [smem:$0x3F84];
	_ =	swait.ge [sflag:s4], $0x0  }
0x19: {  	s7 =	sld [smem:$0x3F85]  }
0x1a: {  	s8 =	sadd.s32 $0xFFFFE003, lr  }
0x1b: {  	s9 =	sadd.s32 $0xFFFFFEF7, lr;
	s5 =	simm.s32 $0xFFFFFFFF;
	p2 =	slt.u32 s8, $0xFFFFF086  }
0x1c: {  	p1 =	slt.u32 s9, $0xF7A;
	s5 =	simm.s32 @!p2 $0x0  }
0x1d: {  	s5 =	simm.s32 @p1 $0x1;
	p0 =	seq.s32 s7, s2  }
0x1e: {  	s7 =	smul.u32 @!p0 $0xF7A, s2;
	p2 =	seq.s32 @!p0 s5, $0x0  }
0x1f: {  	s9 =	smul.u32 $0xF7A, s1;
	s8 =	simm.s32 @!p0 $0x1BF5;
	p2 =	por !p2, p0  }
0x20: {  	[sflag:s8] =	ssyncset.s32 @!p0 $0xFFFFF086;
	s6 =	sadd.s32 @!p0 s3, s7;
	s7 =	simm.s32 @!p0 $0x108  }
0x21: {  	s3 =	sadd.s32 s3, s9;
	s6 =	sadd.s32 @!p0 $0x88, s6;
	s7 =	simm.s32 @p2 $0x1082  }
0x22: {  	[simem:s7], [sflag:s8] =	dma.local @!p0 [hbm:s6], $0xF7A  }
0x23: {  	s9 =	sor.u32 $0xD0000000, s2;
	s6 =	simm.s32 $0x108;
	_ =	swait.ge @!p0 [sflag:s8], $0x0  }
0x24: {  	s3 =	sadd.s32 $0x88, s3;
	s6 =	simm.s32 @!p1 $0x1082;
	[sflag:s4] =	ssyncset.s32 $0xFFFFF086  }
0x25: {  	[simem:s6], [sflag:s4] =	dma.local [hbm:s3], $0xF7A  }
0x26: {  	[smem:$0x3F85] =	sst s1;
	(tag) =	ssettag s2;
	_ =	strace s9  }
0x27: {  	s1 =	sld [smem:$0x3F95]  }
0x28: {  	s2 =	sld [smem:$0x3F96]  }
0x29: {  	s4 =	sld [smem:$0x3F98]  }
0x2a: {  	p0 =	seq.s32 s5, $0x0;
	s5 =	sld [smem:$0x3F99]  }
0x2b: {  	s6 =	sld [smem:$0x3F9A]  }
0x2c: {  	s7 =	sld [smem:$0x3F9B]  }
0x2d: {  	s3 =	simm.s32 $0x108;
	s8 =	sld [smem:$0x3F9C]  }
0x2e: {  	s3 =	simm.s32 @!p0 $0x1082;
	s9 =	sld [smem:$0x3F9D]  }
0x2f: {  	lr =	sadd.s32 s0, s3;
	s0 =	sld [smem:$0x3F94]  }
0x30: {  	s3 =	sld [smem:$0x3F97]  }
0x31: {  	[smem:$0x3FA0] =	sst s10  }
0x32: {  	s10 =	sld [smem:$0x3F9E];
	_ =	sdelay $0x3  }
0x33: {  	p0 =	seq.s32 s10, $0x1;
	s10 =	sld [smem:$0x3FA0];
	_ =	sdelay $0x3  }
0x34: {  	[smem:$0x3FA0] =	sst s10  }
0x35: {  	s10 =	sld [smem:$0x3F9F];
	_ =	sdelay $0x3  }
0x36: {  	p1 =	seq.s32 s10, $0x1;
	s10 =	sld [smem:$0x3FA0];
	_ =	sdelay $0x3  }
0x37: {  	[smem:$0x3FA0] =	sst s10  }
0x38: {  	s10 =	sld [smem:$0x3FA1]  }
0x39: {  	_ = 	snop;
	(pc) =	sbr.ind lr, $3  }
0x3a: {  	_ = 	snop  }
0x3b: {  	_ = 	snop  }
0x3c: {  	p2 =	seq.s32 s10, $0x1;
	s10 =	sld [smem:$0x3FA0]  }
0x3d: {  	_ =	shalt  }
0x3e: {  	_ =	shalt  }
0x3f: {  	_ =	shalt  }
0x40: {  	_ =	shalt  }
0x41: {  	_ =	shalt  }
0x42: {  	_ =	shalt  }
0x43: {  	_ =	shalt  }
0x44: {  	_ =	shalt  }
0x45: {  	_ =	shalt  }
0x46: {  	_ =	shalt  }
0x47: {  	_ =	shalt  }
0x48: {  	_ =	shalt  }
0x49: {  	_ =	shalt  }
0x4a: {  	_ =	shalt  }
0x4b: {  	_ =	shalt  }
0x4c: {  	_ =	shalt  }
0x4d: {  	_ =	shalt  }
0x4e: {  	_ =	shalt  }
0x4f: {  	_ =	shalt  }
0x50: {  	_ =	shalt  }
0x51: {  	_ =	shalt  }
0x52: {  	_ =	shalt  }
0x53: {  	_ =	shalt  }
0x54: {  	_ =	shalt  }
0x55: {  	_ =	shalt  }
0x56: {  	_ =	shalt  }
0x57: {  	_ =	shalt  }
0x58: {  	_ =	shalt  }
0x59: {  	_ =	shalt  }
0x5a: {  	_ =	shalt  }
0x5b: {  	_ =	shalt  }
0x5c: {  	_ =	shalt  }
0x5d: {  	_ =	shalt  }
0x5e: {  	_ =	shalt  }
0x5f: {  	_ =	shalt  }
0x60: {  	_ =	shalt  }
0x61: {  	_ =	shalt  }
0x62: {  	_ =	shalt  }
0x63: {  	_ =	shalt  }
0x64: {  	_ =	shalt  }
0x65: {  	_ =	shalt  }
0x66: {  	_ =	shalt  }
0x67: {  	_ =	shalt  }
0x68: {  	_ =	shalt  }
0x69: {  	_ =	shalt  }
0x6a: {  	_ =	shalt  }
0x6b: {  	_ =	shalt  }
0x6c: {  	_ =	shalt  }
0x6d: {  	_ =	shalt  }
0x6e: {  	_ =	shalt  }
0x6f: {  	_ =	shalt  }
0x70: {  	_ =	shalt  }
0x71: {  	_ =	shalt  }
0x72: {  	_ =	shalt  }
0x73: {  	_ =	shalt  }
0x74: {  	_ =	shalt  }
0x75: {  	_ =	shalt  }
0x76: {  	_ =	shalt  }
0x77: {  	_ =	shalt  }
0x78: {  	_ =	shalt  }
0x79: {  	_ =	shalt  }
0x7a: {  	_ =	shalt  }
0x7b: {  	_ =	shalt  }
0x7c: {  	_ =	shalt  }
0x7d: {  	_ =	shalt  }
0x7e: {  	_ =	shalt  }
0x7f: {  	_ =	shalt  }
0x80: {  	_ =	shalt  }
0x81: {  	_ =	shalt  }
0x82: {  	_ =	shalt  }
0x83: {  	_ =	shalt  }
0x84: {  	_ =	shalt  }
0x85: {  	_ =	shalt  }
0x86: {  	_ =	shalt  }
0x87: {  	_ =	shalt  }
.Lfunc_end0:
.L_simem_size_0:
called_computation_lowered:
.L_overlay_start_0:
0x88: {  	s2 =	sld [smem:$0x3FD9]  }
0x89: {  	s3 =	sld [smem:$0x3FFE];
	_ =	sdelay $0x1  }
0x8a: {  	s1 =	srdreg.scid  }
0x8b: {  	s0 =	sand.u32 $0x1, s1  }
0x8c: {  	s16 =	sshll.u32 s0, $0xA;
	s2 =	sadd.s32 s3, s2  }
0x8d: {  	s2 =	sadd.s32 s2, s16  }
0x8e: {  	[smem:$0x3FAC] =	sst s2  }
0x8f: {  	_ = 	snop  }
0x90: {  	(tm) =	ssettm $0x1  }
0x91: {  	s17 =	sld [smem:$0x3FFB];
	_ =	sdelay $0x3  }
0x92: {  	_ =	strace s17  }
0x93: {  	s2 =	sld [smem:$0x3FFC];
	_ =	sdelay $0x3  }
0x94: {  	_ =	strace s2  }
0x95: {  	s2 =	sld [smem:$0x3FFD];
	_ =	sdelay $0x3  }
0x96: {  	_ =	strace s2  }
0x97: {  	_ =	strace $0x8FFFFFFF  }
0x98: {  	s18 =	sld [smem:$0x3FDB];
	_ =	sdelay $0x1  }
0x99: {  	s19 =	simm.s32 $_scs_section_size  }
0x9a: {  	s4 =	simm.s32 $_size__tile_overlayer_lowered;
	s5 =	simm.s32 $_tile_overlayer_lowered  }
0x9b: {  	s22 =	simm.s32 $0x1BFF;
	s21 =	sshll.u32 s5, $0x1;
	s2 =	sadd.s32 s19, s18  }
0x9c: {  	s6 =	simm.s32 $0x0;
	s20 =	sshll.u32 s4, $0x1;
	s4 =	sadd.s32 s21, s2  }
0x9d: {  	[timem:s6], [sflag:s22] =	dma.local [hbm:s4], s20  }
0x9e: {  	_ =	swait.ge [sflag:s22], s20  }
0x9f: {  	s3 =	ssub.s32 $0x0, s20;
	[sflag:s22] =	ssyncset.done $0x0  }
0xa0: {  	[sflag:s22] =	ssyncadd.s32 s3;
	_ =	sdelay $0x1  }
0xa1: {  	s23 =	simm.s32 $0x1B8B  }
0xa2: {  	_ =	swait.ge [sflag:s23], $0x1  }
0xa3: {  	[sflag:s23] =	ssyncset.done $0x0  }
0xa4: {  	s25 =	simm.s32 $0x1B8E;
	s24 =	sld [smem:$0x3FFE];
	[sflag:s23] =	ssyncadd.s32 $0xFFFFFFFF  }
0xa5: {  	s26 =	simm.s32 $execute0_lowered;
	[smem:$0x3FD2] =	sst s25  }
0xa6: {  	s4 =	sshll.u32 s26, $0x1;
	_ =	strace $0x80000046;
	[dreg:$0x1] =	wrdreg $0xFFFFFFFF  }
0xa7: {  	s28 =	simm.s32 $_size_execute0_lowered;
	s2 =	sadd.s32 s2, s4;
	[dreg:$0x0] =	wrdreg $0x0  }
0xa8: {  	s4 =	sshll.u32 s28, $0x1;
	[dreg:$0x2] =	wrdreg s2  }
0xa9: {  	[dreg:$0x3] =	wrdreg s4  }
0xaa: {  	[dreg:$0x4] =	wrdreg $0xC0  }
0xab: {  	_ =	task [dreg:s6], $0x5FFFF  }
0xac: {  	[dreg:$0x1] =	wrdreg $0xFFFFFFFF  }
0xad: {  	[dreg:$0x0] =	wrdreg $0x60  }
0xae: {  	[dreg:$0x2] =	wrdreg s24  }
0xaf: {  	[dreg:$0x3] =	wrdreg $0x9  }
0xb0: {  	_ =	task.clear_ibuf [dreg:s6], $0x4FFFF;
	_ =	strace $0x90000046  }
0xb1: {  	s29 =	simm.s32 $0x9;
	_ =	strace $0x80000048  }
0xb2: {  	_ =	swait.ge [sflag:s29], $0x1  }
0xb3: {  	[sflag:s29] =	ssyncadd.s32 $0xFFFFFFFF  }
0xb4: {  	_ =	strace $0x90000048  }
0xb5: {  	_ =	sfence  }
0xb6: {  	s30 =	sld [smem:$0x0];
	_ =	sdelay $0x2  }
0xb7: {  	s31 =	sshll.u32 s1, $0xD;
	s1 =	sshrl.u32 s1, $0x2  }
0xb8: {  	s3 =	sand.u32 $0x4000, s31;
	s1 =	sadd.s32 s1, s30  }
0xb9: {  	s0 =	sor.u32 s3, s0;
	s1 =	sshll.u32 s1, $0x11  }
0xba: {  	s0 =	sor.u32 s1, s0  }
0xbb: {  	s0 =	sadd.s32 $0x8F2B, s0  }
0xbc: {  	[sflag:s0] =	ssyncadd.remote.s32 $0x1  }
0xbd: {  	_ =	sfence.sel $0xFFFF  }
0xbe: {  	[dreg:$0x0] =	wrdreg $0xFFFFFFFF;
	(pc) =	sbr.abs _section_cstart, $3  }
0xbf: {  	[dreg:$0x1] =	wrdreg $0xFFFFFFFF  }
0xc0: {  	_ =	task.clear_ibuf [dreg:s6], $0x2FFFF;
	_ =	strace $0x9FFFFFFF  }
0xc1: {  	(tm) =	ssettm $0x7FFFFFFF  }
tec
execute0_lowered:
.L_overlay_start_1:
0x0: {  	(tag) =	ssettag $0x1  }
0x1: {  	s0 =	srdreg.scid;
	s3 =	stileid.u32  }
0x2: {  	s4 =	rddreg [dreg:$0x0];
	s16 =	simm.s32 $0x900;
	s18 =	simm.s32 $0x1100  }
0x3: {  	s19 =	simm.s32 $0x1900;
	s20 =	simm.s32 $0x2100;
	s21 =	simm.s32 $0x2900  }
0x4: {  	s22 =	simm.s32 $0x3100;
	s0 =	sand.u32 $0x1, s0;
	s1 =	smul.u32 $0x2800, s3  }
0x5: {  	s23 =	simm.s32 $0x3900;
	s24 =	simm.s32 $0x4100;
	s2 =	smul.u32 $0x1400, s0  }
0x6: {  	s25 =	simm.s32 $0x4900;
	s7 =	simm.s32 $0x100;
	s26 =	simm.s32 $0x5100  }
0x7: {  	s8 =	simm.s32 $0x5900;
	s1 =	sadd.s32 s2, s1;
	s2 =	simm.s32 $0x0  }
0x8: {  	s9 =	simm.s32 $0x6100;
	s10 =	simm.s32 $0x6900;
	[smem:$0x7FF] =	sst s2  }
0x9: {  	s11 =	simm.s32 $0x7100;
	_ =	strace $0x80000047;
	[dreg:$0x3] =	wrdreg s16  }
0xa: {  	s12 =	simm.s32 $0x7900;
	s5 =	smul.u32 $0x50000, s3;
	[dreg:$0x4] =	wrdreg s18  }
0xb: {  	s17 =	ssub.s32 $0x2, s0;
	s0 =	smul.u32 $0x28000, s0;
	[dreg:$0x5] =	wrdreg s19  }
0xc: {  	s13 =	simm.s32 $0x8100;
	s5 =	sadd.s32 s5, s4;
	[dreg:$0x6] =	wrdreg s20  }
0xd: {  	s14 =	simm.s32 $0x8900;
	s0 =	sadd.s32 s0, s5;
	[dreg:$0x7] =	wrdreg s21  }
0xe: {  	s15 =	simm.s32 $0x9100;
	s0 =	sadd.s32 $0x115000, s0;
	[dreg:$0x8] =	wrdreg s22  }
0xf: {  	s28 =	simm.s32 $0xF100;
	s29 =	simm.s32 $0xF900;
	[dreg:$0xe] =	wrdreg s0  }
0x10: {  	s30 =	simm.s32 $0x1;
	s31 =	simm.s32 $0x0;
	[dreg:$0x9] =	wrdreg s23  }
0x11: {  	s3 =	sadd.s32 $0x15000, s4;
	s1 =	sshrl.u32 s1, $0x3;
	[dreg:$0xa] =	wrdreg s24  }
0x12: {  	s6 =	sshrl.u32 s17, $0x1;
	s1 =	sadd.s32 s1, s4;
	[dreg:$0xb] =	wrdreg s25  }
0x13: {  	s4 =	ssub.s32 s17, s6;
	s6 =	simm.s32 $0x2;
	[dreg:$0xc] =	wrdreg s26  }
0x14: {  	s16 =	simm.s32 $0x9900;
	s17 =	simm.s32 $0xA100;
	s18 =	simm.s32 $0xA900  }
0x15: {  	s19 =	simm.s32 $0xB100;
	s20 =	simm.s32 $0xB900;
	s21 =	simm.s32 $0xC100  }
0x16: {  	v2 =	vlaneseq.u32;
	s22 =	simm.s32 $0xC900;
	s23 =	simm.s32 $0xD100;
	s1 =	sadd.s32 $0xB000, s1  }
0x17: {  	vm0 =	vmmov $0xffff;
	v1 =	vshrl.u32 v2, $0x3;
	s24 =	simm.s32 $0xD900;
	s4 =	smax.u32 s4, $0x1;
	[dreg:$0x2] =	wrdreg s1  }
0x18: {  	v0 =	vand.u32 $0x7, v2;
	v2 =	vor.u32 $0x8, v2;
	v1 =	vmul.u32 $0x8, v1;
	s25 =	simm.s32 $0xE100;
	s26 =	simm.s32 $0xE900;
	[dreg:$0xd] =	wrdreg s4  }
.LBB2_1:
0x19: {  	s5 =	rddreg [dreg:$0xe];
	s0 =	simm.s32 $0x0  }
.LBB2_2:
0x1a: {  	s4 =	rddreg [dreg:$0x2]  }
0x1b: {  	s4 =	sadd.s32 s0, s4  }
0x1c: {  	[tilespmem:s2], [sflag:$0x2] =	stream.linear.gather [hbm4b:s4+s2], $0x100, $0x38;
	[tilespmem:$0x10100] =	vst v63  }
0x1d: {  	_ =	swait.ge [sflag:s6], $0x100  }
0x1e: {  	[sflag:s6] =	ssyncset.done $0x0  }
0x1f: {  	[sflag:s6] =	ssyncadd.s32 $0xFFFFFF00  }
0x20: {  	v3 =	vld [tilespmem:$0x0];
	_ =	sdelay $0x4  }
0x21: {  	v4 =	vshll.u32 v3, $0x1  }
0x22: {  	v3 =	vand.u32 $0x7, v3;
	v4 =	vand.u32 $0xFFFFFFF0, v4  }
0x23: {  	v3 =	vor.u32 v3, v4  }
0x24: {  	v4 =	vperm.xlane v3, v0;
	_ =	sdelay $0x1  }
0x25: {  	v3 =	vperm.xlane v3, v2;
	v4 =	vadd.s32 v1, v4;
	_ =	sdelay $0x1  }
0x26: {  	v3 =	vadd.s32 v1, v3;
	_ =	sdelay $0x2  }
0x27: {  	[tilespmem:s7], [sflag:$0x1] =	stream.indirect_vreg.gather [hbm4b:s3+s2], $0x80, v4, vm0, $0xb8;
	[tilespmem:$0x10100] =	vst v63  }
0x28: {  	s1 =	rddreg [dreg:$0x3]  }
0x29: {  	[tilespmem:s1], [sflag:$0x1] =	stream.indirect_vreg.gather [hbm4b:s3+s2], $0x80, v3, vm0, $0xb8;
	[tilespmem:$0x10100] =	vst v63  }
0x2a: {  	v3 =	vld [tilespmem:$0x10];
	_ =	sdelay $0x4  }
0x2b: {  	v49 =	vshll.u32 v3, $0x1  }
0x2c: {  	v3 =	vand.u32 $0x7, v3;
	v4 =	vand.u32 $0xFFFFFFF0, v49  }
0x2d: {  	v3 =	vor.u32 v3, v4  }
0x2e: {  	v4 =	vperm.xlane v3, v0;
	_ =	sdelay $0x1  }
0x2f: {  	v3 =	vperm.xlane v3, v2;
	v4 =	vadd.s32 v1, v4;
	_ =	sdelay $0x1  }
0x30: {  	v3 =	vadd.s32 v1, v3;
	_ =	sdelay $0x1  }
0x31: {  	s4 =	rddreg [dreg:$0x4]  }
0x32: {  	[tilespmem:s4], [sflag:$0x1] =	stream.indirect_vreg.gather [hbm4b:s3+s2], $0x80, v4, vm0, $0xb8;
	[tilespmem:$0x10100] =	vst v63  }
0x33: {  	s1 =	rddreg [dreg:$0x5]  }
0x34: {  	[tilespmem:s1], [sflag:$0x1] =	stream.indirect_vreg.gather [hbm4b:s3+s2], $0x80, v3, vm0, $0xb8;
	[tilespmem:$0x10100] =	vst v63  }
0x35: {  	v3 =	vld [tilespmem:$0x20];
	_ =	sdelay $0x4  }
0x36: {  	v50 =	vshll.u32 v3, $0x1  }
0x37: {  	v3 =	vand.u32 $0x7, v3;
	v4 =	vand.u32 $0xFFFFFFF0, v50  }
0x38: {  	v3 =	vor.u32 v3, v4  }
0x39: {  	v4 =	vperm.xlane v3, v0;
	_ =	sdelay $0x1  }
0x3a: {  	v3 =	vperm.xlane v3, v2;
	v4 =	vadd.s32 v1, v4;
	_ =	sdelay $0x1  }
0x3b: {  	v3 =	vadd.s32 v1, v3;
	_ =	sdelay $0x1  }
0x3c: {  	s1 =	rddreg [dreg:$0x6]  }
0x3d: {  	[tilespmem:s1], [sflag:$0x1] =	stream.indirect_vreg.gather [hbm4b:s3+s2], $0x80, v4, vm0, $0xb8;
	[tilespmem:$0x10100] =	vst v63  }
0x3e: {  	s4 =	rddreg [dreg:$0x7]  }
0x3f: {  	[tilespmem:s4], [sflag:$0x1] =	stream.indirect_vreg.gather [hbm4b:s3+s2], $0x80, v3, vm0, $0xb8;
	[tilespmem:$0x10100] =	vst v63  }
0x40: {  	v3 =	vld [tilespmem:$0x30];
	_ =	sdelay $0x4  }
0x41: {  	v51 =	vshll.u32 v3, $0x1  }
0x42: {  	v3 =	vand.u32 $0x7, v3;
	v4 =	vand.u32 $0xFFFFFFF0, v51  }
0x43: {  	v3 =	vor.u32 v3, v4  }
0x44: {  	v4 =	vperm.xlane v3, v0;
	_ =	sdelay $0x1  }
0x45: {  	v3 =	vperm.xlane v3, v2;
	v4 =	vadd.s32 v1, v4;
	_ =	sdelay $0x1  }
0x46: {  	v3 =	vadd.s32 v1, v3;
	_ =	sdelay $0x1  }
0x47: {  	s1 =	rddreg [dreg:$0x8]  }
0x48: {  	[tilespmem:s1], [sflag:$0x1] =	stream.indirect_vreg.gather [hbm4b:s3+s2], $0x80, v4, vm0, $0xb8;
	[tilespmem:$0x10100] =	vst v63  }
0x49: {  	s4 =	rddreg [dreg:$0x9]  }
0x4a: {  	[tilespmem:s4], [sflag:$0x1] =	stream.indirect_vreg.gather [hbm4b:s3+s2], $0x80, v3, vm0, $0xb8;
	[tilespmem:$0x10100] =	vst v63  }
0x4b: {  	v3 =	vld [tilespmem:$0x40];
	_ =	sdelay $0x4  }
0x4c: {  	v52 =	vshll.u32 v3, $0x1  }
0x4d: {  	v3 =	vand.u32 $0x7, v3;
	v4 =	vand.u32 $0xFFFFFFF0, v52  }
0x4e: {  	v3 =	vor.u32 v3, v4  }
0x4f: {  	v4 =	vperm.xlane v3, v0;
	_ =	sdelay $0x1  }
0x50: {  	v3 =	vperm.xlane v3, v2;
	v4 =	vadd.s32 v1, v4;
	_ =	sdelay $0x1  }
0x51: {  	v3 =	vadd.s32 v1, v3;
	_ =	sdelay $0x1  }
0x52: {  	s1 =	rddreg [dreg:$0xa]  }
0x53: {  	[tilespmem:s1], [sflag:$0x1] =	stream.indirect_vreg.gather [hbm4b:s3+s2], $0x80, v4, vm0, $0xb8;
	[tilespmem:$0x10100] =	vst v63  }
0x54: {  	s4 =	rddreg [dreg:$0xb]  }
0x55: {  	[tilespmem:s4], [sflag:$0x1] =	stream.indirect_vreg.gather [hbm4b:s3+s2], $0x80, v3, vm0, $0xb8;
	[tilespmem:$0x10100] =	vst v63  }
0x56: {  	v3 =	vld [tilespmem:$0x50];
	_ =	sdelay $0x4  }
0x57: {  	v53 =	vshll.u32 v3, $0x1  }
0x58: {  	v3 =	vand.u32 $0x7, v3;
	v4 =	vand.u32 $0xFFFFFFF0, v53  }
0x59: {  	v3 =	vor.u32 v3, v4  }
0x5a: {  	v4 =	vperm.xlane v3, v0;
	_ =	sdelay $0x1  }
0x5b: {  	v3 =	vperm.xlane v3, v2;
	v4 =	vadd.s32 v1, v4;
	_ =	sdelay $0x1  }
0x5c: {  	v3 =	vadd.s32 v1, v3;
	_ =	sdelay $0x1  }
0x5d: {  	s4 =	rddreg [dreg:$0xc]  }
0x5e: {  	[tilespmem:s4], [sflag:$0x1] =	stream.indirect_vreg.gather [hbm4b:s3+s2], $0x80, v4, vm0, $0xb8;
	[tilespmem:$0x10100] =	vst v63  }
0x5f: {  	_ = 	snop  }
0x60: {  	[tilespmem:s8], [sflag:$0x1] =	stream.indirect_vreg.gather [hbm4b:s3+s2], $0x80, v3, vm0, $0xb8;
	[tilespmem:$0x10100] =	vst v63  }
0x61: {  	v3 =	vld [tilespmem:$0x60];
	_ =	sdelay $0x4  }
0x62: {  	v54 =	vshll.u32 v3, $0x1  }
0x63: {  	v3 =	vand.u32 $0x7, v3;
	v4 =	vand.u32 $0xFFFFFFF0, v54  }
0x64: {  	v3 =	vor.u32 v3, v4  }
0x65: {  	v4 =	vperm.xlane v3, v0;
	_ =	sdelay $0x1  }
0x66: {  	v3 =	vperm.xlane v3, v2;
	v4 =	vadd.s32 v1, v4;
	_ =	sdelay $0x1  }
0x67: {  	v3 =	vadd.s32 v1, v3;
	_ =	sdelay $0x2  }
0x68: {  	[tilespmem:s9], [sflag:$0x1] =	stream.indirect_vreg.gather [hbm4b:s3+s2], $0x80, v4, vm0, $0xb8;
	[tilespmem:$0x10100] =	vst v63  }
0x69: {  	_ = 	snop  }
0x6a: {  	[tilespmem:s10], [sflag:$0x1] =	stream.indirect_vreg.gather [hbm4b:s3+s2], $0x80, v3, vm0, $0xb8;
	[tilespmem:$0x10100] =	vst v63  }
0x6b: {  	v3 =	vld [tilespmem:$0x70];
	_ =	sdelay $0x4  }
0x6c: {  	v55 =	vshll.u32 v3, $0x1  }
0x6d: {  	v3 =	vand.u32 $0x7, v3;
	v4 =	vand.u32 $0xFFFFFFF0, v55  }
0x6e: {  	v3 =	vor.u32 v3, v4  }
0x6f: {  	v4 =	vperm.xlane v3, v0;
	_ =	sdelay $0x1  }
0x70: {  	v3 =	vperm.xlane v3, v2;
	v4 =	vadd.s32 v1, v4;
	_ =	sdelay $0x1  }
0x71: {  	v3 =	vadd.s32 v1, v3;
	_ =	sdelay $0x2  }
0x72: {  	[tilespmem:s11], [sflag:$0x1] =	stream.indirect_vreg.gather [hbm4b:s3+s2], $0x80, v4, vm0, $0xb8;
	[tilespmem:$0x10100] =	vst v63  }
0x73: {  	_ = 	snop  }
0x74: {  	[tilespmem:s12], [sflag:$0x1] =	stream.indirect_vreg.gather [hbm4b:s3+s2], $0x80, v3, vm0, $0xb8;
	[tilespmem:$0x10100] =	vst v63  }
0x75: {  	v3 =	vld [tilespmem:$0x80];
	_ =	sdelay $0x4  }
0x76: {  	v56 =	vshll.u32 v3, $0x1  }
0x77: {  	v3 =	vand.u32 $0x7, v3;
	v4 =	vand.u32 $0xFFFFFFF0, v56  }
0x78: {  	v3 =	vor.u32 v3, v4  }
0x79: {  	v4 =	vperm.xlane v3, v0;
	_ =	sdelay $0x1  }
0x7a: {  	v3 =	vperm.xlane v3, v2;
	v4 =	vadd.s32 v1, v4;
	_ =	sdelay $0x1  }
0x7b: {  	v3 =	vadd.s32 v1, v3;
	_ =	sdelay $0x2  }
0x7c: {  	[tilespmem:s13], [sflag:$0x1] =	stream.indirect_vreg.gather [hbm4b:s3+s2], $0x80, v4, vm0, $0xb8;
	[tilespmem:$0x10100] =	vst v63  }
0x7d: {  	_ = 	snop  }
0x7e: {  	[tilespmem:s14], [sflag:$0x1] =	stream.indirect_vreg.gather [hbm4b:s3+s2], $0x80, v3, vm0, $0xb8;
	[tilespmem:$0x10100] =	vst v63  }
0x7f: {  	v3 =	vld [tilespmem:$0x90];
	_ =	sdelay $0x4  }
0x80: {  	v57 =	vshll.u32 v3, $0x1  }
0x81: {  	v3 =	vand.u32 $0x7, v3;
	v4 =	vand.u32 $0xFFFFFFF0, v57  }
0x82: {  	v3 =	vor.u32 v3, v4  }
0x83: {  	v4 =	vperm.xlane v3, v0;
	_ =	sdelay $0x1  }
0x84: {  	v3 =	vperm.xlane v3, v2;
	v4 =	vadd.s32 v1, v4;
	_ =	sdelay $0x1  }
0x85: {  	v3 =	vadd.s32 v1, v3;
	_ =	sdelay $0x2  }
0x86: {  	[tilespmem:s15], [sflag:$0x1] =	stream.indirect_vreg.gather [hbm4b:s3+s2], $0x80, v4, vm0, $0xb8;
	[tilespmem:$0x10100] =	vst v63  }
0x87: {  	_ = 	snop  }
0x88: {  	[tilespmem:s16], [sflag:$0x1] =	stream.indirect_vreg.gather [hbm4b:s3+s2], $0x80, v3, vm0, $0xb8;
	[tilespmem:$0x10100] =	vst v63  }
0x89: {  	v3 =	vld [tilespmem:$0xA0];
	_ =	sdelay $0x4  }
0x8a: {  	v58 =	vshll.u32 v3, $0x1  }
0x8b: {  	v3 =	vand.u32 $0x7, v3;
	v4 =	vand.u32 $0xFFFFFFF0, v58  }
0x8c: {  	v3 =	vor.u32 v3, v4  }
0x8d: {  	v4 =	vperm.xlane v3, v0;
	_ =	sdelay $0x1  }
0x8e: {  	v3 =	vperm.xlane v3, v2;
	v4 =	vadd.s32 v1, v4;
	_ =	sdelay $0x1  }
0x8f: {  	v3 =	vadd.s32 v1, v3;
	_ =	sdelay $0x2  }
0x90: {  	[tilespmem:s17], [sflag:$0x1] =	stream.indirect_vreg.gather [hbm4b:s3+s2], $0x80, v4, vm0, $0xb8;
	[tilespmem:$0x10100] =	vst v63  }
0x91: {  	_ = 	snop  }
0x92: {  	[tilespmem:s18], [sflag:$0x1] =	stream.indirect_vreg.gather [hbm4b:s3+s2], $0x80, v3, vm0, $0xb8;
	[tilespmem:$0x10100] =	vst v63  }
0x93: {  	v3 =	vld [tilespmem:$0xB0];
	_ =	sdelay $0x4  }
0x94: {  	v59 =	vshll.u32 v3, $0x1  }
0x95: {  	v3 =	vand.u32 $0x7, v3;
	v4 =	vand.u32 $0xFFFFFFF0, v59  }
0x96: {  	v3 =	vor.u32 v3, v4  }
0x97: {  	v4 =	vperm.xlane v3, v0;
	_ =	sdelay $0x1  }
0x98: {  	v3 =	vperm.xlane v3, v2;
	v4 =	vadd.s32 v1, v4;
	_ =	sdelay $0x1  }
0x99: {  	v3 =	vadd.s32 v1, v3;
	_ =	sdelay $0x2  }
0x9a: {  	[tilespmem:s19], [sflag:$0x1] =	stream.indirect_vreg.gather [hbm4b:s3+s2], $0x80, v4, vm0, $0xb8;
	[tilespmem:$0x10100] =	vst v63  }
0x9b: {  	_ = 	snop  }
0x9c: {  	[tilespmem:s20], [sflag:$0x1] =	stream.indirect_vreg.gather [hbm4b:s3+s2], $0x80, v3, vm0, $0xb8;
	[tilespmem:$0x10100] =	vst v63  }
0x9d: {  	v3 =	vld [tilespmem:$0xC0];
	_ =	sdelay $0x4  }
0x9e: {  	v60 =	vshll.u32 v3, $0x1  }
0x9f: {  	v3 =	vand.u32 $0x7, v3;
	v4 =	vand.u32 $0xFFFFFFF0, v60  }
0xa0: {  	v3 =	vor.u32 v3, v4  }
0xa1: {  	v4 =	vperm.xlane v3, v0;
	_ =	sdelay $0x1  }
0xa2: {  	v3 =	vperm.xlane v3, v2;
	v4 =	vadd.s32 v1, v4;
	_ =	sdelay $0x1  }
0xa3: {  	v3 =	vadd.s32 v1, v3;
	_ =	sdelay $0x2  }
0xa4: {  	[tilespmem:s21], [sflag:$0x1] =	stream.indirect_vreg.gather [hbm4b:s3+s2], $0x80, v4, vm0, $0xb8;
	[tilespmem:$0x10100] =	vst v63  }
0xa5: {  	_ = 	snop  }
0xa6: {  	[tilespmem:s22], [sflag:$0x1] =	stream.indirect_vreg.gather [hbm4b:s3+s2], $0x80, v3, vm0, $0xb8;
	[tilespmem:$0x10100] =	vst v63  }
0xa7: {  	v3 =	vld [tilespmem:$0xD0];
	_ =	sdelay $0x4  }
0xa8: {  	v61 =	vshll.u32 v3, $0x1  }
0xa9: {  	v3 =	vand.u32 $0x7, v3;
	v4 =	vand.u32 $0xFFFFFFF0, v61  }
0xaa: {  	v3 =	vor.u32 v3, v4  }
0xab: {  	v4 =	vperm.xlane v3, v0;
	_ =	sdelay $0x1  }
0xac: {  	v3 =	vperm.xlane v3, v2;
	v4 =	vadd.s32 v1, v4;
	_ =	sdelay $0x1  }
0xad: {  	v3 =	vadd.s32 v1, v3;
	_ =	sdelay $0x2  }
0xae: {  	[tilespmem:s23], [sflag:$0x1] =	stream.indirect_vreg.gather [hbm4b:s3+s2], $0x80, v4, vm0, $0xb8;
	[tilespmem:$0x10100] =	vst v63  }
0xaf: {  	_ = 	snop  }
0xb0: {  	[tilespmem:s24], [sflag:$0x1] =	stream.indirect_vreg.gather [hbm4b:s3+s2], $0x80, v3, vm0, $0xb8;
	[tilespmem:$0x10100] =	vst v63  }
0xb1: {  	v3 =	vld [tilespmem:$0xE0];
	_ =	sdelay $0x4  }
0xb2: {  	v62 =	vshll.u32 v3, $0x1  }
0xb3: {  	v3 =	vand.u32 $0x7, v3;
	v4 =	vand.u32 $0xFFFFFFF0, v62  }
0xb4: {  	v3 =	vor.u32 v3, v4  }
0xb5: {  	v4 =	vperm.xlane v3, v0;
	_ =	sdelay $0x1  }
0xb6: {  	v3 =	vperm.xlane v3, v2;
	v4 =	vadd.s32 v1, v4;
	_ =	sdelay $0x1  }
0xb7: {  	v3 =	vadd.s32 v1, v3;
	_ =	sdelay $0x2  }
0xb8: {  	[tilespmem:s25], [sflag:$0x1] =	stream.indirect_vreg.gather [hbm4b:s3+s2], $0x80, v4, vm0, $0xb8;
	[tilespmem:$0x10100] =	vst v63  }
0xb9: {  	_ = 	snop  }
0xba: {  	[tilespmem:s26], [sflag:$0x1] =	stream.indirect_vreg.gather [hbm4b:s3+s2], $0x80, v3, vm0, $0xb8;
	[tilespmem:$0x10100] =	vst v63  }
0xbb: {  	v3 =	vld [tilespmem:$0xF0];
	_ =	sdelay $0x4  }
0xbc: {  	v63 =	vshll.u32 v3, $0x1  }
0xbd: {  	v3 =	vand.u32 $0x7, v3;
	v4 =	vand.u32 $0xFFFFFFF0, v63  }
0xbe: {  	v3 =	vor.u32 v3, v4  }
0xbf: {  	v4 =	vperm.xlane v3, v0;
	_ =	sdelay $0x1  }
0xc0: {  	v3 =	vperm.xlane v3, v2;
	v4 =	vadd.s32 v1, v4;
	_ =	sdelay $0x1  }
0xc1: {  	v3 =	vadd.s32 v1, v3;
	_ =	sdelay $0x2  }
0xc2: {  	[tilespmem:s28], [sflag:$0x1] =	stream.indirect_vreg.gather [hbm4b:s3+s2], $0x80, v4, vm0, $0xb8;
	[tilespmem:$0x10100] =	vst v63  }
0xc3: {  	_ = 	snop  }
0xc4: {  	[tilespmem:s29], [sflag:$0x1] =	stream.indirect_vreg.gather [hbm4b:s3+s2], $0x80, v3, vm0, $0xb8;
	[tilespmem:$0x10100] =	vst v63  }
0xc5: {  	_ =	swait.ge [sflag:s30], $0x10000  }
0xc6: {  	p0 =	sne.s32 s0, $0x260;
	[sflag:s30] =	ssyncset.done $0x0  }
.Ltmp0:
0xc7: {  	[sflag:s30] =	ssyncadd.s32 $0xFFFF0000;
	(pc) =	sbr.rel @p0 .LBB2_2-.Ltmp0, $4  }
0xc8: {  	[hbm4b:s5+s2] =	stream.linear.scatter [tilespmem:s7], [sflag:$0x2], $0x10000, $0x38;
	[tilespmem:$0x10100] =	vst v63  }
0xc9: {  	_ =	swait.ge [sflag:s6], $0x10000  }
0xca: {  	[sflag:s6] =	ssyncset.done $0x0  }
0xcb: {  	s0 =	sadd.s32 $0x20, s0;
	s5 =	sadd.s32 $0x2000, s5;
	[sflag:s6] =	ssyncadd.s32 $0xFFFF0000  }
0xcc: {  	s31 =	sadd.s32 $0x1, s31;
	s0 =	rddreg [dreg:$0xd]  }
0xcd: {  	p0 =	sne.s32 s31, s0  }
.Ltmp1:
0xce: {  	_ = 	snop;
	(pc) =	sbr.rel @p0 .LBB2_1-.Ltmp1, $1  }
0xcf: {  	_ =	sdelay $0x3  }
0xd0: {  	_ =	sfence.sel $0x180000  }
0xd1: {  	[bflag:$0x0] =	sbarrier.arrive $0xFFFF  }
0xd2: {  	_ =	strace $0x90000047  }
0xd3: {  	s0 =	stileid.u32;
	[bflag:$0x2] =	sbarrier.arrive $0xFFFF  }
0xd4: {  	p0 =	sne.s32 s0, $0x0;
	s0 =	rddreg [dreg:$0x1]  }
0xd5: {  	s0 =	sadd.s32 @!p0 $0x100000, s0  }
0xd6: {  	[sflag:s0] =	ssyncadd.tile.s32 @!p0 $0x1;
	_ =	shalt  }
.Lfunc_end2:
_tile_overlayer_lowered:
.L_overlay_start_2:
0xd7: {  	(tag) =	ssettag $0x2  }
0xd8: {  	s0 =	rddreg [dreg:$0x0];
	s2 =	stileid.u32  }
0xd9: {  	s1 =	rddreg [dreg:$0x1];
	p0 =	sne.s32 s2, $0x0  }
0xda: {  	s3 =	rddreg [dreg:$0x2];
	[bflag:$0x3] =	sbarrier.arrive $0xFFFF;
	s2 =	simm.s32 @!p0 $0x1C02  }
0xdb: {  	[timem:s3], [sflag:s2] =	dma.local @!p0 [hbm:s0], s1  }
0xdc: {  	s0 =	simm.s32 @!p0 $0x2  }
0xdd: {  	_ =	swait.ge @!p0 [sflag:s0], s1  }
0xde: {  	s1 =	ssub.s32 @!p0 $0x0, s1;
	[sflag:s0] =	ssyncset.done @!p0 $0x0  }
0xdf: {  	[sflag:s0] =	ssyncadd.s32 @!p0 s1  }
0xe0: {  	[bflag:$0x3] =	sbarrier.arrive $0xFFFF  }
0xe1: {  	_ =	shalt  }

// kernel: kernel.15.cloned.1.call-start
scs
__scs_entry_jumppad:
0x0: {  	(pc) =	sbr.rel $0x88, $3  }
0x1: {  	(tag) =	ssettag $0x0;
	lr =	simm.s32 $0x1  }
0x2: {  	[smem:$0x3F85] =	sst lr;
	_ =	strace $0xD0000000  }
0x3: {  	_ = 	snop  }
0x4: {  	_ = 	snop  }
0x5: {  	_ = 	snop  }
0x6: {  	_ = 	snop  }
0x7: {  	_ = 	snop  }
__scs_overlays_trampoline_lowered:
0x8: {  	[smem:$0x3F94] =	sst s0  }
0x9: {  	[smem:$0x3F95] =	sst s1  }
0xa: {  	[smem:$0x3F96] =	sst s2  }
0xb: {  	[smem:$0x3F97] =	sst s3  }
0xc: {  	[smem:$0x3F98] =	sst s4  }
0xd: {  	[smem:$0x3F99] =	sst s5  }
0xe: {  	[smem:$0x3F9A] =	sst s6  }
0xf: {  	[smem:$0x3F9B] =	sst s7  }
0x10: {  	[smem:$0x3F9C] =	sst s8  }
0x11: {  	[smem:$0x3F9D] =	sst s9;
	s0 =	simm.s32 @!p0 $0x0  }
0x12: {  	s1 =	sld [smem:$0x3F83];
	s0 =	simm.s32 @p0 $0x1  }
0x13: {  	[smem:$0x3F9E] =	sst s0;
	s0 =	simm.s32 @!p1 $0x0  }
0x14: {  	s2 =	sld [smem:$0x3F82];
	s0 =	simm.s32 @p1 $0x1  }
0x15: {  	[smem:$0x3F9F] =	sst s0;
	s0 =	simm.s32 @!p2 $0x0  }
0x16: {  	s3 =	sld [smem:$0x3FDB];
	s0 =	simm.s32 @p2 $0x1  }
0x17: {  	s4 =	simm.s32 $0x1BF5;
	[smem:$0x3FA1] =	sst s0  }
0x18: {  	s0 =	sld [smem:$0x3F84];
	_ =	swait.ge [sflag:s4], $0x0  }
0x19: {  	s7 =	sld [smem:$0x3F85]  }
0x1a: {  	s8 =	sadd.s32 $0xFFFFE003, lr  }
0x1b: {  	s9 =	sadd.s32 $0xFFFFFEF7, lr;
	s5 =	simm.s32 $0xFFFFFFFF;
	p2 =	slt.u32 s8, $0xFFFFF086  }
0x1c: {  	p1 =	slt.u32 s9, $0xF7A;
	s5 =	simm.s32 @!p2 $0x0  }
0x1d: {  	s5 =	simm.s32 @p1 $0x1;
	p0 =	seq.s32 s7, s2  }
0x1e: {  	s7 =	smul.u32 @!p0 $0xF7A, s2;
	p2 =	seq.s32 @!p0 s5, $0x0  }
0x1f: {  	s9 =	smul.u32 $0xF7A, s1;
	s8 =	simm.s32 @!p0 $0x1BF5;
	p2 =	por !p2, p0  }
0x20: {  	[sflag:s8] =	ssyncset.s32 @!p0 $0xFFFFF086;
	s6 =	sadd.s32 @!p0 s3, s7;
	s7 =	simm.s32 @!p0 $0x108  }
0x21: {  	s3 =	sadd.s32 s3, s9;
	s6 =	sadd.s32 @!p0 $0x88, s6;
	s7 =	simm.s32 @p2 $0x1082  }
0x22: {  	[simem:s7], [sflag:s8] =	dma.local @!p0 [hbm:s6], $0xF7A  }
0x23: {  	s9 =	sor.u32 $0xD0000000, s2;
	s6 =	simm.s32 $0x108;
	_ =	swait.ge @!p0 [sflag:s8], $0x0  }
0x24: {  	s3 =	sadd.s32 $0x88, s3;
	s6 =	simm.s32 @!p1 $0x1082;
	[sflag:s4] =	ssyncset.s32 $0xFFFFF086  }
0x25: {  	[simem:s6], [sflag:s4] =	dma.local [hbm:s3], $0xF7A  }
0x26: {  	[smem:$0x3F85] =	sst s1;
	(tag) =	ssettag s2;
	_ =	strace s9  }
0x27: {  	s1 =	sld [smem:$0x3F95]  }
0x28: {  	s2 =	sld [smem:$0x3F96]  }
0x29: {  	s4 =	sld [smem:$0x3F98]  }
0x2a: {  	p0 =	seq.s32 s5, $0x0;
	s5 =	sld [smem:$0x3F99]  }
0x2b: {  	s6 =	sld [smem:$0x3F9A]  }
0x2c: {  	s7 =	sld [smem:$0x3F9B]  }
0x2d: {  	s3 =	simm.s32 $0x108;
	s8 =	sld [smem:$0x3F9C]  }
0x2e: {  	s3 =	simm.s32 @!p0 $0x1082;
	s9 =	sld [smem:$0x3F9D]  }
0x2f: {  	lr =	sadd.s32 s0, s3;
	s0 =	sld [smem:$0x3F94]  }
0x30: {  	s3 =	sld [smem:$0x3F97]  }
0x31: {  	[smem:$0x3FA0] =	sst s10  }
0x32: {  	s10 =	sld [smem:$0x3F9E];
	_ =	sdelay $0x3  }
0x33: {  	p0 =	seq.s32 s10, $0x1;
	s10 =	sld [smem:$0x3FA0];
	_ =	sdelay $0x3  }
0x34: {  	[smem:$0x3FA0] =	sst s10  }
0x35: {  	s10 =	sld [smem:$0x3F9F];
	_ =	sdelay $0x3  }
0x36: {  	p1 =	seq.s32 s10, $0x1;
	s10 =	sld [smem:$0x3FA0];
	_ =	sdelay $0x3  }
0x37: {  	[smem:$0x3FA0] =	sst s10  }
0x38: {  	s10 =	sld [smem:$0x3FA1]  }
0x39: {  	_ = 	snop;
	(pc) =	sbr.ind lr, $3  }
0x3a: {  	_ = 	snop  }
0x3b: {  	_ = 	snop  }
0x3c: {  	p2 =	seq.s32 s10, $0x1;
	s10 =	sld [smem:$0x3FA0]  }
0x3d: {  	_ =	shalt  }
0x3e: {  	_ =	shalt  }
0x3f: {  	_ =	shalt  }
0x40: {  	_ =	shalt  }
0x41: {  	_ =	shalt  }
0x42: {  	_ =	shalt  }
0x43: {  	_ =	shalt  }
0x44: {  	_ =	shalt  }
0x45: {  	_ =	shalt  }
0x46: {  	_ =	shalt  }
0x47: {  	_ =	shalt  }
0x48: {  	_ =	shalt  }
0x49: {  	_ =	shalt  }
0x4a: {  	_ =	shalt  }
0x4b: {  	_ =	shalt  }
0x4c: {  	_ =	shalt  }
0x4d: {  	_ =	shalt  }
0x4e: {  	_ =	shalt  }
0x4f: {  	_ =	shalt  }
0x50: {  	_ =	shalt  }
0x51: {  	_ =	shalt  }
0x52: {  	_ =	shalt  }
0x53: {  	_ =	shalt  }
0x54: {  	_ =	shalt  }
0x55: {  	_ =	shalt  }
0x56: {  	_ =	shalt  }
0x57: {  	_ =	shalt  }
0x58: {  	_ =	shalt  }
0x59: {  	_ =	shalt  }
0x5a: {  	_ =	shalt  }
0x5b: {  	_ =	shalt  }
0x5c: {  	_ =	shalt  }
0x5d: {  	_ =	shalt  }
0x5e: {  	_ =	shalt  }
0x5f: {  	_ =	shalt  }
0x60: {  	_ =	shalt  }
0x61: {  	_ =	shalt  }
0x62: {  	_ =	shalt  }
0x63: {  	_ =	shalt  }
0x64: {  	_ =	shalt  }
0x65: {  	_ =	shalt  }
0x66: {  	_ =	shalt  }
0x67: {  	_ =	shalt  }
0x68: {  	_ =	shalt  }
0x69: {  	_ =	shalt  }
0x6a: {  	_ =	shalt  }
0x6b: {  	_ =	shalt  }
0x6c: {  	_ =	shalt  }
0x6d: {  	_ =	shalt  }
0x6e: {  	_ =	shalt  }
0x6f: {  	_ =	shalt  }
0x70: {  	_ =	shalt  }
0x71: {  	_ =	shalt  }
0x72: {  	_ =	shalt  }
0x73: {  	_ =	shalt  }
0x74: {  	_ =	shalt  }
0x75: {  	_ =	shalt  }
0x76: {  	_ =	shalt  }
0x77: {  	_ =	shalt  }
0x78: {  	_ =	shalt  }
0x79: {  	_ =	shalt  }
0x7a: {  	_ =	shalt  }
0x7b: {  	_ =	shalt  }
0x7c: {  	_ =	shalt  }
0x7d: {  	_ =	shalt  }
0x7e: {  	_ =	shalt  }
0x7f: {  	_ =	shalt  }
0x80: {  	_ =	shalt  }
0x81: {  	_ =	shalt  }
0x82: {  	_ =	shalt  }
0x83: {  	_ =	shalt  }
0x84: {  	_ =	shalt  }
0x85: {  	_ =	shalt  }
0x86: {  	_ =	shalt  }
0x87: {  	_ =	shalt  }
.Lfunc_end0:
.L_simem_size_0:
called_computation.1_lowered:
.L_overlay_start_0:
0x88: {  	s2 =	sld [smem:$0x3FD9]  }
0x89: {  	s3 =	sld [smem:$0x3FFE];
	_ =	sdelay $0x1  }
0x8a: {  	s1 =	srdreg.scid  }
0x8b: {  	s0 =	sand.u32 $0x1, s1  }
0x8c: {  	s17 =	sshll.u32 s0, $0xA;
	s2 =	sadd.s32 s3, s2  }
0x8d: {  	s2 =	sadd.s32 s2, s17  }
0x8e: {  	[smem:$0x3FAC] =	sst s2  }
0x8f: {  	_ = 	snop  }
0x90: {  	(tm) =	ssettm $0x1  }
0x91: {  	s18 =	sld [smem:$0x3FFB];
	_ =	sdelay $0x3  }
0x92: {  	_ =	strace s18  }
0x93: {  	s2 =	sld [smem:$0x3FFC];
	_ =	sdelay $0x3  }
0x94: {  	_ =	strace s2  }
0x95: {  	s2 =	sld [smem:$0x3FFD];
	_ =	sdelay $0x3  }
0x96: {  	_ =	strace s2  }
0x97: {  	_ =	strace $0x8FFFFFFF  }
0x98: {  	s19 =	sld [smem:$0x3FDB];
	_ =	sdelay $0x1  }
0x99: {  	s20 =	simm.s32 $_scs_section_size  }
0x9a: {  	s4 =	simm.s32 $_size__tile_overlayer_lowered;
	s5 =	simm.s32 $_tile_overlayer_lowered  }
0x9b: {  	s6 =	simm.s32 $0x1BFF;
	s21 =	sshll.u32 s5, $0x1;
	s3 =	sadd.s32 s20, s19  }
0x9c: {  	s22 =	simm.s32 $0x0;
	s4 =	sshll.u32 s4, $0x1;
	s5 =	sadd.s32 s21, s3  }
0x9d: {  	[timem:s22], [sflag:s6] =	dma.local [hbm:s5], s4  }
0x9e: {  	_ =	swait.ge [sflag:s6], s4  }
0x9f: {  	s4 =	ssub.s32 $0x0, s4;
	[sflag:s6] =	ssyncset.done $0x0  }
0xa0: {  	[sflag:s6] =	ssyncadd.s32 s4;
	_ =	sdelay $0x1  }
0xa1: {  	s23 =	simm.s32 $0x1B8B  }
0xa2: {  	_ =	swait.ge [sflag:s23], $0x1  }
0xa3: {  	[sflag:s23] =	ssyncset.done $0x0  }
0xa4: {  	[sflag:s23] =	ssyncadd.s32 $0xFFFFFFFF  }
0xa5: {  	s4 =	sld [smem:$0x0]  }
0xa6: {  	s5 =	sand.u32 $0xFFFFFFFE, s1  }
0xa7: {  	p0 =	sne.s32 s1, s5  }
0xa8: {  	s5 =	sshll.u32 @p0 s5, $0xE  }
0xa9: {  	s5 =	sadd.s32 @p0 $0x11B8D, s5;
	s6 =	sshll.u32 @p0 s4, $0x11  }
0xaa: {  	s5 =	sor.u32 @p0 s6, s5  }
0xab: {  	[sflag:s5] =	ssyncadd.remote.s32 @p0 $0x1;
	_ =	sdelay $0x1  }
0xac: {  	s5 =	simm.s32 @p0 $0x1B8D  }
0xad: {  	_ =	swait.eq @p0 [sflag:s5], $0x1  }
0xae: {  	[sflag:s5] =	ssyncadd.s32 @p0 $0xFFFFFFFF  }
0xaf: {  	s6 =	sshll.u32 @!p0 s1, $0xE  }
0xb0: {  	s6 =	sor.u32 @!p0 $0x4000, s6;
	s5 =	simm.s32 @!p0 $0x1B8D  }
0xb1: {  	s4 =	sshll.u32 @!p0 s4, $0x11;
	s6 =	sadd.s32 @!p0 $0x11B8D, s6;
	_ =	swait.eq @!p0 [sflag:s5], $0x1  }
0xb2: {  	s4 =	sor.u32 @!p0 s4, s6;
	[sflag:s5] =	ssyncadd.s32 @!p0 $0xFFFFFFFF  }
0xb3: {  	s25 =	simm.s32 $0x1B8E;
	s24 =	sld [smem:$0x3FFE];
	[sflag:s4] =	ssyncadd.remote.s32 @!p0 $0x1  }
0xb4: {  	s26 =	simm.s32 $execute0_lowered;
	[smem:$0x3FD2] =	sst s25  }
0xb5: {  	s5 =	sshll.u32 s26, $0x1;
	_ =	strace $0x80000049;
	[dreg:$0x1] =	wrdreg $0xFFFFFFFF  }
0xb6: {  	s28 =	simm.s32 $_size_execute0_lowered;
	s3 =	sadd.s32 s3, s5;
	[dreg:$0x0] =	wrdreg $0x0  }
0xb7: {  	s5 =	sshll.u32 s28, $0x1;
	[dreg:$0x2] =	wrdreg s3  }
0xb8: {  	[dreg:$0x3] =	wrdreg s5  }
0xb9: {  	[dreg:$0x4] =	wrdreg $0xC0  }
0xba: {  	_ =	task [dreg:s22], $0x5FFFF  }
0xbb: {  	[dreg:$0x1] =	wrdreg $0xFFFFFFFF  }
0xbc: {  	[dreg:$0x0] =	wrdreg $0x60  }
0xbd: {  	[dreg:$0x2] =	wrdreg s24  }
0xbe: {  	[dreg:$0x3] =	wrdreg $0xA  }
0xbf: {  	_ =	task.clear_ibuf [dreg:s22], $0x4FFFF;
	_ =	strace $0x90000049  }
0xc0: {  	s29 =	simm.s32 $0xA;
	_ =	strace $0x8000004B  }
0xc1: {  	_ =	swait.ge [sflag:s29], $0x1  }
0xc2: {  	[sflag:s29] =	ssyncadd.s32 $0xFFFFFFFF  }
0xc3: {  	_ =	strace $0x9000004B  }
0xc4: {  	_ =	sfence  }
0xc5: {  	s30 =	sld [smem:$0x0];
	_ =	sdelay $0x2  }
0xc6: {  	s31 =	sshll.u32 s1, $0xD;
	s1 =	sshrl.u32 s1, $0x2  }
0xc7: {  	s4 =	sand.u32 $0x4000, s31;
	s1 =	sadd.s32 s1, s30  }
0xc8: {  	s0 =	sor.u32 s4, s0;
	s1 =	sshll.u32 s1, $0x11  }
0xc9: {  	s0 =	sor.u32 s1, s0  }
0xca: {  	s0 =	sadd.s32 $0x8F2B, s0  }
0xcb: {  	[sflag:s0] =	ssyncadd.remote.s32 $0x1  }
0xcc: {  	_ =	sfence.sel $0xFFFF  }
0xcd: {  	[dreg:$0x0] =	wrdreg $0xFFFFFFFF;
	(pc) =	sbr.abs _section_cstart, $3  }
0xce: {  	[dreg:$0x1] =	wrdreg $0xFFFFFFFF  }
0xcf: {  	_ =	task.clear_ibuf [dreg:s22], $0x2FFFF;
	_ =	strace $0x9FFFFFFF  }
0xd0: {  	(tm) =	ssettm $0x7FFFFFFF  }
0xd1: {  	_ =	shalt  }
tec
execute0_lowered:
.L_overlay_start_1:
0x0: {  	(tag) =	ssettag $0x1  }
0x1: {  	s0 =	srdreg.scid;
	s3 =	stileid.u32  }
0x2: {  	s4 =	rddreg [dreg:$0x0];
	s16 =	simm.s32 $0x900;
	s18 =	simm.s32 $0x1100  }
0x3: {  	s19 =	simm.s32 $0x1900;
	s20 =	simm.s32 $0x2100;
	s21 =	simm.s32 $0x2900  }
0x4: {  	s22 =	simm.s32 $0x3100;
	s0 =	sand.u32 $0x1, s0;
	s1 =	smul.u32 $0x2800, s3  }
0x5: {  	s23 =	simm.s32 $0x3900;
	s24 =	simm.s32 $0x4100;
	s2 =	smul.u32 $0x1400, s0  }
0x6: {  	s25 =	simm.s32 $0x4900;
	s7 =	simm.s32 $0x100;
	s26 =	simm.s32 $0x5100  }
0x7: {  	s8 =	simm.s32 $0x5900;
	s1 =	sadd.s32 s2, s1;
	s2 =	simm.s32 $0x0  }
0x8: {  	s9 =	simm.s32 $0x6100;
	s10 =	simm.s32 $0x6900;
	[smem:$0x7FF] =	sst s2  }
0x9: {  	s11 =	simm.s32 $0x7100;
	_ =	strace $0x8000004A;
	[dreg:$0x3] =	wrdreg s16  }
0xa: {  	s12 =	simm.s32 $0x7900;
	s5 =	smul.u32 $0x50000, s3;
	[dreg:$0x4] =	wrdreg s18  }
0xb: {  	s17 =	ssub.s32 $0x2, s0;
	s0 =	smul.u32 $0x28000, s0;
	[dreg:$0x5] =	wrdreg s19  }
0xc: {  	s13 =	simm.s32 $0x8100;
	s5 =	sadd.s32 s5, s4;
	[dreg:$0x6] =	wrdreg s20  }
0xd: {  	s14 =	simm.s32 $0x8900;
	s0 =	sadd.s32 s0, s5;
	[dreg:$0x7] =	wrdreg s21  }
0xe: {  	s15 =	simm.s32 $0x9100;
	s0 =	sadd.s32 $0x615000, s0;
	[dreg:$0x8] =	wrdreg s22  }
0xf: {  	s28 =	simm.s32 $0xF100;
	s29 =	simm.s32 $0xF900;
	[dreg:$0xe] =	wrdreg s0  }
0x10: {  	s30 =	simm.s32 $0x1;
	s31 =	simm.s32 $0x0;
	[dreg:$0x9] =	wrdreg s23  }
0x11: {  	s3 =	sadd.s32 $0x95000, s4;
	s1 =	sshrl.u32 s1, $0x3;
	[dreg:$0xa] =	wrdreg s24  }
0x12: {  	s6 =	sshrl.u32 s17, $0x1;
	s1 =	sadd.s32 s1, s4;
	[dreg:$0xb] =	wrdreg s25  }
0x13: {  	s4 =	ssub.s32 s17, s6;
	s6 =	simm.s32 $0x2;
	[dreg:$0xc] =	wrdreg s26  }
0x14: {  	s16 =	simm.s32 $0x9900;
	s17 =	simm.s32 $0xA100;
	s18 =	simm.s32 $0xA900  }
0x15: {  	s19 =	simm.s32 $0xB100;
	s20 =	simm.s32 $0xB900;
	s21 =	simm.s32 $0xC100  }
0x16: {  	v2 =	vlaneseq.u32;
	s22 =	simm.s32 $0xC900;
	s23 =	simm.s32 $0xD100;
	s1 =	sadd.s32 $0x10000, s1  }
0x17: {  	vm0 =	vmmov $0xffff;
	v1 =	vshrl.u32 v2, $0x3;
	s24 =	simm.s32 $0xD900;
	s4 =	smax.u32 s4, $0x1;
	[dreg:$0x2] =	wrdreg s1  }
0x18: {  	v0 =	vand.u32 $0x7, v2;
	v2 =	vor.u32 $0x8, v2;
	v1 =	vmul.u32 $0x8, v1;
	s25 =	simm.s32 $0xE100;
	s26 =	simm.s32 $0xE900;
	[dreg:$0xd] =	wrdreg s4  }
.LBB2_1:
0x19: {  	s5 =	rddreg [dreg:$0xe];
	s0 =	simm.s32 $0x0  }
.LBB2_2:
0x1a: {  	s4 =	rddreg [dreg:$0x2]  }
0x1b: {  	s4 =	sadd.s32 s0, s4  }
0x1c: {  	[tilespmem:s2], [sflag:$0x2] =	stream.linear.gather [hbm4b:s4+s2], $0x100, $0x38;
	[tilespmem:$0x10100] =	vst v63  }
0x1d: {  	_ =	swait.ge [sflag:s6], $0x100  }
0x1e: {  	[sflag:s6] =	ssyncset.done $0x0  }
0x1f: {  	[sflag:s6] =	ssyncadd.s32 $0xFFFFFF00  }
0x20: {  	v3 =	vld [tilespmem:$0x0];
	_ =	sdelay $0x4  }
0x21: {  	v4 =	vshll.u32 v3, $0x1  }
0x22: {  	v3 =	vand.u32 $0x7, v3;
	v4 =	vand.u32 $0xFFFFFFF0, v4  }
0x23: {  	v3 =	vor.u32 v3, v4  }
0x24: {  	v4 =	vperm.xlane v3, v0;
	_ =	sdelay $0x1  }
0x25: {  	v3 =	vperm.xlane v3, v2;
	v4 =	vadd.s32 v1, v4;
	_ =	sdelay $0x1  }
0x26: {  	v3 =	vadd.s32 v1, v3;
	_ =	sdelay $0x2  }
0x27: {  	[tilespmem:s7], [sflag:$0x1] =	stream.indirect_vreg.gather [hbm4b:s3+s2], $0x80, v4, vm0, $0xb8;
	[tilespmem:$0x10100] =	vst v63  }
0x28: {  	s1 =	rddreg [dreg:$0x3]  }
0x29: {  	[tilespmem:s1], [sflag:$0x1] =	stream.indirect_vreg.gather [hbm4b:s3+s2], $0x80, v3, vm0, $0xb8;
	[tilespmem:$0x10100] =	vst v63  }
0x2a: {  	v3 =	vld [tilespmem:$0x10];
	_ =	sdelay $0x4  }
0x2b: {  	v49 =	vshll.u32 v3, $0x1  }
0x2c: {  	v3 =	vand.u32 $0x7, v3;
	v4 =	vand.u32 $0xFFFFFFF0, v49  }
0x2d: {  	v3 =	vor.u32 v3, v4  }
0x2e: {  	v4 =	vperm.xlane v3, v0;
	_ =	sdelay $0x1  }
0x2f: {  	v3 =	vperm.xlane v3, v2;
	v4 =	vadd.s32 v1, v4;
	_ =	sdelay $0x1  }
0x30: {  	v3 =	vadd.s32 v1, v3;
	_ =	sdelay $0x1  }
0x31: {  	s4 =	rddreg [dreg:$0x4]  }
0x32: {  	[tilespmem:s4], [sflag:$0x1] =	stream.indirect_vreg.gather [hbm4b:s3+s2], $0x80, v4, vm0, $0xb8;
	[tilespmem:$0x10100] =	vst v63  }
0x33: {  	s1 =	rddreg [dreg:$0x5]  }
0x34: {  	[tilespmem:s1], [sflag:$0x1] =	stream.indirect_vreg.gather [hbm4b:s3+s2], $0x80, v3, vm0, $0xb8;
	[tilespmem:$0x10100] =	vst v63  }
0x35: {  	v3 =	vld [tilespmem:$0x20];
	_ =	sdelay $0x4  }
0x36: {  	v50 =	vshll.u32 v3, $0x1  }
0x37: {  	v3 =	vand.u32 $0x7, v3;
	v4 =	vand.u32 $0xFFFFFFF0, v50  }
0x38: {  	v3 =	vor.u32 v3, v4  }
0x39: {  	v4 =	vperm.xlane v3, v0;
	_ =	sdelay $0x1  }
0x3a: {  	v3 =	vperm.xlane v3, v2;
	v4 =	vadd.s32 v1, v4;
	_ =	sdelay $0x1  }
0x3b: {  	v3 =	vadd.s32 v1, v3;
	_ =	sdelay $0x1  }
0x3c: {  	s1 =	rddreg [dreg:$0x6]  }
0x3d: {  	[tilespmem:s1], [sflag:$0x1] =	stream.indirect_vreg.gather [hbm4b:s3+s2], $0x80, v4, vm0, $0xb8;
	[tilespmem:$0x10100] =	vst v63  }
0x3e: {  	s4 =	rddreg [dreg:$0x7]  }
0x3f: {  	[tilespmem:s4], [sflag:$0x1] =	stream.indirect_vreg.gather [hbm4b:s3+s2], $0x80, v3, vm0, $0xb8;
	[tilespmem:$0x10100] =	vst v63  }
0x40: {  	v3 =	vld [tilespmem:$0x30];
	_ =	sdelay $0x4  }
0x41: {  	v51 =	vshll.u32 v3, $0x1  }
0x42: {  	v3 =	vand.u32 $0x7, v3;
	v4 =	vand.u32 $0xFFFFFFF0, v51  }
0x43: {  	v3 =	vor.u32 v3, v4  }
0x44: {  	v4 =	vperm.xlane v3, v0;
	_ =	sdelay $0x1  }
0x45: {  	v3 =	vperm.xlane v3, v2;
	v4 =	vadd.s32 v1, v4;
	_ =	sdelay $0x1  }
0x46: {  	v3 =	vadd.s32 v1, v3;
	_ =	sdelay $0x1  }
0x47: {  	s1 =	rddreg [dreg:$0x8]  }
0x48: {  	[tilespmem:s1], [sflag:$0x1] =	stream.indirect_vreg.gather [hbm4b:s3+s2], $0x80, v4, vm0, $0xb8;
	[tilespmem:$0x10100] =	vst v63  }
0x49: {  	s4 =	rddreg [dreg:$0x9]  }
0x4a: {  	[tilespmem:s4], [sflag:$0x1] =	stream.indirect_vreg.gather [hbm4b:s3+s2], $0x80, v3, vm0, $0xb8;
	[tilespmem:$0x10100] =	vst v63  }
0x4b: {  	v3 =	vld [tilespmem:$0x40];
	_ =	sdelay $0x4  }
0x4c: {  	v52 =	vshll.u32 v3, $0x1  }
0x4d: {  	v3 =	vand.u32 $0x7, v3;
	v4 =	vand.u32 $0xFFFFFFF0, v52  }
0x4e: {  	v3 =	vor.u32 v3, v4  }
0x4f: {  	v4 =	vperm.xlane v3, v0;
	_ =	sdelay $0x1  }
0x50: {  	v3 =	vperm.xlane v3, v2;
	v4 =	vadd.s32 v1, v4;
	_ =	sdelay $0x1  }
0x51: {  	v3 =	vadd.s32 v1, v3;
	_ =	sdelay $0x1  }
0x52: {  	s1 =	rddreg [dreg:$0xa]  }
0x53: {  	[tilespmem:s1], [sflag:$0x1] =	stream.indirect_vreg.gather [hbm4b:s3+s2], $0x80, v4, vm0, $0xb8;
	[tilespmem:$0x10100] =	vst v63  }
0x54: {  	s4 =	rddreg [dreg:$0xb]  }
0x55: {  	[tilespmem:s4], [sflag:$0x1] =	stream.indirect_vreg.gather [hbm4b:s3+s2], $0x80, v3, vm0, $0xb8;
	[tilespmem:$0x10100] =	vst v63  }
0x56: {  	v3 =	vld [tilespmem:$0x50];
	_ =	sdelay $0x4  }
0x57: {  	v53 =	vshll.u32 v3, $0x1  }
0x58: {  	v3 =	vand.u32 $0x7, v3;
	v4 =	vand.u32 $0xFFFFFFF0, v53  }
0x59: {  	v3 =	vor.u32 v3, v4  }
0x5a: {  	v4 =	vperm.xlane v3, v0;
	_ =	sdelay $0x1  }
0x5b: {  	v3 =	vperm.xlane v3, v2;
	v4 =	vadd.s32 v1, v4;
	_ =	sdelay $0x1  }
0x5c: {  	v3 =	vadd.s32 v1, v3;
	_ =	sdelay $0x1  }
0x5d: {  	s4 =	rddreg [dreg:$0xc]  }
0x5e: {  	[tilespmem:s4], [sflag:$0x1] =	stream.indirect_vreg.gather [hbm4b:s3+s2], $0x80, v4, vm0, $0xb8;
	[tilespmem:$0x10100] =	vst v63  }
0x5f: {  	_ = 	snop  }
0x60: {  	[tilespmem:s8], [sflag:$0x1] =	stream.indirect_vreg.gather [hbm4b:s3+s2], $0x80, v3, vm0, $0xb8;
	[tilespmem:$0x10100] =	vst v63  }
0x61: {  	v3 =	vld [tilespmem:$0x60];
	_ =	sdelay $0x4  }
0x62: {  	v54 =	vshll.u32 v3, $0x1  }
0x63: {  	v3 =	vand.u32 $0x7, v3;
	v4 =	vand.u32 $0xFFFFFFF0, v54  }
0x64: {  	v3 =	vor.u32 v3, v4  }
0x65: {  	v4 =	vperm.xlane v3, v0;
	_ =	sdelay $0x1  }
0x66: {  	v3 =	vperm.xlane v3, v2;
	v4 =	vadd.s32 v1, v4;
	_ =	sdelay $0x1  }
0x67: {  	v3 =	vadd.s32 v1, v3;
	_ =	sdelay $0x2  }
0x68: {  	[tilespmem:s9], [sflag:$0x1] =	stream.indirect_vreg.gather [hbm4b:s3+s2], $0x80, v4, vm0, $0xb8;
	[tilespmem:$0x10100] =	vst v63  }
0x69: {  	_ = 	snop  }
0x6a: {  	[tilespmem:s10], [sflag:$0x1] =	stream.indirect_vreg.gather [hbm4b:s3+s2], $0x80, v3, vm0, $0xb8;
	[tilespmem:$0x10100] =	vst v63  }
0x6b: {  	v3 =	vld [tilespmem:$0x70];
	_ =	sdelay $0x4  }
0x6c: {  	v55 =	vshll.u32 v3, $0x1  }
0x6d: {  	v3 =	vand.u32 $0x7, v3;
	v4 =	vand.u32 $0xFFFFFFF0, v55  }
0x6e: {  	v3 =	vor.u32 v3, v4  }
0x6f: {  	v4 =	vperm.xlane v3, v0;
	_ =	sdelay $0x1  }
0x70: {  	v3 =	vperm.xlane v3, v2;
	v4 =	vadd.s32 v1, v4;
	_ =	sdelay $0x1  }
0x71: {  	v3 =	vadd.s32 v1, v3;
	_ =	sdelay $0x2  }
0x72: {  	[tilespmem:s11], [sflag:$0x1] =	stream.indirect_vreg.gather [hbm4b:s3+s2], $0x80, v4, vm0, $0xb8;
	[tilespmem:$0x10100] =	vst v63  }
0x73: {  	_ = 	snop  }
0x74: {  	[tilespmem:s12], [sflag:$0x1] =	stream.indirect_vreg.gather [hbm4b:s3+s2], $0x80, v3, vm0, $0xb8;
	[tilespmem:$0x10100] =	vst v63  }
0x75: {  	v3 =	vld [tilespmem:$0x80];
	_ =	sdelay $0x4  }
0x76: {  	v56 =	vshll.u32 v3, $0x1  }
0x77: {  	v3 =	vand.u32 $0x7, v3;
	v4 =	vand.u32 $0xFFFFFFF0, v56  }
0x78: {  	v3 =	vor.u32 v3, v4  }
0x79: {  	v4 =	vperm.xlane v3, v0;
	_ =	sdelay $0x1  }
0x7a: {  	v3 =	vperm.xlane v3, v2;
	v4 =	vadd.s32 v1, v4;
	_ =	sdelay $0x1  }
0x7b: {  	v3 =	vadd.s32 v1, v3;
	_ =	sdelay $0x2  }
0x7c: {  	[tilespmem:s13], [sflag:$0x1] =	stream.indirect_vreg.gather [hbm4b:s3+s2], $0x80, v4, vm0, $0xb8;
	[tilespmem:$0x10100] =	vst v63  }
0x7d: {  	_ = 	snop  }
0x7e: {  	[tilespmem:s14], [sflag:$0x1] =	stream.indirect_vreg.gather [hbm4b:s3+s2], $0x80, v3, vm0, $0xb8;
	[tilespmem:$0x10100] =	vst v63  }
0x7f: {  	v3 =	vld [tilespmem:$0x90];
	_ =	sdelay $0x4  }
0x80: {  	v57 =	vshll.u32 v3, $0x1  }
0x81: {  	v3 =	vand.u32 $0x7, v3;
	v4 =	vand.u32 $0xFFFFFFF0, v57  }
0x82: {  	v3 =	vor.u32 v3, v4  }
0x83: {  	v4 =	vperm.xlane v3, v0;
	_ =	sdelay $0x1  }
0x84: {  	v3 =	vperm.xlane v3, v2;
	v4 =	vadd.s32 v1, v4;
	_ =	sdelay $0x1  }
0x85: {  	v3 =	vadd.s32 v1, v3;
	_ =	sdelay $0x2  }
0x86: {  	[tilespmem:s15], [sflag:$0x1] =	stream.indirect_vreg.gather [hbm4b:s3+s2], $0x80, v4, vm0, $0xb8;
	[tilespmem:$0x10100] =	vst v63  }
0x87: {  	_ = 	snop  }
0x88: {  	[tilespmem:s16], [sflag:$0x1] =	stream.indirect_vreg.gather [hbm4b:s3+s2], $0x80, v3, vm0, $0xb8;
	[tilespmem:$0x10100] =	vst v63  }
0x89: {  	v3 =	vld [tilespmem:$0xA0];
	_ =	sdelay $0x4  }
0x8a: {  	v58 =	vshll.u32 v3, $0x1  }
0x8b: {  	v3 =	vand.u32 $0x7, v3;
	v4 =	vand.u32 $0xFFFFFFF0, v58  }
0x8c: {  	v3 =	vor.u32 v3, v4  }
0x8d: {  	v4 =	vperm.xlane v3, v0;
	_ =	sdelay $0x1  }
0x8e: {  	v3 =	vperm.xlane v3, v2;
	v4 =	vadd.s32 v1, v4;
	_ =	sdelay $0x1  }
0x8f: {  	v3 =	vadd.s32 v1, v3;
	_ =	sdelay $0x2  }
0x90: {  	[tilespmem:s17], [sflag:$0x1] =	stream.indirect_vreg.gather [hbm4b:s3+s2], $0x80, v4, vm0, $0xb8;
	[tilespmem:$0x10100] =	vst v63  }
0x91: {  	_ = 	snop  }
0x92: {  	[tilespmem:s18], [sflag:$0x1] =	stream.indirect_vreg.gather [hbm4b:s3+s2], $0x80, v3, vm0, $0xb8;
	[tilespmem:$0x10100] =	vst v63  }
0x93: {  	v3 =	vld [tilespmem:$0xB0];
	_ =	sdelay $0x4  }
0x94: {  	v59 =	vshll.u32 v3, $0x1  }
0x95: {  	v3 =	vand.u32 $0x7, v3;
	v4 =	vand.u32 $0xFFFFFFF0, v59  }
0x96: {  	v3 =	vor.u32 v3, v4  }
0x97: {  	v4 =	vperm.xlane v3, v0;
	_ =	sdelay $0x1  }
0x98: {  	v3 =	vperm.xlane v3, v2;
	v4 =	vadd.s32 v1, v4;
	_ =	sdelay $0x1  }
0x99: {  	v3 =	vadd.s32 v1, v3;
	_ =	sdelay $0x2  }
0x9a: {  	[tilespmem:s19], [sflag:$0x1] =	stream.indirect_vreg.gather [hbm4b:s3+s2], $0x80, v4, vm0, $0xb8;
	[tilespmem:$0x10100] =	vst v63  }
0x9b: {  	_ = 	snop  }
0x9c: {  	[tilespmem:s20], [sflag:$0x1] =	stream.indirect_vreg.gather [hbm4b:s3+s2], $0x80, v3, vm0, $0xb8;
	[tilespmem:$0x10100] =	vst v63  }
0x9d: {  	v3 =	vld [tilespmem:$0xC0];
	_ =	sdelay $0x4  }
0x9e: {  	v60 =	vshll.u32 v3, $0x1  }
0x9f: {  	v3 =	vand.u32 $0x7, v3;
	v4 =	vand.u32 $0xFFFFFFF0, v60  }
0xa0: {  	v3 =	vor.u32 v3, v4  }
0xa1: {  	v4 =	vperm.xlane v3, v0;
	_ =	sdelay $0x1  }
0xa2: {  	v3 =	vperm.xlane v3, v2;
	v4 =	vadd.s32 v1, v4;
	_ =	sdelay $0x1  }
0xa3: {  	v3 =	vadd.s32 v1, v3;
	_ =	sdelay $0x2  }
0xa4: {  	[tilespmem:s21], [sflag:$0x1] =	stream.indirect_vreg.gather [hbm4b:s3+s2], $0x80, v4, vm0, $0xb8;
	[tilespmem:$0x10100] =	vst v63  }
0xa5: {  	_ = 	snop  }
0xa6: {  	[tilespmem:s22], [sflag:$0x1] =	stream.indirect_vreg.gather [hbm4b:s3+s2], $0x80, v3, vm0, $0xb8;
	[tilespmem:$0x10100] =	vst v63  }
0xa7: {  	v3 =	vld [tilespmem:$0xD0];
	_ =	sdelay $0x4  }
0xa8: {  	v61 =	vshll.u32 v3, $0x1  }
0xa9: {  	v3 =	vand.u32 $0x7, v3;
	v4 =	vand.u32 $0xFFFFFFF0, v61  }
0xaa: {  	v3 =	vor.u32 v3, v4  }
0xab: {  	v4 =	vperm.xlane v3, v0;
	_ =	sdelay $0x1  }
0xac: {  	v3 =	vperm.xlane v3, v2;
	v4 =	vadd.s32 v1, v4;
	_ =	sdelay $0x1  }
0xad: {  	v3 =	vadd.s32 v1, v3;
	_ =	sdelay $0x2  }
0xae: {  	[tilespmem:s23], [sflag:$0x1] =	stream.indirect_vreg.gather [hbm4b:s3+s2], $0x80, v4, vm0, $0xb8;
	[tilespmem:$0x10100] =	vst v63  }
0xaf: {  	_ = 	snop  }
0xb0: {  	[tilespmem:s24], [sflag:$0x1] =	stream.indirect_vreg.gather [hbm4b:s3+s2], $0x80, v3, vm0, $0xb8;
	[tilespmem:$0x10100] =	vst v63  }
0xb1: {  	v3 =	vld [tilespmem:$0xE0];
	_ =	sdelay $0x4  }
0xb2: {  	v62 =	vshll.u32 v3, $0x1  }
0xb3: {  	v3 =	vand.u32 $0x7, v3;
	v4 =	vand.u32 $0xFFFFFFF0, v62  }
0xb4: {  	v3 =	vor.u32 v3, v4  }
0xb5: {  	v4 =	vperm.xlane v3, v0;
	_ =	sdelay $0x1  }
0xb6: {  	v3 =	vperm.xlane v3, v2;
	v4 =	vadd.s32 v1, v4;
	_ =	sdelay $0x1  }
0xb7: {  	v3 =	vadd.s32 v1, v3;
	_ =	sdelay $0x2  }
0xb8: {  	[tilespmem:s25], [sflag:$0x1] =	stream.indirect_vreg.gather [hbm4b:s3+s2], $0x80, v4, vm0, $0xb8;
	[tilespmem:$0x10100] =	vst v63  }
0xb9: {  	_ = 	snop  }
0xba: {  	[tilespmem:s26], [sflag:$0x1] =	stream.indirect_vreg.gather [hbm4b:s3+s2], $0x80, v3, vm0, $0xb8;
	[tilespmem:$0x10100] =	vst v63  }
0xbb: {  	v3 =	vld [tilespmem:$0xF0];
	_ =	sdelay $0x4  }
0xbc: {  	v63 =	vshll.u32 v3, $0x1  }
0xbd: {  	v3 =	vand.u32 $0x7, v3;
	v4 =	vand.u32 $0xFFFFFFF0, v63  }
0xbe: {  	v3 =	vor.u32 v3, v4  }
0xbf: {  	v4 =	vperm.xlane v3, v0;
	_ =	sdelay $0x1  }
0xc0: {  	v3 =	vperm.xlane v3, v2;
	v4 =	vadd.s32 v1, v4;
	_ =	sdelay $0x1  }
0xc1: {  	v3 =	vadd.s32 v1, v3;
	_ =	sdelay $0x2  }
0xc2: {  	[tilespmem:s28], [sflag:$0x1] =	stream.indirect_vreg.gather [hbm4b:s3+s2], $0x80, v4, vm0, $0xb8;
	[tilespmem:$0x10100] =	vst v63  }
0xc3: {  	_ = 	snop  }
0xc4: {  	[tilespmem:s29], [sflag:$0x1] =	stream.indirect_vreg.gather [hbm4b:s3+s2], $0x80, v3, vm0, $0xb8;
	[tilespmem:$0x10100] =	vst v63  }
0xc5: {  	_ =	swait.ge [sflag:s30], $0x10000  }
0xc6: {  	p0 =	sne.s32 s0, $0x260;
	[sflag:s30] =	ssyncset.done $0x0  }
.Ltmp0:
0xc7: {  	[sflag:s30] =	ssyncadd.s32 $0xFFFF0000;
	(pc) =	sbr.rel @p0 .LBB2_2-.Ltmp0, $4  }
0xc8: {  	[hbm4b:s5+s2] =	stream.linear.scatter [tilespmem:s7], [sflag:$0x2], $0x10000, $0x38;
	[tilespmem:$0x10100] =	vst v63  }
0xc9: {  	_ =	swait.ge [sflag:s6], $0x10000  }
0xca: {  	[sflag:s6] =	ssyncset.done $0x0  }
0xcb: {  	s0 =	sadd.s32 $0x20, s0;
	s5 =	sadd.s32 $0x2000, s5;
	[sflag:s6] =	ssyncadd.s32 $0xFFFF0000  }
0xcc: {  	s31 =	sadd.s32 $0x1, s31;
	s0 =	rddreg [dreg:$0xd]  }
0xcd: {  	p0 =	sne.s32 s31, s0  }
.Ltmp1:
0xce: {  	_ = 	snop;
	(pc) =	sbr.rel @p0 .LBB2_1-.Ltmp1, $1  }
0xcf: {  	_ =	sdelay $0x3  }
0xd0: {  	_ =	sfence.sel $0x180000  }
0xd1: {  	[bflag:$0x0] =	sbarrier.arrive $0xFFFF  }
0xd2: {  	_ =	strace $0x9000004A  }
0xd3: {  	s0 =	stileid.u32;
	[bflag:$0x2] =	sbarrier.arrive $0xFFFF  }
0xd4: {  	p0 =	sne.s32 s0, $0x0;
	s0 =	rddreg [dreg:$0x1]  }
0xd5: {  	s0 =	sadd.s32 @!p0 $0x100000, s0  }
0xd6: {  	[sflag:s0] =	ssyncadd.tile.s32 @!p0 $0x1;
	_ =	shalt  }
.Lfunc_end2:
_tile_overlayer_lowered:
.L_overlay_start_2:
0xd7: {  	(tag) =	ssettag $0x2  }
0xd8: {  	s0 =	rddreg [dreg:$0x0];
	s2 =	stileid.u32  }
0xd9: {  	s1 =	rddreg [dreg:$0x1];
	p0 =	sne.s32 s2, $0x0  }
0xda: {  	s3 =	rddreg [dreg:$0x2];
	[bflag:$0x3] =	sbarrier.arrive $0xFFFF;
	s2 =	simm.s32 @!p0 $0x1C02  }
0xdb: {  	[timem:s3], [sflag:s2] =	dma.local @!p0 [hbm:s0], s1  }
0xdc: {  	s0 =	simm.s32 @!p0 $0x2  }
0xdd: {  	_ =	swait.ge @!p0 [sflag:s0], s1  }
0xde: {  	s1 =	ssub.s32 @!p0 $0x0, s1;
	[sflag:s0] =	ssyncset.done @!p0 $0x0  }
0xdf: {  	[sflag:s0] =	ssyncadd.s32 @!p0 s1  }
0xe0: {  	[bflag:$0x3] =	sbarrier.arrive $0xFFFF  }
0xe1: {  	_ =	shalt  }

// kernel: kernel.18.cloned.1.call-start
scs
__scs_entry_jumppad:
0x0: {  	(pc) =	sbr.rel $0x88, $3  }
0x1: {  	(tag) =	ssettag $0x0;
	lr =	simm.s32 $0x1  }
0x2: {  	[smem:$0x3F85] =	sst lr;
	_ =	strace $0xD0000000  }
0x3: {  	_ = 	snop  }
0x4: {  	_ = 	snop  }
0x5: {  	_ = 	snop  }
0x6: {  	_ = 	snop  }
0x7: {  	_ = 	snop  }
__scs_overlays_trampoline_lowered:
0x8: {  	[smem:$0x3F94] =	sst s0  }
0x9: {  	[smem:$0x3F95] =	sst s1  }
0xa: {  	[smem:$0x3F96] =	sst s2  }
0xb: {  	[smem:$0x3F97] =	sst s3  }
0xc: {  	[smem:$0x3F98] =	sst s4  }
0xd: {  	[smem:$0x3F99] =	sst s5  }
0xe: {  	[smem:$0x3F9A] =	sst s6  }
0xf: {  	[smem:$0x3F9B] =	sst s7  }
0x10: {  	[smem:$0x3F9C] =	sst s8  }
0x11: {  	[smem:$0x3F9D] =	sst s9;
	s0 =	simm.s32 @!p0 $0x0  }
0x12: {  	s1 =	sld [smem:$0x3F83];
	s0 =	simm.s32 @p0 $0x1  }
0x13: {  	[smem:$0x3F9E] =	sst s0;
	s0 =	simm.s32 @!p1 $0x0  }
0x14: {  	s2 =	sld [smem:$0x3F82];
	s0 =	simm.s32 @p1 $0x1  }
0x15: {  	[smem:$0x3F9F] =	sst s0;
	s0 =	simm.s32 @!p2 $0x0  }
0x16: {  	s3 =	sld [smem:$0x3FDB];
	s0 =	simm.s32 @p2 $0x1  }
0x17: {  	s4 =	simm.s32 $0x1BF5;
	[smem:$0x3FA1] =	sst s0  }
0x18: {  	s0 =	sld [smem:$0x3F84];
	_ =	swait.ge [sflag:s4], $0x0  }
0x19: {  	s7 =	sld [smem:$0x3F85]  }
0x1a: {  	s8 =	sadd.s32 $0xFFFFE003, lr  }
0x1b: {  	s9 =	sadd.s32 $0xFFFFFEF7, lr;
	s5 =	simm.s32 $0xFFFFFFFF;
	p2 =	slt.u32 s8, $0xFFFFF086  }
0x1c: {  	p1 =	slt.u32 s9, $0xF7A;
	s5 =	simm.s32 @!p2 $0x0  }
0x1d: {  	s5 =	simm.s32 @p1 $0x1;
	p0 =	seq.s32 s7, s2  }
0x1e: {  	s7 =	smul.u32 @!p0 $0xF7A, s2;
	p2 =	seq.s32 @!p0 s5, $0x0  }
0x1f: {  	s9 =	smul.u32 $0xF7A, s1;
	s8 =	simm.s32 @!p0 $0x1BF5;
	p2 =	por !p2, p0  }
0x20: {  	[sflag:s8] =	ssyncset.s32 @!p0 $0xFFFFF086;
	s6 =	sadd.s32 @!p0 s3, s7;
	s7 =	simm.s32 @!p0 $0x108  }
0x21: {  	s3 =	sadd.s32 s3, s9;
	s6 =	sadd.s32 @!p0 $0x88, s6;
	s7 =	simm.s32 @p2 $0x1082  }
0x22: {  	[simem:s7], [sflag:s8] =	dma.local @!p0 [hbm:s6], $0xF7A  }
0x23: {  	s9 =	sor.u32 $0xD0000000, s2;
	s6 =	simm.s32 $0x108;
	_ =	swait.ge @!p0 [sflag:s8], $0x0  }
0x24: {  	s3 =	sadd.s32 $0x88, s3;
	s6 =	simm.s32 @!p1 $0x1082;
	[sflag:s4] =	ssyncset.s32 $0xFFFFF086  }
0x25: {  	[simem:s6], [sflag:s4] =	dma.local [hbm:s3], $0xF7A  }
0x26: {  	[smem:$0x3F85] =	sst s1;
	(tag) =	ssettag s2;
	_ =	strace s9  }
0x27: {  	s1 =	sld [smem:$0x3F95]  }
0x28: {  	s2 =	sld [smem:$0x3F96]  }
0x29: {  	s4 =	sld [smem:$0x3F98]  }
0x2a: {  	p0 =	seq.s32 s5, $0x0;
	s5 =	sld [smem:$0x3F99]  }
0x2b: {  	s6 =	sld [smem:$0x3F9A]  }
0x2c: {  	s7 =	sld [smem:$0x3F9B]  }
0x2d: {  	s3 =	simm.s32 $0x108;
	s8 =	sld [smem:$0x3F9C]  }
0x2e: {  	s3 =	simm.s32 @!p0 $0x1082;
	s9 =	sld [smem:$0x3F9D]  }
0x2f: {  	lr =	sadd.s32 s0, s3;
	s0 =	sld [smem:$0x3F94]  }
0x30: {  	s3 =	sld [smem:$0x3F97]  }
0x31: {  	[smem:$0x3FA0] =	sst s10  }
0x32: {  	s10 =	sld [smem:$0x3F9E];
	_ =	sdelay $0x3  }
0x33: {  	p0 =	seq.s32 s10, $0x1;
	s10 =	sld [smem:$0x3FA0];
	_ =	sdelay $0x3  }
0x34: {  	[smem:$0x3FA0] =	sst s10  }
0x35: {  	s10 =	sld [smem:$0x3F9F];
	_ =	sdelay $0x3  }
0x36: {  	p1 =	seq.s32 s10, $0x1;
	s10 =	sld [smem:$0x3FA0];
	_ =	sdelay $0x3  }
0x37: {  	[smem:$0x3FA0] =	sst s10  }
0x38: {  	s10 =	sld [smem:$0x3FA1]  }
0x39: {  	_ = 	snop;
	(pc) =	sbr.ind lr, $3  }
0x3a: {  	_ = 	snop  }
0x3b: {  	_ = 	snop  }
0x3c: {  	p2 =	seq.s32 s10, $0x1;
	s10 =	sld [smem:$0x3FA0]  }
0x3d: {  	_ =	shalt  }
0x3e: {  	_ =	shalt  }
0x3f: {  	_ =	shalt  }
0x40: {  	_ =	shalt  }
0x41: {  	_ =	shalt  }
0x42: {  	_ =	shalt  }
0x43: {  	_ =	shalt  }
0x44: {  	_ =	shalt  }
0x45: {  	_ =	shalt  }
0x46: {  	_ =	shalt  }
0x47: {  	_ =	shalt  }
0x48: {  	_ =	shalt  }
0x49: {  	_ =	shalt  }
0x4a: {  	_ =	shalt  }
0x4b: {  	_ =	shalt  }
0x4c: {  	_ =	shalt  }
0x4d: {  	_ =	shalt  }
0x4e: {  	_ =	shalt  }
0x4f: {  	_ =	shalt  }
0x50: {  	_ =	shalt  }
0x51: {  	_ =	shalt  }
0x52: {  	_ =	shalt  }
0x53: {  	_ =	shalt  }
0x54: {  	_ =	shalt  }
0x55: {  	_ =	shalt  }
0x56: {  	_ =	shalt  }
0x57: {  	_ =	shalt  }
0x58: {  	_ =	shalt  }
0x59: {  	_ =	shalt  }
0x5a: {  	_ =	shalt  }
0x5b: {  	_ =	shalt  }
0x5c: {  	_ =	shalt  }
0x5d: {  	_ =	shalt  }
0x5e: {  	_ =	shalt  }
0x5f: {  	_ =	shalt  }
0x60: {  	_ =	shalt  }
0x61: {  	_ =	shalt  }
0x62: {  	_ =	shalt  }
0x63: {  	_ =	shalt  }
0x64: {  	_ =	shalt  }
0x65: {  	_ =	shalt  }
0x66: {  	_ =	shalt  }
0x67: {  	_ =	shalt  }
0x68: {  	_ =	shalt  }
0x69: {  	_ =	shalt  }
0x6a: {  	_ =	shalt  }
0x6b: {  	_ =	shalt  }
0x6c: {  	_ =	shalt  }
0x6d: {  	_ =	shalt  }
0x6e: {  	_ =	shalt  }
0x6f: {  	_ =	shalt  }
0x70: {  	_ =	shalt  }
0x71: {  	_ =	shalt  }
0x72: {  	_ =	shalt  }
0x73: {  	_ =	shalt  }
0x74: {  	_ =	shalt  }
0x75: {  	_ =	shalt  }
0x76: {  	_ =	shalt  }
0x77: {  	_ =	shalt  }
0x78: {  	_ =	shalt  }
0x79: {  	_ =	shalt  }
0x7a: {  	_ =	shalt  }
0x7b: {  	_ =	shalt  }
0x7c: {  	_ =	shalt  }
0x7d: {  	_ =	shalt  }
0x7e: {  	_ =	shalt  }
0x7f: {  	_ =	shalt  }
0x80: {  	_ =	shalt  }
0x81: {  	_ =	shalt  }
0x82: {  	_ =	shalt  }
0x83: {  	_ =	shalt  }
0x84: {  	_ =	shalt  }
0x85: {  	_ =	shalt  }
0x86: {  	_ =	shalt  }
0x87: {  	_ =	shalt  }
.Lfunc_end0:
.L_simem_size_0:
called_computation.2_lowered:
.L_overlay_start_0:
0x88: {  	s2 =	sld [smem:$0x3FD9]  }
0x89: {  	s3 =	sld [smem:$0x3FFE];
	_ =	sdelay $0x1  }
0x8a: {  	s1 =	srdreg.scid  }
0x8b: {  	s0 =	sand.u32 $0x1, s1  }
0x8c: {  	s16 =	sshll.u32 s0, $0xA;
	s2 =	sadd.s32 s3, s2  }
0x8d: {  	s2 =	sadd.s32 s2, s16  }
0x8e: {  	[smem:$0x3FAC] =	sst s2  }
0x8f: {  	_ = 	snop  }
0x90: {  	(tm) =	ssettm $0x1  }
0x91: {  	s17 =	sld [smem:$0x3FFB];
	_ =	sdelay $0x3  }
0x92: {  	_ =	strace s17  }
0x93: {  	s2 =	sld [smem:$0x3FFC];
	_ =	sdelay $0x3  }
0x94: {  	_ =	strace s2  }
0x95: {  	s2 =	sld [smem:$0x3FFD];
	_ =	sdelay $0x3  }
0x96: {  	_ =	strace s2  }
0x97: {  	_ =	strace $0x8FFFFFFF  }
0x98: {  	s18 =	sld [smem:$0x3FDB];
	_ =	sdelay $0x1  }
0x99: {  	s19 =	simm.s32 $_scs_section_size  }
0x9a: {  	s4 =	simm.s32 $_size__tile_overlayer_lowered;
	s5 =	simm.s32 $_tile_overlayer_lowered  }
0x9b: {  	s22 =	simm.s32 $0x1BFF;
	s21 =	sshll.u32 s5, $0x1;
	s2 =	sadd.s32 s19, s18  }
0x9c: {  	s6 =	simm.s32 $0x0;
	s20 =	sshll.u32 s4, $0x1;
	s4 =	sadd.s32 s21, s2  }
0x9d: {  	[timem:s6], [sflag:s22] =	dma.local [hbm:s4], s20  }
0x9e: {  	_ =	swait.ge [sflag:s22], s20  }
0x9f: {  	s3 =	ssub.s32 $0x0, s20;
	[sflag:s22] =	ssyncset.done $0x0  }
0xa0: {  	[sflag:s22] =	ssyncadd.s32 s3;
	_ =	sdelay $0x1  }
0xa1: {  	s23 =	simm.s32 $0x1B8B  }
0xa2: {  	_ =	swait.ge [sflag:s23], $0x1  }
0xa3: {  	[sflag:s23] =	ssyncset.done $0x0  }
0xa4: {  	s25 =	simm.s32 $0x1B8E;
	s24 =	sld [smem:$0x3FFE];
	[sflag:s23] =	ssyncadd.s32 $0xFFFFFFFF  }
0xa5: {  	s26 =	simm.s32 $execute0_lowered;
	[smem:$0x3FD2] =	sst s25  }
0xa6: {  	s4 =	sshll.u32 s26, $0x1;
	_ =	strace $0x8000004C;
	[dreg:$0x1] =	wrdreg $0xFFFFFFFF  }
0xa7: {  	s28 =	simm.s32 $_size_execute0_lowered;
	s2 =	sadd.s32 s2, s4;
	[dreg:$0x0] =	wrdreg $0x0  }
0xa8: {  	s4 =	sshll.u32 s28, $0x1;
	[dreg:$0x2] =	wrdreg s2  }
0xa9: {  	[dreg:$0x3] =	wrdreg s4  }
0xaa: {  	[dreg:$0x4] =	wrdreg $0xC0  }
0xab: {  	_ =	task [dreg:s6], $0x5FFFF  }
0xac: {  	[dreg:$0x1] =	wrdreg $0xFFFFFFFF  }
0xad: {  	[dreg:$0x0] =	wrdreg $0x60  }
0xae: {  	[dreg:$0x2] =	wrdreg s24  }
0xaf: {  	[dreg:$0x3] =	wrdreg $0x9  }
0xb0: {  	_ =	task.clear_ibuf [dreg:s6], $0x4FFFF;
	_ =	strace $0x9000004C  }
0xb1: {  	s29 =	simm.s32 $0x9;
	_ =	strace $0x8000004E  }
0xb2: {  	_ =	swait.ge [sflag:s29], $0x1  }
0xb3: {  	[sflag:s29] =	ssyncadd.s32 $0xFFFFFFFF  }
0xb4: {  	_ =	strace $0x9000004E  }
0xb5: {  	_ =	sfence  }
0xb6: {  	s30 =	sld [smem:$0x0];
	_ =	sdelay $0x2  }
0xb7: {  	s31 =	sshll.u32 s1, $0xD;
	s1 =	sshrl.u32 s1, $0x2  }
0xb8: {  	s3 =	sand.u32 $0x4000, s31;
	s1 =	sadd.s32 s1, s30  }
0xb9: {  	s0 =	sor.u32 s3, s0;
	s1 =	sshll.u32 s1, $0x11  }
0xba: {  	s0 =	sor.u32 s1, s0  }
0xbb: {  	s0 =	sadd.s32 $0x8F2B, s0  }
0xbc: {  	[sflag:s0] =	ssyncadd.remote.s32 $0x1  }
0xbd: {  	_ =	sfence.sel $0xFFFF  }
0xbe: {  	[dreg:$0x0] =	wrdreg $0xFFFFFFFF;
	(pc) =	sbr.abs _section_cstart, $3  }
0xbf: {  	[dreg:$0x1] =	wrdreg $0xFFFFFFFF  }
0xc0: {  	_ =	task.clear_ibuf [dreg:s6], $0x2FFFF;
	_ =	strace $0x9FFFFFFF  }
0xc1: {  	(tm) =	ssettm $0x7FFFFFFF  }
tec
execute0_lowered:
.L_overlay_start_1:
0x0: {  	(tag) =	ssettag $0x1  }
0x1: {  	s0 =	srdreg.scid;
	s3 =	stileid.u32  }
0x2: {  	s4 =	rddreg [dreg:$0x0];
	s16 =	simm.s32 $0x900;
	s18 =	simm.s32 $0x1100  }
0x3: {  	s19 =	simm.s32 $0x1900;
	s20 =	simm.s32 $0x2100;
	s21 =	simm.s32 $0x2900  }
0x4: {  	s22 =	simm.s32 $0x3100;
	s0 =	sand.u32 $0x1, s0;
	s1 =	smul.u32 $0x2800, s3  }
0x5: {  	s23 =	simm.s32 $0x3900;
	s24 =	simm.s32 $0x4100;
	s2 =	smul.u32 $0x1400, s0  }
0x6: {  	s25 =	simm.s32 $0x4900;
	s7 =	simm.s32 $0x100;
	s26 =	simm.s32 $0x5100  }
0x7: {  	s8 =	simm.s32 $0x5900;
	s1 =	sadd.s32 s2, s1;
	s2 =	simm.s32 $0x0  }
0x8: {  	s9 =	simm.s32 $0x6100;
	s10 =	simm.s32 $0x6900;
	[smem:$0x7FF] =	sst s2  }
0x9: {  	s11 =	simm.s32 $0x7100;
	_ =	strace $0x8000004D;
	[dreg:$0x3] =	wrdreg s16  }
0xa: {  	s12 =	simm.s32 $0x7900;
	s5 =	smul.u32 $0x50000, s3;
	[dreg:$0x4] =	wrdreg s18  }
0xb: {  	s17 =	ssub.s32 $0x2, s0;
	s0 =	smul.u32 $0x28000, s0;
	[dreg:$0x5] =	wrdreg s19  }
0xc: {  	s13 =	simm.s32 $0x8100;
	s5 =	sadd.s32 s5, s4;
	[dreg:$0x6] =	wrdreg s20  }
0xd: {  	s14 =	simm.s32 $0x8900;
	s0 =	sadd.s32 s0, s5;
	[dreg:$0x7] =	wrdreg s21  }
0xe: {  	s15 =	simm.s32 $0x9100;
	s0 =	sadd.s32 $0x615000, s0;
	[dreg:$0x8] =	wrdreg s22  }
0xf: {  	s28 =	simm.s32 $0xF100;
	s29 =	simm.s32 $0xF900;
	[dreg:$0xe] =	wrdreg s0  }
0x10: {  	s30 =	simm.s32 $0x1;
	s31 =	simm.s32 $0x0;
	[dreg:$0x9] =	wrdreg s23  }
0x11: {  	s3 =	sadd.s32 $0x95000, s4;
	s1 =	sshrl.u32 s1, $0x3;
	[dreg:$0xa] =	wrdreg s24  }
0x12: {  	s6 =	sshrl.u32 s17, $0x1;
	s1 =	sadd.s32 s1, s4;
	[dreg:$0xb] =	wrdreg s25  }
0x13: {  	s4 =	ssub.s32 s17, s6;
	s6 =	simm.s32 $0x2;
	[dreg:$0xc] =	wrdreg s26  }
0x14: {  	s16 =	simm.s32 $0x9900;
	s17 =	simm.s32 $0xA100;
	s18 =	simm.s32 $0xA900  }
0x15: {  	s19 =	simm.s32 $0xB100;
	s20 =	simm.s32 $0xB900;
	s21 =	simm.s32 $0xC100  }
0x16: {  	v2 =	vlaneseq.u32;
	s22 =	simm.s32 $0xC900;
	s23 =	simm.s32 $0xD100;
	s1 =	sadd.s32 $0x10000, s1  }
0x17: {  	vm0 =	vmmov $0xffff;
	v1 =	vshrl.u32 v2, $0x3;
	s24 =	simm.s32 $0xD900;
	s4 =	smax.u32 s4, $0x1;
	[dreg:$0x2] =	wrdreg s1  }
0x18: {  	v0 =	vand.u32 $0x7, v2;
	v2 =	vor.u32 $0x8, v2;
	v1 =	vmul.u32 $0x8, v1;
	s25 =	simm.s32 $0xE100;
	s26 =	simm.s32 $0xE900;
	[dreg:$0xd] =	wrdreg s4  }
.LBB2_1:
0x19: {  	s5 =	rddreg [dreg:$0xe];
	s0 =	simm.s32 $0x0  }
.LBB2_2:
0x1a: {  	s4 =	rddreg [dreg:$0x2]  }
0x1b: {  	s4 =	sadd.s32 s0, s4  }
0x1c: {  	[tilespmem:s2], [sflag:$0x2] =	stream.linear.gather [hbm4b:s4+s2], $0x100, $0x38;
	[tilespmem:$0x10100] =	vst v63  }
0x1d: {  	_ =	swait.ge [sflag:s6], $0x100  }
0x1e: {  	[sflag:s6] =	ssyncset.done $0x0  }
0x1f: {  	[sflag:s6] =	ssyncadd.s32 $0xFFFFFF00  }
0x20: {  	v3 =	vld [tilespmem:$0x0];
	_ =	sdelay $0x4  }
0x21: {  	v4 =	vshll.u32 v3, $0x1  }
0x22: {  	v3 =	vand.u32 $0x7, v3;
	v4 =	vand.u32 $0xFFFFFFF0, v4  }
0x23: {  	v3 =	vor.u32 v3, v4  }
0x24: {  	v4 =	vperm.xlane v3, v0;
	_ =	sdelay $0x1  }
0x25: {  	v3 =	vperm.xlane v3, v2;
	v4 =	vadd.s32 v1, v4;
	_ =	sdelay $0x1  }
0x26: {  	v3 =	vadd.s32 v1, v3;
	_ =	sdelay $0x2  }
0x27: {  	[tilespmem:s7], [sflag:$0x1] =	stream.indirect_vreg.gather [hbm4b:s3+s2], $0x80, v4, vm0, $0xb8;
	[tilespmem:$0x10100] =	vst v63  }
0x28: {  	s1 =	rddreg [dreg:$0x3]  }
0x29: {  	[tilespmem:s1], [sflag:$0x1] =	stream.indirect_vreg.gather [hbm4b:s3+s2], $0x80, v3, vm0, $0xb8;
	[tilespmem:$0x10100] =	vst v63  }
0x2a: {  	v3 =	vld [tilespmem:$0x10];
	_ =	sdelay $0x4  }
0x2b: {  	v49 =	vshll.u32 v3, $0x1  }
0x2c: {  	v3 =	vand.u32 $0x7, v3;
	v4 =	vand.u32 $0xFFFFFFF0, v49  }
0x2d: {  	v3 =	vor.u32 v3, v4  }
0x2e: {  	v4 =	vperm.xlane v3, v0;
	_ =	sdelay $0x1  }
0x2f: {  	v3 =	vperm.xlane v3, v2;
	v4 =	vadd.s32 v1, v4;
	_ =	sdelay $0x1  }
0x30: {  	v3 =	vadd.s32 v1, v3;
	_ =	sdelay $0x1  }
0x31: {  	s4 =	rddreg [dreg:$0x4]  }
0x32: {  	[tilespmem:s4], [sflag:$0x1] =	stream.indirect_vreg.gather [hbm4b:s3+s2], $0x80, v4, vm0, $0xb8;
	[tilespmem:$0x10100] =	vst v63  }
0x33: {  	s1 =	rddreg [dreg:$0x5]  }
0x34: {  	[tilespmem:s1], [sflag:$0x1] =	stream.indirect_vreg.gather [hbm4b:s3+s2], $0x80, v3, vm0, $0xb8;
	[tilespmem:$0x10100] =	vst v63  }
0x35: {  	v3 =	vld [tilespmem:$0x20];
	_ =	sdelay $0x4  }
0x36: {  	v50 =	vshll.u32 v3, $0x1  }
0x37: {  	v3 =	vand.u32 $0x7, v3;
	v4 =	vand.u32 $0xFFFFFFF0, v50  }
0x38: {  	v3 =	vor.u32 v3, v4  }
0x39: {  	v4 =	vperm.xlane v3, v0;
	_ =	sdelay $0x1  }
0x3a: {  	v3 =	vperm.xlane v3, v2;
	v4 =	vadd.s32 v1, v4;
	_ =	sdelay $0x1  }
0x3b: {  	v3 =	vadd.s32 v1, v3;
	_ =	sdelay $0x1  }
0x3c: {  	s1 =	rddreg [dreg:$0x6]  }
0x3d: {  	[tilespmem:s1], [sflag:$0x1] =	stream.indirect_vreg.gather [hbm4b:s3+s2], $0x80, v4, vm0, $0xb8;
	[tilespmem:$0x10100] =	vst v63  }
0x3e: {  	s4 =	rddreg [dreg:$0x7]  }
0x3f: {  	[tilespmem:s4], [sflag:$0x1] =	stream.indirect_vreg.gather [hbm4b:s3+s2], $0x80, v3, vm0, $0xb8;
	[tilespmem:$0x10100] =	vst v63  }
0x40: {  	v3 =	vld [tilespmem:$0x30];
	_ =	sdelay $0x4  }
0x41: {  	v51 =	vshll.u32 v3, $0x1  }
0x42: {  	v3 =	vand.u32 $0x7, v3;
	v4 =	vand.u32 $0xFFFFFFF0, v51  }
0x43: {  	v3 =	vor.u32 v3, v4  }
0x44: {  	v4 =	vperm.xlane v3, v0;
	_ =	sdelay $0x1  }
0x45: {  	v3 =	vperm.xlane v3, v2;
	v4 =	vadd.s32 v1, v4;
	_ =	sdelay $0x1  }
0x46: {  	v3 =	vadd.s32 v1, v3;
	_ =	sdelay $0x1  }
0x47: {  	s1 =	rddreg [dreg:$0x8]  }
0x48: {  	[tilespmem:s1], [sflag:$0x1] =	stream.indirect_vreg.gather [hbm4b:s3+s2], $0x80, v4, vm0, $0xb8;
	[tilespmem:$0x10100] =	vst v63  }
0x49: {  	s4 =	rddreg [dreg:$0x9]  }
0x4a: {  	[tilespmem:s4], [sflag:$0x1] =	stream.indirect_vreg.gather [hbm4b:s3+s2], $0x80, v3, vm0, $0xb8;
	[tilespmem:$0x10100] =	vst v63  }
0x4b: {  	v3 =	vld [tilespmem:$0x40];
	_ =	sdelay $0x4  }
0x4c: {  	v52 =	vshll.u32 v3, $0x1  }
0x4d: {  	v3 =	vand.u32 $0x7, v3;
	v4 =	vand.u32 $0xFFFFFFF0, v52  }
0x4e: {  	v3 =	vor.u32 v3, v4  }
0x4f: {  	v4 =	vperm.xlane v3, v0;
	_ =	sdelay $0x1  }
0x50: {  	v3 =	vperm.xlane v3, v2;
	v4 =	vadd.s32 v1, v4;
	_ =	sdelay $0x1  }
0x51: {  	v3 =	vadd.s32 v1, v3;
	_ =	sdelay $0x1  }
0x52: {  	s1 =	rddreg [dreg:$0xa]  }
0x53: {  	[tilespmem:s1], [sflag:$0x1] =	stream.indirect_vreg.gather [hbm4b:s3+s2], $0x80, v4, vm0, $0xb8;
	[tilespmem:$0x10100] =	vst v63  }
0x54: {  	s4 =	rddreg [dreg:$0xb]  }
0x55: {  	[tilespmem:s4], [sflag:$0x1] =	stream.indirect_vreg.gather [hbm4b:s3+s2], $0x80, v3, vm0, $0xb8;
	[tilespmem:$0x10100] =	vst v63  }
0x56: {  	v3 =	vld [tilespmem:$0x50];
	_ =	sdelay $0x4  }
0x57: {  	v53 =	vshll.u32 v3, $0x1  }
0x58: {  	v3 =	vand.u32 $0x7, v3;
	v4 =	vand.u32 $0xFFFFFFF0, v53  }
0x59: {  	v3 =	vor.u32 v3, v4  }
0x5a: {  	v4 =	vperm.xlane v3, v0;
	_ =	sdelay $0x1  }
0x5b: {  	v3 =	vperm.xlane v3, v2;
	v4 =	vadd.s32 v1, v4;
	_ =	sdelay $0x1  }
0x5c: {  	v3 =	vadd.s32 v1, v3;
	_ =	sdelay $0x1  }
0x5d: {  	s4 =	rddreg [dreg:$0xc]  }
0x5e: {  	[tilespmem:s4], [sflag:$0x1] =	stream.indirect_vreg.gather [hbm4b:s3+s2], $0x80, v4, vm0, $0xb8;
	[tilespmem:$0x10100] =	vst v63  }
0x5f: {  	_ = 	snop  }
0x60: {  	[tilespmem:s8], [sflag:$0x1] =	stream.indirect_vreg.gather [hbm4b:s3+s2], $0x80, v3, vm0, $0xb8;
	[tilespmem:$0x10100] =	vst v63  }
0x61: {  	v3 =	vld [tilespmem:$0x60];
	_ =	sdelay $0x4  }
0x62: {  	v54 =	vshll.u32 v3, $0x1  }
0x63: {  	v3 =	vand.u32 $0x7, v3;
	v4 =	vand.u32 $0xFFFFFFF0, v54  }
0x64: {  	v3 =	vor.u32 v3, v4  }
0x65: {  	v4 =	vperm.xlane v3, v0;
	_ =	sdelay $0x1  }
0x66: {  	v3 =	vperm.xlane v3, v2;
	v4 =	vadd.s32 v1, v4;
	_ =	sdelay $0x1  }
0x67: {  	v3 =	vadd.s32 v1, v3;
	_ =	sdelay $0x2  }
0x68: {  	[tilespmem:s9], [sflag:$0x1] =	stream.indirect_vreg.gather [hbm4b:s3+s2], $0x80, v4, vm0, $0xb8;
	[tilespmem:$0x10100] =	vst v63  }
0x69: {  	_ = 	snop  }
0x6a: {  	[tilespmem:s10], [sflag:$0x1] =	stream.indirect_vreg.gather [hbm4b:s3+s2], $0x80, v3, vm0, $0xb8;
	[tilespmem:$0x10100] =	vst v63  }
0x6b: {  	v3 =	vld [tilespmem:$0x70];
	_ =	sdelay $0x4  }
0x6c: {  	v55 =	vshll.u32 v3, $0x1  }
0x6d: {  	v3 =	vand.u32 $0x7, v3;
	v4 =	vand.u32 $0xFFFFFFF0, v55  }
0x6e: {  	v3 =	vor.u32 v3, v4  }
0x6f: {  	v4 =	vperm.xlane v3, v0;
	_ =	sdelay $0x1  }
0x70: {  	v3 =	vperm.xlane v3, v2;
	v4 =	vadd.s32 v1, v4;
	_ =	sdelay $0x1  }
0x71: {  	v3 =	vadd.s32 v1, v3;
	_ =	sdelay $0x2  }
0x72: {  	[tilespmem:s11], [sflag:$0x1] =	stream.indirect_vreg.gather [hbm4b:s3+s2], $0x80, v4, vm0, $0xb8;
	[tilespmem:$0x10100] =	vst v63  }
0x73: {  	_ = 	snop  }
0x74: {  	[tilespmem:s12], [sflag:$0x1] =	stream.indirect_vreg.gather [hbm4b:s3+s2], $0x80, v3, vm0, $0xb8;
	[tilespmem:$0x10100] =	vst v63  }
0x75: {  	v3 =	vld [tilespmem:$0x80];
	_ =	sdelay $0x4  }
0x76: {  	v56 =	vshll.u32 v3, $0x1  }
0x77: {  	v3 =	vand.u32 $0x7, v3;
	v4 =	vand.u32 $0xFFFFFFF0, v56  }
0x78: {  	v3 =	vor.u32 v3, v4  }
0x79: {  	v4 =	vperm.xlane v3, v0;
	_ =	sdelay $0x1  }
0x7a: {  	v3 =	vperm.xlane v3, v2;
	v4 =	vadd.s32 v1, v4;
	_ =	sdelay $0x1  }
0x7b: {  	v3 =	vadd.s32 v1, v3;
	_ =	sdelay $0x2  }
0x7c: {  	[tilespmem:s13], [sflag:$0x1] =	stream.indirect_vreg.gather [hbm4b:s3+s2], $0x80, v4, vm0, $0xb8;
	[tilespmem:$0x10100] =	vst v63  }
0x7d: {  	_ = 	snop  }
0x7e: {  	[tilespmem:s14], [sflag:$0x1] =	stream.indirect_vreg.gather [hbm4b:s3+s2], $0x80, v3, vm0, $0xb8;
	[tilespmem:$0x10100] =	vst v63  }
0x7f: {  	v3 =	vld [tilespmem:$0x90];
	_ =	sdelay $0x4  }
0x80: {  	v57 =	vshll.u32 v3, $0x1  }
0x81: {  	v3 =	vand.u32 $0x7, v3;
	v4 =	vand.u32 $0xFFFFFFF0, v57  }
0x82: {  	v3 =	vor.u32 v3, v4  }
0x83: {  	v4 =	vperm.xlane v3, v0;
	_ =	sdelay $0x1  }
0x84: {  	v3 =	vperm.xlane v3, v2;
	v4 =	vadd.s32 v1, v4;
	_ =	sdelay $0x1  }
0x85: {  	v3 =	vadd.s32 v1, v3;
	_ =	sdelay $0x2  }
0x86: {  	[tilespmem:s15], [sflag:$0x1] =	stream.indirect_vreg.gather [hbm4b:s3+s2], $0x80, v4, vm0, $0xb8;
	[tilespmem:$0x10100] =	vst v63  }
0x87: {  	_ = 	snop  }
0x88: {  	[tilespmem:s16], [sflag:$0x1] =	stream.indirect_vreg.gather [hbm4b:s3+s2], $0x80, v3, vm0, $0xb8;
	[tilespmem:$0x10100] =	vst v63  }
0x89: {  	v3 =	vld [tilespmem:$0xA0];
	_ =	sdelay $0x4  }
0x8a: {  	v58 =	vshll.u32 v3, $0x1  }
0x8b: {  	v3 =	vand.u32 $0x7, v3;
	v4 =	vand.u32 $0xFFFFFFF0, v58  }
0x8c: {  	v3 =	vor.u32 v3, v4  }
0x8d: {  	v4 =	vperm.xlane v3, v0;
	_ =	sdelay $0x1  }
0x8e: {  	v3 =	vperm.xlane v3, v2;
	v4 =	vadd.s32 v1, v4;
	_ =	sdelay $0x1  }
0x8f: {  	v3 =	vadd.s32 v1, v3;
	_ =	sdelay $0x2  }
0x90: {  	[tilespmem:s17], [sflag:$0x1] =	stream.indirect_vreg.gather [hbm4b:s3+s2], $0x80, v4, vm0, $0xb8;
	[tilespmem:$0x10100] =	vst v63  }
0x91: {  	_ = 	snop  }
0x92: {  	[tilespmem:s18], [sflag:$0x1] =	stream.indirect_vreg.gather [hbm4b:s3+s2], $0x80, v3, vm0, $0xb8;
	[tilespmem:$0x10100] =	vst v63  }
0x93: {  	v3 =	vld [tilespmem:$0xB0];
	_ =	sdelay $0x4  }
0x94: {  	v59 =	vshll.u32 v3, $0x1  }
0x95: {  	v3 =	vand.u32 $0x7, v3;
	v4 =	vand.u32 $0xFFFFFFF0, v59  }
0x96: {  	v3 =	vor.u32 v3, v4  }
0x97: {  	v4 =	vperm.xlane v3, v0;
	_ =	sdelay $0x1  }
0x98: {  	v3 =	vperm.xlane v3, v2;
	v4 =	vadd.s32 v1, v4;
	_ =	sdelay $0x1  }
0x99: {  	v3 =	vadd.s32 v1, v3;
	_ =	sdelay $0x2  }
0x9a: {  	[tilespmem:s19], [sflag:$0x1] =	stream.indirect_vreg.gather [hbm4b:s3+s2], $0x80, v4, vm0, $0xb8;
	[tilespmem:$0x10100] =	vst v63  }
0x9b: {  	_ = 	snop  }
0x9c: {  	[tilespmem:s20], [sflag:$0x1] =	stream.indirect_vreg.gather [hbm4b:s3+s2], $0x80, v3, vm0, $0xb8;
	[tilespmem:$0x10100] =	vst v63  }
0x9d: {  	v3 =	vld [tilespmem:$0xC0];
	_ =	sdelay $0x4  }
0x9e: {  	v60 =	vshll.u32 v3, $0x1  }
0x9f: {  	v3 =	vand.u32 $0x7, v3;
	v4 =	vand.u32 $0xFFFFFFF0, v60  }
0xa0: {  	v3 =	vor.u32 v3, v4  }
0xa1: {  	v4 =	vperm.xlane v3, v0;
	_ =	sdelay $0x1  }
0xa2: {  	v3 =	vperm.xlane v3, v2;
	v4 =	vadd.s32 v1, v4;
	_ =	sdelay $0x1  }
0xa3: {  	v3 =	vadd.s32 v1, v3;
	_ =	sdelay $0x2  }
0xa4: {  	[tilespmem:s21], [sflag:$0x1] =	stream.indirect_vreg.gather [hbm4b:s3+s2], $0x80, v4, vm0, $0xb8;
	[tilespmem:$0x10100] =	vst v63  }
0xa5: {  	_ = 	snop  }
0xa6: {  	[tilespmem:s22], [sflag:$0x1] =	stream.indirect_vreg.gather [hbm4b:s3+s2], $0x80, v3, vm0, $0xb8;
	[tilespmem:$0x10100] =	vst v63  }
0xa7: {  	v3 =	vld [tilespmem:$0xD0];
	_ =	sdelay $0x4  }
0xa8: {  	v61 =	vshll.u32 v3, $0x1  }
0xa9: {  	v3 =	vand.u32 $0x7, v3;
	v4 =	vand.u32 $0xFFFFFFF0, v61  }
0xaa: {  	v3 =	vor.u32 v3, v4  }
0xab: {  	v4 =	vperm.xlane v3, v0;
	_ =	sdelay $0x1  }
0xac: {  	v3 =	vperm.xlane v3, v2;
	v4 =	vadd.s32 v1, v4;
	_ =	sdelay $0x1  }
0xad: {  	v3 =	vadd.s32 v1, v3;
	_ =	sdelay $0x2  }
0xae: {  	[tilespmem:s23], [sflag:$0x1] =	stream.indirect_vreg.gather [hbm4b:s3+s2], $0x80, v4, vm0, $0xb8;
	[tilespmem:$0x10100] =	vst v63  }
0xaf: {  	_ = 	snop  }
0xb0: {  	[tilespmem:s24], [sflag:$0x1] =	stream.indirect_vreg.gather [hbm4b:s3+s2], $0x80, v3, vm0, $0xb8;
	[tilespmem:$0x10100] =	vst v63  }
0xb1: {  	v3 =	vld [tilespmem:$0xE0];
	_ =	sdelay $0x4  }
0xb2: {  	v62 =	vshll.u32 v3, $0x1  }
0xb3: {  	v3 =	vand.u32 $0x7, v3;
	v4 =	vand.u32 $0xFFFFFFF0, v62  }
0xb4: {  	v3 =	vor.u32 v3, v4  }
0xb5: {  	v4 =	vperm.xlane v3, v0;
	_ =	sdelay $0x1  }
0xb6: {  	v3 =	vperm.xlane v3, v2;
	v4 =	vadd.s32 v1, v4;
	_ =	sdelay $0x1  }
0xb7: {  	v3 =	vadd.s32 v1, v3;
	_ =	sdelay $0x2  }
0xb8: {  	[tilespmem:s25], [sflag:$0x1] =	stream.indirect_vreg.gather [hbm4b:s3+s2], $0x80, v4, vm0, $0xb8;
	[tilespmem:$0x10100] =	vst v63  }
0xb9: {  	_ = 	snop  }
0xba: {  	[tilespmem:s26], [sflag:$0x1] =	stream.indirect_vreg.gather [hbm4b:s3+s2], $0x80, v3, vm0, $0xb8;
	[tilespmem:$0x10100] =	vst v63  }
0xbb: {  	v3 =	vld [tilespmem:$0xF0];
	_ =	sdelay $0x4  }
0xbc: {  	v63 =	vshll.u32 v3, $0x1  }
0xbd: {  	v3 =	vand.u32 $0x7, v3;
	v4 =	vand.u32 $0xFFFFFFF0, v63  }
0xbe: {  	v3 =	vor.u32 v3, v4  }
0xbf: {  	v4 =	vperm.xlane v3, v0;
	_ =	sdelay $0x1  }
0xc0: {  	v3 =	vperm.xlane v3, v2;
	v4 =	vadd.s32 v1, v4;
	_ =	sdelay $0x1  }
0xc1: {  	v3 =	vadd.s32 v1, v3;
	_ =	sdelay $0x2  }
0xc2: {  	[tilespmem:s28], [sflag:$0x1] =	stream.indirect_vreg.gather [hbm4b:s3+s2], $0x80, v4, vm0, $0xb8;
	[tilespmem:$0x10100] =	vst v63  }
0xc3: {  	_ = 	snop  }
0xc4: {  	[tilespmem:s29], [sflag:$0x1] =	stream.indirect_vreg.gather [hbm4b:s3+s2], $0x80, v3, vm0, $0xb8;
	[tilespmem:$0x10100] =	vst v63  }
0xc5: {  	_ =	swait.ge [sflag:s30], $0x10000  }
0xc6: {  	p0 =	sne.s32 s0, $0x260;
	[sflag:s30] =	ssyncset.done $0x0  }
.Ltmp0:
0xc7: {  	[sflag:s30] =	ssyncadd.s32 $0xFFFF0000;
	(pc) =	sbr.rel @p0 .LBB2_2-.Ltmp0, $4  }
0xc8: {  	[hbm4b:s5+s2] =	stream.linear.scatter [tilespmem:s7], [sflag:$0x2], $0x10000, $0x38;
	[tilespmem:$0x10100] =	vst v63  }
0xc9: {  	_ =	swait.ge [sflag:s6], $0x10000  }
0xca: {  	[sflag:s6] =	ssyncset.done $0x0  }
0xcb: {  	s0 =	sadd.s32 $0x20, s0;
	s5 =	sadd.s32 $0x2000, s5;
	[sflag:s6] =	ssyncadd.s32 $0xFFFF0000  }
0xcc: {  	s31 =	sadd.s32 $0x1, s31;
	s0 =	rddreg [dreg:$0xd]  }
0xcd: {  	p0 =	sne.s32 s31, s0  }
.Ltmp1:
0xce: {  	_ = 	snop;
	(pc) =	sbr.rel @p0 .LBB2_1-.Ltmp1, $1  }
0xcf: {  	_ =	sdelay $0x3  }
0xd0: {  	_ =	sfence.sel $0x180000  }
0xd1: {  	[bflag:$0x0] =	sbarrier.arrive $0xFFFF  }
0xd2: {  	_ =	strace $0x9000004D  }
0xd3: {  	s0 =	stileid.u32;
	[bflag:$0x2] =	sbarrier.arrive $0xFFFF  }
0xd4: {  	p0 =	sne.s32 s0, $0x0;
	s0 =	rddreg [dreg:$0x1]  }
0xd5: {  	s0 =	sadd.s32 @!p0 $0x100000, s0  }
0xd6: {  	[sflag:s0] =	ssyncadd.tile.s32 @!p0 $0x1;
	_ =	shalt  }
.Lfunc_end2:
_tile_overlayer_lowered:
.L_overlay_start_2:
0xd7: {  	(tag) =	ssettag $0x2  }
0xd8: {  	s0 =	rddreg [dreg:$0x0];
	s2 =	stileid.u32  }
0xd9: {  	s1 =	rddreg [dreg:$0x1];
	p0 =	sne.s32 s2, $0x0  }
0xda: {  	s3 =	rddreg [dreg:$0x2];
	[bflag:$0x3] =	sbarrier.arrive $0xFFFF;
	s2 =	simm.s32 @!p0 $0x1C02  }
0xdb: {  	[timem:s3], [sflag:s2] =	dma.local @!p0 [hbm:s0], s1  }
0xdc: {  	s0 =	simm.s32 @!p0 $0x2  }
0xdd: {  	_ =	swait.ge @!p0 [sflag:s0], s1  }
0xde: {  	s1 =	ssub.s32 @!p0 $0x0, s1;
	[sflag:s0] =	ssyncset.done @!p0 $0x0  }
0xdf: {  	[sflag:s0] =	ssyncadd.s32 @!p0 s1  }
0xe0: {  	[bflag:$0x3] =	sbarrier.arrive $0xFFFF  }
0xe1: {  	_ =	shalt  }

// kernel: kernel.21.cloned.1.call-start
scs
__scs_entry_jumppad:
0x0: {  	(pc) =	sbr.rel $0x88, $3  }
0x1: {  	(tag) =	ssettag $0x0;
	lr =	simm.s32 $0x1  }
0x2: {  	[smem:$0x3F85] =	sst lr;
	_ =	strace $0xD0000000  }
0x3: {  	_ = 	snop  }
0x4: {  	_ = 	snop  }
0x5: {  	_ = 	snop  }
0x6: {  	_ = 	snop  }
0x7: {  	_ = 	snop  }
__scs_overlays_trampoline_lowered:
0x8: {  	[smem:$0x3F94] =	sst s0  }
0x9: {  	[smem:$0x3F95] =	sst s1  }
0xa: {  	[smem:$0x3F96] =	sst s2  }
0xb: {  	[smem:$0x3F97] =	sst s3  }
0xc: {  	[smem:$0x3F98] =	sst s4  }
0xd: {  	[smem:$0x3F99] =	sst s5  }
0xe: {  	[smem:$0x3F9A] =	sst s6  }
0xf: {  	[smem:$0x3F9B] =	sst s7  }
0x10: {  	[smem:$0x3F9C] =	sst s8  }
0x11: {  	[smem:$0x3F9D] =	sst s9;
	s0 =	simm.s32 @!p0 $0x0  }
0x12: {  	s1 =	sld [smem:$0x3F83];
	s0 =	simm.s32 @p0 $0x1  }
0x13: {  	[smem:$0x3F9E] =	sst s0;
	s0 =	simm.s32 @!p1 $0x0  }
0x14: {  	s2 =	sld [smem:$0x3F82];
	s0 =	simm.s32 @p1 $0x1  }
0x15: {  	[smem:$0x3F9F] =	sst s0;
	s0 =	simm.s32 @!p2 $0x0  }
0x16: {  	s3 =	sld [smem:$0x3FDB];
	s0 =	simm.s32 @p2 $0x1  }
0x17: {  	s4 =	simm.s32 $0x1BF5;
	[smem:$0x3FA1] =	sst s0  }
0x18: {  	s0 =	sld [smem:$0x3F84];
	_ =	swait.ge [sflag:s4], $0x0  }
0x19: {  	s7 =	sld [smem:$0x3F85]  }
0x1a: {  	s8 =	sadd.s32 $0xFFFFE003, lr  }
0x1b: {  	s9 =	sadd.s32 $0xFFFFFEF7, lr;
	s5 =	simm.s32 $0xFFFFFFFF;
	p2 =	slt.u32 s8, $0xFFFFF086  }
0x1c: {  	p1 =	slt.u32 s9, $0xF7A;
	s5 =	simm.s32 @!p2 $0x0  }
0x1d: {  	s5 =	simm.s32 @p1 $0x1;
	p0 =	seq.s32 s7, s2  }
0x1e: {  	s7 =	smul.u32 @!p0 $0xF7A, s2;
	p2 =	seq.s32 @!p0 s5, $0x0  }
0x1f: {  	s9 =	smul.u32 $0xF7A, s1;
	s8 =	simm.s32 @!p0 $0x1BF5;
	p2 =	por !p2, p0  }
0x20: {  	[sflag:s8] =	ssyncset.s32 @!p0 $0xFFFFF086;
	s6 =	sadd.s32 @!p0 s3, s7;
	s7 =	simm.s32 @!p0 $0x108  }
0x21: {  	s3 =	sadd.s32 s3, s9;
	s6 =	sadd.s32 @!p0 $0x88, s6;
	s7 =	simm.s32 @p2 $0x1082  }
0x22: {  	[simem:s7], [sflag:s8] =	dma.local @!p0 [hbm:s6], $0xF7A  }
0x23: {  	s9 =	sor.u32 $0xD0000000, s2;
	s6 =	simm.s32 $0x108;
	_ =	swait.ge @!p0 [sflag:s8], $0x0  }
0x24: {  	s3 =	sadd.s32 $0x88, s3;
	s6 =	simm.s32 @!p1 $0x1082;
	[sflag:s4] =	ssyncset.s32 $0xFFFFF086  }
0x25: {  	[simem:s6], [sflag:s4] =	dma.local [hbm:s3], $0xF7A  }
0x26: {  	[smem:$0x3F85] =	sst s1;
	(tag) =	ssettag s2;
	_ =	strace s9  }
0x27: {  	s1 =	sld [smem:$0x3F95]  }
0x28: {  	s2 =	sld [smem:$0x3F96]  }
0x29: {  	s4 =	sld [smem:$0x3F98]  }
0x2a: {  	p0 =	seq.s32 s5, $0x0;
	s5 =	sld [smem:$0x3F99]  }
0x2b: {  	s6 =	sld [smem:$0x3F9A]  }
0x2c: {  	s7 =	sld [smem:$0x3F9B]  }
0x2d: {  	s3 =	simm.s32 $0x108;
	s8 =	sld [smem:$0x3F9C]  }
0x2e: {  	s3 =	simm.s32 @!p0 $0x1082;
	s9 =	sld [smem:$0x3F9D]  }
0x2f: {  	lr =	sadd.s32 s0, s3;
	s0 =	sld [smem:$0x3F94]  }
0x30: {  	s3 =	sld [smem:$0x3F97]  }
0x31: {  	[smem:$0x3FA0] =	sst s10  }
0x32: {  	s10 =	sld [smem:$0x3F9E];
	_ =	sdelay $0x3  }
0x33: {  	p0 =	seq.s32 s10, $0x1;
	s10 =	sld [smem:$0x3FA0];
	_ =	sdelay $0x3  }
0x34: {  	[smem:$0x3FA0] =	sst s10  }
0x35: {  	s10 =	sld [smem:$0x3F9F];
	_ =	sdelay $0x3  }
0x36: {  	p1 =	seq.s32 s10, $0x1;
	s10 =	sld [smem:$0x3FA0];
	_ =	sdelay $0x3  }
0x37: {  	[smem:$0x3FA0] =	sst s10  }
0x38: {  	s10 =	sld [smem:$0x3FA1]  }
0x39: {  	_ = 	snop;
	(pc) =	sbr.ind lr, $3  }
0x3a: {  	_ = 	snop  }
0x3b: {  	_ = 	snop  }
0x3c: {  	p2 =	seq.s32 s10, $0x1;
	s10 =	sld [smem:$0x3FA0]  }
0x3d: {  	_ =	shalt  }
0x3e: {  	_ =	shalt  }
0x3f: {  	_ =	shalt  }
0x40: {  	_ =	shalt  }
0x41: {  	_ =	shalt  }
0x42: {  	_ =	shalt  }
0x43: {  	_ =	shalt  }
0x44: {  	_ =	shalt  }
0x45: {  	_ =	shalt  }
0x46: {  	_ =	shalt  }
0x47: {  	_ =	shalt  }
0x48: {  	_ =	shalt  }
0x49: {  	_ =	shalt  }
0x4a: {  	_ =	shalt  }
0x4b: {  	_ =	shalt  }
0x4c: {  	_ =	shalt  }
0x4d: {  	_ =	shalt  }
0x4e: {  	_ =	shalt  }
0x4f: {  	_ =	shalt  }
0x50: {  	_ =	shalt  }
0x51: {  	_ =	shalt  }
0x52: {  	_ =	shalt  }
0x53: {  	_ =	shalt  }
0x54: {  	_ =	shalt  }
0x55: {  	_ =	shalt  }
0x56: {  	_ =	shalt  }
0x57: {  	_ =	shalt  }
0x58: {  	_ =	shalt  }
0x59: {  	_ =	shalt  }
0x5a: {  	_ =	shalt  }
0x5b: {  	_ =	shalt  }
0x5c: {  	_ =	shalt  }
0x5d: {  	_ =	shalt  }
0x5e: {  	_ =	shalt  }
0x5f: {  	_ =	shalt  }
0x60: {  	_ =	shalt  }
0x61: {  	_ =	shalt  }
0x62: {  	_ =	shalt  }
0x63: {  	_ =	shalt  }
0x64: {  	_ =	shalt  }
0x65: {  	_ =	shalt  }
0x66: {  	_ =	shalt  }
0x67: {  	_ =	shalt  }
0x68: {  	_ =	shalt  }
0x69: {  	_ =	shalt  }
0x6a: {  	_ =	shalt  }
0x6b: {  	_ =	shalt  }
0x6c: {  	_ =	shalt  }
0x6d: {  	_ =	shalt  }
0x6e: {  	_ =	shalt  }
0x6f: {  	_ =	shalt  }
0x70: {  	_ =	shalt  }
0x71: {  	_ =	shalt  }
0x72: {  	_ =	shalt  }
0x73: {  	_ =	shalt  }
0x74: {  	_ =	shalt  }
0x75: {  	_ =	shalt  }
0x76: {  	_ =	shalt  }
0x77: {  	_ =	shalt  }
0x78: {  	_ =	shalt  }
0x79: {  	_ =	shalt  }
0x7a: {  	_ =	shalt  }
0x7b: {  	_ =	shalt  }
0x7c: {  	_ =	shalt  }
0x7d: {  	_ =	shalt  }
0x7e: {  	_ =	shalt  }
0x7f: {  	_ =	shalt  }
0x80: {  	_ =	shalt  }
0x81: {  	_ =	shalt  }
0x82: {  	_ =	shalt  }
0x83: {  	_ =	shalt  }
0x84: {  	_ =	shalt  }
0x85: {  	_ =	shalt  }
0x86: {  	_ =	shalt  }
0x87: {  	_ =	shalt  }
.Lfunc_end0:
.L_simem_size_0:
called_computation.3_lowered:
.L_overlay_start_0:
0x88: {  	s2 =	sld [smem:$0x3FD9]  }
0x89: {  	s3 =	sld [smem:$0x3FFE];
	_ =	sdelay $0x1  }
0x8a: {  	s1 =	srdreg.scid  }
0x8b: {  	s0 =	sand.u32 $0x1, s1  }
0x8c: {  	s16 =	sshll.u32 s0, $0xA;
	s2 =	sadd.s32 s3, s2  }
0x8d: {  	s2 =	sadd.s32 s2, s16  }
0x8e: {  	[smem:$0x3FAC] =	sst s2  }
0x8f: {  	_ = 	snop  }
0x90: {  	(tm) =	ssettm $0x1  }
0x91: {  	s17 =	sld [smem:$0x3FFB];
	_ =	sdelay $0x3  }
0x92: {  	_ =	strace s17  }
0x93: {  	s2 =	sld [smem:$0x3FFC];
	_ =	sdelay $0x3  }
0x94: {  	_ =	strace s2  }
0x95: {  	s2 =	sld [smem:$0x3FFD];
	_ =	sdelay $0x3  }
0x96: {  	_ =	strace s2  }
0x97: {  	_ =	strace $0x8FFFFFFF  }
0x98: {  	s18 =	sld [smem:$0x3FDB];
	_ =	sdelay $0x1  }
0x99: {  	s19 =	simm.s32 $_scs_section_size  }
0x9a: {  	s4 =	simm.s32 $_size__tile_overlayer_lowered;
	s5 =	simm.s32 $_tile_overlayer_lowered  }
0x9b: {  	s22 =	simm.s32 $0x1BFF;
	s21 =	sshll.u32 s5, $0x1;
	s2 =	sadd.s32 s19, s18  }
0x9c: {  	s6 =	simm.s32 $0x0;
	s20 =	sshll.u32 s4, $0x1;
	s4 =	sadd.s32 s21, s2  }
0x9d: {  	[timem:s6], [sflag:s22] =	dma.local [hbm:s4], s20  }
0x9e: {  	_ =	swait.ge [sflag:s22], s20  }
0x9f: {  	s3 =	ssub.s32 $0x0, s20;
	[sflag:s22] =	ssyncset.done $0x0  }
0xa0: {  	[sflag:s22] =	ssyncadd.s32 s3;
	_ =	sdelay $0x1  }
0xa1: {  	s23 =	simm.s32 $0x1B8B  }
0xa2: {  	_ =	swait.ge [sflag:s23], $0x1  }
0xa3: {  	[sflag:s23] =	ssyncset.done $0x0  }
0xa4: {  	s25 =	simm.s32 $0x1B8E;
	s24 =	sld [smem:$0x3FFE];
	[sflag:s23] =	ssyncadd.s32 $0xFFFFFFFF  }
0xa5: {  	s26 =	simm.s32 $execute0_lowered;
	[smem:$0x3FD2] =	sst s25  }
0xa6: {  	s4 =	sshll.u32 s26, $0x1;
	_ =	strace $0x8000004F;
	[dreg:$0x1] =	wrdreg $0xFFFFFFFF  }
0xa7: {  	s28 =	simm.s32 $_size_execute0_lowered;
	s2 =	sadd.s32 s2, s4;
	[dreg:$0x0] =	wrdreg $0x0  }
0xa8: {  	s4 =	sshll.u32 s28, $0x1;
	[dreg:$0x2] =	wrdreg s2  }
0xa9: {  	[dreg:$0x3] =	wrdreg s4  }
0xaa: {  	[dreg:$0x4] =	wrdreg $0xC0  }
0xab: {  	_ =	task [dreg:s6], $0x5FFFF  }
0xac: {  	[dreg:$0x1] =	wrdreg $0xFFFFFFFF  }
0xad: {  	[dreg:$0x0] =	wrdreg $0x60  }
0xae: {  	[dreg:$0x2] =	wrdreg s24  }
0xaf: {  	[dreg:$0x3] =	wrdreg $0x9  }
0xb0: {  	_ =	task.clear_ibuf [dreg:s6], $0x4FFFF;
	_ =	strace $0x9000004F  }
0xb1: {  	s29 =	simm.s32 $0x9;
	_ =	strace $0x80000051  }
0xb2: {  	_ =	swait.ge [sflag:s29], $0x1  }
0xb3: {  	[sflag:s29] =	ssyncadd.s32 $0xFFFFFFFF  }
0xb4: {  	_ =	strace $0x90000051  }
0xb5: {  	_ =	sfence  }
0xb6: {  	s30 =	sld [smem:$0x0];
	_ =	sdelay $0x2  }
0xb7: {  	s31 =	sshll.u32 s1, $0xD;
	s1 =	sshrl.u32 s1, $0x2  }
0xb8: {  	s3 =	sand.u32 $0x4000, s31;
	s1 =	sadd.s32 s1, s30  }
0xb9: {  	s0 =	sor.u32 s3, s0;
	s1 =	sshll.u32 s1, $0x11  }
0xba: {  	s0 =	sor.u32 s1, s0  }
0xbb: {  	s0 =	sadd.s32 $0x8F2B, s0  }
0xbc: {  	[sflag:s0] =	ssyncadd.remote.s32 $0x1  }
0xbd: {  	_ =	sfence.sel $0xFFFF  }
0xbe: {  	[dreg:$0x0] =	wrdreg $0xFFFFFFFF;
	(pc) =	sbr.abs _section_cstart, $3  }
0xbf: {  	[dreg:$0x1] =	wrdreg $0xFFFFFFFF  }
0xc0: {  	_ =	task.clear_ibuf [dreg:s6], $0x2FFFF;
	_ =	strace $0x9FFFFFFF  }
0xc1: {  	(tm) =	ssettm $0x7FFFFFFF  }
tec
execute0_lowered:
.L_overlay_start_1:
0x0: {  	(tag) =	ssettag $0x1  }
0x1: {  	s0 =	srdreg.scid;
	s3 =	stileid.u32  }
0x2: {  	s4 =	rddreg [dreg:$0x0];
	s16 =	simm.s32 $0x900;
	s18 =	simm.s32 $0x1100  }
0x3: {  	s19 =	simm.s32 $0x1900;
	s20 =	simm.s32 $0x2100;
	s21 =	simm.s32 $0x2900  }
0x4: {  	s22 =	simm.s32 $0x3100;
	s0 =	sand.u32 $0x1, s0;
	s1 =	smul.u32 $0x2800, s3  }
0x5: {  	s23 =	simm.s32 $0x3900;
	s24 =	simm.s32 $0x4100;
	s2 =	smul.u32 $0x1400, s0  }
0x6: {  	s25 =	simm.s32 $0x4900;
	s7 =	simm.s32 $0x100;
	s26 =	simm.s32 $0x5100  }
0x7: {  	s8 =	simm.s32 $0x5900;
	s1 =	sadd.s32 s2, s1;
	s2 =	simm.s32 $0x0  }
0x8: {  	s9 =	simm.s32 $0x6100;
	s10 =	simm.s32 $0x6900;
	[smem:$0x7FF] =	sst s2  }
0x9: {  	s11 =	simm.s32 $0x7100;
	_ =	strace $0x80000050;
	[dreg:$0x3] =	wrdreg s16  }
0xa: {  	s12 =	simm.s32 $0x7900;
	s5 =	smul.u32 $0x50000, s3;
	[dreg:$0x4] =	wrdreg s18  }
0xb: {  	s17 =	ssub.s32 $0x2, s0;
	s0 =	smul.u32 $0x28000, s0;
	[dreg:$0x5] =	wrdreg s19  }
0xc: {  	s13 =	simm.s32 $0x8100;
	s5 =	sadd.s32 s5, s4;
	[dreg:$0x6] =	wrdreg s20  }
0xd: {  	s14 =	simm.s32 $0x8900;
	s0 =	sadd.s32 s0, s5;
	[dreg:$0x7] =	wrdreg s21  }
0xe: {  	s15 =	simm.s32 $0x9100;
	s0 =	sadd.s32 $0x615000, s0;
	[dreg:$0x8] =	wrdreg s22  }
0xf: {  	s28 =	simm.s32 $0xF100;
	s29 =	simm.s32 $0xF900;
	[dreg:$0xe] =	wrdreg s0  }
0x10: {  	s30 =	simm.s32 $0x1;
	s31 =	simm.s32 $0x0;
	[dreg:$0x9] =	wrdreg s23  }
0x11: {  	s3 =	sadd.s32 $0x95000, s4;
	s1 =	sshrl.u32 s1, $0x3;
	[dreg:$0xa] =	wrdreg s24  }
0x12: {  	s6 =	sshrl.u32 s17, $0x1;
	s1 =	sadd.s32 s1, s4;
	[dreg:$0xb] =	wrdreg s25  }
0x13: {  	s4 =	ssub.s32 s17, s6;
	s6 =	simm.s32 $0x2;
	[dreg:$0xc] =	wrdreg s26  }
0x14: {  	s16 =	simm.s32 $0x9900;
	s17 =	simm.s32 $0xA100;
	s18 =	simm.s32 $0xA900  }
0x15: {  	s19 =	simm.s32 $0xB100;
	s20 =	simm.s32 $0xB900;
	s21 =	simm.s32 $0xC100  }
0x16: {  	v2 =	vlaneseq.u32;
	s22 =	simm.s32 $0xC900;
	s23 =	simm.s32 $0xD100;
	s1 =	sadd.s32 $0x10000, s1  }
0x17: {  	vm0 =	vmmov $0xffff;
	v1 =	vshrl.u32 v2, $0x3;
	s24 =	simm.s32 $0xD900;
	s4 =	smax.u32 s4, $0x1;
	[dreg:$0x2] =	wrdreg s1  }
0x18: {  	v0 =	vand.u32 $0x7, v2;
	v2 =	vor.u32 $0x8, v2;
	v1 =	vmul.u32 $0x8, v1;
	s25 =	simm.s32 $0xE100;
	s26 =	simm.s32 $0xE900;
	[dreg:$0xd] =	wrdreg s4  }
.LBB2_1:
0x19: {  	s5 =	rddreg [dreg:$0xe];
	s0 =	simm.s32 $0x0  }
.LBB2_2:
0x1a: {  	s4 =	rddreg [dreg:$0x2]  }
0x1b: {  	s4 =	sadd.s32 s0, s4  }
0x1c: {  	[tilespmem:s2], [sflag:$0x2] =	stream.linear.gather [hbm4b:s4+s2], $0x100, $0x38;
	[tilespmem:$0x10100] =	vst v63  }
0x1d: {  	_ =	swait.ge [sflag:s6], $0x100  }
0x1e: {  	[sflag:s6] =	ssyncset.done $0x0  }
0x1f: {  	[sflag:s6] =	ssyncadd.s32 $0xFFFFFF00  }
0x20: {  	v3 =	vld [tilespmem:$0x0];
	_ =	sdelay $0x4  }
0x21: {  	v4 =	vshll.u32 v3, $0x1  }
0x22: {  	v3 =	vand.u32 $0x7, v3;
	v4 =	vand.u32 $0xFFFFFFF0, v4  }
0x23: {  	v3 =	vor.u32 v3, v4  }
0x24: {  	v4 =	vperm.xlane v3, v0;
	_ =	sdelay $0x1  }
0x25: {  	v3 =	vperm.xlane v3, v2;
	v4 =	vadd.s32 v1, v4;
	_ =	sdelay $0x1  }
0x26: {  	v3 =	vadd.s32 v1, v3;
	_ =	sdelay $0x2  }
0x27: {  	[tilespmem:s7], [sflag:$0x1] =	stream.indirect_vreg.gather [hbm4b:s3+s2], $0x80, v4, vm0, $0xb8;
	[tilespmem:$0x10100] =	vst v63  }
0x28: {  	s1 =	rddreg [dreg:$0x3]  }
0x29: {  	[tilespmem:s1], [sflag:$0x1] =	stream.indirect_vreg.gather [hbm4b:s3+s2], $0x80, v3, vm0, $0xb8;
	[tilespmem:$0x10100] =	vst v63  }
0x2a: {  	v3 =	vld [tilespmem:$0x10];
	_ =	sdelay $0x4  }
0x2b: {  	v49 =	vshll.u32 v3, $0x1  }
0x2c: {  	v3 =	vand.u32 $0x7, v3;
	v4 =	vand.u32 $0xFFFFFFF0, v49  }
0x2d: {  	v3 =	vor.u32 v3, v4  }
0x2e: {  	v4 =	vperm.xlane v3, v0;
	_ =	sdelay $0x1  }
0x2f: {  	v3 =	vperm.xlane v3, v2;
	v4 =	vadd.s32 v1, v4;
	_ =	sdelay $0x1  }
0x30: {  	v3 =	vadd.s32 v1, v3;
	_ =	sdelay $0x1  }
0x31: {  	s4 =	rddreg [dreg:$0x4]  }
0x32: {  	[tilespmem:s4], [sflag:$0x1] =	stream.indirect_vreg.gather [hbm4b:s3+s2], $0x80, v4, vm0, $0xb8;
	[tilespmem:$0x10100] =	vst v63  }
0x33: {  	s1 =	rddreg [dreg:$0x5]  }
0x34: {  	[tilespmem:s1], [sflag:$0x1] =	stream.indirect_vreg.gather [hbm4b:s3+s2], $0x80, v3, vm0, $0xb8;
	[tilespmem:$0x10100] =	vst v63  }
0x35: {  	v3 =	vld [tilespmem:$0x20];
	_ =	sdelay $0x4  }
0x36: {  	v50 =	vshll.u32 v3, $0x1  }
0x37: {  	v3 =	vand.u32 $0x7, v3;
	v4 =	vand.u32 $0xFFFFFFF0, v50  }
0x38: {  	v3 =	vor.u32 v3, v4  }
0x39: {  	v4 =	vperm.xlane v3, v0;
	_ =	sdelay $0x1  }
0x3a: {  	v3 =	vperm.xlane v3, v2;
	v4 =	vadd.s32 v1, v4;
	_ =	sdelay $0x1  }
0x3b: {  	v3 =	vadd.s32 v1, v3;
	_ =	sdelay $0x1  }
0x3c: {  	s1 =	rddreg [dreg:$0x6]  }
0x3d: {  	[tilespmem:s1], [sflag:$0x1] =	stream.indirect_vreg.gather [hbm4b:s3+s2], $0x80, v4, vm0, $0xb8;
	[tilespmem:$0x10100] =	vst v63  }
0x3e: {  	s4 =	rddreg [dreg:$0x7]  }
0x3f: {  	[tilespmem:s4], [sflag:$0x1] =	stream.indirect_vreg.gather [hbm4b:s3+s2], $0x80, v3, vm0, $0xb8;
	[tilespmem:$0x10100] =	vst v63  }
0x40: {  	v3 =	vld [tilespmem:$0x30];
	_ =	sdelay $0x4  }
0x41: {  	v51 =	vshll.u32 v3, $0x1  }
0x42: {  	v3 =	vand.u32 $0x7, v3;
	v4 =	vand.u32 $0xFFFFFFF0, v51  }
0x43: {  	v3 =	vor.u32 v3, v4  }
0x44: {  	v4 =	vperm.xlane v3, v0;
	_ =	sdelay $0x1  }
0x45: {  	v3 =	vperm.xlane v3, v2;
	v4 =	vadd.s32 v1, v4;
	_ =	sdelay $0x1  }
0x46: {  	v3 =	vadd.s32 v1, v3;
	_ =	sdelay $0x1  }
0x47: {  	s1 =	rddreg [dreg:$0x8]  }
0x48: {  	[tilespmem:s1], [sflag:$0x1] =	stream.indirect_vreg.gather [hbm4b:s3+s2], $0x80, v4, vm0, $0xb8;
	[tilespmem:$0x10100] =	vst v63  }
0x49: {  	s4 =	rddreg [dreg:$0x9]  }
0x4a: {  	[tilespmem:s4], [sflag:$0x1] =	stream.indirect_vreg.gather [hbm4b:s3+s2], $0x80, v3, vm0, $0xb8;
	[tilespmem:$0x10100] =	vst v63  }
0x4b: {  	v3 =	vld [tilespmem:$0x40];
	_ =	sdelay $0x4  }
0x4c: {  	v52 =	vshll.u32 v3, $0x1  }
0x4d: {  	v3 =	vand.u32 $0x7, v3;
	v4 =	vand.u32 $0xFFFFFFF0, v52  }
0x4e: {  	v3 =	vor.u32 v3, v4  }
0x4f: {  	v4 =	vperm.xlane v3, v0;
	_ =	sdelay $0x1  }
0x50: {  	v3 =	vperm.xlane v3, v2;
	v4 =	vadd.s32 v1, v4;
	_ =	sdelay $0x1  }
0x51: {  	v3 =	vadd.s32 v1, v3;
	_ =	sdelay $0x1  }
0x52: {  	s1 =	rddreg [dreg:$0xa]  }
0x53: {  	[tilespmem:s1], [sflag:$0x1] =	stream.indirect_vreg.gather [hbm4b:s3+s2], $0x80, v4, vm0, $0xb8;
	[tilespmem:$0x10100] =	vst v63  }
0x54: {  	s4 =	rddreg [dreg:$0xb]  }
0x55: {  	[tilespmem:s4], [sflag:$0x1] =	stream.indirect_vreg.gather [hbm4b:s3+s2], $0x80, v3, vm0, $0xb8;
	[tilespmem:$0x10100] =	vst v63  }
0x56: {  	v3 =	vld [tilespmem:$0x50];
	_ =	sdelay $0x4  }
0x57: {  	v53 =	vshll.u32 v3, $0x1  }
0x58: {  	v3 =	vand.u32 $0x7, v3;
	v4 =	vand.u32 $0xFFFFFFF0, v53  }
0x59: {  	v3 =	vor.u32 v3, v4  }
0x5a: {  	v4 =	vperm.xlane v3, v0;
	_ =	sdelay $0x1  }
0x5b: {  	v3 =	vperm.xlane v3, v2;
	v4 =	vadd.s32 v1, v4;
	_ =	sdelay $0x1  }
0x5c: {  	v3 =	vadd.s32 v1, v3;
	_ =	sdelay $0x1  }
0x5d: {  	s4 =	rddreg [dreg:$0xc]  }
0x5e: {  	[tilespmem:s4], [sflag:$0x1] =	stream.indirect_vreg.gather [hbm4b:s3+s2], $0x80, v4, vm0, $0xb8;
	[tilespmem:$0x10100] =	vst v63  }
0x5f: {  	_ = 	snop  }
0x60: {  	[tilespmem:s8], [sflag:$0x1] =	stream.indirect_vreg.gather [hbm4b:s3+s2], $0x80, v3, vm0, $0xb8;
	[tilespmem:$0x10100] =	vst v63  }
0x61: {  	v3 =	vld [tilespmem:$0x60];
	_ =	sdelay $0x4  }
0x62: {  	v54 =	vshll.u32 v3, $0x1  }
0x63: {  	v3 =	vand.u32 $0x7, v3;
	v4 =	vand.u32 $0xFFFFFFF0, v54  }
0x64: {  	v3 =	vor.u32 v3, v4  }
0x65: {  	v4 =	vperm.xlane v3, v0;
	_ =	sdelay $0x1  }
0x66: {  	v3 =	vperm.xlane v3, v2;
	v4 =	vadd.s32 v1, v4;
	_ =	sdelay $0x1  }
0x67: {  	v3 =	vadd.s32 v1, v3;
	_ =	sdelay $0x2  }
0x68: {  	[tilespmem:s9], [sflag:$0x1] =	stream.indirect_vreg.gather [hbm4b:s3+s2], $0x80, v4, vm0, $0xb8;
	[tilespmem:$0x10100] =	vst v63  }
0x69: {  	_ = 	snop  }
0x6a: {  	[tilespmem:s10], [sflag:$0x1] =	stream.indirect_vreg.gather [hbm4b:s3+s2], $0x80, v3, vm0, $0xb8;
	[tilespmem:$0x10100] =	vst v63  }
0x6b: {  	v3 =	vld [tilespmem:$0x70];
	_ =	sdelay $0x4  }
0x6c: {  	v55 =	vshll.u32 v3, $0x1  }
0x6d: {  	v3 =	vand.u32 $0x7, v3;
	v4 =	vand.u32 $0xFFFFFFF0, v55  }
0x6e: {  	v3 =	vor.u32 v3, v4  }
0x6f: {  	v4 =	vperm.xlane v3, v0;
	_ =	sdelay $0x1  }
0x70: {  	v3 =	vperm.xlane v3, v2;
	v4 =	vadd.s32 v1, v4;
	_ =	sdelay $0x1  }
0x71: {  	v3 =	vadd.s32 v1, v3;
	_ =	sdelay $0x2  }
0x72: {  	[tilespmem:s11], [sflag:$0x1] =	stream.indirect_vreg.gather [hbm4b:s3+s2], $0x80, v4, vm0, $0xb8;
	[tilespmem:$0x10100] =	vst v63  }
0x73: {  	_ = 	snop  }
0x74: {  	[tilespmem:s12], [sflag:$0x1] =	stream.indirect_vreg.gather [hbm4b:s3+s2], $0x80, v3, vm0, $0xb8;
	[tilespmem:$0x10100] =	vst v63  }
0x75: {  	v3 =	vld [tilespmem:$0x80];
	_ =	sdelay $0x4  }
0x76: {  	v56 =	vshll.u32 v3, $0x1  }
0x77: {  	v3 =	vand.u32 $0x7, v3;
	v4 =	vand.u32 $0xFFFFFFF0, v56  }
0x78: {  	v3 =	vor.u32 v3, v4  }
0x79: {  	v4 =	vperm.xlane v3, v0;
	_ =	sdelay $0x1  }
0x7a: {  	v3 =	vperm.xlane v3, v2;
	v4 =	vadd.s32 v1, v4;
	_ =	sdelay $0x1  }
0x7b: {  	v3 =	vadd.s32 v1, v3;
	_ =	sdelay $0x2  }
0x7c: {  	[tilespmem:s13], [sflag:$0x1] =	stream.indirect_vreg.gather [hbm4b:s3+s2], $0x80, v4, vm0, $0xb8;
	[tilespmem:$0x10100] =	vst v63  }
0x7d: {  	_ = 	snop  }
0x7e: {  	[tilespmem:s14], [sflag:$0x1] =	stream.indirect_vreg.gather [hbm4b:s3+s2], $0x80, v3, vm0, $0xb8;
	[tilespmem:$0x10100] =	vst v63  }
0x7f: {  	v3 =	vld [tilespmem:$0x90];
	_ =	sdelay $0x4  }
0x80: {  	v57 =	vshll.u32 v3, $0x1  }
0x81: {  	v3 =	vand.u32 $0x7, v3;
	v4 =	vand.u32 $0xFFFFFFF0, v57  }
0x82: {  	v3 =	vor.u32 v3, v4  }
0x83: {  	v4 =	vperm.xlane v3, v0;
	_ =	sdelay $0x1  }
0x84: {  	v3 =	vperm.xlane v3, v2;
	v4 =	vadd.s32 v1, v4;
	_ =	sdelay $0x1  }
0x85: {  	v3 =	vadd.s32 v1, v3;
	_ =	sdelay $0x2  }
0x86: {  	[tilespmem:s15], [sflag:$0x1] =	stream.indirect_vreg.gather [hbm4b:s3+s2], $0x80, v4, vm0, $0xb8;
	[tilespmem:$0x10100] =	vst v63  }
0x87: {  	_ = 	snop  }
0x88: {  	[tilespmem:s16], [sflag:$0x1] =	stream.indirect_vreg.gather [hbm4b:s3+s2], $0x80, v3, vm0, $0xb8;
	[tilespmem:$0x10100] =	vst v63  }
0x89: {  	v3 =	vld [tilespmem:$0xA0];
	_ =	sdelay $0x4  }
0x8a: {  	v58 =	vshll.u32 v3, $0x1  }
0x8b: {  	v3 =	vand.u32 $0x7, v3;
	v4 =	vand.u32 $0xFFFFFFF0, v58  }
0x8c: {  	v3 =	vor.u32 v3, v4  }
0x8d: {  	v4 =	vperm.xlane v3, v0;
	_ =	sdelay $0x1  }
0x8e: {  	v3 =	vperm.xlane v3, v2;
	v4 =	vadd.s32 v1, v4;
	_ =	sdelay $0x1  }
0x8f: {  	v3 =	vadd.s32 v1, v3;
	_ =	sdelay $0x2  }
0x90: {  	[tilespmem:s17], [sflag:$0x1] =	stream.indirect_vreg.gather [hbm4b:s3+s2], $0x80, v4, vm0, $0xb8;
	[tilespmem:$0x10100] =	vst v63  }
0x91: {  	_ = 	snop  }
0x92: {  	[tilespmem:s18], [sflag:$0x1] =	stream.indirect_vreg.gather [hbm4b:s3+s2], $0x80, v3, vm0, $0xb8;
	[tilespmem:$0x10100] =	vst v63  }
0x93: {  	v3 =	vld [tilespmem:$0xB0];
	_ =	sdelay $0x4  }
0x94: {  	v59 =	vshll.u32 v3, $0x1  }
0x95: {  	v3 =	vand.u32 $0x7, v3;
	v4 =	vand.u32 $0xFFFFFFF0, v59  }
0x96: {  	v3 =	vor.u32 v3, v4  }
0x97: {  	v4 =	vperm.xlane v3, v0;
	_ =	sdelay $0x1  }
0x98: {  	v3 =	vperm.xlane v3, v2;
	v4 =	vadd.s32 v1, v4;
	_ =	sdelay $0x1  }
0x99: {  	v3 =	vadd.s32 v1, v3;
	_ =	sdelay $0x2  }
0x9a: {  	[tilespmem:s19], [sflag:$0x1] =	stream.indirect_vreg.gather [hbm4b:s3+s2], $0x80, v4, vm0, $0xb8;
	[tilespmem:$0x10100] =	vst v63  }
0x9b: {  	_ = 	snop  }
0x9c: {  	[tilespmem:s20], [sflag:$0x1] =	stream.indirect_vreg.gather [hbm4b:s3+s2], $0x80, v3, vm0, $0xb8;
	[tilespmem:$0x10100] =	vst v63  }
0x9d: {  	v3 =	vld [tilespmem:$0xC0];
	_ =	sdelay $0x4  }
0x9e: {  	v60 =	vshll.u32 v3, $0x1  }
0x9f: {  	v3 =	vand.u32 $0x7, v3;
	v4 =	vand.u32 $0xFFFFFFF0, v60  }
0xa0: {  	v3 =	vor.u32 v3, v4  }
0xa1: {  	v4 =	vperm.xlane v3, v0;
	_ =	sdelay $0x1  }
0xa2: {  	v3 =	vperm.xlane v3, v2;
	v4 =	vadd.s32 v1, v4;
	_ =	sdelay $0x1  }
0xa3: {  	v3 =	vadd.s32 v1, v3;
	_ =	sdelay $0x2  }
0xa4: {  	[tilespmem:s21], [sflag:$0x1] =	stream.indirect_vreg.gather [hbm4b:s3+s2], $0x80, v4, vm0, $0xb8;
	[tilespmem:$0x10100] =	vst v63  }
0xa5: {  	_ = 	snop  }
0xa6: {  	[tilespmem:s22], [sflag:$0x1] =	stream.indirect_vreg.gather [hbm4b:s3+s2], $0x80, v3, vm0, $0xb8;
	[tilespmem:$0x10100] =	vst v63  }
0xa7: {  	v3 =	vld [tilespmem:$0xD0];
	_ =	sdelay $0x4  }
0xa8: {  	v61 =	vshll.u32 v3, $0x1  }
0xa9: {  	v3 =	vand.u32 $0x7, v3;
	v4 =	vand.u32 $0xFFFFFFF0, v61  }
0xaa: {  	v3 =	vor.u32 v3, v4  }
0xab: {  	v4 =	vperm.xlane v3, v0;
	_ =	sdelay $0x1  }
0xac: {  	v3 =	vperm.xlane v3, v2;
	v4 =	vadd.s32 v1, v4;
	_ =	sdelay $0x1  }
0xad: {  	v3 =	vadd.s32 v1, v3;
	_ =	sdelay $0x2  }
0xae: {  	[tilespmem:s23], [sflag:$0x1] =	stream.indirect_vreg.gather [hbm4b:s3+s2], $0x80, v4, vm0, $0xb8;
	[tilespmem:$0x10100] =	vst v63  }
0xaf: {  	_ = 	snop  }
0xb0: {  	[tilespmem:s24], [sflag:$0x1] =	stream.indirect_vreg.gather [hbm4b:s3+s2], $0x80, v3, vm0, $0xb8;
	[tilespmem:$0x10100] =	vst v63  }
0xb1: {  	v3 =	vld [tilespmem:$0xE0];
	_ =	sdelay $0x4  }
0xb2: {  	v62 =	vshll.u32 v3, $0x1  }
0xb3: {  	v3 =	vand.u32 $0x7, v3;
	v4 =	vand.u32 $0xFFFFFFF0, v62  }
0xb4: {  	v3 =	vor.u32 v3, v4  }
0xb5: {  	v4 =	vperm.xlane v3, v0;
	_ =	sdelay $0x1  }
0xb6: {  	v3 =	vperm.xlane v3, v2;
	v4 =	vadd.s32 v1, v4;
	_ =	sdelay $0x1  }
0xb7: {  	v3 =	vadd.s32 v1, v3;
	_ =	sdelay $0x2  }
0xb8: {  	[tilespmem:s25], [sflag:$0x1] =	stream.indirect_vreg.gather [hbm4b:s3+s2], $0x80, v4, vm0, $0xb8;
	[tilespmem:$0x10100] =	vst v63  }
0xb9: {  	_ = 	snop  }
0xba: {  	[tilespmem:s26], [sflag:$0x1] =	stream.indirect_vreg.gather [hbm4b:s3+s2], $0x80, v3, vm0, $0xb8;
	[tilespmem:$0x10100] =	vst v63  }
0xbb: {  	v3 =	vld [tilespmem:$0xF0];
	_ =	sdelay $0x4  }
0xbc: {  	v63 =	vshll.u32 v3, $0x1  }
0xbd: {  	v3 =	vand.u32 $0x7, v3;
	v4 =	vand.u32 $0xFFFFFFF0, v63  }
0xbe: {  	v3 =	vor.u32 v3, v4  }
0xbf: {  	v4 =	vperm.xlane v3, v0;
	_ =	sdelay $0x1  }
0xc0: {  	v3 =	vperm.xlane v3, v2;
	v4 =	vadd.s32 v1, v4;
	_ =	sdelay $0x1  }
0xc1: {  	v3 =	vadd.s32 v1, v3;
	_ =	sdelay $0x2  }
0xc2: {  	[tilespmem:s28], [sflag:$0x1] =	stream.indirect_vreg.gather [hbm4b:s3+s2], $0x80, v4, vm0, $0xb8;
	[tilespmem:$0x10100] =	vst v63  }
0xc3: {  	_ = 	snop  }
0xc4: {  	[tilespmem:s29], [sflag:$0x1] =	stream.indirect_vreg.gather [hbm4b:s3+s2], $0x80, v3, vm0, $0xb8;
	[tilespmem:$0x10100] =	vst v63  }
0xc5: {  	_ =	swait.ge [sflag:s30], $0x10000  }
0xc6: {  	p0 =	sne.s32 s0, $0x260;
	[sflag:s30] =	ssyncset.done $0x0  }
.Ltmp0:
0xc7: {  	[sflag:s30] =	ssyncadd.s32 $0xFFFF0000;
	(pc) =	sbr.rel @p0 .LBB2_2-.Ltmp0, $4  }
0xc8: {  	[hbm4b:s5+s2] =	stream.linear.scatter [tilespmem:s7], [sflag:$0x2], $0x10000, $0x38;
	[tilespmem:$0x10100] =	vst v63  }
0xc9: {  	_ =	swait.ge [sflag:s6], $0x10000  }
0xca: {  	[sflag:s6] =	ssyncset.done $0x0  }
0xcb: {  	s0 =	sadd.s32 $0x20, s0;
	s5 =	sadd.s32 $0x2000, s5;
	[sflag:s6] =	ssyncadd.s32 $0xFFFF0000  }
0xcc: {  	s31 =	sadd.s32 $0x1, s31;
	s0 =	rddreg [dreg:$0xd]  }
0xcd: {  	p0 =	sne.s32 s31, s0  }
.Ltmp1:
0xce: {  	_ = 	snop;
	(pc) =	sbr.rel @p0 .LBB2_1-.Ltmp1, $1  }
0xcf: {  	_ =	sdelay $0x3  }
0xd0: {  	_ =	sfence.sel $0x180000  }
0xd1: {  	[bflag:$0x0] =	sbarrier.arrive $0xFFFF  }
0xd2: {  	_ =	strace $0x90000050  }
0xd3: {  	s0 =	stileid.u32;
	[bflag:$0x2] =	sbarrier.arrive $0xFFFF  }
0xd4: {  	p0 =	sne.s32 s0, $0x0;
	s0 =	rddreg [dreg:$0x1]  }
0xd5: {  	s0 =	sadd.s32 @!p0 $0x100000, s0  }
0xd6: {  	[sflag:s0] =	ssyncadd.tile.s32 @!p0 $0x1;
	_ =	shalt  }
.Lfunc_end2:
_tile_overlayer_lowered:
.L_overlay_start_2:
0xd7: {  	(tag) =	ssettag $0x2  }
0xd8: {  	s0 =	rddreg [dreg:$0x0];
	s2 =	stileid.u32  }
0xd9: {  	s1 =	rddreg [dreg:$0x1];
	p0 =	sne.s32 s2, $0x0  }
0xda: {  	s3 =	rddreg [dreg:$0x2];
	[bflag:$0x3] =	sbarrier.arrive $0xFFFF;
	s2 =	simm.s32 @!p0 $0x1C02  }
0xdb: {  	[timem:s3], [sflag:s2] =	dma.local @!p0 [hbm:s0], s1  }
0xdc: {  	s0 =	simm.s32 @!p0 $0x2  }
0xdd: {  	_ =	swait.ge @!p0 [sflag:s0], s1  }
0xde: {  	s1 =	ssub.s32 @!p0 $0x0, s1;
	[sflag:s0] =	ssyncset.done @!p0 $0x0  }
0xdf: {  	[sflag:s0] =	ssyncadd.s32 @!p0 s1  }
0xe0: {  	[bflag:$0x3] =	sbarrier.arrive $0xFFFF  }
0xe1: {  	_ =	shalt  }

</sc_bundles>
